<compile_context>
chip_gen: v7x
topology: tpu7x:2x2x1
jax: 0.10.2.dev20260603
libtpu: 0.0.44.dev20260713+nightly
codegen_flags: <defaults>
</compile_context>

<pallas_src>
import functools

import jax
import jax.numpy as jnp
from jax import lax
from jax.experimental import pallas as pl
from jax.experimental.pallas import tpu as pltpu
from jax.experimental.pallas import tpu_sc as plsc

D = 100000
V = 4096
K = 64
B = 128
MINI_VAL = 1e-6
RHO = 1.0 / (5.0 ** 0.9)
SCALE = float(D) / float(B)

NC = 2
NS = 16
RPW = 8
NWORK = B // RPW

NBUF = 4
NFULL = D // 128
TAIL = D - NFULL * 128


@functools.lru_cache(maxsize=None)
def _make_sc_gather():
    mesh = plsc.VectorSubcoreMesh(
        core_axis_name="c", subcore_axis_name="s",
        num_cores=NC, num_subcores=NS)

    @functools.partial(
        pl.kernel,
        out_type=(
            jax.ShapeDtypeStruct((NWORK, K, RPW), jnp.float32),
            jax.ShapeDtypeStruct((NWORK, K, RPW), jnp.float32),
        ),
        mesh=mesh,
        compiler_params=pltpu.CompilerParams(needs_layout_passes=False),
        scratch_types=[
            pltpu.VMEM((16,), jnp.int32),
            pltpu.VMEM((NBUF, K, 128), jnp.float32),
            pltpu.VMEM((NBUF, K, 128), jnp.float32),
            pltpu.VMEM((K, TAIL), jnp.float32),
            pltpu.VMEM((K, TAIL), jnp.float32),
            pltpu.VMEM((K, RPW), jnp.float32),
            pltpu.VMEM((K, RPW), jnp.float32),
            pltpu.SemaphoreType.DMA((NBUF,)),
            pltpu.SemaphoreType.DMA((NBUF,)),
        ],
    )
    def _sc_gather(exp_m_t, pi_t, idx_hbm, out_m, out_pi,
                   idx_v, str_m, str_p, tl_m, tl_p, cm_v, cp_v,
                   sem_m, sem_p):
        wid = lax.axis_index("s") * NC + lax.axis_index("c")

        @pl.when(wid < NWORK)
        def _():
            base = wid * RPW
            pltpu.sync_copy(idx_hbm.at[pl.ds(base, RPW)],
                            idx_v.at[pl.ds(0, RPW)])
            idx_vec = idx_v[pl.ds(0, 16)]
            lanes = jax.lax.iota(jnp.int32, 16)

            has_tail = (idx_vec[0] >> 7) >= NFULL
            for i in range(1, RPW):
                has_tail = has_tail | ((idx_vec[i] >> 7) >= NFULL)

            @pl.when(has_tail)
            def _():
                pltpu.sync_copy(
                    exp_m_t.at[:, pl.ds(NFULL * 128, TAIL)], tl_m)
                pltpu.sync_copy(pi_t.at[:, pl.ds(NFULL * 128, TAIL)], tl_p)

            def fire(i, slot):
                d = idx_vec[i]
                s = jnp.minimum(d >> 7, NFULL - 1)
                off = pl.multiple_of(s * 128, 128)
                cm = pltpu.async_copy(
                    exp_m_t.at[:, pl.ds(off, 128)], str_m.at[slot],
                    sem_m.at[slot])
                cp = pltpu.async_copy(
                    pi_t.at[:, pl.ds(off, 128)], str_p.at[slot],
                    sem_p.at[slot])
                return cm, cp

            inflight = [fire(i, i) for i in range(NBUF)]
            for i in range(RPW):
                slot = i % NBUF
                cm, cp = inflight[slot]
                cm.wait()
                cp.wait()
                d = idx_vec[i]
                is_tail = (d >> 7) >= NFULL
                tmask = jnp.full((16,), is_tail)
                c_main = jnp.full((16,), d & 127, dtype=jnp.int32)
                c_tail = jnp.full((16,), jnp.minimum(d & 127, TAIL - 1),
                                  dtype=jnp.int32)
                col = jnp.full((16,), i, dtype=jnp.int32)
                for g in range(K // 16):
                    rows = lanes + (16 * g)
                    vm = jnp.where(
                        tmask,
                        plsc.load_gather(tl_m, [rows, c_tail]),
                        plsc.load_gather(str_m.at[slot], [rows, c_main]))
                    vp = jnp.where(
                        tmask,
                        plsc.load_gather(tl_p, [rows, c_tail]),
                        plsc.load_gather(str_p.at[slot], [rows, c_main]))
                    plsc.store_scatter(cm_v, [rows, col], vm)
                    plsc.store_scatter(cp_v, [rows, col], vp)
                if i + NBUF < RPW:
                    inflight[slot] = fire(i + NBUF, slot)
            pltpu.sync_copy(cm_v, out_m.at[wid])
            pltpu.sync_copy(cp_v, out_pi.at[wid])

    return _sc_gather


MCHUNK = 4096
NCHUNK = (D + MCHUNK - 1) // MCHUNK


def _tc_copy_body(src_ref, out_ref):
    out_ref[...] = src_ref[...]


def _tc_copy(exp_m_t):
    blk = pl.BlockSpec((K, MCHUNK), lambda c: (0, c))
    return pl.pallas_call(
        _tc_copy_body,
        grid=(NCHUNK,),
        out_shape=jax.ShapeDtypeStruct((K, D), jnp.float32),
        in_specs=[blk],
        out_specs=blk,
    )(exp_m_t)


@functools.lru_cache(maxsize=None)
def _make_sc_inject():
    mesh = plsc.VectorSubcoreMesh(
        core_axis_name="c", subcore_axis_name="s",
        num_cores=NC, num_subcores=NS)

    @functools.partial(
        pl.kernel,
        out_type=(),
        mesh=mesh,
        compiler_params=pltpu.CompilerParams(needs_layout_passes=False),
        scratch_types=[
            pltpu.VMEM((144,), jnp.int32),
            pltpu.VMEM((K, B), jnp.float32),
            pltpu.VMEM((K, 128), jnp.float32),
        ],
    )
    def _sc_inject(out_ref, idx_hbm, rows_t_hbm, idx_v, nr_v, buf):
        wid = lax.axis_index("s") * NC + lax.axis_index("c")
        pltpu.sync_copy(idx_hbm, idx_v.at[pl.ds(0, B)])
        pltpu.sync_copy(rows_t_hbm, nr_v)
        lanes = jax.lax.iota(jnp.int32, 16)

        @pl.loop(0, B // 16)
        def _(grp):
            win = idx_v[pl.ds(grp * 16, 16)]
            strp = win >> 7
            own_v = jnp.where((((strp & 31) == wid) & (strp < NFULL)),
                              jnp.ones((16,), jnp.int32),
                              jnp.zeros((16,), jnp.int32))
            cnt = plsc.all_reduce_population_count(own_v > 0)

            @pl.when(cnt[0] > 0)
            def _():
                for k in range(16):
                    d = win[k]

                    @pl.when(own_v[k] > 0)
                    def _():
                        o = pl.multiple_of((d >> 7) * 128, 128)
                        pltpu.sync_copy(out_ref.at[:, pl.ds(o, 128)], buf)
                        cd = jnp.full((16,), d & 127, dtype=jnp.int32)
                        cj = jnp.full((16,), grp * 16 + k, dtype=jnp.int32)
                        for g in range(K // 16):
                            rows = lanes + (16 * g)
                            v = plsc.load_gather(nr_v, [rows, cj])
                            plsc.store_scatter(buf, [rows, cd], v)
                        pltpu.sync_copy(buf, out_ref.at[:, pl.ds(o, 128)])

    return _sc_inject


def _tc_tail_body(cur_ref, idx_ref, nrows_t_ref, out_ref):
    ids = idx_ref[...]
    bi = lax.broadcasted_iota(jnp.int32, (B, B), 0)
    bj = lax.broadcasted_iota(jnp.int32, (B, B), 1)
    same = (ids.reshape(B, 1) == ids.reshape(1, B)) & (bj > bi)
    valid = jnp.sum(same.astype(jnp.float32), axis=1,
                    keepdims=True) == 0.0
    cols = lax.broadcasted_iota(jnp.int32, (B, 128), 1) + NFULL * 128
    onehot = ((ids.reshape(B, 1) == cols) & valid).astype(jnp.float32)
    upd = lax.dot_general(nrows_t_ref[...], onehot,
                          (((1,), (0,)), ((), ())),
                          precision=jax.lax.Precision.DEFAULT,
                          preferred_element_type=jnp.float32)
    sel = jnp.sum(onehot, axis=0, keepdims=True) > 0.0
    out_ref[...] = jnp.where(sel, upd, cur_ref[...])


def _tc_tail(cur, idx2d, nrows_t):
    blk = pl.BlockSpec((K, 128), lambda i: (0, NFULL))
    return pl.pallas_call(
        _tc_tail_body,
        grid=(1,),
        out_shape=jax.ShapeDtypeStruct((K, D), jnp.float32),
        in_specs=[
            blk,
            pl.BlockSpec((1, B), lambda i: (0, 0), memory_space=pltpu.VMEM),
            pl.BlockSpec((K, B), lambda i: (0, 0), memory_space=pltpu.VMEM),
        ],
        out_specs=blk,
        input_output_aliases={0: 0},
    )(cur, idx2d, nrows_t)


def _tc_dense_body(bow_ref, rows_m_ref, rows_pi_ref, alpha_ref, beta_t_ref,
                   exp_n_t_ref, new_exp_n_t_ref, new_rows_t_ref, eqz_ref):
    hi = jax.lax.Precision.HIGHEST
    lo = jax.lax.Precision.DEFAULT
    exp_n_t = exp_n_t_ref[...]
    num_t = beta_t_ref[...] + exp_n_t
    lik_t = num_t / jnp.sum(num_t, axis=1, keepdims=True)
    rows_m = rows_m_ref[...]
    prior = alpha_ref[...] * rows_pi_ref[...] + rows_m
    bow = bow_ref[...]
    counts = bow.astype(jnp.float32)
    mask = (bow > 0).astype(jnp.float32)

    S = lax.dot_general(prior, lik_t, (((1,), (0,)), ((), ())),
                        precision=hi, preferred_element_type=jnp.float32)
    T = S + MINI_VAL
    W = counts / T

    tn_t = lik_t * lax.dot_general(prior, W, (((0,), (0,)), ((), ())),
                                   precision=hi,
                                   preferred_element_type=jnp.float32)
    tm = prior * lax.dot_general(W, lik_t, (((1,), (1,)), ((), ())),
                                 precision=hi,
                                 preferred_element_type=jnp.float32)

    pl_log = prior * jnp.log(jnp.maximum(prior, 1e-30))
    ql_log_t = lik_t * jnp.log(lik_t)
    A = (lax.dot_general(pl_log, lik_t, (((1,), (0,)), ((), ())),
                         precision=lo, preferred_element_type=jnp.float32)
         + lax.dot_general(prior, ql_log_t, (((1,), (0,)), ((), ())),
                           precision=lo, preferred_element_type=jnp.float32))
    eqz = jnp.sum(mask * (A - S * jnp.log(T)) / T)

    new_exp_n_t_ref[...] = (1.0 - RHO) * exp_n_t + (RHO * SCALE) * tn_t
    new_rows_t_ref[...] = ((1.0 - RHO) * rows_m + RHO * tm).T
    eqz_ref[0, 0] = eqz


def _tc_dense(bow, rows_m, rows_pi, alpha2d, beta_t, exp_n_t):
    return pl.pallas_call(
        _tc_dense_body,
        out_shape=(
            jax.ShapeDtypeStruct((K, V), jnp.float32),
            jax.ShapeDtypeStruct((K, B), jnp.float32),
            jax.ShapeDtypeStruct((1, 1), jnp.float32),
        ),
        out_specs=(
            pl.BlockSpec(memory_space=pltpu.VMEM),
            pl.BlockSpec(memory_space=pltpu.VMEM),
            pl.BlockSpec(memory_space=pltpu.SMEM),
        ),
    )(bow, rows_m, rows_pi, alpha2d, beta_t, exp_n_t)


def kernel(batch_BOW, batch_indices, exp_m, pi, alpha, beta, exp_n):
    rows_m3, rows_pi3 = _make_sc_gather()(exp_m.T, pi.T, batch_indices)
    rows_m = rows_m3.transpose(0, 2, 1).reshape(B, K)
    rows_pi = rows_pi3.transpose(0, 2, 1).reshape(B, K)
    copied = _tc_copy(exp_m.T)
    new_exp_n_t, new_rows_t, eqz = _tc_dense(
        batch_BOW, rows_m, rows_pi, alpha.reshape(1, K), beta.T, exp_n.T)
    out_ref = jax.new_ref(copied)
    _make_sc_inject()(out_ref, batch_indices, new_rows_t)
    merged = _tc_tail(out_ref[...], batch_indices.reshape(1, B),
                      new_rows_t)
    return merged.T, new_exp_n_t.T, eqz[0, 0]

# --- scband reference (transcript-rebuilt; emitter-appended) ---
"""Pipeline reference for scband-mix-ehr-34454227649001 (READ-ONLY COPY).

The authoritative reference and input builder live on the scoring server;
editing this copy changes nothing except your own understanding.
"""

import jax, jax.numpy as jnp
import numpy as np

D = 100000
V = 4096
K = 64
B = 128
MINI_VAL = 1e-6
RHO = 1.0 / (5.0 ** 0.9)  # iter_n = 0
SCALE = float(D) / float(B)  # stands in for C[m] / batch_C


def setup_inputs(seed: int = 0) -> dict:
    key = jax.random.key(seed)
    k1, k2, k3, k4, k5, k6, k7 = jax.random.split(key, 7)
    batch_BOW = jax.random.randint(k1, (B, V), 0, 3).astype(jnp.int32)
    batch_indices = jax.random.randint(k2, (B,), 0, D).astype(jnp.int32)
    exp_m = jax.random.uniform(k3, (D, K), dtype=jnp.float32)
    pi = jax.random.uniform(k4, (D, K), dtype=jnp.float32)
    alpha = jax.random.uniform(k5, (K,), dtype=jnp.float32) + 0.1
    beta = jax.random.uniform(k6, (V, K), dtype=jnp.float32) * 0.02 + 1e-3
    exp_n = jax.random.uniform(k7, (V, K), dtype=jnp.float32)
    return {
        'batch_BOW': batch_BOW,
        'batch_indices': batch_indices,
        'exp_m': exp_m,
        'pi': pi,
        'alpha': alpha,
        'beta': beta,
        'exp_n': exp_n,
    }


def reference(batch_BOW, batch_indices, exp_m, pi, alpha, beta, exp_n):
    # Vectorized, faithful translation of MixEHR.SCVB0 for one modality m.
    beta_sum = jnp.sum(beta, axis=0)          # [K]
    exp_n_sum = jnp.sum(exp_n, axis=0)        # [K]

    # Gather document-side sufficient statistics (memory gather by index)
    prior = alpha[None, :] * pi[batch_indices] + exp_m[batch_indices]  # [B, K]
    lik = (beta + exp_n) / (beta_sum + exp_n_sum)[None, :]             # [V, K]

    counts = batch_BOW.astype(jnp.float32)            # [B, V]
    mask = (batch_BOW > 0).astype(jnp.float32)        # [B, V] nonzero BOW entries

    # temp_gamma: only defined on nonzero BOW entries (masked elsewhere, as in torch code)
    gamma = prior[:, None, :] * lik[None, :, :] * mask[:, :, None]     # [B, V, K]
    gamma_sum = jnp.sum(gamma, axis=-1, keepdims=True)                 # [B, V, 1]
    gamma = gamma / (gamma_sum + MINI_VAL)
    gamma = gamma * mask[:, :, None]

    weighted = gamma * counts[:, :, None]             # gamma * batch_BOW[d].unsqueeze(1)
    temp_exp_n = jnp.sum(weighted, axis=0)            # [V, K] scatter-add over docs
    temp_exp_m_batch = jnp.sum(weighted, axis=1)      # [B, K]

    exp_q_z = jnp.sum(gamma * jnp.log(gamma + MINI_VAL) * mask[:, :, None])

    # Stochastic VI updates: scatter-overwrite into the D x K memory at batch_indices
    new_rows = (1.0 - RHO) * exp_m[batch_indices] + RHO * temp_exp_m_batch
    new_exp_m = exp_m.at[batch_indices].set(new_rows)
    new_exp_n = (1.0 - RHO) * exp_n + RHO * temp_exp_n * SCALE

    return new_exp_m, new_exp_n, exp_q_z

if __name__ == "__main__":
    import jax
    _d = setup_inputs()
    print(jax.jit(kernel)(*tuple(_d.values())))

</pallas_src>

<mosaic_0001>
#map = affine_map<(d0, d1) -> (0, 0)>
#map1 = affine_map<(d0, d1) -> (0)>
module attributes {stable_mosaic.version = 14 : i64} {
  func.func @new_body(%arg0: i32, %arg1: i32, %arg2: memref<64x100000xf32, #tpu.memory_space<hbm>>, %arg3: memref<128xi32, #tpu.memory_space<hbm>>, %arg4: memref<64x128xf32, #tpu.memory_space<hbm>>, %arg5: memref<64x100000xf32, #tpu.memory_space<hbm>>, %arg6: memref<144xi32, #tpu.memory_space<vmem>>, %arg7: memref<64x128xf32, #tpu.memory_space<vmem>>, %arg8: memref<64x128xf32, #tpu.memory_space<vmem>>) attributes {dimension_semantics = [#tpu.dimension_semantics<core_parallel>, #tpu.dimension_semantics<subcore_parallel>], iteration_bounds = array<i64: 2, 16>, scalar_prefetch = 0 : i64, scratch_operands = 3 : i64, tpu.core_type = #tpu.core_type<sc_vector_subcore>, window_params = [{transform_indices = #map}, {transform_indices = #map1}, {transform_indices = #map}, {transform_indices = #map}]} {
    %mul3A = arith.constant 2 : i32
    %mul3A_0 = arith.muli %arg1, %mul3A : i32
    %add3A = arith.addi %mul3A_0, %arg0 : i32
    "tpu.region"() ({
      %run_scoped3A = tpu.sem_alloc : memref<!tpu.dma_semaphore, #tpu.memory_space<semaphore_mem>>
      %dma_start3A = arith.constant 0 : i32
      %dma_start3A_5 = tpu.memref_slice %arg6[%dma_start3A] : memref<144xi32, #tpu.memory_space<vmem>> -> memref<128xi32, #tpu.memory_space<vmem>>
      %dma_start3A_6 = arith.constant 0 : i32
      %dma_start3A_7 = tpu.memref_slice %arg6[%dma_start3A_6] : memref<144xi32, #tpu.memory_space<vmem>> -> memref<128xi32, #tpu.memory_space<vmem>>
      tpu.enqueue_dma source(%arg3 : memref<128xi32, #tpu.memory_space<hbm>>) target(%dma_start3A_7 : memref<128xi32, #tpu.memory_space<vmem>>) target_semaphore(%run_scoped3A : memref<!tpu.dma_semaphore, #tpu.memory_space<semaphore_mem>>)
      %dma_wait3A = arith.constant 0 : i32
      %dma_wait3A_8 = tpu.memref_slice %arg6[%dma_wait3A] : memref<144xi32, #tpu.memory_space<vmem>> -> memref<128xi32, #tpu.memory_space<vmem>>
      %dma_wait3A_9 = arith.constant 0 : i32
      %dma_wait3A_10 = tpu.memref_slice %arg6[%dma_wait3A_9] : memref<144xi32, #tpu.memory_space<vmem>> -> memref<128xi32, #tpu.memory_space<vmem>>
      tpu.wait_dma2 semaphore(%run_scoped3A : memref<!tpu.dma_semaphore, #tpu.memory_space<semaphore_mem>>) src(%arg3 : memref<128xi32, #tpu.memory_space<hbm>>) dst(%dma_wait3A_10 : memref<128xi32, #tpu.memory_space<vmem>>)
      tpu.yield
    }) : () -> ()
    "tpu.region"() ({
      %run_scoped3A = tpu.sem_alloc : memref<!tpu.dma_semaphore, #tpu.memory_space<semaphore_mem>>
      tpu.enqueue_dma source(%arg4 : memref<64x128xf32, #tpu.memory_space<hbm>>) target(%arg7 : memref<64x128xf32, #tpu.memory_space<vmem>>) target_semaphore(%run_scoped3A : memref<!tpu.dma_semaphore, #tpu.memory_space<semaphore_mem>>)
      tpu.wait_dma2 semaphore(%run_scoped3A : memref<!tpu.dma_semaphore, #tpu.memory_space<semaphore_mem>>) src(%arg4 : memref<64x128xf32, #tpu.memory_space<hbm>>) dst(%arg7 : memref<64x128xf32, #tpu.memory_space<vmem>>)
      tpu.yield
    }) : () -> ()
    %iota3A = tpu.iota {dimensions = array<i32: 0>} : vector<16xi32>
    %scan3A = arith.constant 0 : i32
    %scan3A_1 = arith.constant 8 : i32
    %scan3A_2 = arith.addi %scan3A, %scan3A_1 : i32
    %scan3A_3 = arith.constant 1 : i32
    scf.for %scan3A_5 = %scan3A to %scan3A_2 step %scan3A_3  : i32 {
      %mul3A_6 = arith.constant 1 : i32
      %mul3A_7 = arith.muli %scan3A_5, %mul3A_6 : i32
      %add3A_8 = arith.constant 0 : i32
      %add3A_9 = arith.addi %add3A_8, %mul3A_7 : i32
      %mul3A_10 = arith.constant 16 : i32
      %mul3A_11 = arith.muli %add3A_9, %mul3A_10 : i32
      %get3A = arith.index_cast %mul3A_11 : i32 to index
      %get3A_12 = tpu.vector_load %arg6[%get3A] {strides = array<i32>} : memref<144xi32, #tpu.memory_space<vmem>>, vector<16xi32>,
      %shift_right_arithmetic3A = arith.constant 7 : i32
      %shift_right_arithmetic3A_13 = vector.broadcast %shift_right_arithmetic3A : i32 to vector<16xi32>
      %shift_right_arithmetic3A_14 = arith.shrsi %get3A_12, %shift_right_arithmetic3A_13 : vector<16xi32>
      %and3A = arith.constant 31 : i32
      %and3A_15 = vector.broadcast %and3A : i32 to vector<16xi32>
      %and3A_16 = arith.andi %shift_right_arithmetic3A_14, %and3A_15 : vector<16xi32>
      %eq3A = vector.broadcast %add3A : i32 to vector<16xi32>
      %eq3A_17 = arith.cmpi eq, %and3A_16, %eq3A : vector<16xi32>
      %lt3A = arith.constant 781 : i32
      %lt3A_18 = vector.broadcast %lt3A : i32 to vector<16xi32>
      %lt3A_19 = arith.cmpi slt, %shift_right_arithmetic3A_14, %lt3A_18 : vector<16xi32>
      %and3A_20 = arith.andi %eq3A_17, %lt3A_19 : vector<16xi1>
      %broadcast_in_dim3A = arith.constant 1 : i32
      %broadcast_in_dim3A_21 = vector.broadcast %broadcast_in_dim3A : i32 to vector<16xi32>
      %broadcast_in_dim3A_22 = arith.constant 0 : i32
      %broadcast_in_dim3A_23 = vector.broadcast %broadcast_in_dim3A_22 : i32 to vector<16xi32>
      %select_n3A = arith.select %and3A_20, %broadcast_in_dim3A_21, %broadcast_in_dim3A_23 : vector<16xi1>, vector<16xi32>
      %gt3A = arith.constant 0 : i32
      %gt3A_24 = vector.broadcast %gt3A : i32 to vector<16xi32>
      %gt3A_25 = arith.cmpi sgt, %select_n3A, %gt3A_24 : vector<16xi32>
      %all_reduce_population_count3A = tpu.all_reduce %gt3A_25 {dim = 0 : i64, kind = #tpu.reduction_kind<sum>} : vector<16xi1> -> vector<16xi32>
      %slice3A = vector.extract_strided_slice %all_reduce_population_count3A {offsets = [0], sizes = [1], strides = [1]} : vector<16xi32> to vector<1xi32>
      %squeeze3A = vector.extract %slice3A[0] : i32 from vector<1xi32>
      %gt3A_26 = arith.constant 0 : i32
      %gt3A_27 = arith.cmpi sgt, %squeeze3A, %gt3A_26 : i32
      %convert_element_type3A = arith.extui %gt3A_27 : i1 to i32
      %cond3A = arith.constant 0 : i32
      %cond3A_28 = arith.cmpi ne, %convert_element_type3A, %cond3A : i32
      scf.if %cond3A_28 {
        %slice3A_29 = vector.extract_strided_slice %get3A_12 {offsets = [0], sizes = [1], strides = [1]} : vector<16xi32> to vector<1xi32>
        %squeeze3A_30 = vector.extract %slice3A_29[0] : i32 from vector<1xi32>
        %slice3A_31 = vector.extract_strided_slice %select_n3A {offsets = [0], sizes = [1], strides = [1]} : vector<16xi32> to vector<1xi32>
        %squeeze3A_32 = vector.extract %slice3A_31[0] : i32 from vector<1xi32>
        %gt3A_33 = arith.constant 0 : i32
        %gt3A_34 = arith.cmpi sgt, %squeeze3A_32, %gt3A_33 : i32
        %convert_element_type3A_35 = arith.extui %gt3A_34 : i1 to i32
        %cond3A_36 = arith.constant 0 : i32
        %cond3A_37 = arith.cmpi ne, %convert_element_type3A_35, %cond3A_36 : i32
        scf.if %cond3A_37 {
          %shift_right_arithmetic3A_173 = arith.constant 7 : i32
          %shift_right_arithmetic3A_174 = arith.shrsi %squeeze3A_30, %shift_right_arithmetic3A_173 : i32
          %mul3A_175 = arith.constant 128 : i32
          %mul3A_176 = arith.muli %shift_right_arithmetic3A_174, %mul3A_175 : i32
          %multiple_of3A = tpu.assume_multiple %mul3A_176, 128 : i32
          "tpu.region"() ({
            %run_scoped3A = tpu.sem_alloc : memref<!tpu.dma_semaphore, #tpu.memory_space<semaphore_mem>>
            %dma_start3A = arith.constant 0 : i32
            %dma_start3A_200 = tpu.memref_slice %arg2[%dma_start3A, %multiple_of3A] : memref<64x100000xf32, #tpu.memory_space<hbm>> -> memref<64x128xf32, #tpu.memory_space<hbm>>
            %dma_start3A_201 = arith.constant 0 : i32
            %dma_start3A_202 = tpu.memref_slice %arg2[%dma_start3A_201, %multiple_of3A] : memref<64x100000xf32, #tpu.memory_space<hbm>> -> memref<64x128xf32, #tpu.memory_space<hbm>>
            tpu.enqueue_dma source(%dma_start3A_202 : memref<64x128xf32, #tpu.memory_space<hbm>>) target(%arg8 : memref<64x128xf32, #tpu.memory_space<vmem>>) target_semaphore(%run_scoped3A : memref<!tpu.dma_semaphore, #tpu.memory_space<semaphore_mem>>)
            %dma_wait3A = arith.constant 0 : i32
            %dma_wait3A_203 = tpu.memref_slice %arg2[%dma_wait3A, %multiple_of3A] : memref<64x100000xf32, #tpu.memory_space<hbm>> -> memref<64x128xf32, #tpu.memory_space<hbm>>
            %dma_wait3A_204 = arith.constant 0 : i32
            %dma_wait3A_205 = tpu.memref_slice %arg2[%dma_wait3A_204, %multiple_of3A] : memref<64x100000xf32, #tpu.memory_space<hbm>> -> memref<64x128xf32, #tpu.memory_space<hbm>>
            tpu.wait_dma2 semaphore(%run_scoped3A : memref<!tpu.dma_semaphore, #tpu.memory_space<semaphore_mem>>) src(%dma_wait3A_205 : memref<64x128xf32, #tpu.memory_space<hbm>>) dst(%arg8 : memref<64x128xf32, #tpu.memory_space<vmem>>)
            tpu.yield
          }) : () -> ()
          %and3A_177 = arith.constant 127 : i32
          %and3A_178 = arith.andi %squeeze3A_30, %and3A_177 : i32
          %broadcast_in_dim3A_179 = vector.broadcast %and3A_178 : i32 to vector<16xi32>
          %mul3A_180 = arith.constant 16 : i32
          %mul3A_181 = arith.muli %add3A_9, %mul3A_180 : i32
          %add3A_182 = arith.constant 0 : i32
          %add3A_183 = arith.addi %mul3A_181, %add3A_182 : i32
          %broadcast_in_dim3A_184 = vector.broadcast %add3A_183 : i32 to vector<16xi32>
          %add3A_185 = arith.constant 0 : i32
          %add3A_186 = vector.broadcast %add3A_185 : i32 to vector<16xi32>
          %add3A_187 = arith.addi %iota3A, %add3A_186 : vector<16xi32>
          %gather3A = tpu.vector_load_idx %arg7[%add3A_187, %broadcast_in_dim3A_184] : memref<64x128xf32, #tpu.memory_space<vmem>>[vector<16xi32>, vector<16xi32>], vector<16xf32>,
          tpu.vector_store_idx %arg8[%add3A_187, %broadcast_in_dim3A_179], %gather3A : memref<64x128xf32, #tpu.memory_space<vmem>>[vector<16xi32>, vector<16xi32>], vector<16xf32>,
          %add3A_188 = arith.constant 16 : i32
          %add3A_189 = vector.broadcast %add3A_188 : i32 to vector<16xi32>
          %add3A_190 = arith.addi %iota3A, %add3A_189 : vector<16xi32>
          %gather3A_191 = tpu.vector_load_idx %arg7[%add3A_190, %broadcast_in_dim3A_184] : memref<64x128xf32, #tpu.memory_space<vmem>>[vector<16xi32>, vector<16xi32>], vector<16xf32>,
          tpu.vector_store_idx %arg8[%add3A_190, %broadcast_in_dim3A_179], %gather3A_191 : memref<64x128xf32, #tpu.memory_space<vmem>>[vector<16xi32>, vector<16xi32>], vector<16xf32>,
          %add3A_192 = arith.constant 32 : i32
          %add3A_193 = vector.broadcast %add3A_192 : i32 to vector<16xi32>
          %add3A_194 = arith.addi %iota3A, %add3A_193 : vector<16xi32>
          %gather3A_195 = tpu.vector_load_idx %arg7[%add3A_194, %broadcast_in_dim3A_184] : memref<64x128xf32, #tpu.memory_space<vmem>>[vector<16xi32>, vector<16xi32>], vector<16xf32>,
          tpu.vector_store_idx %arg8[%add3A_194, %broadcast_in_dim3A_179], %gather3A_195 : memref<64x128xf32, #tpu.memory_space<vmem>>[vector<16xi32>, vector<16xi32>], vector<16xf32>,
          %add3A_196 = arith.constant 48 : i32
          %add3A_197 = vector.broadcast %add3A_196 : i32 to vector<16xi32>
          %add3A_198 = arith.addi %iota3A, %add3A_197 : vector<16xi32>
          %gather3A_199 = tpu.vector_load_idx %arg7[%add3A_198, %broadcast_in_dim3A_184] : memref<64x128xf32, #tpu.memory_space<vmem>>[vector<16xi32>, vector<16xi32>], vector<16xf32>,
          tpu.vector_store_idx %arg8[%add3A_198, %broadcast_in_dim3A_179], %gather3A_199 : memref<64x128xf32, #tpu.memory_space<vmem>>[vector<16xi32>, vector<16xi32>], vector<16xf32>,
          "tpu.region"() ({
            %run_scoped3A = tpu.sem_alloc : memref<!tpu.dma_semaphore, #tpu.memory_space<semaphore_mem>>
            %dma_start3A = arith.constant 0 : i32
            %dma_start3A_200 = tpu.memref_slice %arg2[%dma_start3A, %multiple_of3A] : memref<64x100000xf32, #tpu.memory_space<hbm>> -> memref<64x128xf32, #tpu.memory_space<hbm>>
            %dma_start3A_201 = arith.constant 0 : i32
            %dma_start3A_202 = tpu.memref_slice %arg2[%dma_start3A_201, %multiple_of3A] : memref<64x100000xf32, #tpu.memory_space<hbm>> -> memref<64x128xf32, #tpu.memory_space<hbm>>
            tpu.enqueue_dma source(%arg8 : memref<64x128xf32, #tpu.memory_space<vmem>>) target(%dma_start3A_202 : memref<64x128xf32, #tpu.memory_space<hbm>>) target_semaphore(%run_scoped3A : memref<!tpu.dma_semaphore, #tpu.memory_space<semaphore_mem>>)
            %dma_wait3A = arith.constant 0 : i32
            %dma_wait3A_203 = tpu.memref_slice %arg2[%dma_wait3A, %multiple_of3A] : memref<64x100000xf32, #tpu.memory_space<hbm>> -> memref<64x128xf32, #tpu.memory_space<hbm>>
            %dma_wait3A_204 = arith.constant 0 : i32
            %dma_wait3A_205 = tpu.memref_slice %arg2[%dma_wait3A_204, %multiple_of3A] : memref<64x100000xf32, #tpu.memory_space<hbm>> -> memref<64x128xf32, #tpu.memory_space<hbm>>
            tpu.wait_dma2 semaphore(%run_scoped3A : memref<!tpu.dma_semaphore, #tpu.memory_space<semaphore_mem>>) src(%arg8 : memref<64x128xf32, #tpu.memory_space<vmem>>) dst(%dma_wait3A_205 : memref<64x128xf32, #tpu.memory_space<hbm>>)
            tpu.yield
          }) : () -> ()
        } else {
        }
        %slice3A_38 = vector.extract_strided_slice %get3A_12 {offsets = [1], sizes = [1], strides = [1]} : vector<16xi32> to vector<1xi32>
        %squeeze3A_39 = vector.extract %slice3A_38[0] : i32 from vector<1xi32>
        %slice3A_40 = vector.extract_strided_slice %select_n3A {offsets = [1], sizes = [1], strides = [1]} : vector<16xi32> to vector<1xi32>
        %squeeze3A_41 = vector.extract %slice3A_40[0] : i32 from vector<1xi32>
        %gt3A_42 = arith.constant 0 : i32
        %gt3A_43 = arith.cmpi sgt, %squeeze3A_41, %gt3A_42 : i32
        %convert_element_type3A_44 = arith.extui %gt3A_43 : i1 to i32
        %cond3A_45 = arith.constant 0 : i32
        %cond3A_46 = arith.cmpi ne, %convert_element_type3A_44, %cond3A_45 : i32
        scf.if %cond3A_46 {
          %shift_right_arithmetic3A_173 = arith.constant 7 : i32
          %shift_right_arithmetic3A_174 = arith.shrsi %squeeze3A_39, %shift_right_arithmetic3A_173 : i32
          %mul3A_175 = arith.constant 128 : i32
          %mul3A_176 = arith.muli %shift_right_arithmetic3A_174, %mul3A_175 : i32
          %multiple_of3A = tpu.assume_multiple %mul3A_176, 128 : i32
          "tpu.region"() ({
            %run_scoped3A = tpu.sem_alloc : memref<!tpu.dma_semaphore, #tpu.memory_space<semaphore_mem>>
            %dma_start3A = arith.constant 0 : i32
            %dma_start3A_200 = tpu.memref_slice %arg2[%dma_start3A, %multiple_of3A] : memref<64x100000xf32, #tpu.memory_space<hbm>> -> memref<64x128xf32, #tpu.memory_space<hbm>>
            %dma_start3A_201 = arith.constant 0 : i32
            %dma_start3A_202 = tpu.memref_slice %arg2[%dma_start3A_201, %multiple_of3A] : memref<64x100000xf32, #tpu.memory_space<hbm>> -> memref<64x128xf32, #tpu.memory_space<hbm>>
            tpu.enqueue_dma source(%dma_start3A_202 : memref<64x128xf32, #tpu.memory_space<hbm>>) target(%arg8 : memref<64x128xf32, #tpu.memory_space<vmem>>) target_semaphore(%run_scoped3A : memref<!tpu.dma_semaphore, #tpu.memory_space<semaphore_mem>>)
            %dma_wait3A = arith.constant 0 : i32
            %dma_wait3A_203 = tpu.memref_slice %arg2[%dma_wait3A, %multiple_of3A] : memref<64x100000xf32, #tpu.memory_space<hbm>> -> memref<64x128xf32, #tpu.memory_space<hbm>>
            %dma_wait3A_204 = arith.constant 0 : i32
            %dma_wait3A_205 = tpu.memref_slice %arg2[%dma_wait3A_204, %multiple_of3A] : memref<64x100000xf32, #tpu.memory_space<hbm>> -> memref<64x128xf32, #tpu.memory_space<hbm>>
            tpu.wait_dma2 semaphore(%run_scoped3A : memref<!tpu.dma_semaphore, #tpu.memory_space<semaphore_mem>>) src(%dma_wait3A_205 : memref<64x128xf32, #tpu.memory_space<hbm>>) dst(%arg8 : memref<64x128xf32, #tpu.memory_space<vmem>>)
            tpu.yield
          }) : () -> ()
          %and3A_177 = arith.constant 127 : i32
          %and3A_178 = arith.andi %squeeze3A_39, %and3A_177 : i32
          %broadcast_in_dim3A_179 = vector.broadcast %and3A_178 : i32 to vector<16xi32>
          %mul3A_180 = arith.constant 16 : i32
          %mul3A_181 = arith.muli %add3A_9, %mul3A_180 : i32
          %add3A_182 = arith.constant 1 : i32
          %add3A_183 = arith.addi %mul3A_181, %add3A_182 : i32
          %broadcast_in_dim3A_184 = vector.broadcast %add3A_183 : i32 to vector<16xi32>
          %add3A_185 = arith.constant 0 : i32
          %add3A_186 = vector.broadcast %add3A_185 : i32 to vector<16xi32>
          %add3A_187 = arith.addi %iota3A, %add3A_186 : vector<16xi32>
          %gather3A = tpu.vector_load_idx %arg7[%add3A_187, %broadcast_in_dim3A_184] : memref<64x128xf32, #tpu.memory_space<vmem>>[vector<16xi32>, vector<16xi32>], vector<16xf32>,
          tpu.vector_store_idx %arg8[%add3A_187, %broadcast_in_dim3A_179], %gather3A : memref<64x128xf32, #tpu.memory_space<vmem>>[vector<16xi32>, vector<16xi32>], vector<16xf32>,
          %add3A_188 = arith.constant 16 : i32
          %add3A_189 = vector.broadcast %add3A_188 : i32 to vector<16xi32>
          %add3A_190 = arith.addi %iota3A, %add3A_189 : vector<16xi32>
          %gather3A_191 = tpu.vector_load_idx %arg7[%add3A_190, %broadcast_in_dim3A_184] : memref<64x128xf32, #tpu.memory_space<vmem>>[vector<16xi32>, vector<16xi32>], vector<16xf32>,
          tpu.vector_store_idx %arg8[%add3A_190, %broadcast_in_dim3A_179], %gather3A_191 : memref<64x128xf32, #tpu.memory_space<vmem>>[vector<16xi32>, vector<16xi32>], vector<16xf32>,
          %add3A_192 = arith.constant 32 : i32
          %add3A_193 = vector.broadcast %add3A_192 : i32 to vector<16xi32>
          %add3A_194 = arith.addi %iota3A, %add3A_193 : vector<16xi32>
          %gather3A_195 = tpu.vector_load_idx %arg7[%add3A_194, %broadcast_in_dim3A_184] : memref<64x128xf32, #tpu.memory_space<vmem>>[vector<16xi32>, vector<16xi32>], vector<16xf32>,
          tpu.vector_store_idx %arg8[%add3A_194, %broadcast_in_dim3A_179], %gather3A_195 : memref<64x128xf32, #tpu.memory_space<vmem>>[vector<16xi32>, vector<16xi32>], vector<16xf32>,
          %add3A_196 = arith.constant 48 : i32
          %add3A_197 = vector.broadcast %add3A_196 : i32 to vector<16xi32>
          %add3A_198 = arith.addi %iota3A, %add3A_197 : vector<16xi32>
          %gather3A_199 = tpu.vector_load_idx %arg7[%add3A_198, %broadcast_in_dim3A_184] : memref<64x128xf32, #tpu.memory_space<vmem>>[vector<16xi32>, vector<16xi32>], vector<16xf32>,
          tpu.vector_store_idx %arg8[%add3A_198, %broadcast_in_dim3A_179], %gather3A_199 : memref<64x128xf32, #tpu.memory_space<vmem>>[vector<16xi32>, vector<16xi32>], vector<16xf32>,
          "tpu.region"() ({
            %run_scoped3A = tpu.sem_alloc : memref<!tpu.dma_semaphore, #tpu.memory_space<semaphore_mem>>
            %dma_start3A = arith.constant 0 : i32
            %dma_start3A_200 = tpu.memref_slice %arg2[%dma_start3A, %multiple_of3A] : memref<64x100000xf32, #tpu.memory_space<hbm>> -> memref<64x128xf32, #tpu.memory_space<hbm>>
            %dma_start3A_201 = arith.constant 0 : i32
            %dma_start3A_202 = tpu.memref_slice %arg2[%dma_start3A_201, %multiple_of3A] : memref<64x100000xf32, #tpu.memory_space<hbm>> -> memref<64x128xf32, #tpu.memory_space<hbm>>
            tpu.enqueue_dma source(%arg8 : memref<64x128xf32, #tpu.memory_space<vmem>>) target(%dma_start3A_202 : memref<64x128xf32, #tpu.memory_space<hbm>>) target_semaphore(%run_scoped3A : memref<!tpu.dma_semaphore, #tpu.memory_space<semaphore_mem>>)
            %dma_wait3A = arith.constant 0 : i32
            %dma_wait3A_203 = tpu.memref_slice %arg2[%dma_wait3A, %multiple_of3A] : memref<64x100000xf32, #tpu.memory_space<hbm>> -> memref<64x128xf32, #tpu.memory_space<hbm>>
            %dma_wait3A_204 = arith.constant 0 : i32
            %dma_wait3A_205 = tpu.memref_slice %arg2[%dma_wait3A_204, %multiple_of3A] : memref<64x100000xf32, #tpu.memory_space<hbm>> -> memref<64x128xf32, #tpu.memory_space<hbm>>
            tpu.wait_dma2 semaphore(%run_scoped3A : memref<!tpu.dma_semaphore, #tpu.memory_space<semaphore_mem>>) src(%arg8 : memref<64x128xf32, #tpu.memory_space<vmem>>) dst(%dma_wait3A_205 : memref<64x128xf32, #tpu.memory_space<hbm>>)
            tpu.yield
          }) : () -> ()
        } else {
        }
        %slice3A_47 = vector.extract_strided_slice %get3A_12 {offsets = [2], sizes = [1], strides = [1]} : vector<16xi32> to vector<1xi32>
        %squeeze3A_48 = vector.extract %slice3A_47[0] : i32 from vector<1xi32>
        %slice3A_49 = vector.extract_strided_slice %select_n3A {offsets = [2], sizes = [1], strides = [1]} : vector<16xi32> to vector<1xi32>
        %squeeze3A_50 = vector.extract %slice3A_49[0] : i32 from vector<1xi32>
        %gt3A_51 = arith.constant 0 : i32
        %gt3A_52 = arith.cmpi sgt, %squeeze3A_50, %gt3A_51 : i32
        %convert_element_type3A_53 = arith.extui %gt3A_52 : i1 to i32
        %cond3A_54 = arith.constant 0 : i32
        %cond3A_55 = arith.cmpi ne, %convert_element_type3A_53, %cond3A_54 : i32
        scf.if %cond3A_55 {
          %shift_right_arithmetic3A_173 = arith.constant 7 : i32
          %shift_right_arithmetic3A_174 = arith.shrsi %squeeze3A_48, %shift_right_arithmetic3A_173 : i32
          %mul3A_175 = arith.constant 128 : i32
          %mul3A_176 = arith.muli %shift_right_arithmetic3A_174, %mul3A_175 : i32
          %multiple_of3A = tpu.assume_multiple %mul3A_176, 128 : i32
          "tpu.region"() ({
            %run_scoped3A = tpu.sem_alloc : memref<!tpu.dma_semaphore, #tpu.memory_space<semaphore_mem>>
            %dma_start3A = arith.constant 0 : i32
            %dma_start3A_200 = tpu.memref_slice %arg2[%dma_start3A, %multiple_of3A] : memref<64x100000xf32, #tpu.memory_space<hbm>> -> memref<64x128xf32, #tpu.memory_space<hbm>>
            %dma_start3A_201 = arith.constant 0 : i32
            %dma_start3A_202 = tpu.memref_slice %arg2[%dma_start3A_201, %multiple_of3A] : memref<64x100000xf32, #tpu.memory_space<hbm>> -> memref<64x128xf32, #tpu.memory_space<hbm>>
            tpu.enqueue_dma source(%dma_start3A_202 : memref<64x128xf32, #tpu.memory_space<hbm>>) target(%arg8 : memref<64x128xf32, #tpu.memory_space<vmem>>) target_semaphore(%run_scoped3A : memref<!tpu.dma_semaphore, #tpu.memory_space<semaphore_mem>>)
            %dma_wait3A = arith.constant 0 : i32
            %dma_wait3A_203 = tpu.memref_slice %arg2[%dma_wait3A, %multiple_of3A] : memref<64x100000xf32, #tpu.memory_space<hbm>> -> memref<64x128xf32, #tpu.memory_space<hbm>>
            %dma_wait3A_204 = arith.constant 0 : i32
            %dma_wait3A_205 = tpu.memref_slice %arg2[%dma_wait3A_204, %multiple_of3A] : memref<64x100000xf32, #tpu.memory_space<hbm>> -> memref<64x128xf32, #tpu.memory_space<hbm>>
            tpu.wait_dma2 semaphore(%run_scoped3A : memref<!tpu.dma_semaphore, #tpu.memory_space<semaphore_mem>>) src(%dma_wait3A_205 : memref<64x128xf32, #tpu.memory_space<hbm>>) dst(%arg8 : memref<64x128xf32, #tpu.memory_space<vmem>>)
            tpu.yield
          }) : () -> ()
          %and3A_177 = arith.constant 127 : i32
          %and3A_178 = arith.andi %squeeze3A_48, %and3A_177 : i32
          %broadcast_in_dim3A_179 = vector.broadcast %and3A_178 : i32 to vector<16xi32>
          %mul3A_180 = arith.constant 16 : i32
          %mul3A_181 = arith.muli %add3A_9, %mul3A_180 : i32
          %add3A_182 = arith.constant 2 : i32
          %add3A_183 = arith.addi %mul3A_181, %add3A_182 : i32
          %broadcast_in_dim3A_184 = vector.broadcast %add3A_183 : i32 to vector<16xi32>
          %add3A_185 = arith.constant 0 : i32
          %add3A_186 = vector.broadcast %add3A_185 : i32 to vector<16xi32>
          %add3A_187 = arith.addi %iota3A, %add3A_186 : vector<16xi32>
          %gather3A = tpu.vector_load_idx %arg7[%add3A_187, %broadcast_in_dim3A_184] : memref<64x128xf32, #tpu.memory_space<vmem>>[vector<16xi32>, vector<16xi32>], vector<16xf32>,
          tpu.vector_store_idx %arg8[%add3A_187, %broadcast_in_dim3A_179], %gather3A : memref<64x128xf32, #tpu.memory_space<vmem>>[vector<16xi32>, vector<16xi32>], vector<16xf32>,
          %add3A_188 = arith.constant 16 : i32
          %add3A_189 = vector.broadcast %add3A_188 : i32 to vector<16xi32>
          %add3A_190 = arith.addi %iota3A, %add3A_189 : vector<16xi32>
          %gather3A_191 = tpu.vector_load_idx %arg7[%add3A_190, %broadcast_in_dim3A_184] : memref<64x128xf32, #tpu.memory_space<vmem>>[vector<16xi32>, vector<16xi32>], vector<16xf32>,
          tpu.vector_store_idx %arg8[%add3A_190, %broadcast_in_dim3A_179], %gather3A_191 : memref<64x128xf32, #tpu.memory_space<vmem>>[vector<16xi32>, vector<16xi32>], vector<16xf32>,
          %add3A_192 = arith.constant 32 : i32
          %add3A_193 = vector.broadcast %add3A_192 : i32 to vector<16xi32>
          %add3A_194 = arith.addi %iota3A, %add3A_193 : vector<16xi32>
          %gather3A_195 = tpu.vector_load_idx %arg7[%add3A_194, %broadcast_in_dim3A_184] : memref<64x128xf32, #tpu.memory_space<vmem>>[vector<16xi32>, vector<16xi32>], vector<16xf32>,
          tpu.vector_store_idx %arg8[%add3A_194, %broadcast_in_dim3A_179], %gather3A_195 : memref<64x128xf32, #tpu.memory_space<vmem>>[vector<16xi32>, vector<16xi32>], vector<16xf32>,
          %add3A_196 = arith.constant 48 : i32
          %add3A_197 = vector.broadcast %add3A_196 : i32 to vector<16xi32>
          %add3A_198 = arith.addi %iota3A, %add3A_197 : vector<16xi32>
          %gather3A_199 = tpu.vector_load_idx %arg7[%add3A_198, %broadcast_in_dim3A_184] : memref<64x128xf32, #tpu.memory_space<vmem>>[vector<16xi32>, vector<16xi32>], vector<16xf32>,
          tpu.vector_store_idx %arg8[%add3A_198, %broadcast_in_dim3A_179], %gather3A_199 : memref<64x128xf32, #tpu.memory_space<vmem>>[vector<16xi32>, vector<16xi32>], vector<16xf32>,
          "tpu.region"() ({
            %run_scoped3A = tpu.sem_alloc : memref<!tpu.dma_semaphore, #tpu.memory_space<semaphore_mem>>
            %dma_start3A = arith.constant 0 : i32
            %dma_start3A_200 = tpu.memref_slice %arg2[%dma_start3A, %multiple_of3A] : memref<64x100000xf32, #tpu.memory_space<hbm>> -> memref<64x128xf32, #tpu.memory_space<hbm>>
            %dma_start3A_201 = arith.constant 0 : i32
            %dma_start3A_202 = tpu.memref_slice %arg2[%dma_start3A_201, %multiple_of3A] : memref<64x100000xf32, #tpu.memory_space<hbm>> -> memref<64x128xf32, #tpu.memory_space<hbm>>
            tpu.enqueue_dma source(%arg8 : memref<64x128xf32, #tpu.memory_space<vmem>>) target(%dma_start3A_202 : memref<64x128xf32, #tpu.memory_space<hbm>>) target_semaphore(%run_scoped3A : memref<!tpu.dma_semaphore, #tpu.memory_space<semaphore_mem>>)
            %dma_wait3A = arith.constant 0 : i32
            %dma_wait3A_203 = tpu.memref_slice %arg2[%dma_wait3A, %multiple_of3A] : memref<64x100000xf32, #tpu.memory_space<hbm>> -> memref<64x128xf32, #tpu.memory_space<hbm>>
            %dma_wait3A_204 = arith.constant 0 : i32
            %dma_wait3A_205 = tpu.memref_slice %arg2[%dma_wait3A_204, %multiple_of3A] : memref<64x100000xf32, #tpu.memory_space<hbm>> -> memref<64x128xf32, #tpu.memory_space<hbm>>
            tpu.wait_dma2 semaphore(%run_scoped3A : memref<!tpu.dma_semaphore, #tpu.memory_space<semaphore_mem>>) src(%arg8 : memref<64x128xf32, #tpu.memory_space<vmem>>) dst(%dma_wait3A_205 : memref<64x128xf32, #tpu.memory_space<hbm>>)
            tpu.yield
          }) : () -> ()
        } else {
        }
        %slice3A_56 = vector.extract_strided_slice %get3A_12 {offsets = [3], sizes = [1], strides = [1]} : vector<16xi32> to vector<1xi32>
        %squeeze3A_57 = vector.extract %slice3A_56[0] : i32 from vector<1xi32>
        %slice3A_58 = vector.extract_strided_slice %select_n3A {offsets = [3], sizes = [1], strides = [1]} : vector<16xi32> to vector<1xi32>
        %squeeze3A_59 = vector.extract %slice3A_58[0] : i32 from vector<1xi32>
        %gt3A_60 = arith.constant 0 : i32
        %gt3A_61 = arith.cmpi sgt, %squeeze3A_59, %gt3A_60 : i32
        %convert_element_type3A_62 = arith.extui %gt3A_61 : i1 to i32
        %cond3A_63 = arith.constant 0 : i32
        %cond3A_64 = arith.cmpi ne, %convert_element_type3A_62, %cond3A_63 : i32
        scf.if %cond3A_64 {
          %shift_right_arithmetic3A_173 = arith.constant 7 : i32
          %shift_right_arithmetic3A_174 = arith.shrsi %squeeze3A_57, %shift_right_arithmetic3A_173 : i32
          %mul3A_175 = arith.constant 128 : i32
          %mul3A_176 = arith.muli %shift_right_arithmetic3A_174, %mul3A_175 : i32
          %multiple_of3A = tpu.assume_multiple %mul3A_176, 128 : i32
          "tpu.region"() ({
            %run_scoped3A = tpu.sem_alloc : memref<!tpu.dma_semaphore, #tpu.memory_space<semaphore_mem>>
            %dma_start3A = arith.constant 0 : i32
            %dma_start3A_200 = tpu.memref_slice %arg2[%dma_start3A, %multiple_of3A] : memref<64x100000xf32, #tpu.memory_space<hbm>> -> memref<64x128xf32, #tpu.memory_space<hbm>>
            %dma_start3A_201 = arith.constant 0 : i32
            %dma_start3A_202 = tpu.memref_slice %arg2[%dma_start3A_201, %multiple_of3A] : memref<64x100000xf32, #tpu.memory_space<hbm>> -> memref<64x128xf32, #tpu.memory_space<hbm>>
            tpu.enqueue_dma source(%dma_start3A_202 : memref<64x128xf32, #tpu.memory_space<hbm>>) target(%arg8 : memref<64x128xf32, #tpu.memory_space<vmem>>) target_semaphore(%run_scoped3A : memref<!tpu.dma_semaphore, #tpu.memory_space<semaphore_mem>>)
            %dma_wait3A = arith.constant 0 : i32
            %dma_wait3A_203 = tpu.memref_slice %arg2[%dma_wait3A, %multiple_of3A] : memref<64x100000xf32, #tpu.memory_space<hbm>> -> memref<64x128xf32, #tpu.memory_space<hbm>>
            %dma_wait3A_204 = arith.constant 0 : i32
            %dma_wait3A_205 = tpu.memref_slice %arg2[%dma_wait3A_204, %multiple_of3A] : memref<64x100000xf32, #tpu.memory_space<hbm>> -> memref<64x128xf32, #tpu.memory_space<hbm>>
            tpu.wait_dma2 semaphore(%run_scoped3A : memref<!tpu.dma_semaphore, #tpu.memory_space<semaphore_mem>>) src(%dma_wait3A_205 : memref<64x128xf32, #tpu.memory_space<hbm>>) dst(%arg8 : memref<64x128xf32, #tpu.memory_space<vmem>>)
            tpu.yield
          }) : () -> ()
          %and3A_177 = arith.constant 127 : i32
          %and3A_178 = arith.andi %squeeze3A_57, %and3A_177 : i32
          %broadcast_in_dim3A_179 = vector.broadcast %and3A_178 : i32 to vector<16xi32>
          %mul3A_180 = arith.constant 16 : i32
          %mul3A_181 = arith.muli %add3A_9, %mul3A_180 : i32
          %add3A_182 = arith.constant 3 : i32
          %add3A_183 = arith.addi %mul3A_181, %add3A_182 : i32
          %broadcast_in_dim3A_184 = vector.broadcast %add3A_183 : i32 to vector<16xi32>
          %add3A_185 = arith.constant 0 : i32
          %add3A_186 = vector.broadcast %add3A_185 : i32 to vector<16xi32>
          %add3A_187 = arith.addi %iota3A, %add3A_186 : vector<16xi32>
          %gather3A = tpu.vector_load_idx %arg7[%add3A_187, %broadcast_in_dim3A_184] : memref<64x128xf32, #tpu.memory_space<vmem>>[vector<16xi32>, vector<16xi32>], vector<16xf32>,
          tpu.vector_store_idx %arg8[%add3A_187, %broadcast_in_dim3A_179], %gather3A : memref<64x128xf32, #tpu.memory_space<vmem>>[vector<16xi32>, vector<16xi32>], vector<16xf32>,
          %add3A_188 = arith.constant 16 : i32
          %add3A_189 = vector.broadcast %add3A_188 : i32 to vector<16xi32>
          %add3A_190 = arith.addi %iota3A, %add3A_189 : vector<16xi32>
          %gather3A_191 = tpu.vector_load_idx %arg7[%add3A_190, %broadcast_in_dim3A_184] : memref<64x128xf32, #tpu.memory_space<vmem>>[vector<16xi32>, vector<16xi32>], vector<16xf32>,
          tpu.vector_store_idx %arg8[%add3A_190, %broadcast_in_dim3A_179], %gather3A_191 : memref<64x128xf32, #tpu.memory_space<vmem>>[vector<16xi32>, vector<16xi32>], vector<16xf32>,
          %add3A_192 = arith.constant 32 : i32
          %add3A_193 = vector.broadcast %add3A_192 : i32 to vector<16xi32>
          %add3A_194 = arith.addi %iota3A, %add3A_193 : vector<16xi32>
          %gather3A_195 = tpu.vector_load_idx %arg7[%add3A_194, %broadcast_in_dim3A_184] : memref<64x128xf32, #tpu.memory_space<vmem>>[vector<16xi32>, vector<16xi32>], vector<16xf32>,
          tpu.vector_store_idx %arg8[%add3A_194, %broadcast_in_dim3A_179], %gather3A_195 : memref<64x128xf32, #tpu.memory_space<vmem>>[vector<16xi32>, vector<16xi32>], vector<16xf32>,
          %add3A_196 = arith.constant 48 : i32
          %add3A_197 = vector.broadcast %add3A_196 : i32 to vector<16xi32>
          %add3A_198 = arith.addi %iota3A, %add3A_197 : vector<16xi32>
          %gather3A_199 = tpu.vector_load_idx %arg7[%add3A_198, %broadcast_in_dim3A_184] : memref<64x128xf32, #tpu.memory_space<vmem>>[vector<16xi32>, vector<16xi32>], vector<16xf32>,
          tpu.vector_store_idx %arg8[%add3A_198, %broadcast_in_dim3A_179], %gather3A_199 : memref<64x128xf32, #tpu.memory_space<vmem>>[vector<16xi32>, vector<16xi32>], vector<16xf32>,
          "tpu.region"() ({
            %run_scoped3A = tpu.sem_alloc : memref<!tpu.dma_semaphore, #tpu.memory_space<semaphore_mem>>
            %dma_start3A = arith.constant 0 : i32
            %dma_start3A_200 = tpu.memref_slice %arg2[%dma_start3A, %multiple_of3A] : memref<64x100000xf32, #tpu.memory_space<hbm>> -> memref<64x128xf32, #tpu.memory_space<hbm>>
            %dma_start3A_201 = arith.constant 0 : i32
            %dma_start3A_202 = tpu.memref_slice %arg2[%dma_start3A_201, %multiple_of3A] : memref<64x100000xf32, #tpu.memory_space<hbm>> -> memref<64x128xf32, #tpu.memory_space<hbm>>
            tpu.enqueue_dma source(%arg8 : memref<64x128xf32, #tpu.memory_space<vmem>>) target(%dma_start3A_202 : memref<64x128xf32, #tpu.memory_space<hbm>>) target_semaphore(%run_scoped3A : memref<!tpu.dma_semaphore, #tpu.memory_space<semaphore_mem>>)
            %dma_wait3A = arith.constant 0 : i32
            %dma_wait3A_203 = tpu.memref_slice %arg2[%dma_wait3A, %multiple_of3A] : memref<64x100000xf32, #tpu.memory_space<hbm>> -> memref<64x128xf32, #tpu.memory_space<hbm>>
            %dma_wait3A_204 = arith.constant 0 : i32
            %dma_wait3A_205 = tpu.memref_slice %arg2[%dma_wait3A_204, %multiple_of3A] : memref<64x100000xf32, #tpu.memory_space<hbm>> -> memref<64x128xf32, #tpu.memory_space<hbm>>
            tpu.wait_dma2 semaphore(%run_scoped3A : memref<!tpu.dma_semaphore, #tpu.memory_space<semaphore_mem>>) src(%arg8 : memref<64x128xf32, #tpu.memory_space<vmem>>) dst(%dma_wait3A_205 : memref<64x128xf32, #tpu.memory_space<hbm>>)
            tpu.yield
          }) : () -> ()
        } else {
        }
        %slice3A_65 = vector.extract_strided_slice %get3A_12 {offsets = [4], sizes = [1], strides = [1]} : vector<16xi32> to vector<1xi32>
        %squeeze3A_66 = vector.extract %slice3A_65[0] : i32 from vector<1xi32>
        %slice3A_67 = vector.extract_strided_slice %select_n3A {offsets = [4], sizes = [1], strides = [1]} : vector<16xi32> to vector<1xi32>
        %squeeze3A_68 = vector.extract %slice3A_67[0] : i32 from vector<1xi32>
        %gt3A_69 = arith.constant 0 : i32
        %gt3A_70 = arith.cmpi sgt, %squeeze3A_68, %gt3A_69 : i32
        %convert_element_type3A_71 = arith.extui %gt3A_70 : i1 to i32
        %cond3A_72 = arith.constant 0 : i32
        %cond3A_73 = arith.cmpi ne, %convert_element_type3A_71, %cond3A_72 : i32
        scf.if %cond3A_73 {
          %shift_right_arithmetic3A_173 = arith.constant 7 : i32
          %shift_right_arithmetic3A_174 = arith.shrsi %squeeze3A_66, %shift_right_arithmetic3A_173 : i32
          %mul3A_175 = arith.constant 128 : i32
          %mul3A_176 = arith.muli %shift_right_arithmetic3A_174, %mul3A_175 : i32
          %multiple_of3A = tpu.assume_multiple %mul3A_176, 128 : i32
          "tpu.region"() ({
            %run_scoped3A = tpu.sem_alloc : memref<!tpu.dma_semaphore, #tpu.memory_space<semaphore_mem>>
            %dma_start3A = arith.constant 0 : i32
            %dma_start3A_200 = tpu.memref_slice %arg2[%dma_start3A, %multiple_of3A] : memref<64x100000xf32, #tpu.memory_space<hbm>> -> memref<64x128xf32, #tpu.memory_space<hbm>>
            %dma_start3A_201 = arith.constant 0 : i32
            %dma_start3A_202 = tpu.memref_slice %arg2[%dma_start3A_201, %multiple_of3A] : memref<64x100000xf32, #tpu.memory_space<hbm>> -> memref<64x128xf32, #tpu.memory_space<hbm>>
            tpu.enqueue_dma source(%dma_start3A_202 : memref<64x128xf32, #tpu.memory_space<hbm>>) target(%arg8 : memref<64x128xf32, #tpu.memory_space<vmem>>) target_semaphore(%run_scoped3A : memref<!tpu.dma_semaphore, #tpu.memory_space<semaphore_mem>>)
            %dma_wait3A = arith.constant 0 : i32
            %dma_wait3A_203 = tpu.memref_slice %arg2[%dma_wait3A, %multiple_of3A] : memref<64x100000xf32, #tpu.memory_space<hbm>> -> memref<64x128xf32, #tpu.memory_space<hbm>>
            %dma_wait3A_204 = arith.constant 0 : i32
            %dma_wait3A_205 = tpu.memref_slice %arg2[%dma_wait3A_204, %multiple_of3A] : memref<64x100000xf32, #tpu.memory_space<hbm>> -> memref<64x128xf32, #tpu.memory_space<hbm>>
            tpu.wait_dma2 semaphore(%run_scoped3A : memref<!tpu.dma_semaphore, #tpu.memory_space<semaphore_mem>>) src(%dma_wait3A_205 : memref<64x128xf32, #tpu.memory_space<hbm>>) dst(%arg8 : memref<64x128xf32, #tpu.memory_space<vmem>>)
            tpu.yield
          }) : () -> ()
          %and3A_177 = arith.constant 127 : i32
          %and3A_178 = arith.andi %squeeze3A_66, %and3A_177 : i32
          %broadcast_in_dim3A_179 = vector.broadcast %and3A_178 : i32 to vector<16xi32>
          %mul3A_180 = arith.constant 16 : i32
          %mul3A_181 = arith.muli %add3A_9, %mul3A_180 : i32
          %add3A_182 = arith.constant 4 : i32
          %add3A_183 = arith.addi %mul3A_181, %add3A_182 : i32
          %broadcast_in_dim3A_184 = vector.broadcast %add3A_183 : i32 to vector<16xi32>
          %add3A_185 = arith.constant 0 : i32
          %add3A_186 = vector.broadcast %add3A_185 : i32 to vector<16xi32>
          %add3A_187 = arith.addi %iota3A, %add3A_186 : vector<16xi32>
          %gather3A = tpu.vector_load_idx %arg7[%add3A_187, %broadcast_in_dim3A_184] : memref<64x128xf32, #tpu.memory_space<vmem>>[vector<16xi32>, vector<16xi32>], vector<16xf32>,
          tpu.vector_store_idx %arg8[%add3A_187, %broadcast_in_dim3A_179], %gather3A : memref<64x128xf32, #tpu.memory_space<vmem>>[vector<16xi32>, vector<16xi32>], vector<16xf32>,
          %add3A_188 = arith.constant 16 : i32
          %add3A_189 = vector.broadcast %add3A_188 : i32 to vector<16xi32>
          %add3A_190 = arith.addi %iota3A, %add3A_189 : vector<16xi32>
          %gather3A_191 = tpu.vector_load_idx %arg7[%add3A_190, %broadcast_in_dim3A_184] : memref<64x128xf32, #tpu.memory_space<vmem>>[vector<16xi32>, vector<16xi32>], vector<16xf32>,
          tpu.vector_store_idx %arg8[%add3A_190, %broadcast_in_dim3A_179], %gather3A_191 : memref<64x128xf32, #tpu.memory_space<vmem>>[vector<16xi32>, vector<16xi32>], vector<16xf32>,
          %add3A_192 = arith.constant 32 : i32
          %add3A_193 = vector.broadcast %add3A_192 : i32 to vector<16xi32>
          %add3A_194 = arith.addi %iota3A, %add3A_193 : vector<16xi32>
          %gather3A_195 = tpu.vector_load_idx %arg7[%add3A_194, %broadcast_in_dim3A_184] : memref<64x128xf32, #tpu.memory_space<vmem>>[vector<16xi32>, vector<16xi32>], vector<16xf32>,
          tpu.vector_store_idx %arg8[%add3A_194, %broadcast_in_dim3A_179], %gather3A_195 : memref<64x128xf32, #tpu.memory_space<vmem>>[vector<16xi32>, vector<16xi32>], vector<16xf32>,
          %add3A_196 = arith.constant 48 : i32
          %add3A_197 = vector.broadcast %add3A_196 : i32 to vector<16xi32>
          %add3A_198 = arith.addi %iota3A, %add3A_197 : vector<16xi32>
          %gather3A_199 = tpu.vector_load_idx %arg7[%add3A_198, %broadcast_in_dim3A_184] : memref<64x128xf32, #tpu.memory_space<vmem>>[vector<16xi32>, vector<16xi32>], vector<16xf32>,
          tpu.vector_store_idx %arg8[%add3A_198, %broadcast_in_dim3A_179], %gather3A_199 : memref<64x128xf32, #tpu.memory_space<vmem>>[vector<16xi32>, vector<16xi32>], vector<16xf32>,
          "tpu.region"() ({
            %run_scoped3A = tpu.sem_alloc : memref<!tpu.dma_semaphore, #tpu.memory_space<semaphore_mem>>
            %dma_start3A = arith.constant 0 : i32
            %dma_start3A_200 = tpu.memref_slice %arg2[%dma_start3A, %multiple_of3A] : memref<64x100000xf32, #tpu.memory_space<hbm>> -> memref<64x128xf32, #tpu.memory_space<hbm>>
            %dma_start3A_201 = arith.constant 0 : i32
            %dma_start3A_202 = tpu.memref_slice %arg2[%dma_start3A_201, %multiple_of3A] : memref<64x100000xf32, #tpu.memory_space<hbm>> -> memref<64x128xf32, #tpu.memory_space<hbm>>
            tpu.enqueue_dma source(%arg8 : memref<64x128xf32, #tpu.memory_space<vmem>>) target(%dma_start3A_202 : memref<64x128xf32, #tpu.memory_space<hbm>>) target_semaphore(%run_scoped3A : memref<!tpu.dma_semaphore, #tpu.memory_space<semaphore_mem>>)
            %dma_wait3A = arith.constant 0 : i32
            %dma_wait3A_203 = tpu.memref_slice %arg2[%dma_wait3A, %multiple_of3A] : memref<64x100000xf32, #tpu.memory_space<hbm>> -> memref<64x128xf32, #tpu.memory_space<hbm>>
            %dma_wait3A_204 = arith.constant 0 : i32
            %dma_wait3A_205 = tpu.memref_slice %arg2[%dma_wait3A_204, %multiple_of3A] : memref<64x100000xf32, #tpu.memory_space<hbm>> -> memref<64x128xf32, #tpu.memory_space<hbm>>
            tpu.wait_dma2 semaphore(%run_scoped3A : memref<!tpu.dma_semaphore, #tpu.memory_space<semaphore_mem>>) src(%arg8 : memref<64x128xf32, #tpu.memory_space<vmem>>) dst(%dma_wait3A_205 : memref<64x128xf32, #tpu.memory_space<hbm>>)
            tpu.yield
          }) : () -> ()
        } else {
        }
        %slice3A_74 = vector.extract_strided_slice %get3A_12 {offsets = [5], sizes = [1], strides = [1]} : vector<16xi32> to vector<1xi32>
        %squeeze3A_75 = vector.extract %slice3A_74[0] : i32 from vector<1xi32>
        %slice3A_76 = vector.extract_strided_slice %select_n3A {offsets = [5], sizes = [1], strides = [1]} : vector<16xi32> to vector<1xi32>
        %squeeze3A_77 = vector.extract %slice3A_76[0] : i32 from vector<1xi32>
        %gt3A_78 = arith.constant 0 : i32
        %gt3A_79 = arith.cmpi sgt, %squeeze3A_77, %gt3A_78 : i32
        %convert_element_type3A_80 = arith.extui %gt3A_79 : i1 to i32
        %cond3A_81 = arith.constant 0 : i32
        %cond3A_82 = arith.cmpi ne, %convert_element_type3A_80, %cond3A_81 : i32
        scf.if %cond3A_82 {
          %shift_right_arithmetic3A_173 = arith.constant 7 : i32
          %shift_right_arithmetic3A_174 = arith.shrsi %squeeze3A_75, %shift_right_arithmetic3A_173 : i32
          %mul3A_175 = arith.constant 128 : i32
          %mul3A_176 = arith.muli %shift_right_arithmetic3A_174, %mul3A_175 : i32
          %multiple_of3A = tpu.assume_multiple %mul3A_176, 128 : i32
          "tpu.region"() ({
            %run_scoped3A = tpu.sem_alloc : memref<!tpu.dma_semaphore, #tpu.memory_space<semaphore_mem>>
            %dma_start3A = arith.constant 0 : i32
            %dma_start3A_200 = tpu.memref_slice %arg2[%dma_start3A, %multiple_of3A] : memref<64x100000xf32, #tpu.memory_space<hbm>> -> memref<64x128xf32, #tpu.memory_space<hbm>>
            %dma_start3A_201 = arith.constant 0 : i32
            %dma_start3A_202 = tpu.memref_slice %arg2[%dma_start3A_201, %multiple_of3A] : memref<64x100000xf32, #tpu.memory_space<hbm>> -> memref<64x128xf32, #tpu.memory_space<hbm>>
            tpu.enqueue_dma source(%dma_start3A_202 : memref<64x128xf32, #tpu.memory_space<hbm>>) target(%arg8 : memref<64x128xf32, #tpu.memory_space<vmem>>) target_semaphore(%run_scoped3A : memref<!tpu.dma_semaphore, #tpu.memory_space<semaphore_mem>>)
            %dma_wait3A = arith.constant 0 : i32
            %dma_wait3A_203 = tpu.memref_slice %arg2[%dma_wait3A, %multiple_of3A] : memref<64x100000xf32, #tpu.memory_space<hbm>> -> memref<64x128xf32, #tpu.memory_space<hbm>>
            %dma_wait3A_204 = arith.constant 0 : i32
            %dma_wait3A_205 = tpu.memref_slice %arg2[%dma_wait3A_204, %multiple_of3A] : memref<64x100000xf32, #tpu.memory_space<hbm>> -> memref<64x128xf32, #tpu.memory_space<hbm>>
            tpu.wait_dma2 semaphore(%run_scoped3A : memref<!tpu.dma_semaphore, #tpu.memory_space<semaphore_mem>>) src(%dma_wait3A_205 : memref<64x128xf32, #tpu.memory_space<hbm>>) dst(%arg8 : memref<64x128xf32, #tpu.memory_space<vmem>>)
            tpu.yield
          }) : () -> ()
          %and3A_177 = arith.constant 127 : i32
          %and3A_178 = arith.andi %squeeze3A_75, %and3A_177 : i32
          %broadcast_in_dim3A_179 = vector.broadcast %and3A_178 : i32 to vector<16xi32>
          %mul3A_180 = arith.constant 16 : i32
          %mul3A_181 = arith.muli %add3A_9, %mul3A_180 : i32
          %add3A_182 = arith.constant 5 : i32
          %add3A_183 = arith.addi %mul3A_181, %add3A_182 : i32
          %broadcast_in_dim3A_184 = vector.broadcast %add3A_183 : i32 to vector<16xi32>
          %add3A_185 = arith.constant 0 : i32
          %add3A_186 = vector.broadcast %add3A_185 : i32 to vector<16xi32>
          %add3A_187 = arith.addi %iota3A, %add3A_186 : vector<16xi32>
          %gather3A = tpu.vector_load_idx %arg7[%add3A_187, %broadcast_in_dim3A_184] : memref<64x128xf32, #tpu.memory_space<vmem>>[vector<16xi32>, vector<16xi32>], vector<16xf32>,
          tpu.vector_store_idx %arg8[%add3A_187, %broadcast_in_dim3A_179], %gather3A : memref<64x128xf32, #tpu.memory_space<vmem>>[vector<16xi32>, vector<16xi32>], vector<16xf32>,
          %add3A_188 = arith.constant 16 : i32
          %add3A_189 = vector.broadcast %add3A_188 : i32 to vector<16xi32>
          %add3A_190 = arith.addi %iota3A, %add3A_189 : vector<16xi32>
          %gather3A_191 = tpu.vector_load_idx %arg7[%add3A_190, %broadcast_in_dim3A_184] : memref<64x128xf32, #tpu.memory_space<vmem>>[vector<16xi32>, vector<16xi32>], vector<16xf32>,
          tpu.vector_store_idx %arg8[%add3A_190, %broadcast_in_dim3A_179], %gather3A_191 : memref<64x128xf32, #tpu.memory_space<vmem>>[vector<16xi32>, vector<16xi32>], vector<16xf32>,
          %add3A_192 = arith.constant 32 : i32
          %add3A_193 = vector.broadcast %add3A_192 : i32 to vector<16xi32>
          %add3A_194 = arith.addi %iota3A, %add3A_193 : vector<16xi32>
          %gather3A_195 = tpu.vector_load_idx %arg7[%add3A_194, %broadcast_in_dim3A_184] : memref<64x128xf32, #tpu.memory_space<vmem>>[vector<16xi32>, vector<16xi32>], vector<16xf32>,
          tpu.vector_store_idx %arg8[%add3A_194, %broadcast_in_dim3A_179], %gather3A_195 : memref<64x128xf32, #tpu.memory_space<vmem>>[vector<16xi32>, vector<16xi32>], vector<16xf32>,
          %add3A_196 = arith.constant 48 : i32
          %add3A_197 = vector.broadcast %add3A_196 : i32 to vector<16xi32>
          %add3A_198 = arith.addi %iota3A, %add3A_197 : vector<16xi32>
          %gather3A_199 = tpu.vector_load_idx %arg7[%add3A_198, %broadcast_in_dim3A_184] : memref<64x128xf32, #tpu.memory_space<vmem>>[vector<16xi32>, vector<16xi32>], vector<16xf32>,
          tpu.vector_store_idx %arg8[%add3A_198, %broadcast_in_dim3A_179], %gather3A_199 : memref<64x128xf32, #tpu.memory_space<vmem>>[vector<16xi32>, vector<16xi32>], vector<16xf32>,
          "tpu.region"() ({
            %run_scoped3A = tpu.sem_alloc : memref<!tpu.dma_semaphore, #tpu.memory_space<semaphore_mem>>
            %dma_start3A = arith.constant 0 : i32
            %dma_start3A_200 = tpu.memref_slice %arg2[%dma_start3A, %multiple_of3A] : memref<64x100000xf32, #tpu.memory_space<hbm>> -> memref<64x128xf32, #tpu.memory_space<hbm>>
            %dma_start3A_201 = arith.constant 0 : i32
            %dma_start3A_202 = tpu.memref_slice %arg2[%dma_start3A_201, %multiple_of3A] : memref<64x100000xf32, #tpu.memory_space<hbm>> -> memref<64x128xf32, #tpu.memory_space<hbm>>
            tpu.enqueue_dma source(%arg8 : memref<64x128xf32, #tpu.memory_space<vmem>>) target(%dma_start3A_202 : memref<64x128xf32, #tpu.memory_space<hbm>>) target_semaphore(%run_scoped3A : memref<!tpu.dma_semaphore, #tpu.memory_space<semaphore_mem>>)
            %dma_wait3A = arith.constant 0 : i32
            %dma_wait3A_203 = tpu.memref_slice %arg2[%dma_wait3A, %multiple_of3A] : memref<64x100000xf32, #tpu.memory_space<hbm>> -> memref<64x128xf32, #tpu.memory_space<hbm>>
            %dma_wait3A_204 = arith.constant 0 : i32
            %dma_wait3A_205 = tpu.memref_slice %arg2[%dma_wait3A_204, %multiple_of3A] : memref<64x100000xf32, #tpu.memory_space<hbm>> -> memref<64x128xf32, #tpu.memory_space<hbm>>
            tpu.wait_dma2 semaphore(%run_scoped3A : memref<!tpu.dma_semaphore, #tpu.memory_space<semaphore_mem>>) src(%arg8 : memref<64x128xf32, #tpu.memory_space<vmem>>) dst(%dma_wait3A_205 : memref<64x128xf32, #tpu.memory_space<hbm>>)
            tpu.yield
          }) : () -> ()
        } else {
        }
        %slice3A_83 = vector.extract_strided_slice %get3A_12 {offsets = [6], sizes = [1], strides = [1]} : vector<16xi32> to vector<1xi32>
        %squeeze3A_84 = vector.extract %slice3A_83[0] : i32 from vector<1xi32>
        %slice3A_85 = vector.extract_strided_slice %select_n3A {offsets = [6], sizes = [1], strides = [1]} : vector<16xi32> to vector<1xi32>
        %squeeze3A_86 = vector.extract %slice3A_85[0] : i32 from vector<1xi32>
        %gt3A_87 = arith.constant 0 : i32
        %gt3A_88 = arith.cmpi sgt, %squeeze3A_86, %gt3A_87 : i32
        %convert_element_type3A_89 = arith.extui %gt3A_88 : i1 to i32
        %cond3A_90 = arith.constant 0 : i32
        %cond3A_91 = arith.cmpi ne, %convert_element_type3A_89, %cond3A_90 : i32
        scf.if %cond3A_91 {
          %shift_right_arithmetic3A_173 = arith.constant 7 : i32
          %shift_right_arithmetic3A_174 = arith.shrsi %squeeze3A_84, %shift_right_arithmetic3A_173 : i32
          %mul3A_175 = arith.constant 128 : i32
          %mul3A_176 = arith.muli %shift_right_arithmetic3A_174, %mul3A_175 : i32
          %multiple_of3A = tpu.assume_multiple %mul3A_176, 128 : i32
          "tpu.region"() ({
            %run_scoped3A = tpu.sem_alloc : memref<!tpu.dma_semaphore, #tpu.memory_space<semaphore_mem>>
            %dma_start3A = arith.constant 0 : i32
            %dma_start3A_200 = tpu.memref_slice %arg2[%dma_start3A, %multiple_of3A] : memref<64x100000xf32, #tpu.memory_space<hbm>> -> memref<64x128xf32, #tpu.memory_space<hbm>>
            %dma_start3A_201 = arith.constant 0 : i32
            %dma_start3A_202 = tpu.memref_slice %arg2[%dma_start3A_201, %multiple_of3A] : memref<64x100000xf32, #tpu.memory_space<hbm>> -> memref<64x128xf32, #tpu.memory_space<hbm>>
            tpu.enqueue_dma source(%dma_start3A_202 : memref<64x128xf32, #tpu.memory_space<hbm>>) target(%arg8 : memref<64x128xf32, #tpu.memory_space<vmem>>) target_semaphore(%run_scoped3A : memref<!tpu.dma_semaphore, #tpu.memory_space<semaphore_mem>>)
            %dma_wait3A = arith.constant 0 : i32
            %dma_wait3A_203 = tpu.memref_slice %arg2[%dma_wait3A, %multiple_of3A] : memref<64x100000xf32, #tpu.memory_space<hbm>> -> memref<64x128xf32, #tpu.memory_space<hbm>>
            %dma_wait3A_204 = arith.constant 0 : i32
            %dma_wait3A_205 = tpu.memref_slice %arg2[%dma_wait3A_204, %multiple_of3A] : memref<64x100000xf32, #tpu.memory_space<hbm>> -> memref<64x128xf32, #tpu.memory_space<hbm>>
            tpu.wait_dma2 semaphore(%run_scoped3A : memref<!tpu.dma_semaphore, #tpu.memory_space<semaphore_mem>>) src(%dma_wait3A_205 : memref<64x128xf32, #tpu.memory_space<hbm>>) dst(%arg8 : memref<64x128xf32, #tpu.memory_space<vmem>>)
            tpu.yield
          }) : () -> ()
          %and3A_177 = arith.constant 127 : i32
          %and3A_178 = arith.andi %squeeze3A_84, %and3A_177 : i32
          %broadcast_in_dim3A_179 = vector.broadcast %and3A_178 : i32 to vector<16xi32>
          %mul3A_180 = arith.constant 16 : i32
          %mul3A_181 = arith.muli %add3A_9, %mul3A_180 : i32
          %add3A_182 = arith.constant 6 : i32
          %add3A_183 = arith.addi %mul3A_181, %add3A_182 : i32
          %broadcast_in_dim3A_184 = vector.broadcast %add3A_183 : i32 to vector<16xi32>
          %add3A_185 = arith.constant 0 : i32
          %add3A_186 = vector.broadcast %add3A_185 : i32 to vector<16xi32>
          %add3A_187 = arith.addi %iota3A, %add3A_186 : vector<16xi32>
          %gather3A = tpu.vector_load_idx %arg7[%add3A_187, %broadcast_in_dim3A_184] : memref<64x128xf32, #tpu.memory_space<vmem>>[vector<16xi32>, vector<16xi32>], vector<16xf32>,
          tpu.vector_store_idx %arg8[%add3A_187, %broadcast_in_dim3A_179], %gather3A : memref<64x128xf32, #tpu.memory_space<vmem>>[vector<16xi32>, vector<16xi32>], vector<16xf32>,
          %add3A_188 = arith.constant 16 : i32
          %add3A_189 = vector.broadcast %add3A_188 : i32 to vector<16xi32>
          %add3A_190 = arith.addi %iota3A, %add3A_189 : vector<16xi32>
          %gather3A_191 = tpu.vector_load_idx %arg7[%add3A_190, %broadcast_in_dim3A_184] : memref<64x128xf32, #tpu.memory_space<vmem>>[vector<16xi32>, vector<16xi32>], vector<16xf32>,
          tpu.vector_store_idx %arg8[%add3A_190, %broadcast_in_dim3A_179], %gather3A_191 : memref<64x128xf32, #tpu.memory_space<vmem>>[vector<16xi32>, vector<16xi32>], vector<16xf32>,
          %add3A_192 = arith.constant 32 : i32
          %add3A_193 = vector.broadcast %add3A_192 : i32 to vector<16xi32>
          %add3A_194 = arith.addi %iota3A, %add3A_193 : vector<16xi32>
          %gather3A_195 = tpu.vector_load_idx %arg7[%add3A_194, %broadcast_in_dim3A_184] : memref<64x128xf32, #tpu.memory_space<vmem>>[vector<16xi32>, vector<16xi32>], vector<16xf32>,
          tpu.vector_store_idx %arg8[%add3A_194, %broadcast_in_dim3A_179], %gather3A_195 : memref<64x128xf32, #tpu.memory_space<vmem>>[vector<16xi32>, vector<16xi32>], vector<16xf32>,
          %add3A_196 = arith.constant 48 : i32
          %add3A_197 = vector.broadcast %add3A_196 : i32 to vector<16xi32>
          %add3A_198 = arith.addi %iota3A, %add3A_197 : vector<16xi32>
          %gather3A_199 = tpu.vector_load_idx %arg7[%add3A_198, %broadcast_in_dim3A_184] : memref<64x128xf32, #tpu.memory_space<vmem>>[vector<16xi32>, vector<16xi32>], vector<16xf32>,
          tpu.vector_store_idx %arg8[%add3A_198, %broadcast_in_dim3A_179], %gather3A_199 : memref<64x128xf32, #tpu.memory_space<vmem>>[vector<16xi32>, vector<16xi32>], vector<16xf32>,
          "tpu.region"() ({
            %run_scoped3A = tpu.sem_alloc : memref<!tpu.dma_semaphore, #tpu.memory_space<semaphore_mem>>
            %dma_start3A = arith.constant 0 : i32
            %dma_start3A_200 = tpu.memref_slice %arg2[%dma_start3A, %multiple_of3A] : memref<64x100000xf32, #tpu.memory_space<hbm>> -> memref<64x128xf32, #tpu.memory_space<hbm>>
            %dma_start3A_201 = arith.constant 0 : i32
            %dma_start3A_202 = tpu.memref_slice %arg2[%dma_start3A_201, %multiple_of3A] : memref<64x100000xf32, #tpu.memory_space<hbm>> -> memref<64x128xf32, #tpu.memory_space<hbm>>
            tpu.enqueue_dma source(%arg8 : memref<64x128xf32, #tpu.memory_space<vmem>>) target(%dma_start3A_202 : memref<64x128xf32, #tpu.memory_space<hbm>>) target_semaphore(%run_scoped3A : memref<!tpu.dma_semaphore, #tpu.memory_space<semaphore_mem>>)
            %dma_wait3A = arith.constant 0 : i32
            %dma_wait3A_203 = tpu.memref_slice %arg2[%dma_wait3A, %multiple_of3A] : memref<64x100000xf32, #tpu.memory_space<hbm>> -> memref<64x128xf32, #tpu.memory_space<hbm>>
            %dma_wait3A_204 = arith.constant 0 : i32
            %dma_wait3A_205 = tpu.memref_slice %arg2[%dma_wait3A_204, %multiple_of3A] : memref<64x100000xf32, #tpu.memory_space<hbm>> -> memref<64x128xf32, #tpu.memory_space<hbm>>
            tpu.wait_dma2 semaphore(%run_scoped3A : memref<!tpu.dma_semaphore, #tpu.memory_space<semaphore_mem>>) src(%arg8 : memref<64x128xf32, #tpu.memory_space<vmem>>) dst(%dma_wait3A_205 : memref<64x128xf32, #tpu.memory_space<hbm>>)
            tpu.yield
          }) : () -> ()
        } else {
        }
        %slice3A_92 = vector.extract_strided_slice %get3A_12 {offsets = [7], sizes = [1], strides = [1]} : vector<16xi32> to vector<1xi32>
        %squeeze3A_93 = vector.extract %slice3A_92[0] : i32 from vector<1xi32>
        %slice3A_94 = vector.extract_strided_slice %select_n3A {offsets = [7], sizes = [1], strides = [1]} : vector<16xi32> to vector<1xi32>
        %squeeze3A_95 = vector.extract %slice3A_94[0] : i32 from vector<1xi32>
        %gt3A_96 = arith.constant 0 : i32
        %gt3A_97 = arith.cmpi sgt, %squeeze3A_95, %gt3A_96 : i32
        %convert_element_type3A_98 = arith.extui %gt3A_97 : i1 to i32
        %cond3A_99 = arith.constant 0 : i32
        %cond3A_100 = arith.cmpi ne, %convert_element_type3A_98, %cond3A_99 : i32
        scf.if %cond3A_100 {
          %shift_right_arithmetic3A_173 = arith.constant 7 : i32
          %shift_right_arithmetic3A_174 = arith.shrsi %squeeze3A_93, %shift_right_arithmetic3A_173 : i32
          %mul3A_175 = arith.constant 128 : i32
          %mul3A_176 = arith.muli %shift_right_arithmetic3A_174, %mul3A_175 : i32
          %multiple_of3A = tpu.assume_multiple %mul3A_176, 128 : i32
          "tpu.region"() ({
            %run_scoped3A = tpu.sem_alloc : memref<!tpu.dma_semaphore, #tpu.memory_space<semaphore_mem>>
            %dma_start3A = arith.constant 0 : i32
            %dma_start3A_200 = tpu.memref_slice %arg2[%dma_start3A, %multiple_of3A] : memref<64x100000xf32, #tpu.memory_space<hbm>> -> memref<64x128xf32, #tpu.memory_space<hbm>>
            %dma_start3A_201 = arith.constant 0 : i32
            %dma_start3A_202 = tpu.memref_slice %arg2[%dma_start3A_201, %multiple_of3A] : memref<64x100000xf32, #tpu.memory_space<hbm>> -> memref<64x128xf32, #tpu.memory_space<hbm>>
            tpu.enqueue_dma source(%dma_start3A_202 : memref<64x128xf32, #tpu.memory_space<hbm>>) target(%arg8 : memref<64x128xf32, #tpu.memory_space<vmem>>) target_semaphore(%run_scoped3A : memref<!tpu.dma_semaphore, #tpu.memory_space<semaphore_mem>>)
            %dma_wait3A = arith.constant 0 : i32
            %dma_wait3A_203 = tpu.memref_slice %arg2[%dma_wait3A, %multiple_of3A] : memref<64x100000xf32, #tpu.memory_space<hbm>> -> memref<64x128xf32, #tpu.memory_space<hbm>>
            %dma_wait3A_204 = arith.constant 0 : i32
            %dma_wait3A_205 = tpu.memref_slice %arg2[%dma_wait3A_204, %multiple_of3A] : memref<64x100000xf32, #tpu.memory_space<hbm>> -> memref<64x128xf32, #tpu.memory_space<hbm>>
            tpu.wait_dma2 semaphore(%run_scoped3A : memref<!tpu.dma_semaphore, #tpu.memory_space<semaphore_mem>>) src(%dma_wait3A_205 : memref<64x128xf32, #tpu.memory_space<hbm>>) dst(%arg8 : memref<64x128xf32, #tpu.memory_space<vmem>>)
            tpu.yield
          }) : () -> ()
          %and3A_177 = arith.constant 127 : i32
          %and3A_178 = arith.andi %squeeze3A_93, %and3A_177 : i32
          %broadcast_in_dim3A_179 = vector.broadcast %and3A_178 : i32 to vector<16xi32>
          %mul3A_180 = arith.constant 16 : i32
          %mul3A_181 = arith.muli %add3A_9, %mul3A_180 : i32
          %add3A_182 = arith.constant 7 : i32
          %add3A_183 = arith.addi %mul3A_181, %add3A_182 : i32
          %broadcast_in_dim3A_184 = vector.broadcast %add3A_183 : i32 to vector<16xi32>
          %add3A_185 = arith.constant 0 : i32
          %add3A_186 = vector.broadcast %add3A_185 : i32 to vector<16xi32>
          %add3A_187 = arith.addi %iota3A, %add3A_186 : vector<16xi32>
          %gather3A = tpu.vector_load_idx %arg7[%add3A_187, %broadcast_in_dim3A_184] : memref<64x128xf32, #tpu.memory_space<vmem>>[vector<16xi32>, vector<16xi32>], vector<16xf32>,
          tpu.vector_store_idx %arg8[%add3A_187, %broadcast_in_dim3A_179], %gather3A : memref<64x128xf32, #tpu.memory_space<vmem>>[vector<16xi32>, vector<16xi32>], vector<16xf32>,
          %add3A_188 = arith.constant 16 : i32
          %add3A_189 = vector.broadcast %add3A_188 : i32 to vector<16xi32>
          %add3A_190 = arith.addi %iota3A, %add3A_189 : vector<16xi32>
          %gather3A_191 = tpu.vector_load_idx %arg7[%add3A_190, %broadcast_in_dim3A_184] : memref<64x128xf32, #tpu.memory_space<vmem>>[vector<16xi32>, vector<16xi32>], vector<16xf32>,
          tpu.vector_store_idx %arg8[%add3A_190, %broadcast_in_dim3A_179], %gather3A_191 : memref<64x128xf32, #tpu.memory_space<vmem>>[vector<16xi32>, vector<16xi32>], vector<16xf32>,
          %add3A_192 = arith.constant 32 : i32
          %add3A_193 = vector.broadcast %add3A_192 : i32 to vector<16xi32>
          %add3A_194 = arith.addi %iota3A, %add3A_193 : vector<16xi32>
          %gather3A_195 = tpu.vector_load_idx %arg7[%add3A_194, %broadcast_in_dim3A_184] : memref<64x128xf32, #tpu.memory_space<vmem>>[vector<16xi32>, vector<16xi32>], vector<16xf32>,
          tpu.vector_store_idx %arg8[%add3A_194, %broadcast_in_dim3A_179], %gather3A_195 : memref<64x128xf32, #tpu.memory_space<vmem>>[vector<16xi32>, vector<16xi32>], vector<16xf32>,
          %add3A_196 = arith.constant 48 : i32
          %add3A_197 = vector.broadcast %add3A_196 : i32 to vector<16xi32>
          %add3A_198 = arith.addi %iota3A, %add3A_197 : vector<16xi32>
          %gather3A_199 = tpu.vector_load_idx %arg7[%add3A_198, %broadcast_in_dim3A_184] : memref<64x128xf32, #tpu.memory_space<vmem>>[vector<16xi32>, vector<16xi32>], vector<16xf32>,
          tpu.vector_store_idx %arg8[%add3A_198, %broadcast_in_dim3A_179], %gather3A_199 : memref<64x128xf32, #tpu.memory_space<vmem>>[vector<16xi32>, vector<16xi32>], vector<16xf32>,
          "tpu.region"() ({
            %run_scoped3A = tpu.sem_alloc : memref<!tpu.dma_semaphore, #tpu.memory_space<semaphore_mem>>
            %dma_start3A = arith.constant 0 : i32
            %dma_start3A_200 = tpu.memref_slice %arg2[%dma_start3A, %multiple_of3A] : memref<64x100000xf32, #tpu.memory_space<hbm>> -> memref<64x128xf32, #tpu.memory_space<hbm>>
            %dma_start3A_201 = arith.constant 0 : i32
            %dma_start3A_202 = tpu.memref_slice %arg2[%dma_start3A_201, %multiple_of3A] : memref<64x100000xf32, #tpu.memory_space<hbm>> -> memref<64x128xf32, #tpu.memory_space<hbm>>
            tpu.enqueue_dma source(%arg8 : memref<64x128xf32, #tpu.memory_space<vmem>>) target(%dma_start3A_202 : memref<64x128xf32, #tpu.memory_space<hbm>>) target_semaphore(%run_scoped3A : memref<!tpu.dma_semaphore, #tpu.memory_space<semaphore_mem>>)
            %dma_wait3A = arith.constant 0 : i32
            %dma_wait3A_203 = tpu.memref_slice %arg2[%dma_wait3A, %multiple_of3A] : memref<64x100000xf32, #tpu.memory_space<hbm>> -> memref<64x128xf32, #tpu.memory_space<hbm>>
            %dma_wait3A_204 = arith.constant 0 : i32
            %dma_wait3A_205 = tpu.memref_slice %arg2[%dma_wait3A_204, %multiple_of3A] : memref<64x100000xf32, #tpu.memory_space<hbm>> -> memref<64x128xf32, #tpu.memory_space<hbm>>
            tpu.wait_dma2 semaphore(%run_scoped3A : memref<!tpu.dma_semaphore, #tpu.memory_space<semaphore_mem>>) src(%arg8 : memref<64x128xf32, #tpu.memory_space<vmem>>) dst(%dma_wait3A_205 : memref<64x128xf32, #tpu.memory_space<hbm>>)
            tpu.yield
          }) : () -> ()
        } else {
        }
        %slice3A_101 = vector.extract_strided_slice %get3A_12 {offsets = [8], sizes = [1], strides = [1]} : vector<16xi32> to vector<1xi32>
        %squeeze3A_102 = vector.extract %slice3A_101[0] : i32 from vector<1xi32>
        %slice3A_103 = vector.extract_strided_slice %select_n3A {offsets = [8], sizes = [1], strides = [1]} : vector<16xi32> to vector<1xi32>
        %squeeze3A_104 = vector.extract %slice3A_103[0] : i32 from vector<1xi32>
        %gt3A_105 = arith.constant 0 : i32
        %gt3A_106 = arith.cmpi sgt, %squeeze3A_104, %gt3A_105 : i32
        %convert_element_type3A_107 = arith.extui %gt3A_106 : i1 to i32
        %cond3A_108 = arith.constant 0 : i32
        %cond3A_109 = arith.cmpi ne, %convert_element_type3A_107, %cond3A_108 : i32
        scf.if %cond3A_109 {
          %shift_right_arithmetic3A_173 = arith.constant 7 : i32
          %shift_right_arithmetic3A_174 = arith.shrsi %squeeze3A_102, %shift_right_arithmetic3A_173 : i32
          %mul3A_175 = arith.constant 128 : i32
          %mul3A_176 = arith.muli %shift_right_arithmetic3A_174, %mul3A_175 : i32
          %multiple_of3A = tpu.assume_multiple %mul3A_176, 128 : i32
          "tpu.region"() ({
            %run_scoped3A = tpu.sem_alloc : memref<!tpu.dma_semaphore, #tpu.memory_space<semaphore_mem>>
            %dma_start3A = arith.constant 0 : i32
            %dma_start3A_200 = tpu.memref_slice %arg2[%dma_start3A, %multiple_of3A] : memref<64x100000xf32, #tpu.memory_space<hbm>> -> memref<64x128xf32, #tpu.memory_space<hbm>>
            %dma_start3A_201 = arith.constant 0 : i32
            %dma_start3A_202 = tpu.memref_slice %arg2[%dma_start3A_201, %multiple_of3A] : memref<64x100000xf32, #tpu.memory_space<hbm>> -> memref<64x128xf32, #tpu.memory_space<hbm>>
            tpu.enqueue_dma source(%dma_start3A_202 : memref<64x128xf32, #tpu.memory_space<hbm>>) target(%arg8 : memref<64x128xf32, #tpu.memory_space<vmem>>) target_semaphore(%run_scoped3A : memref<!tpu.dma_semaphore, #tpu.memory_space<semaphore_mem>>)
            %dma_wait3A = arith.constant 0 : i32
            %dma_wait3A_203 = tpu.memref_slice %arg2[%dma_wait3A, %multiple_of3A] : memref<64x100000xf32, #tpu.memory_space<hbm>> -> memref<64x128xf32, #tpu.memory_space<hbm>>
            %dma_wait3A_204 = arith.constant 0 : i32
            %dma_wait3A_205 = tpu.memref_slice %arg2[%dma_wait3A_204, %multiple_of3A] : memref<64x100000xf32, #tpu.memory_space<hbm>> -> memref<64x128xf32, #tpu.memory_space<hbm>>
            tpu.wait_dma2 semaphore(%run_scoped3A : memref<!tpu.dma_semaphore, #tpu.memory_space<semaphore_mem>>) src(%dma_wait3A_205 : memref<64x128xf32, #tpu.memory_space<hbm>>) dst(%arg8 : memref<64x128xf32, #tpu.memory_space<vmem>>)
            tpu.yield
          }) : () -> ()
          %and3A_177 = arith.constant 127 : i32
          %and3A_178 = arith.andi %squeeze3A_102, %and3A_177 : i32
          %broadcast_in_dim3A_179 = vector.broadcast %and3A_178 : i32 to vector<16xi32>
          %mul3A_180 = arith.constant 16 : i32
          %mul3A_181 = arith.muli %add3A_9, %mul3A_180 : i32
          %add3A_182 = arith.constant 8 : i32
          %add3A_183 = arith.addi %mul3A_181, %add3A_182 : i32
          %broadcast_in_dim3A_184 = vector.broadcast %add3A_183 : i32 to vector<16xi32>
          %add3A_185 = arith.constant 0 : i32
          %add3A_186 = vector.broadcast %add3A_185 : i32 to vector<16xi32>
          %add3A_187 = arith.addi %iota3A, %add3A_186 : vector<16xi32>
          %gather3A = tpu.vector_load_idx %arg7[%add3A_187, %broadcast_in_dim3A_184] : memref<64x128xf32, #tpu.memory_space<vmem>>[vector<16xi32>, vector<16xi32>], vector<16xf32>,
          tpu.vector_store_idx %arg8[%add3A_187, %broadcast_in_dim3A_179], %gather3A : memref<64x128xf32, #tpu.memory_space<vmem>>[vector<16xi32>, vector<16xi32>], vector<16xf32>,
          %add3A_188 = arith.constant 16 : i32
          %add3A_189 = vector.broadcast %add3A_188 : i32 to vector<16xi32>
          %add3A_190 = arith.addi %iota3A, %add3A_189 : vector<16xi32>
          %gather3A_191 = tpu.vector_load_idx %arg7[%add3A_190, %broadcast_in_dim3A_184] : memref<64x128xf32, #tpu.memory_space<vmem>>[vector<16xi32>, vector<16xi32>], vector<16xf32>,
          tpu.vector_store_idx %arg8[%add3A_190, %broadcast_in_dim3A_179], %gather3A_191 : memref<64x128xf32, #tpu.memory_space<vmem>>[vector<16xi32>, vector<16xi32>], vector<16xf32>,
          %add3A_192 = arith.constant 32 : i32
          %add3A_193 = vector.broadcast %add3A_192 : i32 to vector<16xi32>
          %add3A_194 = arith.addi %iota3A, %add3A_193 : vector<16xi32>
          %gather3A_195 = tpu.vector_load_idx %arg7[%add3A_194, %broadcast_in_dim3A_184] : memref<64x128xf32, #tpu.memory_space<vmem>>[vector<16xi32>, vector<16xi32>], vector<16xf32>,
          tpu.vector_store_idx %arg8[%add3A_194, %broadcast_in_dim3A_179], %gather3A_195 : memref<64x128xf32, #tpu.memory_space<vmem>>[vector<16xi32>, vector<16xi32>], vector<16xf32>,
          %add3A_196 = arith.constant 48 : i32
          %add3A_197 = vector.broadcast %add3A_196 : i32 to vector<16xi32>
          %add3A_198 = arith.addi %iota3A, %add3A_197 : vector<16xi32>
          %gather3A_199 = tpu.vector_load_idx %arg7[%add3A_198, %broadcast_in_dim3A_184] : memref<64x128xf32, #tpu.memory_space<vmem>>[vector<16xi32>, vector<16xi32>], vector<16xf32>,
          tpu.vector_store_idx %arg8[%add3A_198, %broadcast_in_dim3A_179], %gather3A_199 : memref<64x128xf32, #tpu.memory_space<vmem>>[vector<16xi32>, vector<16xi32>], vector<16xf32>,
          "tpu.region"() ({
            %run_scoped3A = tpu.sem_alloc : memref<!tpu.dma_semaphore, #tpu.memory_space<semaphore_mem>>
            %dma_start3A = arith.constant 0 : i32
            %dma_start3A_200 = tpu.memref_slice %arg2[%dma_start3A, %multiple_of3A] : memref<64x100000xf32, #tpu.memory_space<hbm>> -> memref<64x128xf32, #tpu.memory_space<hbm>>
            %dma_start3A_201 = arith.constant 0 : i32
            %dma_start3A_202 = tpu.memref_slice %arg2[%dma_start3A_201, %multiple_of3A] : memref<64x100000xf32, #tpu.memory_space<hbm>> -> memref<64x128xf32, #tpu.memory_space<hbm>>
            tpu.enqueue_dma source(%arg8 : memref<64x128xf32, #tpu.memory_space<vmem>>) target(%dma_start3A_202 : memref<64x128xf32, #tpu.memory_space<hbm>>) target_semaphore(%run_scoped3A : memref<!tpu.dma_semaphore, #tpu.memory_space<semaphore_mem>>)
            %dma_wait3A = arith.constant 0 : i32
            %dma_wait3A_203 = tpu.memref_slice %arg2[%dma_wait3A, %multiple_of3A] : memref<64x100000xf32, #tpu.memory_space<hbm>> -> memref<64x128xf32, #tpu.memory_space<hbm>>
            %dma_wait3A_204 = arith.constant 0 : i32
            %dma_wait3A_205 = tpu.memref_slice %arg2[%dma_wait3A_204, %multiple_of3A] : memref<64x100000xf32, #tpu.memory_space<hbm>> -> memref<64x128xf32, #tpu.memory_space<hbm>>
            tpu.wait_dma2 semaphore(%run_scoped3A : memref<!tpu.dma_semaphore, #tpu.memory_space<semaphore_mem>>) src(%arg8 : memref<64x128xf32, #tpu.memory_space<vmem>>) dst(%dma_wait3A_205 : memref<64x128xf32, #tpu.memory_space<hbm>>)
            tpu.yield
          }) : () -> ()
        } else {
        }
        %slice3A_110 = vector.extract_strided_slice %get3A_12 {offsets = [9], sizes = [1], strides = [1]} : vector<16xi32> to vector<1xi32>
        %squeeze3A_111 = vector.extract %slice3A_110[0] : i32 from vector<1xi32>
        %slice3A_112 = vector.extract_strided_slice %select_n3A {offsets = [9], sizes = [1], strides = [1]} : vector<16xi32> to vector<1xi32>
        %squeeze3A_113 = vector.extract %slice3A_112[0] : i32 from vector<1xi32>
        %gt3A_114 = arith.constant 0 : i32
        %gt3A_115 = arith.cmpi sgt, %squeeze3A_113, %gt3A_114 : i32
        %convert_element_type3A_116 = arith.extui %gt3A_115 : i1 to i32
        %cond3A_117 = arith.constant 0 : i32
        %cond3A_118 = arith.cmpi ne, %convert_element_type3A_116, %cond3A_117 : i32
        scf.if %cond3A_118 {
          %shift_right_arithmetic3A_173 = arith.constant 7 : i32
          %shift_right_arithmetic3A_174 = arith.shrsi %squeeze3A_111, %shift_right_arithmetic3A_173 : i32
          %mul3A_175 = arith.constant 128 : i32
          %mul3A_176 = arith.muli %shift_right_arithmetic3A_174, %mul3A_175 : i32
          %multiple_of3A = tpu.assume_multiple %mul3A_176, 128 : i32
          "tpu.region"() ({
            %run_scoped3A = tpu.sem_alloc : memref<!tpu.dma_semaphore, #tpu.memory_space<semaphore_mem>>
            %dma_start3A = arith.constant 0 : i32
            %dma_start3A_200 = tpu.memref_slice %arg2[%dma_start3A, %multiple_of3A] : memref<64x100000xf32, #tpu.memory_space<hbm>> -> memref<64x128xf32, #tpu.memory_space<hbm>>
            %dma_start3A_201 = arith.constant 0 : i32
            %dma_start3A_202 = tpu.memref_slice %arg2[%dma_start3A_201, %multiple_of3A] : memref<64x100000xf32, #tpu.memory_space<hbm>> -> memref<64x128xf32, #tpu.memory_space<hbm>>
            tpu.enqueue_dma source(%dma_start3A_202 : memref<64x128xf32, #tpu.memory_space<hbm>>) target(%arg8 : memref<64x128xf32, #tpu.memory_space<vmem>>) target_semaphore(%run_scoped3A : memref<!tpu.dma_semaphore, #tpu.memory_space<semaphore_mem>>)
            %dma_wait3A = arith.constant 0 : i32
            %dma_wait3A_203 = tpu.memref_slice %arg2[%dma_wait3A, %multiple_of3A] : memref<64x100000xf32, #tpu.memory_space<hbm>> -> memref<64x128xf32, #tpu.memory_space<hbm>>
            %dma_wait3A_204 = arith.constant 0 : i32
            %dma_wait3A_205 = tpu.memref_slice %arg2[%dma_wait3A_204, %multiple_of3A] : memref<64x100000xf32, #tpu.memory_space<hbm>> -> memref<64x128xf32, #tpu.memory_space<hbm>>
            tpu.wait_dma2 semaphore(%run_scoped3A : memref<!tpu.dma_semaphore, #tpu.memory_space<semaphore_mem>>) src(%dma_wait3A_205 : memref<64x128xf32, #tpu.memory_space<hbm>>) dst(%arg8 : memref<64x128xf32, #tpu.memory_space<vmem>>)
            tpu.yield
          }) : () -> ()
          %and3A_177 = arith.constant 127 : i32
          %and3A_178 = arith.andi %squeeze3A_111, %and3A_177 : i32
          %broadcast_in_dim3A_179 = vector.broadcast %and3A_178 : i32 to vector<16xi32>
          %mul3A_180 = arith.constant 16 : i32
          %mul3A_181 = arith.muli %add3A_9, %mul3A_180 : i32
          %add3A_182 = arith.constant 9 : i32
          %add3A_183 = arith.addi %mul3A_181, %add3A_182 : i32
          %broadcast_in_dim3A_184 = vector.broadcast %add3A_183 : i32 to vector<16xi32>
          %add3A_185 = arith.constant 0 : i32
          %add3A_186 = vector.broadcast %add3A_185 : i32 to vector<16xi32>
          %add3A_187 = arith.addi %iota3A, %add3A_186 : vector<16xi32>
          %gather3A = tpu.vector_load_idx %arg7[%add3A_187, %broadcast_in_dim3A_184] : memref<64x128xf32, #tpu.memory_space<vmem>>[vector<16xi32>, vector<16xi32>], vector<16xf32>,
          tpu.vector_store_idx %arg8[%add3A_187, %broadcast_in_dim3A_179], %gather3A : memref<64x128xf32, #tpu.memory_space<vmem>>[vector<16xi32>, vector<16xi32>], vector<16xf32>,
          %add3A_188 = arith.constant 16 : i32
          %add3A_189 = vector.broadcast %add3A_188 : i32 to vector<16xi32>
          %add3A_190 = arith.addi %iota3A, %add3A_189 : vector<16xi32>
          %gather3A_191 = tpu.vector_load_idx %arg7[%add3A_190, %broadcast_in_dim3A_184] : memref<64x128xf32, #tpu.memory_space<vmem>>[vector<16xi32>, vector<16xi32>], vector<16xf32>,
          tpu.vector_store_idx %arg8[%add3A_190, %broadcast_in_dim3A_179], %gather3A_191 : memref<64x128xf32, #tpu.memory_space<vmem>>[vector<16xi32>, vector<16xi32>], vector<16xf32>,
          %add3A_192 = arith.constant 32 : i32
          %add3A_193 = vector.broadcast %add3A_192 : i32 to vector<16xi32>
          %add3A_194 = arith.addi %iota3A, %add3A_193 : vector<16xi32>
          %gather3A_195 = tpu.vector_load_idx %arg7[%add3A_194, %broadcast_in_dim3A_184] : memref<64x128xf32, #tpu.memory_space<vmem>>[vector<16xi32>, vector<16xi32>], vector<16xf32>,
          tpu.vector_store_idx %arg8[%add3A_194, %broadcast_in_dim3A_179], %gather3A_195 : memref<64x128xf32, #tpu.memory_space<vmem>>[vector<16xi32>, vector<16xi32>], vector<16xf32>,
          %add3A_196 = arith.constant 48 : i32
          %add3A_197 = vector.broadcast %add3A_196 : i32 to vector<16xi32>
          %add3A_198 = arith.addi %iota3A, %add3A_197 : vector<16xi32>
          %gather3A_199 = tpu.vector_load_idx %arg7[%add3A_198, %broadcast_in_dim3A_184] : memref<64x128xf32, #tpu.memory_space<vmem>>[vector<16xi32>, vector<16xi32>], vector<16xf32>,
          tpu.vector_store_idx %arg8[%add3A_198, %broadcast_in_dim3A_179], %gather3A_199 : memref<64x128xf32, #tpu.memory_space<vmem>>[vector<16xi32>, vector<16xi32>], vector<16xf32>,
          "tpu.region"() ({
            %run_scoped3A = tpu.sem_alloc : memref<!tpu.dma_semaphore, #tpu.memory_space<semaphore_mem>>
            %dma_start3A = arith.constant 0 : i32
            %dma_start3A_200 = tpu.memref_slice %arg2[%dma_start3A, %multiple_of3A] : memref<64x100000xf32, #tpu.memory_space<hbm>> -> memref<64x128xf32, #tpu.memory_space<hbm>>
            %dma_start3A_201 = arith.constant 0 : i32
            %dma_start3A_202 = tpu.memref_slice %arg2[%dma_start3A_201, %multiple_of3A] : memref<64x100000xf32, #tpu.memory_space<hbm>> -> memref<64x128xf32, #tpu.memory_space<hbm>>
            tpu.enqueue_dma source(%arg8 : memref<64x128xf32, #tpu.memory_space<vmem>>) target(%dma_start3A_202 : memref<64x128xf32, #tpu.memory_space<hbm>>) target_semaphore(%run_scoped3A : memref<!tpu.dma_semaphore, #tpu.memory_space<semaphore_mem>>)
            %dma_wait3A = arith.constant 0 : i32
            %dma_wait3A_203 = tpu.memref_slice %arg2[%dma_wait3A, %multiple_of3A] : memref<64x100000xf32, #tpu.memory_space<hbm>> -> memref<64x128xf32, #tpu.memory_space<hbm>>
            %dma_wait3A_204 = arith.constant 0 : i32
            %dma_wait3A_205 = tpu.memref_slice %arg2[%dma_wait3A_204, %multiple_of3A] : memref<64x100000xf32, #tpu.memory_space<hbm>> -> memref<64x128xf32, #tpu.memory_space<hbm>>
            tpu.wait_dma2 semaphore(%run_scoped3A : memref<!tpu.dma_semaphore, #tpu.memory_space<semaphore_mem>>) src(%arg8 : memref<64x128xf32, #tpu.memory_space<vmem>>) dst(%dma_wait3A_205 : memref<64x128xf32, #tpu.memory_space<hbm>>)
            tpu.yield
          }) : () -> ()
        } else {
        }
        %slice3A_119 = vector.extract_strided_slice %get3A_12 {offsets = [10], sizes = [1], strides = [1]} : vector<16xi32> to vector<1xi32>
        %squeeze3A_120 = vector.extract %slice3A_119[0] : i32 from vector<1xi32>
        %slice3A_121 = vector.extract_strided_slice %select_n3A {offsets = [10], sizes = [1], strides = [1]} : vector<16xi32> to vector<1xi32>
        %squeeze3A_122 = vector.extract %slice3A_121[0] : i32 from vector<1xi32>
        %gt3A_123 = arith.constant 0 : i32
        %gt3A_124 = arith.cmpi sgt, %squeeze3A_122, %gt3A_123 : i32
        %convert_element_type3A_125 = arith.extui %gt3A_124 : i1 to i32
        %cond3A_126 = arith.constant 0 : i32
        %cond3A_127 = arith.cmpi ne, %convert_element_type3A_125, %cond3A_126 : i32
        scf.if %cond3A_127 {
          %shift_right_arithmetic3A_173 = arith.constant 7 : i32
          %shift_right_arithmetic3A_174 = arith.shrsi %squeeze3A_120, %shift_right_arithmetic3A_173 : i32
          %mul3A_175 = arith.constant 128 : i32
          %mul3A_176 = arith.muli %shift_right_arithmetic3A_174, %mul3A_175 : i32
          %multiple_of3A = tpu.assume_multiple %mul3A_176, 128 : i32
          "tpu.region"() ({
            %run_scoped3A = tpu.sem_alloc : memref<!tpu.dma_semaphore, #tpu.memory_space<semaphore_mem>>
            %dma_start3A = arith.constant 0 : i32
            %dma_start3A_200 = tpu.memref_slice %arg2[%dma_start3A, %multiple_of3A] : memref<64x100000xf32, #tpu.memory_space<hbm>> -> memref<64x128xf32, #tpu.memory_space<hbm>>
            %dma_start3A_201 = arith.constant 0 : i32
            %dma_start3A_202 = tpu.memref_slice %arg2[%dma_start3A_201, %multiple_of3A] : memref<64x100000xf32, #tpu.memory_space<hbm>> -> memref<64x128xf32, #tpu.memory_space<hbm>>
            tpu.enqueue_dma source(%dma_start3A_202 : memref<64x128xf32, #tpu.memory_space<hbm>>) target(%arg8 : memref<64x128xf32, #tpu.memory_space<vmem>>) target_semaphore(%run_scoped3A : memref<!tpu.dma_semaphore, #tpu.memory_space<semaphore_mem>>)
            %dma_wait3A = arith.constant 0 : i32
            %dma_wait3A_203 = tpu.memref_slice %arg2[%dma_wait3A, %multiple_of3A] : memref<64x100000xf32, #tpu.memory_space<hbm>> -> memref<64x128xf32, #tpu.memory_space<hbm>>
            %dma_wait3A_204 = arith.constant 0 : i32
            %dma_wait3A_205 = tpu.memref_slice %arg2[%dma_wait3A_204, %multiple_of3A] : memref<64x100000xf32, #tpu.memory_space<hbm>> -> memref<64x128xf32, #tpu.memory_space<hbm>>
            tpu.wait_dma2 semaphore(%run_scoped3A : memref<!tpu.dma_semaphore, #tpu.memory_space<semaphore_mem>>) src(%dma_wait3A_205 : memref<64x128xf32, #tpu.memory_space<hbm>>) dst(%arg8 : memref<64x128xf32, #tpu.memory_space<vmem>>)
            tpu.yield
          }) : () -> ()
          %and3A_177 = arith.constant 127 : i32
          %and3A_178 = arith.andi %squeeze3A_120, %and3A_177 : i32
          %broadcast_in_dim3A_179 = vector.broadcast %and3A_178 : i32 to vector<16xi32>
          %mul3A_180 = arith.constant 16 : i32
          %mul3A_181 = arith.muli %add3A_9, %mul3A_180 : i32
          %add3A_182 = arith.constant 10 : i32
          %add3A_183 = arith.addi %mul3A_181, %add3A_182 : i32
          %broadcast_in_dim3A_184 = vector.broadcast %add3A_183 : i32 to vector<16xi32>
          %add3A_185 = arith.constant 0 : i32
          %add3A_186 = vector.broadcast %add3A_185 : i32 to vector<16xi32>
          %add3A_187 = arith.addi %iota3A, %add3A_186 : vector<16xi32>
          %gather3A = tpu.vector_load_idx %arg7[%add3A_187, %broadcast_in_dim3A_184] : memref<64x128xf32, #tpu.memory_space<vmem>>[vector<16xi32>, vector<16xi32>], vector<16xf32>,
          tpu.vector_store_idx %arg8[%add3A_187, %broadcast_in_dim3A_179], %gather3A : memref<64x128xf32, #tpu.memory_space<vmem>>[vector<16xi32>, vector<16xi32>], vector<16xf32>,
          %add3A_188 = arith.constant 16 : i32
          %add3A_189 = vector.broadcast %add3A_188 : i32 to vector<16xi32>
          %add3A_190 = arith.addi %iota3A, %add3A_189 : vector<16xi32>
          %gather3A_191 = tpu.vector_load_idx %arg7[%add3A_190, %broadcast_in_dim3A_184] : memref<64x128xf32, #tpu.memory_space<vmem>>[vector<16xi32>, vector<16xi32>], vector<16xf32>,
          tpu.vector_store_idx %arg8[%add3A_190, %broadcast_in_dim3A_179], %gather3A_191 : memref<64x128xf32, #tpu.memory_space<vmem>>[vector<16xi32>, vector<16xi32>], vector<16xf32>,
          %add3A_192 = arith.constant 32 : i32
          %add3A_193 = vector.broadcast %add3A_192 : i32 to vector<16xi32>
          %add3A_194 = arith.addi %iota3A, %add3A_193 : vector<16xi32>
          %gather3A_195 = tpu.vector_load_idx %arg7[%add3A_194, %broadcast_in_dim3A_184] : memref<64x128xf32, #tpu.memory_space<vmem>>[vector<16xi32>, vector<16xi32>], vector<16xf32>,
          tpu.vector_store_idx %arg8[%add3A_194, %broadcast_in_dim3A_179], %gather3A_195 : memref<64x128xf32, #tpu.memory_space<vmem>>[vector<16xi32>, vector<16xi32>], vector<16xf32>,
          %add3A_196 = arith.constant 48 : i32
          %add3A_197 = vector.broadcast %add3A_196 : i32 to vector<16xi32>
          %add3A_198 = arith.addi %iota3A, %add3A_197 : vector<16xi32>
          %gather3A_199 = tpu.vector_load_idx %arg7[%add3A_198, %broadcast_in_dim3A_184] : memref<64x128xf32, #tpu.memory_space<vmem>>[vector<16xi32>, vector<16xi32>], vector<16xf32>,
          tpu.vector_store_idx %arg8[%add3A_198, %broadcast_in_dim3A_179], %gather3A_199 : memref<64x128xf32, #tpu.memory_space<vmem>>[vector<16xi32>, vector<16xi32>], vector<16xf32>,
          "tpu.region"() ({
            %run_scoped3A = tpu.sem_alloc : memref<!tpu.dma_semaphore, #tpu.memory_space<semaphore_mem>>
            %dma_start3A = arith.constant 0 : i32
            %dma_start3A_200 = tpu.memref_slice %arg2[%dma_start3A, %multiple_of3A] : memref<64x100000xf32, #tpu.memory_space<hbm>> -> memref<64x128xf32, #tpu.memory_space<hbm>>
            %dma_start3A_201 = arith.constant 0 : i32
            %dma_start3A_202 = tpu.memref_slice %arg2[%dma_start3A_201, %multiple_of3A] : memref<64x100000xf32, #tpu.memory_space<hbm>> -> memref<64x128xf32, #tpu.memory_space<hbm>>
            tpu.enqueue_dma source(%arg8 : memref<64x128xf32, #tpu.memory_space<vmem>>) target(%dma_start3A_202 : memref<64x128xf32, #tpu.memory_space<hbm>>) target_semaphore(%run_scoped3A : memref<!tpu.dma_semaphore, #tpu.memory_space<semaphore_mem>>)
            %dma_wait3A = arith.constant 0 : i32
            %dma_wait3A_203 = tpu.memref_slice %arg2[%dma_wait3A, %multiple_of3A] : memref<64x100000xf32, #tpu.memory_space<hbm>> -> memref<64x128xf32, #tpu.memory_space<hbm>>
            %dma_wait3A_204 = arith.constant 0 : i32
            %dma_wait3A_205 = tpu.memref_slice %arg2[%dma_wait3A_204, %multiple_of3A] : memref<64x100000xf32, #tpu.memory_space<hbm>> -> memref<64x128xf32, #tpu.memory_space<hbm>>
            tpu.wait_dma2 semaphore(%run_scoped3A : memref<!tpu.dma_semaphore, #tpu.memory_space<semaphore_mem>>) src(%arg8 : memref<64x128xf32, #tpu.memory_space<vmem>>) dst(%dma_wait3A_205 : memref<64x128xf32, #tpu.memory_space<hbm>>)
            tpu.yield
          }) : () -> ()
        } else {
        }
        %slice3A_128 = vector.extract_strided_slice %get3A_12 {offsets = [11], sizes = [1], strides = [1]} : vector<16xi32> to vector<1xi32>
        %squeeze3A_129 = vector.extract %slice3A_128[0] : i32 from vector<1xi32>
        %slice3A_130 = vector.extract_strided_slice %select_n3A {offsets = [11], sizes = [1], strides = [1]} : vector<16xi32> to vector<1xi32>
        %squeeze3A_131 = vector.extract %slice3A_130[0] : i32 from vector<1xi32>
        %gt3A_132 = arith.constant 0 : i32
        %gt3A_133 = arith.cmpi sgt, %squeeze3A_131, %gt3A_132 : i32
        %convert_element_type3A_134 = arith.extui %gt3A_133 : i1 to i32
        %cond3A_135 = arith.constant 0 : i32
        %cond3A_136 = arith.cmpi ne, %convert_element_type3A_134, %cond3A_135 : i32
        scf.if %cond3A_136 {
          %shift_right_arithmetic3A_173 = arith.constant 7 : i32
          %shift_right_arithmetic3A_174 = arith.shrsi %squeeze3A_129, %shift_right_arithmetic3A_173 : i32
          %mul3A_175 = arith.constant 128 : i32
          %mul3A_176 = arith.muli %shift_right_arithmetic3A_174, %mul3A_175 : i32
          %multiple_of3A = tpu.assume_multiple %mul3A_176, 128 : i32
          "tpu.region"() ({
            %run_scoped3A = tpu.sem_alloc : memref<!tpu.dma_semaphore, #tpu.memory_space<semaphore_mem>>
            %dma_start3A = arith.constant 0 : i32
            %dma_start3A_200 = tpu.memref_slice %arg2[%dma_start3A, %multiple_of3A] : memref<64x100000xf32, #tpu.memory_space<hbm>> -> memref<64x128xf32, #tpu.memory_space<hbm>>
            %dma_start3A_201 = arith.constant 0 : i32
            %dma_start3A_202 = tpu.memref_slice %arg2[%dma_start3A_201, %multiple_of3A] : memref<64x100000xf32, #tpu.memory_space<hbm>> -> memref<64x128xf32, #tpu.memory_space<hbm>>
            tpu.enqueue_dma source(%dma_start3A_202 : memref<64x128xf32, #tpu.memory_space<hbm>>) target(%arg8 : memref<64x128xf32, #tpu.memory_space<vmem>>) target_semaphore(%run_scoped3A : memref<!tpu.dma_semaphore, #tpu.memory_space<semaphore_mem>>)
            %dma_wait3A = arith.constant 0 : i32
            %dma_wait3A_203 = tpu.memref_slice %arg2[%dma_wait3A, %multiple_of3A] : memref<64x100000xf32, #tpu.memory_space<hbm>> -> memref<64x128xf32, #tpu.memory_space<hbm>>
            %dma_wait3A_204 = arith.constant 0 : i32
            %dma_wait3A_205 = tpu.memref_slice %arg2[%dma_wait3A_204, %multiple_of3A] : memref<64x100000xf32, #tpu.memory_space<hbm>> -> memref<64x128xf32, #tpu.memory_space<hbm>>
            tpu.wait_dma2 semaphore(%run_scoped3A : memref<!tpu.dma_semaphore, #tpu.memory_space<semaphore_mem>>) src(%dma_wait3A_205 : memref<64x128xf32, #tpu.memory_space<hbm>>) dst(%arg8 : memref<64x128xf32, #tpu.memory_space<vmem>>)
            tpu.yield
          }) : () -> ()
          %and3A_177 = arith.constant 127 : i32
          %and3A_178 = arith.andi %squeeze3A_129, %and3A_177 : i32
          %broadcast_in_dim3A_179 = vector.broadcast %and3A_178 : i32 to vector<16xi32>
          %mul3A_180 = arith.constant 16 : i32
          %mul3A_181 = arith.muli %add3A_9, %mul3A_180 : i32
          %add3A_182 = arith.constant 11 : i32
          %add3A_183 = arith.addi %mul3A_181, %add3A_182 : i32
          %broadcast_in_dim3A_184 = vector.broadcast %add3A_183 : i32 to vector<16xi32>
          %add3A_185 = arith.constant 0 : i32
          %add3A_186 = vector.broadcast %add3A_185 : i32 to vector<16xi32>
          %add3A_187 = arith.addi %iota3A, %add3A_186 : vector<16xi32>
          %gather3A = tpu.vector_load_idx %arg7[%add3A_187, %broadcast_in_dim3A_184] : memref<64x128xf32, #tpu.memory_space<vmem>>[vector<16xi32>, vector<16xi32>], vector<16xf32>,
          tpu.vector_store_idx %arg8[%add3A_187, %broadcast_in_dim3A_179], %gather3A : memref<64x128xf32, #tpu.memory_space<vmem>>[vector<16xi32>, vector<16xi32>], vector<16xf32>,
          %add3A_188 = arith.constant 16 : i32
          %add3A_189 = vector.broadcast %add3A_188 : i32 to vector<16xi32>
          %add3A_190 = arith.addi %iota3A, %add3A_189 : vector<16xi32>
          %gather3A_191 = tpu.vector_load_idx %arg7[%add3A_190, %broadcast_in_dim3A_184] : memref<64x128xf32, #tpu.memory_space<vmem>>[vector<16xi32>, vector<16xi32>], vector<16xf32>,
          tpu.vector_store_idx %arg8[%add3A_190, %broadcast_in_dim3A_179], %gather3A_191 : memref<64x128xf32, #tpu.memory_space<vmem>>[vector<16xi32>, vector<16xi32>], vector<16xf32>,
          %add3A_192 = arith.constant 32 : i32
          %add3A_193 = vector.broadcast %add3A_192 : i32 to vector<16xi32>
          %add3A_194 = arith.addi %iota3A, %add3A_193 : vector<16xi32>
          %gather3A_195 = tpu.vector_load_idx %arg7[%add3A_194, %broadcast_in_dim3A_184] : memref<64x128xf32, #tpu.memory_space<vmem>>[vector<16xi32>, vector<16xi32>], vector<16xf32>,
          tpu.vector_store_idx %arg8[%add3A_194, %broadcast_in_dim3A_179], %gather3A_195 : memref<64x128xf32, #tpu.memory_space<vmem>>[vector<16xi32>, vector<16xi32>], vector<16xf32>,
          %add3A_196 = arith.constant 48 : i32
          %add3A_197 = vector.broadcast %add3A_196 : i32 to vector<16xi32>
          %add3A_198 = arith.addi %iota3A, %add3A_197 : vector<16xi32>
          %gather3A_199 = tpu.vector_load_idx %arg7[%add3A_198, %broadcast_in_dim3A_184] : memref<64x128xf32, #tpu.memory_space<vmem>>[vector<16xi32>, vector<16xi32>], vector<16xf32>,
          tpu.vector_store_idx %arg8[%add3A_198, %broadcast_in_dim3A_179], %gather3A_199 : memref<64x128xf32, #tpu.memory_space<vmem>>[vector<16xi32>, vector<16xi32>], vector<16xf32>,
          "tpu.region"() ({
            %run_scoped3A = tpu.sem_alloc : memref<!tpu.dma_semaphore, #tpu.memory_space<semaphore_mem>>
            %dma_start3A = arith.constant 0 : i32
            %dma_start3A_200 = tpu.memref_slice %arg2[%dma_start3A, %multiple_of3A] : memref<64x100000xf32, #tpu.memory_space<hbm>> -> memref<64x128xf32, #tpu.memory_space<hbm>>
            %dma_start3A_201 = arith.constant 0 : i32
            %dma_start3A_202 = tpu.memref_slice %arg2[%dma_start3A_201, %multiple_of3A] : memref<64x100000xf32, #tpu.memory_space<hbm>> -> memref<64x128xf32, #tpu.memory_space<hbm>>
            tpu.enqueue_dma source(%arg8 : memref<64x128xf32, #tpu.memory_space<vmem>>) target(%dma_start3A_202 : memref<64x128xf32, #tpu.memory_space<hbm>>) target_semaphore(%run_scoped3A : memref<!tpu.dma_semaphore, #tpu.memory_space<semaphore_mem>>)
            %dma_wait3A = arith.constant 0 : i32
            %dma_wait3A_203 = tpu.memref_slice %arg2[%dma_wait3A, %multiple_of3A] : memref<64x100000xf32, #tpu.memory_space<hbm>> -> memref<64x128xf32, #tpu.memory_space<hbm>>
            %dma_wait3A_204 = arith.constant 0 : i32
            %dma_wait3A_205 = tpu.memref_slice %arg2[%dma_wait3A_204, %multiple_of3A] : memref<64x100000xf32, #tpu.memory_space<hbm>> -> memref<64x128xf32, #tpu.memory_space<hbm>>
            tpu.wait_dma2 semaphore(%run_scoped3A : memref<!tpu.dma_semaphore, #tpu.memory_space<semaphore_mem>>) src(%arg8 : memref<64x128xf32, #tpu.memory_space<vmem>>) dst(%dma_wait3A_205 : memref<64x128xf32, #tpu.memory_space<hbm>>)
            tpu.yield
          }) : () -> ()
        } else {
        }
        %slice3A_137 = vector.extract_strided_slice %get3A_12 {offsets = [12], sizes = [1], strides = [1]} : vector<16xi32> to vector<1xi32>
        %squeeze3A_138 = vector.extract %slice3A_137[0] : i32 from vector<1xi32>
        %slice3A_139 = vector.extract_strided_slice %select_n3A {offsets = [12], sizes = [1], strides = [1]} : vector<16xi32> to vector<1xi32>
        %squeeze3A_140 = vector.extract %slice3A_139[0] : i32 from vector<1xi32>
        %gt3A_141 = arith.constant 0 : i32
        %gt3A_142 = arith.cmpi sgt, %squeeze3A_140, %gt3A_141 : i32
        %convert_element_type3A_143 = arith.extui %gt3A_142 : i1 to i32
        %cond3A_144 = arith.constant 0 : i32
        %cond3A_145 = arith.cmpi ne, %convert_element_type3A_143, %cond3A_144 : i32
        scf.if %cond3A_145 {
          %shift_right_arithmetic3A_173 = arith.constant 7 : i32
          %shift_right_arithmetic3A_174 = arith.shrsi %squeeze3A_138, %shift_right_arithmetic3A_173 : i32
          %mul3A_175 = arith.constant 128 : i32
          %mul3A_176 = arith.muli %shift_right_arithmetic3A_174, %mul3A_175 : i32
          %multiple_of3A = tpu.assume_multiple %mul3A_176, 128 : i32
          "tpu.region"() ({
            %run_scoped3A = tpu.sem_alloc : memref<!tpu.dma_semaphore, #tpu.memory_space<semaphore_mem>>
            %dma_start3A = arith.constant 0 : i32
            %dma_start3A_200 = tpu.memref_slice %arg2[%dma_start3A, %multiple_of3A] : memref<64x100000xf32, #tpu.memory_space<hbm>> -> memref<64x128xf32, #tpu.memory_space<hbm>>
            %dma_start3A_201 = arith.constant 0 : i32
            %dma_start3A_202 = tpu.memref_slice %arg2[%dma_start3A_201, %multiple_of3A] : memref<64x100000xf32, #tpu.memory_space<hbm>> -> memref<64x128xf32, #tpu.memory_space<hbm>>
            tpu.enqueue_dma source(%dma_start3A_202 : memref<64x128xf32, #tpu.memory_space<hbm>>) target(%arg8 : memref<64x128xf32, #tpu.memory_space<vmem>>) target_semaphore(%run_scoped3A : memref<!tpu.dma_semaphore, #tpu.memory_space<semaphore_mem>>)
            %dma_wait3A = arith.constant 0 : i32
            %dma_wait3A_203 = tpu.memref_slice %arg2[%dma_wait3A, %multiple_of3A] : memref<64x100000xf32, #tpu.memory_space<hbm>> -> memref<64x128xf32, #tpu.memory_space<hbm>>
            %dma_wait3A_204 = arith.constant 0 : i32
            %dma_wait3A_205 = tpu.memref_slice %arg2[%dma_wait3A_204, %multiple_of3A] : memref<64x100000xf32, #tpu.memory_space<hbm>> -> memref<64x128xf32, #tpu.memory_space<hbm>>
            tpu.wait_dma2 semaphore(%run_scoped3A : memref<!tpu.dma_semaphore, #tpu.memory_space<semaphore_mem>>) src(%dma_wait3A_205 : memref<64x128xf32, #tpu.memory_space<hbm>>) dst(%arg8 : memref<64x128xf32, #tpu.memory_space<vmem>>)
            tpu.yield
          }) : () -> ()
          %and3A_177 = arith.constant 127 : i32
          %and3A_178 = arith.andi %squeeze3A_138, %and3A_177 : i32
          %broadcast_in_dim3A_179 = vector.broadcast %and3A_178 : i32 to vector<16xi32>
          %mul3A_180 = arith.constant 16 : i32
          %mul3A_181 = arith.muli %add3A_9, %mul3A_180 : i32
          %add3A_182 = arith.constant 12 : i32
          %add3A_183 = arith.addi %mul3A_181, %add3A_182 : i32
          %broadcast_in_dim3A_184 = vector.broadcast %add3A_183 : i32 to vector<16xi32>
          %add3A_185 = arith.constant 0 : i32
          %add3A_186 = vector.broadcast %add3A_185 : i32 to vector<16xi32>
          %add3A_187 = arith.addi %iota3A, %add3A_186 : vector<16xi32>
          %gather3A = tpu.vector_load_idx %arg7[%add3A_187, %broadcast_in_dim3A_184] : memref<64x128xf32, #tpu.memory_space<vmem>>[vector<16xi32>, vector<16xi32>], vector<16xf32>,
          tpu.vector_store_idx %arg8[%add3A_187, %broadcast_in_dim3A_179], %gather3A : memref<64x128xf32, #tpu.memory_space<vmem>>[vector<16xi32>, vector<16xi32>], vector<16xf32>,
          %add3A_188 = arith.constant 16 : i32
          %add3A_189 = vector.broadcast %add3A_188 : i32 to vector<16xi32>
          %add3A_190 = arith.addi %iota3A, %add3A_189 : vector<16xi32>
          %gather3A_191 = tpu.vector_load_idx %arg7[%add3A_190, %broadcast_in_dim3A_184] : memref<64x128xf32, #tpu.memory_space<vmem>>[vector<16xi32>, vector<16xi32>], vector<16xf32>,
          tpu.vector_store_idx %arg8[%add3A_190, %broadcast_in_dim3A_179], %gather3A_191 : memref<64x128xf32, #tpu.memory_space<vmem>>[vector<16xi32>, vector<16xi32>], vector<16xf32>,
          %add3A_192 = arith.constant 32 : i32
          %add3A_193 = vector.broadcast %add3A_192 : i32 to vector<16xi32>
          %add3A_194 = arith.addi %iota3A, %add3A_193 : vector<16xi32>
          %gather3A_195 = tpu.vector_load_idx %arg7[%add3A_194, %broadcast_in_dim3A_184] : memref<64x128xf32, #tpu.memory_space<vmem>>[vector<16xi32>, vector<16xi32>], vector<16xf32>,
          tpu.vector_store_idx %arg8[%add3A_194, %broadcast_in_dim3A_179], %gather3A_195 : memref<64x128xf32, #tpu.memory_space<vmem>>[vector<16xi32>, vector<16xi32>], vector<16xf32>,
          %add3A_196 = arith.constant 48 : i32
          %add3A_197 = vector.broadcast %add3A_196 : i32 to vector<16xi32>
          %add3A_198 = arith.addi %iota3A, %add3A_197 : vector<16xi32>
          %gather3A_199 = tpu.vector_load_idx %arg7[%add3A_198, %broadcast_in_dim3A_184] : memref<64x128xf32, #tpu.memory_space<vmem>>[vector<16xi32>, vector<16xi32>], vector<16xf32>,
          tpu.vector_store_idx %arg8[%add3A_198, %broadcast_in_dim3A_179], %gather3A_199 : memref<64x128xf32, #tpu.memory_space<vmem>>[vector<16xi32>, vector<16xi32>], vector<16xf32>,
          "tpu.region"() ({
            %run_scoped3A = tpu.sem_alloc : memref<!tpu.dma_semaphore, #tpu.memory_space<semaphore_mem>>
            %dma_start3A = arith.constant 0 : i32
            %dma_start3A_200 = tpu.memref_slice %arg2[%dma_start3A, %multiple_of3A] : memref<64x100000xf32, #tpu.memory_space<hbm>> -> memref<64x128xf32, #tpu.memory_space<hbm>>
            %dma_start3A_201 = arith.constant 0 : i32
            %dma_start3A_202 = tpu.memref_slice %arg2[%dma_start3A_201, %multiple_of3A] : memref<64x100000xf32, #tpu.memory_space<hbm>> -> memref<64x128xf32, #tpu.memory_space<hbm>>
            tpu.enqueue_dma source(%arg8 : memref<64x128xf32, #tpu.memory_space<vmem>>) target(%dma_start3A_202 : memref<64x128xf32, #tpu.memory_space<hbm>>) target_semaphore(%run_scoped3A : memref<!tpu.dma_semaphore, #tpu.memory_space<semaphore_mem>>)
            %dma_wait3A = arith.constant 0 : i32
            %dma_wait3A_203 = tpu.memref_slice %arg2[%dma_wait3A, %multiple_of3A] : memref<64x100000xf32, #tpu.memory_space<hbm>> -> memref<64x128xf32, #tpu.memory_space<hbm>>
            %dma_wait3A_204 = arith.constant 0 : i32
            %dma_wait3A_205 = tpu.memref_slice %arg2[%dma_wait3A_204, %multiple_of3A] : memref<64x100000xf32, #tpu.memory_space<hbm>> -> memref<64x128xf32, #tpu.memory_space<hbm>>
            tpu.wait_dma2 semaphore(%run_scoped3A : memref<!tpu.dma_semaphore, #tpu.memory_space<semaphore_mem>>) src(%arg8 : memref<64x128xf32, #tpu.memory_space<vmem>>) dst(%dma_wait3A_205 : memref<64x128xf32, #tpu.memory_space<hbm>>)
            tpu.yield
          }) : () -> ()
        } else {
        }
        %slice3A_146 = vector.extract_strided_slice %get3A_12 {offsets = [13], sizes = [1], strides = [1]} : vector<16xi32> to vector<1xi32>
        %squeeze3A_147 = vector.extract %slice3A_146[0] : i32 from vector<1xi32>
        %slice3A_148 = vector.extract_strided_slice %select_n3A {offsets = [13], sizes = [1], strides = [1]} : vector<16xi32> to vector<1xi32>
        %squeeze3A_149 = vector.extract %slice3A_148[0] : i32 from vector<1xi32>
        %gt3A_150 = arith.constant 0 : i32
        %gt3A_151 = arith.cmpi sgt, %squeeze3A_149, %gt3A_150 : i32
        %convert_element_type3A_152 = arith.extui %gt3A_151 : i1 to i32
        %cond3A_153 = arith.constant 0 : i32
        %cond3A_154 = arith.cmpi ne, %convert_element_type3A_152, %cond3A_153 : i32
        scf.if %cond3A_154 {
          %shift_right_arithmetic3A_173 = arith.constant 7 : i32
          %shift_right_arithmetic3A_174 = arith.shrsi %squeeze3A_147, %shift_right_arithmetic3A_173 : i32
          %mul3A_175 = arith.constant 128 : i32
          %mul3A_176 = arith.muli %shift_right_arithmetic3A_174, %mul3A_175 : i32
          %multiple_of3A = tpu.assume_multiple %mul3A_176, 128 : i32
          "tpu.region"() ({
            %run_scoped3A = tpu.sem_alloc : memref<!tpu.dma_semaphore, #tpu.memory_space<semaphore_mem>>
            %dma_start3A = arith.constant 0 : i32
            %dma_start3A_200 = tpu.memref_slice %arg2[%dma_start3A, %multiple_of3A] : memref<64x100000xf32, #tpu.memory_space<hbm>> -> memref<64x128xf32, #tpu.memory_space<hbm>>
            %dma_start3A_201 = arith.constant 0 : i32
            %dma_start3A_202 = tpu.memref_slice %arg2[%dma_start3A_201, %multiple_of3A] : memref<64x100000xf32, #tpu.memory_space<hbm>> -> memref<64x128xf32, #tpu.memory_space<hbm>>
            tpu.enqueue_dma source(%dma_start3A_202 : memref<64x128xf32, #tpu.memory_space<hbm>>) target(%arg8 : memref<64x128xf32, #tpu.memory_space<vmem>>) target_semaphore(%run_scoped3A : memref<!tpu.dma_semaphore, #tpu.memory_space<semaphore_mem>>)
            %dma_wait3A = arith.constant 0 : i32
            %dma_wait3A_203 = tpu.memref_slice %arg2[%dma_wait3A, %multiple_of3A] : memref<64x100000xf32, #tpu.memory_space<hbm>> -> memref<64x128xf32, #tpu.memory_space<hbm>>
            %dma_wait3A_204 = arith.constant 0 : i32
            %dma_wait3A_205 = tpu.memref_slice %arg2[%dma_wait3A_204, %multiple_of3A] : memref<64x100000xf32, #tpu.memory_space<hbm>> -> memref<64x128xf32, #tpu.memory_space<hbm>>
            tpu.wait_dma2 semaphore(%run_scoped3A : memref<!tpu.dma_semaphore, #tpu.memory_space<semaphore_mem>>) src(%dma_wait3A_205 : memref<64x128xf32, #tpu.memory_space<hbm>>) dst(%arg8 : memref<64x128xf32, #tpu.memory_space<vmem>>)
            tpu.yield
          }) : () -> ()
          %and3A_177 = arith.constant 127 : i32
          %and3A_178 = arith.andi %squeeze3A_147, %and3A_177 : i32
          %broadcast_in_dim3A_179 = vector.broadcast %and3A_178 : i32 to vector<16xi32>
          %mul3A_180 = arith.constant 16 : i32
          %mul3A_181 = arith.muli %add3A_9, %mul3A_180 : i32
          %add3A_182 = arith.constant 13 : i32
          %add3A_183 = arith.addi %mul3A_181, %add3A_182 : i32
          %broadcast_in_dim3A_184 = vector.broadcast %add3A_183 : i32 to vector<16xi32>
          %add3A_185 = arith.constant 0 : i32
          %add3A_186 = vector.broadcast %add3A_185 : i32 to vector<16xi32>
          %add3A_187 = arith.addi %iota3A, %add3A_186 : vector<16xi32>
          %gather3A = tpu.vector_load_idx %arg7[%add3A_187, %broadcast_in_dim3A_184] : memref<64x128xf32, #tpu.memory_space<vmem>>[vector<16xi32>, vector<16xi32>], vector<16xf32>,
          tpu.vector_store_idx %arg8[%add3A_187, %broadcast_in_dim3A_179], %gather3A : memref<64x128xf32, #tpu.memory_space<vmem>>[vector<16xi32>, vector<16xi32>], vector<16xf32>,
          %add3A_188 = arith.constant 16 : i32
          %add3A_189 = vector.broadcast %add3A_188 : i32 to vector<16xi32>
          %add3A_190 = arith.addi %iota3A, %add3A_189 : vector<16xi32>
          %gather3A_191 = tpu.vector_load_idx %arg7[%add3A_190, %broadcast_in_dim3A_184] : memref<64x128xf32, #tpu.memory_space<vmem>>[vector<16xi32>, vector<16xi32>], vector<16xf32>,
          tpu.vector_store_idx %arg8[%add3A_190, %broadcast_in_dim3A_179], %gather3A_191 : memref<64x128xf32, #tpu.memory_space<vmem>>[vector<16xi32>, vector<16xi32>], vector<16xf32>,
          %add3A_192 = arith.constant 32 : i32
          %add3A_193 = vector.broadcast %add3A_192 : i32 to vector<16xi32>
          %add3A_194 = arith.addi %iota3A, %add3A_193 : vector<16xi32>
          %gather3A_195 = tpu.vector_load_idx %arg7[%add3A_194, %broadcast_in_dim3A_184] : memref<64x128xf32, #tpu.memory_space<vmem>>[vector<16xi32>, vector<16xi32>], vector<16xf32>,
          tpu.vector_store_idx %arg8[%add3A_194, %broadcast_in_dim3A_179], %gather3A_195 : memref<64x128xf32, #tpu.memory_space<vmem>>[vector<16xi32>, vector<16xi32>], vector<16xf32>,
          %add3A_196 = arith.constant 48 : i32
          %add3A_197 = vector.broadcast %add3A_196 : i32 to vector<16xi32>
          %add3A_198 = arith.addi %iota3A, %add3A_197 : vector<16xi32>
          %gather3A_199 = tpu.vector_load_idx %arg7[%add3A_198, %broadcast_in_dim3A_184] : memref<64x128xf32, #tpu.memory_space<vmem>>[vector<16xi32>, vector<16xi32>], vector<16xf32>,
          tpu.vector_store_idx %arg8[%add3A_198, %broadcast_in_dim3A_179], %gather3A_199 : memref<64x128xf32, #tpu.memory_space<vmem>>[vector<16xi32>, vector<16xi32>], vector<16xf32>,
          "tpu.region"() ({
            %run_scoped3A = tpu.sem_alloc : memref<!tpu.dma_semaphore, #tpu.memory_space<semaphore_mem>>
            %dma_start3A = arith.constant 0 : i32
            %dma_start3A_200 = tpu.memref_slice %arg2[%dma_start3A, %multiple_of3A] : memref<64x100000xf32, #tpu.memory_space<hbm>> -> memref<64x128xf32, #tpu.memory_space<hbm>>
            %dma_start3A_201 = arith.constant 0 : i32
            %dma_start3A_202 = tpu.memref_slice %arg2[%dma_start3A_201, %multiple_of3A] : memref<64x100000xf32, #tpu.memory_space<hbm>> -> memref<64x128xf32, #tpu.memory_space<hbm>>
            tpu.enqueue_dma source(%arg8 : memref<64x128xf32, #tpu.memory_space<vmem>>) target(%dma_start3A_202 : memref<64x128xf32, #tpu.memory_space<hbm>>) target_semaphore(%run_scoped3A : memref<!tpu.dma_semaphore, #tpu.memory_space<semaphore_mem>>)
            %dma_wait3A = arith.constant 0 : i32
            %dma_wait3A_203 = tpu.memref_slice %arg2[%dma_wait3A, %multiple_of3A] : memref<64x100000xf32, #tpu.memory_space<hbm>> -> memref<64x128xf32, #tpu.memory_space<hbm>>
            %dma_wait3A_204 = arith.constant 0 : i32
            %dma_wait3A_205 = tpu.memref_slice %arg2[%dma_wait3A_204, %multiple_of3A] : memref<64x100000xf32, #tpu.memory_space<hbm>> -> memref<64x128xf32, #tpu.memory_space<hbm>>
            tpu.wait_dma2 semaphore(%run_scoped3A : memref<!tpu.dma_semaphore, #tpu.memory_space<semaphore_mem>>) src(%arg8 : memref<64x128xf32, #tpu.memory_space<vmem>>) dst(%dma_wait3A_205 : memref<64x128xf32, #tpu.memory_space<hbm>>)
            tpu.yield
          }) : () -> ()
        } else {
        }
        %slice3A_155 = vector.extract_strided_slice %get3A_12 {offsets = [14], sizes = [1], strides = [1]} : vector<16xi32> to vector<1xi32>
        %squeeze3A_156 = vector.extract %slice3A_155[0] : i32 from vector<1xi32>
        %slice3A_157 = vector.extract_strided_slice %select_n3A {offsets = [14], sizes = [1], strides = [1]} : vector<16xi32> to vector<1xi32>
        %squeeze3A_158 = vector.extract %slice3A_157[0] : i32 from vector<1xi32>
        %gt3A_159 = arith.constant 0 : i32
        %gt3A_160 = arith.cmpi sgt, %squeeze3A_158, %gt3A_159 : i32
        %convert_element_type3A_161 = arith.extui %gt3A_160 : i1 to i32
        %cond3A_162 = arith.constant 0 : i32
        %cond3A_163 = arith.cmpi ne, %convert_element_type3A_161, %cond3A_162 : i32
        scf.if %cond3A_163 {
          %shift_right_arithmetic3A_173 = arith.constant 7 : i32
          %shift_right_arithmetic3A_174 = arith.shrsi %squeeze3A_156, %shift_right_arithmetic3A_173 : i32
          %mul3A_175 = arith.constant 128 : i32
          %mul3A_176 = arith.muli %shift_right_arithmetic3A_174, %mul3A_175 : i32
          %multiple_of3A = tpu.assume_multiple %mul3A_176, 128 : i32
          "tpu.region"() ({
            %run_scoped3A = tpu.sem_alloc : memref<!tpu.dma_semaphore, #tpu.memory_space<semaphore_mem>>
            %dma_start3A = arith.constant 0 : i32
            %dma_start3A_200 = tpu.memref_slice %arg2[%dma_start3A, %multiple_of3A] : memref<64x100000xf32, #tpu.memory_space<hbm>> -> memref<64x128xf32, #tpu.memory_space<hbm>>
            %dma_start3A_201 = arith.constant 0 : i32
            %dma_start3A_202 = tpu.memref_slice %arg2[%dma_start3A_201, %multiple_of3A] : memref<64x100000xf32, #tpu.memory_space<hbm>> -> memref<64x128xf32, #tpu.memory_space<hbm>>
            tpu.enqueue_dma source(%dma_start3A_202 : memref<64x128xf32, #tpu.memory_space<hbm>>) target(%arg8 : memref<64x128xf32, #tpu.memory_space<vmem>>) target_semaphore(%run_scoped3A : memref<!tpu.dma_semaphore, #tpu.memory_space<semaphore_mem>>)
            %dma_wait3A = arith.constant 0 : i32
            %dma_wait3A_203 = tpu.memref_slice %arg2[%dma_wait3A, %multiple_of3A] : memref<64x100000xf32, #tpu.memory_space<hbm>> -> memref<64x128xf32, #tpu.memory_space<hbm>>
            %dma_wait3A_204 = arith.constant 0 : i32
            %dma_wait3A_205 = tpu.memref_slice %arg2[%dma_wait3A_204, %multiple_of3A] : memref<64x100000xf32, #tpu.memory_space<hbm>> -> memref<64x128xf32, #tpu.memory_space<hbm>>
            tpu.wait_dma2 semaphore(%run_scoped3A : memref<!tpu.dma_semaphore, #tpu.memory_space<semaphore_mem>>) src(%dma_wait3A_205 : memref<64x128xf32, #tpu.memory_space<hbm>>) dst(%arg8 : memref<64x128xf32, #tpu.memory_space<vmem>>)
            tpu.yield
          }) : () -> ()
          %and3A_177 = arith.constant 127 : i32
          %and3A_178 = arith.andi %squeeze3A_156, %and3A_177 : i32
          %broadcast_in_dim3A_179 = vector.broadcast %and3A_178 : i32 to vector<16xi32>
          %mul3A_180 = arith.constant 16 : i32
          %mul3A_181 = arith.muli %add3A_9, %mul3A_180 : i32
          %add3A_182 = arith.constant 14 : i32
          %add3A_183 = arith.addi %mul3A_181, %add3A_182 : i32
          %broadcast_in_dim3A_184 = vector.broadcast %add3A_183 : i32 to vector<16xi32>
          %add3A_185 = arith.constant 0 : i32
          %add3A_186 = vector.broadcast %add3A_185 : i32 to vector<16xi32>
          %add3A_187 = arith.addi %iota3A, %add3A_186 : vector<16xi32>
          %gather3A = tpu.vector_load_idx %arg7[%add3A_187, %broadcast_in_dim3A_184] : memref<64x128xf32, #tpu.memory_space<vmem>>[vector<16xi32>, vector<16xi32>], vector<16xf32>,
          tpu.vector_store_idx %arg8[%add3A_187, %broadcast_in_dim3A_179], %gather3A : memref<64x128xf32, #tpu.memory_space<vmem>>[vector<16xi32>, vector<16xi32>], vector<16xf32>,
          %add3A_188 = arith.constant 16 : i32
          %add3A_189 = vector.broadcast %add3A_188 : i32 to vector<16xi32>
          %add3A_190 = arith.addi %iota3A, %add3A_189 : vector<16xi32>
          %gather3A_191 = tpu.vector_load_idx %arg7[%add3A_190, %broadcast_in_dim3A_184] : memref<64x128xf32, #tpu.memory_space<vmem>>[vector<16xi32>, vector<16xi32>], vector<16xf32>,
          tpu.vector_store_idx %arg8[%add3A_190, %broadcast_in_dim3A_179], %gather3A_191 : memref<64x128xf32, #tpu.memory_space<vmem>>[vector<16xi32>, vector<16xi32>], vector<16xf32>,
          %add3A_192 = arith.constant 32 : i32
          %add3A_193 = vector.broadcast %add3A_192 : i32 to vector<16xi32>
          %add3A_194 = arith.addi %iota3A, %add3A_193 : vector<16xi32>
          %gather3A_195 = tpu.vector_load_idx %arg7[%add3A_194, %broadcast_in_dim3A_184] : memref<64x128xf32, #tpu.memory_space<vmem>>[vector<16xi32>, vector<16xi32>], vector<16xf32>,
          tpu.vector_store_idx %arg8[%add3A_194, %broadcast_in_dim3A_179], %gather3A_195 : memref<64x128xf32, #tpu.memory_space<vmem>>[vector<16xi32>, vector<16xi32>], vector<16xf32>,
          %add3A_196 = arith.constant 48 : i32
          %add3A_197 = vector.broadcast %add3A_196 : i32 to vector<16xi32>
          %add3A_198 = arith.addi %iota3A, %add3A_197 : vector<16xi32>
          %gather3A_199 = tpu.vector_load_idx %arg7[%add3A_198, %broadcast_in_dim3A_184] : memref<64x128xf32, #tpu.memory_space<vmem>>[vector<16xi32>, vector<16xi32>], vector<16xf32>,
          tpu.vector_store_idx %arg8[%add3A_198, %broadcast_in_dim3A_179], %gather3A_199 : memref<64x128xf32, #tpu.memory_space<vmem>>[vector<16xi32>, vector<16xi32>], vector<16xf32>,
          "tpu.region"() ({
            %run_scoped3A = tpu.sem_alloc : memref<!tpu.dma_semaphore, #tpu.memory_space<semaphore_mem>>
            %dma_start3A = arith.constant 0 : i32
            %dma_start3A_200 = tpu.memref_slice %arg2[%dma_start3A, %multiple_of3A] : memref<64x100000xf32, #tpu.memory_space<hbm>> -> memref<64x128xf32, #tpu.memory_space<hbm>>
            %dma_start3A_201 = arith.constant 0 : i32
            %dma_start3A_202 = tpu.memref_slice %arg2[%dma_start3A_201, %multiple_of3A] : memref<64x100000xf32, #tpu.memory_space<hbm>> -> memref<64x128xf32, #tpu.memory_space<hbm>>
            tpu.enqueue_dma source(%arg8 : memref<64x128xf32, #tpu.memory_space<vmem>>) target(%dma_start3A_202 : memref<64x128xf32, #tpu.memory_space<hbm>>) target_semaphore(%run_scoped3A : memref<!tpu.dma_semaphore, #tpu.memory_space<semaphore_mem>>)
            %dma_wait3A = arith.constant 0 : i32
            %dma_wait3A_203 = tpu.memref_slice %arg2[%dma_wait3A, %multiple_of3A] : memref<64x100000xf32, #tpu.memory_space<hbm>> -> memref<64x128xf32, #tpu.memory_space<hbm>>
            %dma_wait3A_204 = arith.constant 0 : i32
            %dma_wait3A_205 = tpu.memref_slice %arg2[%dma_wait3A_204, %multiple_of3A] : memref<64x100000xf32, #tpu.memory_space<hbm>> -> memref<64x128xf32, #tpu.memory_space<hbm>>
            tpu.wait_dma2 semaphore(%run_scoped3A : memref<!tpu.dma_semaphore, #tpu.memory_space<semaphore_mem>>) src(%arg8 : memref<64x128xf32, #tpu.memory_space<vmem>>) dst(%dma_wait3A_205 : memref<64x128xf32, #tpu.memory_space<hbm>>)
            tpu.yield
          }) : () -> ()
        } else {
        }
        %slice3A_164 = vector.extract_strided_slice %get3A_12 {offsets = [15], sizes = [1], strides = [1]} : vector<16xi32> to vector<1xi32>
        %squeeze3A_165 = vector.extract %slice3A_164[0] : i32 from vector<1xi32>
        %slice3A_166 = vector.extract_strided_slice %select_n3A {offsets = [15], sizes = [1], strides = [1]} : vector<16xi32> to vector<1xi32>
        %squeeze3A_167 = vector.extract %slice3A_166[0] : i32 from vector<1xi32>
        %gt3A_168 = arith.constant 0 : i32
        %gt3A_169 = arith.cmpi sgt, %squeeze3A_167, %gt3A_168 : i32
        %convert_element_type3A_170 = arith.extui %gt3A_169 : i1 to i32
        %cond3A_171 = arith.constant 0 : i32
        %cond3A_172 = arith.cmpi ne, %convert_element_type3A_170, %cond3A_171 : i32
        scf.if %cond3A_172 {
          %shift_right_arithmetic3A_173 = arith.constant 7 : i32
          %shift_right_arithmetic3A_174 = arith.shrsi %squeeze3A_165, %shift_right_arithmetic3A_173 : i32
          %mul3A_175 = arith.constant 128 : i32
          %mul3A_176 = arith.muli %shift_right_arithmetic3A_174, %mul3A_175 : i32
          %multiple_of3A = tpu.assume_multiple %mul3A_176, 128 : i32
          "tpu.region"() ({
            %run_scoped3A = tpu.sem_alloc : memref<!tpu.dma_semaphore, #tpu.memory_space<semaphore_mem>>
            %dma_start3A = arith.constant 0 : i32
            %dma_start3A_200 = tpu.memref_slice %arg2[%dma_start3A, %multiple_of3A] : memref<64x100000xf32, #tpu.memory_space<hbm>> -> memref<64x128xf32, #tpu.memory_space<hbm>>
            %dma_start3A_201 = arith.constant 0 : i32
            %dma_start3A_202 = tpu.memref_slice %arg2[%dma_start3A_201, %multiple_of3A] : memref<64x100000xf32, #tpu.memory_space<hbm>> -> memref<64x128xf32, #tpu.memory_space<hbm>>
            tpu.enqueue_dma source(%dma_start3A_202 : memref<64x128xf32, #tpu.memory_space<hbm>>) target(%arg8 : memref<64x128xf32, #tpu.memory_space<vmem>>) target_semaphore(%run_scoped3A : memref<!tpu.dma_semaphore, #tpu.memory_space<semaphore_mem>>)
            %dma_wait3A = arith.constant 0 : i32
            %dma_wait3A_203 = tpu.memref_slice %arg2[%dma_wait3A, %multiple_of3A] : memref<64x100000xf32, #tpu.memory_space<hbm>> -> memref<64x128xf32, #tpu.memory_space<hbm>>
            %dma_wait3A_204 = arith.constant 0 : i32
            %dma_wait3A_205 = tpu.memref_slice %arg2[%dma_wait3A_204, %multiple_of3A] : memref<64x100000xf32, #tpu.memory_space<hbm>> -> memref<64x128xf32, #tpu.memory_space<hbm>>
            tpu.wait_dma2 semaphore(%run_scoped3A : memref<!tpu.dma_semaphore, #tpu.memory_space<semaphore_mem>>) src(%dma_wait3A_205 : memref<64x128xf32, #tpu.memory_space<hbm>>) dst(%arg8 : memref<64x128xf32, #tpu.memory_space<vmem>>)
            tpu.yield
          }) : () -> ()
          %and3A_177 = arith.constant 127 : i32
          %and3A_178 = arith.andi %squeeze3A_165, %and3A_177 : i32
          %broadcast_in_dim3A_179 = vector.broadcast %and3A_178 : i32 to vector<16xi32>
          %mul3A_180 = arith.constant 16 : i32
          %mul3A_181 = arith.muli %add3A_9, %mul3A_180 : i32
          %add3A_182 = arith.constant 15 : i32
          %add3A_183 = arith.addi %mul3A_181, %add3A_182 : i32
          %broadcast_in_dim3A_184 = vector.broadcast %add3A_183 : i32 to vector<16xi32>
          %add3A_185 = arith.constant 0 : i32
          %add3A_186 = vector.broadcast %add3A_185 : i32 to vector<16xi32>
          %add3A_187 = arith.addi %iota3A, %add3A_186 : vector<16xi32>
          %gather3A = tpu.vector_load_idx %arg7[%add3A_187, %broadcast_in_dim3A_184] : memref<64x128xf32, #tpu.memory_space<vmem>>[vector<16xi32>, vector<16xi32>], vector<16xf32>,
          tpu.vector_store_idx %arg8[%add3A_187, %broadcast_in_dim3A_179], %gather3A : memref<64x128xf32, #tpu.memory_space<vmem>>[vector<16xi32>, vector<16xi32>], vector<16xf32>,
          %add3A_188 = arith.constant 16 : i32
          %add3A_189 = vector.broadcast %add3A_188 : i32 to vector<16xi32>
          %add3A_190 = arith.addi %iota3A, %add3A_189 : vector<16xi32>
          %gather3A_191 = tpu.vector_load_idx %arg7[%add3A_190, %broadcast_in_dim3A_184] : memref<64x128xf32, #tpu.memory_space<vmem>>[vector<16xi32>, vector<16xi32>], vector<16xf32>,
          tpu.vector_store_idx %arg8[%add3A_190, %broadcast_in_dim3A_179], %gather3A_191 : memref<64x128xf32, #tpu.memory_space<vmem>>[vector<16xi32>, vector<16xi32>], vector<16xf32>,
          %add3A_192 = arith.constant 32 : i32
          %add3A_193 = vector.broadcast %add3A_192 : i32 to vector<16xi32>
          %add3A_194 = arith.addi %iota3A, %add3A_193 : vector<16xi32>
          %gather3A_195 = tpu.vector_load_idx %arg7[%add3A_194, %broadcast_in_dim3A_184] : memref<64x128xf32, #tpu.memory_space<vmem>>[vector<16xi32>, vector<16xi32>], vector<16xf32>,
          tpu.vector_store_idx %arg8[%add3A_194, %broadcast_in_dim3A_179], %gather3A_195 : memref<64x128xf32, #tpu.memory_space<vmem>>[vector<16xi32>, vector<16xi32>], vector<16xf32>,
          %add3A_196 = arith.constant 48 : i32
          %add3A_197 = vector.broadcast %add3A_196 : i32 to vector<16xi32>
          %add3A_198 = arith.addi %iota3A, %add3A_197 : vector<16xi32>
          %gather3A_199 = tpu.vector_load_idx %arg7[%add3A_198, %broadcast_in_dim3A_184] : memref<64x128xf32, #tpu.memory_space<vmem>>[vector<16xi32>, vector<16xi32>], vector<16xf32>,
          tpu.vector_store_idx %arg8[%add3A_198, %broadcast_in_dim3A_179], %gather3A_199 : memref<64x128xf32, #tpu.memory_space<vmem>>[vector<16xi32>, vector<16xi32>], vector<16xf32>,
          "tpu.region"() ({
            %run_scoped3A = tpu.sem_alloc : memref<!tpu.dma_semaphore, #tpu.memory_space<semaphore_mem>>
            %dma_start3A = arith.constant 0 : i32
            %dma_start3A_200 = tpu.memref_slice %arg2[%dma_start3A, %multiple_of3A] : memref<64x100000xf32, #tpu.memory_space<hbm>> -> memref<64x128xf32, #tpu.memory_space<hbm>>
            %dma_start3A_201 = arith.constant 0 : i32
            %dma_start3A_202 = tpu.memref_slice %arg2[%dma_start3A_201, %multiple_of3A] : memref<64x100000xf32, #tpu.memory_space<hbm>> -> memref<64x128xf32, #tpu.memory_space<hbm>>
            tpu.enqueue_dma source(%arg8 : memref<64x128xf32, #tpu.memory_space<vmem>>) target(%dma_start3A_202 : memref<64x128xf32, #tpu.memory_space<hbm>>) target_semaphore(%run_scoped3A : memref<!tpu.dma_semaphore, #tpu.memory_space<semaphore_mem>>)
            %dma_wait3A = arith.constant 0 : i32
            %dma_wait3A_203 = tpu.memref_slice %arg2[%dma_wait3A, %multiple_of3A] : memref<64x100000xf32, #tpu.memory_space<hbm>> -> memref<64x128xf32, #tpu.memory_space<hbm>>
            %dma_wait3A_204 = arith.constant 0 : i32
            %dma_wait3A_205 = tpu.memref_slice %arg2[%dma_wait3A_204, %multiple_of3A] : memref<64x100000xf32, #tpu.memory_space<hbm>> -> memref<64x128xf32, #tpu.memory_space<hbm>>
            tpu.wait_dma2 semaphore(%run_scoped3A : memref<!tpu.dma_semaphore, #tpu.memory_space<semaphore_mem>>) src(%arg8 : memref<64x128xf32, #tpu.memory_space<vmem>>) dst(%dma_wait3A_205 : memref<64x128xf32, #tpu.memory_space<hbm>>)
            tpu.yield
          }) : () -> ()
        } else {
        }
      } else {
      }
    }
    %scan3A_4 = arith.constant 8 : i32
    return
  }
}

#map = affine_map<(d0, d1) -> (0, 0)>
#map1 = affine_map<(d0, d1) -> (0)>
#map2 = affine_map<(d0, d1) -> (0, 0, 0)>
module attributes {stable_mosaic.version = 14 : i64} {
  func.func @_sc_gather(%arg0: i32, %arg1: i32, %arg2: memref<64x100000xf32, #tpu.memory_space<hbm>>, %arg3: memref<64x100000xf32, #tpu.memory_space<hbm>>, %arg4: memref<128xi32, #tpu.memory_space<hbm>>, %arg5: memref<16x64x8xf32, #tpu.memory_space<hbm>>, %arg6: memref<16x64x8xf32, #tpu.memory_space<hbm>>, %arg7: memref<16xi32, #tpu.memory_space<vmem>>, %arg8: memref<4x64x128xf32, #tpu.memory_space<vmem>>, %arg9: memref<4x64x128xf32, #tpu.memory_space<vmem>>, %arg10: memref<64x32xf32, #tpu.memory_space<vmem>>, %arg11: memref<64x32xf32, #tpu.memory_space<vmem>>, %arg12: memref<64x8xf32, #tpu.memory_space<vmem>>, %arg13: memref<64x8xf32, #tpu.memory_space<vmem>>, %arg14: memref<4x!tpu.dma_semaphore, #tpu.memory_space<semaphore_mem>>, %arg15: memref<4x!tpu.dma_semaphore, #tpu.memory_space<semaphore_mem>>) attributes {dimension_semantics = [#tpu.dimension_semantics<core_parallel>, #tpu.dimension_semantics<subcore_parallel>], iteration_bounds = array<i64: 2, 16>, scalar_prefetch = 0 : i64, scratch_operands = 9 : i64, tpu.core_type = #tpu.core_type<sc_vector_subcore>, window_params = [{transform_indices = #map}, {transform_indices = #map}, {transform_indices = #map1}, {transform_indices = #map2}, {transform_indices = #map2}]} {
    %mul3A = arith.constant 2 : i32
    %mul3A_0 = arith.muli %arg1, %mul3A : i32
    %add3A = arith.addi %mul3A_0, %arg0 : i32
    %lt3A = arith.constant 16 : i32
    %lt3A_1 = arith.cmpi slt, %add3A, %lt3A : i32
    %convert_element_type3A = arith.extui %lt3A_1 : i1 to i32
    %cond3A = arith.constant 0 : i32
    %cond3A_2 = arith.cmpi ne, %convert_element_type3A, %cond3A : i32
    scf.if %cond3A_2 {
      %mul3A_3 = arith.constant 8 : i32
      %mul3A_4 = arith.muli %add3A, %mul3A_3 : i32
      "tpu.region"() ({
        %run_scoped3A = tpu.sem_alloc : memref<!tpu.dma_semaphore, #tpu.memory_space<semaphore_mem>>
        %dma_start3A_1379 = arith.constant 0 : i32
        %dma_start3A_1380 = tpu.memref_slice %arg7[%dma_start3A_1379] : memref<16xi32, #tpu.memory_space<vmem>> -> memref<8xi32, #tpu.memory_space<vmem>>
        %dma_start3A_1381 = tpu.memref_slice %arg4[%mul3A_4] : memref<128xi32, #tpu.memory_space<hbm>> -> memref<8xi32, #tpu.memory_space<hbm>>
        %dma_start3A_1382 = arith.constant 0 : i32
        %dma_start3A_1383 = tpu.memref_slice %arg7[%dma_start3A_1382] : memref<16xi32, #tpu.memory_space<vmem>> -> memref<8xi32, #tpu.memory_space<vmem>>
        %dma_start3A_1384 = tpu.memref_slice %arg4[%mul3A_4] : memref<128xi32, #tpu.memory_space<hbm>> -> memref<8xi32, #tpu.memory_space<hbm>>
        tpu.enqueue_dma source(%dma_start3A_1384 : memref<8xi32, #tpu.memory_space<hbm>>) target(%dma_start3A_1383 : memref<8xi32, #tpu.memory_space<vmem>>) target_semaphore(%run_scoped3A : memref<!tpu.dma_semaphore, #tpu.memory_space<semaphore_mem>>)
        %dma_wait3A_1385 = arith.constant 0 : i32
        %dma_wait3A_1386 = tpu.memref_slice %arg7[%dma_wait3A_1385] : memref<16xi32, #tpu.memory_space<vmem>> -> memref<8xi32, #tpu.memory_space<vmem>>
        %dma_wait3A_1387 = tpu.memref_slice %arg4[%mul3A_4] : memref<128xi32, #tpu.memory_space<hbm>> -> memref<8xi32, #tpu.memory_space<hbm>>
        %dma_wait3A_1388 = arith.constant 0 : i32
        %dma_wait3A_1389 = tpu.memref_slice %arg7[%dma_wait3A_1388] : memref<16xi32, #tpu.memory_space<vmem>> -> memref<8xi32, #tpu.memory_space<vmem>>
        %dma_wait3A_1390 = tpu.memref_slice %arg4[%mul3A_4] : memref<128xi32, #tpu.memory_space<hbm>> -> memref<8xi32, #tpu.memory_space<hbm>>
        tpu.wait_dma2 semaphore(%run_scoped3A : memref<!tpu.dma_semaphore, #tpu.memory_space<semaphore_mem>>) src(%dma_wait3A_1390 : memref<8xi32, #tpu.memory_space<hbm>>) dst(%dma_wait3A_1389 : memref<8xi32, #tpu.memory_space<vmem>>)
        tpu.yield
      }) : () -> ()
      %get3A = arith.constant 0 : index
      %get3A_5 = tpu.vector_load %arg7[%get3A] {strides = array<i32>} : memref<16xi32, #tpu.memory_space<vmem>>, vector<16xi32>,
      %iota3A = tpu.iota {dimensions = array<i32: 0>} : vector<16xi32>
      %slice3A = vector.extract_strided_slice %get3A_5 {offsets = [0], sizes = [1], strides = [1]} : vector<16xi32> to vector<1xi32>
      %squeeze3A = vector.extract %slice3A[0] : i32 from vector<1xi32>
      %shift_right_arithmetic3A = arith.constant 7 : i32
      %shift_right_arithmetic3A_6 = arith.shrsi %squeeze3A, %shift_right_arithmetic3A : i32
      %ge3A = arith.constant 781 : i32
      %ge3A_7 = arith.cmpi sge, %shift_right_arithmetic3A_6, %ge3A : i32
      %slice3A_8 = vector.extract_strided_slice %get3A_5 {offsets = [1], sizes = [1], strides = [1]} : vector<16xi32> to vector<1xi32>
      %squeeze3A_9 = vector.extract %slice3A_8[0] : i32 from vector<1xi32>
      %shift_right_arithmetic3A_10 = arith.constant 7 : i32
      %shift_right_arithmetic3A_11 = arith.shrsi %squeeze3A_9, %shift_right_arithmetic3A_10 : i32
      %ge3A_12 = arith.constant 781 : i32
      %ge3A_13 = arith.cmpi sge, %shift_right_arithmetic3A_11, %ge3A_12 : i32
      %or3A = arith.ori %ge3A_7, %ge3A_13 : i1
      %slice3A_14 = vector.extract_strided_slice %get3A_5 {offsets = [2], sizes = [1], strides = [1]} : vector<16xi32> to vector<1xi32>
      %squeeze3A_15 = vector.extract %slice3A_14[0] : i32 from vector<1xi32>
      %shift_right_arithmetic3A_16 = arith.constant 7 : i32
      %shift_right_arithmetic3A_17 = arith.shrsi %squeeze3A_15, %shift_right_arithmetic3A_16 : i32
      %ge3A_18 = arith.constant 781 : i32
      %ge3A_19 = arith.cmpi sge, %shift_right_arithmetic3A_17, %ge3A_18 : i32
      %or3A_20 = arith.ori %or3A, %ge3A_19 : i1
      %slice3A_21 = vector.extract_strided_slice %get3A_5 {offsets = [3], sizes = [1], strides = [1]} : vector<16xi32> to vector<1xi32>
      %squeeze3A_22 = vector.extract %slice3A_21[0] : i32 from vector<1xi32>
      %shift_right_arithmetic3A_23 = arith.constant 7 : i32
      %shift_right_arithmetic3A_24 = arith.shrsi %squeeze3A_22, %shift_right_arithmetic3A_23 : i32
      %ge3A_25 = arith.constant 781 : i32
      %ge3A_26 = arith.cmpi sge, %shift_right_arithmetic3A_24, %ge3A_25 : i32
      %or3A_27 = arith.ori %or3A_20, %ge3A_26 : i1
      %slice3A_28 = vector.extract_strided_slice %get3A_5 {offsets = [4], sizes = [1], strides = [1]} : vector<16xi32> to vector<1xi32>
      %squeeze3A_29 = vector.extract %slice3A_28[0] : i32 from vector<1xi32>
      %shift_right_arithmetic3A_30 = arith.constant 7 : i32
      %shift_right_arithmetic3A_31 = arith.shrsi %squeeze3A_29, %shift_right_arithmetic3A_30 : i32
      %ge3A_32 = arith.constant 781 : i32
      %ge3A_33 = arith.cmpi sge, %shift_right_arithmetic3A_31, %ge3A_32 : i32
      %or3A_34 = arith.ori %or3A_27, %ge3A_33 : i1
      %slice3A_35 = vector.extract_strided_slice %get3A_5 {offsets = [5], sizes = [1], strides = [1]} : vector<16xi32> to vector<1xi32>
      %squeeze3A_36 = vector.extract %slice3A_35[0] : i32 from vector<1xi32>
      %shift_right_arithmetic3A_37 = arith.constant 7 : i32
      %shift_right_arithmetic3A_38 = arith.shrsi %squeeze3A_36, %shift_right_arithmetic3A_37 : i32
      %ge3A_39 = arith.constant 781 : i32
      %ge3A_40 = arith.cmpi sge, %shift_right_arithmetic3A_38, %ge3A_39 : i32
      %or3A_41 = arith.ori %or3A_34, %ge3A_40 : i1
      %slice3A_42 = vector.extract_strided_slice %get3A_5 {offsets = [6], sizes = [1], strides = [1]} : vector<16xi32> to vector<1xi32>
      %squeeze3A_43 = vector.extract %slice3A_42[0] : i32 from vector<1xi32>
      %shift_right_arithmetic3A_44 = arith.constant 7 : i32
      %shift_right_arithmetic3A_45 = arith.shrsi %squeeze3A_43, %shift_right_arithmetic3A_44 : i32
      %ge3A_46 = arith.constant 781 : i32
      %ge3A_47 = arith.cmpi sge, %shift_right_arithmetic3A_45, %ge3A_46 : i32
      %or3A_48 = arith.ori %or3A_41, %ge3A_47 : i1
      %slice3A_49 = vector.extract_strided_slice %get3A_5 {offsets = [7], sizes = [1], strides = [1]} : vector<16xi32> to vector<1xi32>
      %squeeze3A_50 = vector.extract %slice3A_49[0] : i32 from vector<1xi32>
      %shift_right_arithmetic3A_51 = arith.constant 7 : i32
      %shift_right_arithmetic3A_52 = arith.shrsi %squeeze3A_50, %shift_right_arithmetic3A_51 : i32
      %ge3A_53 = arith.constant 781 : i32
      %ge3A_54 = arith.cmpi sge, %shift_right_arithmetic3A_52, %ge3A_53 : i32
      %or3A_55 = arith.ori %or3A_48, %ge3A_54 : i1
      %convert_element_type3A_56 = arith.extui %or3A_55 : i1 to i32
      %cond3A_57 = arith.constant 0 : i32
      %cond3A_58 = arith.cmpi ne, %convert_element_type3A_56, %cond3A_57 : i32
      scf.if %cond3A_58 {
        "tpu.region"() ({
          %run_scoped3A = tpu.sem_alloc : memref<!tpu.dma_semaphore, #tpu.memory_space<semaphore_mem>>
          %dma_start3A_1379 = arith.constant 0 : i32
          %dma_start3A_1380 = arith.constant 99968 : i32
          %dma_start3A_1381 = tpu.memref_slice %arg2[%dma_start3A_1379, %dma_start3A_1380] : memref<64x100000xf32, #tpu.memory_space<hbm>> -> memref<64x32xf32, #tpu.memory_space<hbm>>
          %dma_start3A_1382 = arith.constant 0 : i32
          %dma_start3A_1383 = arith.constant 99968 : i32
          %dma_start3A_1384 = tpu.memref_slice %arg2[%dma_start3A_1382, %dma_start3A_1383] : memref<64x100000xf32, #tpu.memory_space<hbm>> -> memref<64x32xf32, #tpu.memory_space<hbm>>
          tpu.enqueue_dma source(%dma_start3A_1384 : memref<64x32xf32, #tpu.memory_space<hbm>>) target(%arg10 : memref<64x32xf32, #tpu.memory_space<vmem>>) target_semaphore(%run_scoped3A : memref<!tpu.dma_semaphore, #tpu.memory_space<semaphore_mem>>)
          %dma_wait3A_1385 = arith.constant 0 : i32
          %dma_wait3A_1386 = arith.constant 99968 : i32
          %dma_wait3A_1387 = tpu.memref_slice %arg2[%dma_wait3A_1385, %dma_wait3A_1386] : memref<64x100000xf32, #tpu.memory_space<hbm>> -> memref<64x32xf32, #tpu.memory_space<hbm>>
          %dma_wait3A_1388 = arith.constant 0 : i32
          %dma_wait3A_1389 = arith.constant 99968 : i32
          %dma_wait3A_1390 = tpu.memref_slice %arg2[%dma_wait3A_1388, %dma_wait3A_1389] : memref<64x100000xf32, #tpu.memory_space<hbm>> -> memref<64x32xf32, #tpu.memory_space<hbm>>
          tpu.wait_dma2 semaphore(%run_scoped3A : memref<!tpu.dma_semaphore, #tpu.memory_space<semaphore_mem>>) src(%dma_wait3A_1390 : memref<64x32xf32, #tpu.memory_space<hbm>>) dst(%arg10 : memref<64x32xf32, #tpu.memory_space<vmem>>)
          tpu.yield
        }) : () -> ()
        "tpu.region"() ({
          %run_scoped3A = tpu.sem_alloc : memref<!tpu.dma_semaphore, #tpu.memory_space<semaphore_mem>>
          %dma_start3A_1379 = arith.constant 0 : i32
          %dma_start3A_1380 = arith.constant 99968 : i32
          %dma_start3A_1381 = tpu.memref_slice %arg3[%dma_start3A_1379, %dma_start3A_1380] : memref<64x100000xf32, #tpu.memory_space<hbm>> -> memref<64x32xf32, #tpu.memory_space<hbm>>
          %dma_start3A_1382 = arith.constant 0 : i32
          %dma_start3A_1383 = arith.constant 99968 : i32
          %dma_start3A_1384 = tpu.memref_slice %arg3[%dma_start3A_1382, %dma_start3A_1383] : memref<64x100000xf32, #tpu.memory_space<hbm>> -> memref<64x32xf32, #tpu.memory_space<hbm>>
          tpu.enqueue_dma source(%dma_start3A_1384 : memref<64x32xf32, #tpu.memory_space<hbm>>) target(%arg11 : memref<64x32xf32, #tpu.memory_space<vmem>>) target_semaphore(%run_scoped3A : memref<!tpu.dma_semaphore, #tpu.memory_space<semaphore_mem>>)
          %dma_wait3A_1385 = arith.constant 0 : i32
          %dma_wait3A_1386 = arith.constant 99968 : i32
          %dma_wait3A_1387 = tpu.memref_slice %arg3[%dma_wait3A_1385, %dma_wait3A_1386] : memref<64x100000xf32, #tpu.memory_space<hbm>> -> memref<64x32xf32, #tpu.memory_space<hbm>>
          %dma_wait3A_1388 = arith.constant 0 : i32
          %dma_wait3A_1389 = arith.constant 99968 : i32
          %dma_wait3A_1390 = tpu.memref_slice %arg3[%dma_wait3A_1388, %dma_wait3A_1389] : memref<64x100000xf32, #tpu.memory_space<hbm>> -> memref<64x32xf32, #tpu.memory_space<hbm>>
          tpu.wait_dma2 semaphore(%run_scoped3A : memref<!tpu.dma_semaphore, #tpu.memory_space<semaphore_mem>>) src(%dma_wait3A_1390 : memref<64x32xf32, #tpu.memory_space<hbm>>) dst(%arg11 : memref<64x32xf32, #tpu.memory_space<vmem>>)
          tpu.yield
        }) : () -> ()
      } else {
      }
      %slice3A_59 = vector.extract_strided_slice %get3A_5 {offsets = [0], sizes = [1], strides = [1]} : vector<16xi32> to vector<1xi32>
      %squeeze3A_60 = vector.extract %slice3A_59[0] : i32 from vector<1xi32>
      %shift_right_arithmetic3A_61 = arith.constant 7 : i32
      %shift_right_arithmetic3A_62 = arith.shrsi %squeeze3A_60, %shift_right_arithmetic3A_61 : i32
      %min3A = arith.constant 780 : i32
      %min3A_63 = arith.minsi %shift_right_arithmetic3A_62, %min3A : i32
      %mul3A_64 = arith.constant 128 : i32
      %mul3A_65 = arith.muli %min3A_63, %mul3A_64 : i32
      %multiple_of3A = tpu.assume_multiple %mul3A_65, 128 : i32
      %dma_start3A = arith.constant 0 : i32
      %dma_start3A_66 = arith.constant 0 : i32
      %dma_start3A_67 = arith.constant 0 : i32
      %dma_start3A_68 = arith.constant 0 : i32
      %dma_start3A_69 = tpu.memref_slice %arg8[%dma_start3A, %dma_start3A_67, %dma_start3A_68] : memref<4x64x128xf32, #tpu.memory_space<vmem>> -> memref<1x64x128xf32, #tpu.memory_space<vmem>>
      %dma_start3A_70 = tpu.memref_squeeze %dma_start3A_69 : memref<1x64x128xf32, #tpu.memory_space<vmem>> -> memref<64x128xf32, #tpu.memory_space<vmem>>
      %dma_start3A_71 = arith.constant 0 : i32
      %dma_start3A_72 = tpu.memref_slice %arg2[%dma_start3A_71, %multiple_of3A] : memref<64x100000xf32, #tpu.memory_space<hbm>> -> memref<64x128xf32, #tpu.memory_space<hbm>>
      %dma_start3A_73 = tpu.memref_slice %arg14[%dma_start3A_66] : memref<4x!tpu.dma_semaphore, #tpu.memory_space<semaphore_mem>> -> memref<1x!tpu.dma_semaphore, #tpu.memory_space<semaphore_mem>>
      %dma_start3A_74 = tpu.memref_squeeze %dma_start3A_73 : memref<1x!tpu.dma_semaphore, #tpu.memory_space<semaphore_mem>> -> memref<!tpu.dma_semaphore, #tpu.memory_space<semaphore_mem>>
      %dma_start3A_75 = arith.constant 0 : i32
      %dma_start3A_76 = arith.constant 0 : i32
      %dma_start3A_77 = tpu.memref_slice %arg8[%dma_start3A, %dma_start3A_75, %dma_start3A_76] : memref<4x64x128xf32, #tpu.memory_space<vmem>> -> memref<1x64x128xf32, #tpu.memory_space<vmem>>
      %dma_start3A_78 = tpu.memref_squeeze %dma_start3A_77 : memref<1x64x128xf32, #tpu.memory_space<vmem>> -> memref<64x128xf32, #tpu.memory_space<vmem>>
      %dma_start3A_79 = arith.constant 0 : i32
      %dma_start3A_80 = tpu.memref_slice %arg2[%dma_start3A_79, %multiple_of3A] : memref<64x100000xf32, #tpu.memory_space<hbm>> -> memref<64x128xf32, #tpu.memory_space<hbm>>
      tpu.enqueue_dma source(%dma_start3A_80 : memref<64x128xf32, #tpu.memory_space<hbm>>) target(%dma_start3A_78 : memref<64x128xf32, #tpu.memory_space<vmem>>) target_semaphore(%dma_start3A_74 : memref<!tpu.dma_semaphore, #tpu.memory_space<semaphore_mem>>)
      %dma_start3A_81 = arith.constant 0 : i32
      %dma_start3A_82 = arith.constant 0 : i32
      %dma_start3A_83 = arith.constant 0 : i32
      %dma_start3A_84 = arith.constant 0 : i32
      %dma_start3A_85 = tpu.memref_slice %arg9[%dma_start3A_81, %dma_start3A_83, %dma_start3A_84] : memref<4x64x128xf32, #tpu.memory_space<vmem>> -> memref<1x64x128xf32, #tpu.memory_space<vmem>>
      %dma_start3A_86 = tpu.memref_squeeze %dma_start3A_85 : memref<1x64x128xf32, #tpu.memory_space<vmem>> -> memref<64x128xf32, #tpu.memory_space<vmem>>
      %dma_start3A_87 = arith.constant 0 : i32
      %dma_start3A_88 = tpu.memref_slice %arg3[%dma_start3A_87, %multiple_of3A] : memref<64x100000xf32, #tpu.memory_space<hbm>> -> memref<64x128xf32, #tpu.memory_space<hbm>>
      %dma_start3A_89 = tpu.memref_slice %arg15[%dma_start3A_82] : memref<4x!tpu.dma_semaphore, #tpu.memory_space<semaphore_mem>> -> memref<1x!tpu.dma_semaphore, #tpu.memory_space<semaphore_mem>>
      %dma_start3A_90 = tpu.memref_squeeze %dma_start3A_89 : memref<1x!tpu.dma_semaphore, #tpu.memory_space<semaphore_mem>> -> memref<!tpu.dma_semaphore, #tpu.memory_space<semaphore_mem>>
      %dma_start3A_91 = arith.constant 0 : i32
      %dma_start3A_92 = arith.constant 0 : i32
      %dma_start3A_93 = tpu.memref_slice %arg9[%dma_start3A_81, %dma_start3A_91, %dma_start3A_92] : memref<4x64x128xf32, #tpu.memory_space<vmem>> -> memref<1x64x128xf32, #tpu.memory_space<vmem>>
      %dma_start3A_94 = tpu.memref_squeeze %dma_start3A_93 : memref<1x64x128xf32, #tpu.memory_space<vmem>> -> memref<64x128xf32, #tpu.memory_space<vmem>>
      %dma_start3A_95 = arith.constant 0 : i32
      %dma_start3A_96 = tpu.memref_slice %arg3[%dma_start3A_95, %multiple_of3A] : memref<64x100000xf32, #tpu.memory_space<hbm>> -> memref<64x128xf32, #tpu.memory_space<hbm>>
      tpu.enqueue_dma source(%dma_start3A_96 : memref<64x128xf32, #tpu.memory_space<hbm>>) target(%dma_start3A_94 : memref<64x128xf32, #tpu.memory_space<vmem>>) target_semaphore(%dma_start3A_90 : memref<!tpu.dma_semaphore, #tpu.memory_space<semaphore_mem>>)
      %slice3A_97 = vector.extract_strided_slice %get3A_5 {offsets = [1], sizes = [1], strides = [1]} : vector<16xi32> to vector<1xi32>
      %squeeze3A_98 = vector.extract %slice3A_97[0] : i32 from vector<1xi32>
      %shift_right_arithmetic3A_99 = arith.constant 7 : i32
      %shift_right_arithmetic3A_100 = arith.shrsi %squeeze3A_98, %shift_right_arithmetic3A_99 : i32
      %min3A_101 = arith.constant 780 : i32
      %min3A_102 = arith.minsi %shift_right_arithmetic3A_100, %min3A_101 : i32
      %mul3A_103 = arith.constant 128 : i32
      %mul3A_104 = arith.muli %min3A_102, %mul3A_103 : i32
      %multiple_of3A_105 = tpu.assume_multiple %mul3A_104, 128 : i32
      %dma_start3A_106 = arith.constant 1 : i32
      %dma_start3A_107 = arith.constant 1 : i32
      %dma_start3A_108 = arith.constant 0 : i32
      %dma_start3A_109 = arith.constant 0 : i32
      %dma_start3A_110 = tpu.memref_slice %arg8[%dma_start3A_106, %dma_start3A_108, %dma_start3A_109] : memref<4x64x128xf32, #tpu.memory_space<vmem>> -> memref<1x64x128xf32, #tpu.memory_space<vmem>>
      %dma_start3A_111 = tpu.memref_squeeze %dma_start3A_110 : memref<1x64x128xf32, #tpu.memory_space<vmem>> -> memref<64x128xf32, #tpu.memory_space<vmem>>
      %dma_start3A_112 = arith.constant 0 : i32
      %dma_start3A_113 = tpu.memref_slice %arg2[%dma_start3A_112, %multiple_of3A_105] : memref<64x100000xf32, #tpu.memory_space<hbm>> -> memref<64x128xf32, #tpu.memory_space<hbm>>
      %dma_start3A_114 = tpu.memref_slice %arg14[%dma_start3A_107] : memref<4x!tpu.dma_semaphore, #tpu.memory_space<semaphore_mem>> -> memref<1x!tpu.dma_semaphore, #tpu.memory_space<semaphore_mem>>
      %dma_start3A_115 = tpu.memref_squeeze %dma_start3A_114 : memref<1x!tpu.dma_semaphore, #tpu.memory_space<semaphore_mem>> -> memref<!tpu.dma_semaphore, #tpu.memory_space<semaphore_mem>>
      %dma_start3A_116 = arith.constant 0 : i32
      %dma_start3A_117 = arith.constant 0 : i32
      %dma_start3A_118 = tpu.memref_slice %arg8[%dma_start3A_106, %dma_start3A_116, %dma_start3A_117] : memref<4x64x128xf32, #tpu.memory_space<vmem>> -> memref<1x64x128xf32, #tpu.memory_space<vmem>>
      %dma_start3A_119 = tpu.memref_squeeze %dma_start3A_118 : memref<1x64x128xf32, #tpu.memory_space<vmem>> -> memref<64x128xf32, #tpu.memory_space<vmem>>
      %dma_start3A_120 = arith.constant 0 : i32
      %dma_start3A_121 = tpu.memref_slice %arg2[%dma_start3A_120, %multiple_of3A_105] : memref<64x100000xf32, #tpu.memory_space<hbm>> -> memref<64x128xf32, #tpu.memory_space<hbm>>
      tpu.enqueue_dma source(%dma_start3A_121 : memref<64x128xf32, #tpu.memory_space<hbm>>) target(%dma_start3A_119 : memref<64x128xf32, #tpu.memory_space<vmem>>) target_semaphore(%dma_start3A_115 : memref<!tpu.dma_semaphore, #tpu.memory_space<semaphore_mem>>)
      %dma_start3A_122 = arith.constant 1 : i32
      %dma_start3A_123 = arith.constant 1 : i32
      %dma_start3A_124 = arith.constant 0 : i32
      %dma_start3A_125 = arith.constant 0 : i32
      %dma_start3A_126 = tpu.memref_slice %arg9[%dma_start3A_122, %dma_start3A_124, %dma_start3A_125] : memref<4x64x128xf32, #tpu.memory_space<vmem>> -> memref<1x64x128xf32, #tpu.memory_space<vmem>>
      %dma_start3A_127 = tpu.memref_squeeze %dma_start3A_126 : memref<1x64x128xf32, #tpu.memory_space<vmem>> -> memref<64x128xf32, #tpu.memory_space<vmem>>
      %dma_start3A_128 = arith.constant 0 : i32
      %dma_start3A_129 = tpu.memref_slice %arg3[%dma_start3A_128, %multiple_of3A_105] : memref<64x100000xf32, #tpu.memory_space<hbm>> -> memref<64x128xf32, #tpu.memory_space<hbm>>
      %dma_start3A_130 = tpu.memref_slice %arg15[%dma_start3A_123] : memref<4x!tpu.dma_semaphore, #tpu.memory_space<semaphore_mem>> -> memref<1x!tpu.dma_semaphore, #tpu.memory_space<semaphore_mem>>
      %dma_start3A_131 = tpu.memref_squeeze %dma_start3A_130 : memref<1x!tpu.dma_semaphore, #tpu.memory_space<semaphore_mem>> -> memref<!tpu.dma_semaphore, #tpu.memory_space<semaphore_mem>>
      %dma_start3A_132 = arith.constant 0 : i32
      %dma_start3A_133 = arith.constant 0 : i32
      %dma_start3A_134 = tpu.memref_slice %arg9[%dma_start3A_122, %dma_start3A_132, %dma_start3A_133] : memref<4x64x128xf32, #tpu.memory_space<vmem>> -> memref<1x64x128xf32, #tpu.memory_space<vmem>>
      %dma_start3A_135 = tpu.memref_squeeze %dma_start3A_134 : memref<1x64x128xf32, #tpu.memory_space<vmem>> -> memref<64x128xf32, #tpu.memory_space<vmem>>
      %dma_start3A_136 = arith.constant 0 : i32
      %dma_start3A_137 = tpu.memref_slice %arg3[%dma_start3A_136, %multiple_of3A_105] : memref<64x100000xf32, #tpu.memory_space<hbm>> -> memref<64x128xf32, #tpu.memory_space<hbm>>
      tpu.enqueue_dma source(%dma_start3A_137 : memref<64x128xf32, #tpu.memory_space<hbm>>) target(%dma_start3A_135 : memref<64x128xf32, #tpu.memory_space<vmem>>) target_semaphore(%dma_start3A_131 : memref<!tpu.dma_semaphore, #tpu.memory_space<semaphore_mem>>)
      %slice3A_138 = vector.extract_strided_slice %get3A_5 {offsets = [2], sizes = [1], strides = [1]} : vector<16xi32> to vector<1xi32>
      %squeeze3A_139 = vector.extract %slice3A_138[0] : i32 from vector<1xi32>
      %shift_right_arithmetic3A_140 = arith.constant 7 : i32
      %shift_right_arithmetic3A_141 = arith.shrsi %squeeze3A_139, %shift_right_arithmetic3A_140 : i32
      %min3A_142 = arith.constant 780 : i32
      %min3A_143 = arith.minsi %shift_right_arithmetic3A_141, %min3A_142 : i32
      %mul3A_144 = arith.constant 128 : i32
      %mul3A_145 = arith.muli %min3A_143, %mul3A_144 : i32
      %multiple_of3A_146 = tpu.assume_multiple %mul3A_145, 128 : i32
      %dma_start3A_147 = arith.constant 2 : i32
      %dma_start3A_148 = arith.constant 2 : i32
      %dma_start3A_149 = arith.constant 0 : i32
      %dma_start3A_150 = arith.constant 0 : i32
      %dma_start3A_151 = tpu.memref_slice %arg8[%dma_start3A_147, %dma_start3A_149, %dma_start3A_150] : memref<4x64x128xf32, #tpu.memory_space<vmem>> -> memref<1x64x128xf32, #tpu.memory_space<vmem>>
      %dma_start3A_152 = tpu.memref_squeeze %dma_start3A_151 : memref<1x64x128xf32, #tpu.memory_space<vmem>> -> memref<64x128xf32, #tpu.memory_space<vmem>>
      %dma_start3A_153 = arith.constant 0 : i32
      %dma_start3A_154 = tpu.memref_slice %arg2[%dma_start3A_153, %multiple_of3A_146] : memref<64x100000xf32, #tpu.memory_space<hbm>> -> memref<64x128xf32, #tpu.memory_space<hbm>>
      %dma_start3A_155 = tpu.memref_slice %arg14[%dma_start3A_148] : memref<4x!tpu.dma_semaphore, #tpu.memory_space<semaphore_mem>> -> memref<1x!tpu.dma_semaphore, #tpu.memory_space<semaphore_mem>>
      %dma_start3A_156 = tpu.memref_squeeze %dma_start3A_155 : memref<1x!tpu.dma_semaphore, #tpu.memory_space<semaphore_mem>> -> memref<!tpu.dma_semaphore, #tpu.memory_space<semaphore_mem>>
      %dma_start3A_157 = arith.constant 0 : i32
      %dma_start3A_158 = arith.constant 0 : i32
      %dma_start3A_159 = tpu.memref_slice %arg8[%dma_start3A_147, %dma_start3A_157, %dma_start3A_158] : memref<4x64x128xf32, #tpu.memory_space<vmem>> -> memref<1x64x128xf32, #tpu.memory_space<vmem>>
      %dma_start3A_160 = tpu.memref_squeeze %dma_start3A_159 : memref<1x64x128xf32, #tpu.memory_space<vmem>> -> memref<64x128xf32, #tpu.memory_space<vmem>>
      %dma_start3A_161 = arith.constant 0 : i32
      %dma_start3A_162 = tpu.memref_slice %arg2[%dma_start3A_161, %multiple_of3A_146] : memref<64x100000xf32, #tpu.memory_space<hbm>> -> memref<64x128xf32, #tpu.memory_space<hbm>>
      tpu.enqueue_dma source(%dma_start3A_162 : memref<64x128xf32, #tpu.memory_space<hbm>>) target(%dma_start3A_160 : memref<64x128xf32, #tpu.memory_space<vmem>>) target_semaphore(%dma_start3A_156 : memref<!tpu.dma_semaphore, #tpu.memory_space<semaphore_mem>>)
      %dma_start3A_163 = arith.constant 2 : i32
      %dma_start3A_164 = arith.constant 2 : i32
      %dma_start3A_165 = arith.constant 0 : i32
      %dma_start3A_166 = arith.constant 0 : i32
      %dma_start3A_167 = tpu.memref_slice %arg9[%dma_start3A_163, %dma_start3A_165, %dma_start3A_166] : memref<4x64x128xf32, #tpu.memory_space<vmem>> -> memref<1x64x128xf32, #tpu.memory_space<vmem>>
      %dma_start3A_168 = tpu.memref_squeeze %dma_start3A_167 : memref<1x64x128xf32, #tpu.memory_space<vmem>> -> memref<64x128xf32, #tpu.memory_space<vmem>>
      %dma_start3A_169 = arith.constant 0 : i32
      %dma_start3A_170 = tpu.memref_slice %arg3[%dma_start3A_169, %multiple_of3A_146] : memref<64x100000xf32, #tpu.memory_space<hbm>> -> memref<64x128xf32, #tpu.memory_space<hbm>>
      %dma_start3A_171 = tpu.memref_slice %arg15[%dma_start3A_164] : memref<4x!tpu.dma_semaphore, #tpu.memory_space<semaphore_mem>> -> memref<1x!tpu.dma_semaphore, #tpu.memory_space<semaphore_mem>>
      %dma_start3A_172 = tpu.memref_squeeze %dma_start3A_171 : memref<1x!tpu.dma_semaphore, #tpu.memory_space<semaphore_mem>> -> memref<!tpu.dma_semaphore, #tpu.memory_space<semaphore_mem>>
      %dma_start3A_173 = arith.constant 0 : i32
      %dma_start3A_174 = arith.constant 0 : i32
      %dma_start3A_175 = tpu.memref_slice %arg9[%dma_start3A_163, %dma_start3A_173, %dma_start3A_174] : memref<4x64x128xf32, #tpu.memory_space<vmem>> -> memref<1x64x128xf32, #tpu.memory_space<vmem>>
      %dma_start3A_176 = tpu.memref_squeeze %dma_start3A_175 : memref<1x64x128xf32, #tpu.memory_space<vmem>> -> memref<64x128xf32, #tpu.memory_space<vmem>>
      %dma_start3A_177 = arith.constant 0 : i32
      %dma_start3A_178 = tpu.memref_slice %arg3[%dma_start3A_177, %multiple_of3A_146] : memref<64x100000xf32, #tpu.memory_space<hbm>> -> memref<64x128xf32, #tpu.memory_space<hbm>>
      tpu.enqueue_dma source(%dma_start3A_178 : memref<64x128xf32, #tpu.memory_space<hbm>>) target(%dma_start3A_176 : memref<64x128xf32, #tpu.memory_space<vmem>>) target_semaphore(%dma_start3A_172 : memref<!tpu.dma_semaphore, #tpu.memory_space<semaphore_mem>>)
      %slice3A_179 = vector.extract_strided_slice %get3A_5 {offsets = [3], sizes = [1], strides = [1]} : vector<16xi32> to vector<1xi32>
      %squeeze3A_180 = vector.extract %slice3A_179[0] : i32 from vector<1xi32>
      %shift_right_arithmetic3A_181 = arith.constant 7 : i32
      %shift_right_arithmetic3A_182 = arith.shrsi %squeeze3A_180, %shift_right_arithmetic3A_181 : i32
      %min3A_183 = arith.constant 780 : i32
      %min3A_184 = arith.minsi %shift_right_arithmetic3A_182, %min3A_183 : i32
      %mul3A_185 = arith.constant 128 : i32
      %mul3A_186 = arith.muli %min3A_184, %mul3A_185 : i32
      %multiple_of3A_187 = tpu.assume_multiple %mul3A_186, 128 : i32
      %dma_start3A_188 = arith.constant 3 : i32
      %dma_start3A_189 = arith.constant 3 : i32
      %dma_start3A_190 = arith.constant 0 : i32
      %dma_start3A_191 = arith.constant 0 : i32
      %dma_start3A_192 = tpu.memref_slice %arg8[%dma_start3A_188, %dma_start3A_190, %dma_start3A_191] : memref<4x64x128xf32, #tpu.memory_space<vmem>> -> memref<1x64x128xf32, #tpu.memory_space<vmem>>
      %dma_start3A_193 = tpu.memref_squeeze %dma_start3A_192 : memref<1x64x128xf32, #tpu.memory_space<vmem>> -> memref<64x128xf32, #tpu.memory_space<vmem>>
      %dma_start3A_194 = arith.constant 0 : i32
      %dma_start3A_195 = tpu.memref_slice %arg2[%dma_start3A_194, %multiple_of3A_187] : memref<64x100000xf32, #tpu.memory_space<hbm>> -> memref<64x128xf32, #tpu.memory_space<hbm>>
      %dma_start3A_196 = tpu.memref_slice %arg14[%dma_start3A_189] : memref<4x!tpu.dma_semaphore, #tpu.memory_space<semaphore_mem>> -> memref<1x!tpu.dma_semaphore, #tpu.memory_space<semaphore_mem>>
      %dma_start3A_197 = tpu.memref_squeeze %dma_start3A_196 : memref<1x!tpu.dma_semaphore, #tpu.memory_space<semaphore_mem>> -> memref<!tpu.dma_semaphore, #tpu.memory_space<semaphore_mem>>
      %dma_start3A_198 = arith.constant 0 : i32
      %dma_start3A_199 = arith.constant 0 : i32
      %dma_start3A_200 = tpu.memref_slice %arg8[%dma_start3A_188, %dma_start3A_198, %dma_start3A_199] : memref<4x64x128xf32, #tpu.memory_space<vmem>> -> memref<1x64x128xf32, #tpu.memory_space<vmem>>
      %dma_start3A_201 = tpu.memref_squeeze %dma_start3A_200 : memref<1x64x128xf32, #tpu.memory_space<vmem>> -> memref<64x128xf32, #tpu.memory_space<vmem>>
      %dma_start3A_202 = arith.constant 0 : i32
      %dma_start3A_203 = tpu.memref_slice %arg2[%dma_start3A_202, %multiple_of3A_187] : memref<64x100000xf32, #tpu.memory_space<hbm>> -> memref<64x128xf32, #tpu.memory_space<hbm>>
      tpu.enqueue_dma source(%dma_start3A_203 : memref<64x128xf32, #tpu.memory_space<hbm>>) target(%dma_start3A_201 : memref<64x128xf32, #tpu.memory_space<vmem>>) target_semaphore(%dma_start3A_197 : memref<!tpu.dma_semaphore, #tpu.memory_space<semaphore_mem>>)
      %dma_start3A_204 = arith.constant 3 : i32
      %dma_start3A_205 = arith.constant 3 : i32
      %dma_start3A_206 = arith.constant 0 : i32
      %dma_start3A_207 = arith.constant 0 : i32
      %dma_start3A_208 = tpu.memref_slice %arg9[%dma_start3A_204, %dma_start3A_206, %dma_start3A_207] : memref<4x64x128xf32, #tpu.memory_space<vmem>> -> memref<1x64x128xf32, #tpu.memory_space<vmem>>
      %dma_start3A_209 = tpu.memref_squeeze %dma_start3A_208 : memref<1x64x128xf32, #tpu.memory_space<vmem>> -> memref<64x128xf32, #tpu.memory_space<vmem>>
      %dma_start3A_210 = arith.constant 0 : i32
      %dma_start3A_211 = tpu.memref_slice %arg3[%dma_start3A_210, %multiple_of3A_187] : memref<64x100000xf32, #tpu.memory_space<hbm>> -> memref<64x128xf32, #tpu.memory_space<hbm>>
      %dma_start3A_212 = tpu.memref_slice %arg15[%dma_start3A_205] : memref<4x!tpu.dma_semaphore, #tpu.memory_space<semaphore_mem>> -> memref<1x!tpu.dma_semaphore, #tpu.memory_space<semaphore_mem>>
      %dma_start3A_213 = tpu.memref_squeeze %dma_start3A_212 : memref<1x!tpu.dma_semaphore, #tpu.memory_space<semaphore_mem>> -> memref<!tpu.dma_semaphore, #tpu.memory_space<semaphore_mem>>
      %dma_start3A_214 = arith.constant 0 : i32
      %dma_start3A_215 = arith.constant 0 : i32
      %dma_start3A_216 = tpu.memref_slice %arg9[%dma_start3A_204, %dma_start3A_214, %dma_start3A_215] : memref<4x64x128xf32, #tpu.memory_space<vmem>> -> memref<1x64x128xf32, #tpu.memory_space<vmem>>
      %dma_start3A_217 = tpu.memref_squeeze %dma_start3A_216 : memref<1x64x128xf32, #tpu.memory_space<vmem>> -> memref<64x128xf32, #tpu.memory_space<vmem>>
      %dma_start3A_218 = arith.constant 0 : i32
      %dma_start3A_219 = tpu.memref_slice %arg3[%dma_start3A_218, %multiple_of3A_187] : memref<64x100000xf32, #tpu.memory_space<hbm>> -> memref<64x128xf32, #tpu.memory_space<hbm>>
      tpu.enqueue_dma source(%dma_start3A_219 : memref<64x128xf32, #tpu.memory_space<hbm>>) target(%dma_start3A_217 : memref<64x128xf32, #tpu.memory_space<vmem>>) target_semaphore(%dma_start3A_213 : memref<!tpu.dma_semaphore, #tpu.memory_space<semaphore_mem>>)
      %dma_wait3A = arith.constant 0 : i32
      %dma_wait3A_220 = arith.constant 0 : i32
      %dma_wait3A_221 = arith.constant 0 : i32
      %dma_wait3A_222 = arith.constant 0 : i32
      %dma_wait3A_223 = tpu.memref_slice %arg8[%dma_wait3A, %dma_wait3A_221, %dma_wait3A_222] : memref<4x64x128xf32, #tpu.memory_space<vmem>> -> memref<1x64x128xf32, #tpu.memory_space<vmem>>
      %dma_wait3A_224 = tpu.memref_squeeze %dma_wait3A_223 : memref<1x64x128xf32, #tpu.memory_space<vmem>> -> memref<64x128xf32, #tpu.memory_space<vmem>>
      %dma_wait3A_225 = arith.constant 0 : i32
      %dma_wait3A_226 = tpu.memref_slice %arg2[%dma_wait3A_225, %multiple_of3A] : memref<64x100000xf32, #tpu.memory_space<hbm>> -> memref<64x128xf32, #tpu.memory_space<hbm>>
      %dma_wait3A_227 = tpu.memref_slice %arg14[%dma_wait3A_220] : memref<4x!tpu.dma_semaphore, #tpu.memory_space<semaphore_mem>> -> memref<1x!tpu.dma_semaphore, #tpu.memory_space<semaphore_mem>>
      %dma_wait3A_228 = tpu.memref_squeeze %dma_wait3A_227 : memref<1x!tpu.dma_semaphore, #tpu.memory_space<semaphore_mem>> -> memref<!tpu.dma_semaphore, #tpu.memory_space<semaphore_mem>>
      %dma_wait3A_229 = arith.constant 0 : i32
      %dma_wait3A_230 = arith.constant 0 : i32
      %dma_wait3A_231 = tpu.memref_slice %arg8[%dma_wait3A, %dma_wait3A_229, %dma_wait3A_230] : memref<4x64x128xf32, #tpu.memory_space<vmem>> -> memref<1x64x128xf32, #tpu.memory_space<vmem>>
      %dma_wait3A_232 = tpu.memref_squeeze %dma_wait3A_231 : memref<1x64x128xf32, #tpu.memory_space<vmem>> -> memref<64x128xf32, #tpu.memory_space<vmem>>
      %dma_wait3A_233 = arith.constant 0 : i32
      %dma_wait3A_234 = tpu.memref_slice %arg2[%dma_wait3A_233, %multiple_of3A] : memref<64x100000xf32, #tpu.memory_space<hbm>> -> memref<64x128xf32, #tpu.memory_space<hbm>>
      tpu.wait_dma2 semaphore(%dma_wait3A_228 : memref<!tpu.dma_semaphore, #tpu.memory_space<semaphore_mem>>) src(%dma_wait3A_234 : memref<64x128xf32, #tpu.memory_space<hbm>>) dst(%dma_wait3A_232 : memref<64x128xf32, #tpu.memory_space<vmem>>)
      %dma_wait3A_235 = arith.constant 0 : i32
      %dma_wait3A_236 = arith.constant 0 : i32
      %dma_wait3A_237 = arith.constant 0 : i32
      %dma_wait3A_238 = arith.constant 0 : i32
      %dma_wait3A_239 = tpu.memref_slice %arg9[%dma_wait3A_235, %dma_wait3A_237, %dma_wait3A_238] : memref<4x64x128xf32, #tpu.memory_space<vmem>> -> memref<1x64x128xf32, #tpu.memory_space<vmem>>
      %dma_wait3A_240 = tpu.memref_squeeze %dma_wait3A_239 : memref<1x64x128xf32, #tpu.memory_space<vmem>> -> memref<64x128xf32, #tpu.memory_space<vmem>>
      %dma_wait3A_241 = arith.constant 0 : i32
      %dma_wait3A_242 = tpu.memref_slice %arg3[%dma_wait3A_241, %multiple_of3A] : memref<64x100000xf32, #tpu.memory_space<hbm>> -> memref<64x128xf32, #tpu.memory_space<hbm>>
      %dma_wait3A_243 = tpu.memref_slice %arg15[%dma_wait3A_236] : memref<4x!tpu.dma_semaphore, #tpu.memory_space<semaphore_mem>> -> memref<1x!tpu.dma_semaphore, #tpu.memory_space<semaphore_mem>>
      %dma_wait3A_244 = tpu.memref_squeeze %dma_wait3A_243 : memref<1x!tpu.dma_semaphore, #tpu.memory_space<semaphore_mem>> -> memref<!tpu.dma_semaphore, #tpu.memory_space<semaphore_mem>>
      %dma_wait3A_245 = arith.constant 0 : i32
      %dma_wait3A_246 = arith.constant 0 : i32
      %dma_wait3A_247 = tpu.memref_slice %arg9[%dma_wait3A_235, %dma_wait3A_245, %dma_wait3A_246] : memref<4x64x128xf32, #tpu.memory_space<vmem>> -> memref<1x64x128xf32, #tpu.memory_space<vmem>>
      %dma_wait3A_248 = tpu.memref_squeeze %dma_wait3A_247 : memref<1x64x128xf32, #tpu.memory_space<vmem>> -> memref<64x128xf32, #tpu.memory_space<vmem>>
      %dma_wait3A_249 = arith.constant 0 : i32
      %dma_wait3A_250 = tpu.memref_slice %arg3[%dma_wait3A_249, %multiple_of3A] : memref<64x100000xf32, #tpu.memory_space<hbm>> -> memref<64x128xf32, #tpu.memory_space<hbm>>
      tpu.wait_dma2 semaphore(%dma_wait3A_244 : memref<!tpu.dma_semaphore, #tpu.memory_space<semaphore_mem>>) src(%dma_wait3A_250 : memref<64x128xf32, #tpu.memory_space<hbm>>) dst(%dma_wait3A_248 : memref<64x128xf32, #tpu.memory_space<vmem>>)
      %slice3A_251 = vector.extract_strided_slice %get3A_5 {offsets = [0], sizes = [1], strides = [1]} : vector<16xi32> to vector<1xi32>
      %squeeze3A_252 = vector.extract %slice3A_251[0] : i32 from vector<1xi32>
      %shift_right_arithmetic3A_253 = arith.constant 7 : i32
      %shift_right_arithmetic3A_254 = arith.shrsi %squeeze3A_252, %shift_right_arithmetic3A_253 : i32
      %ge3A_255 = arith.constant 781 : i32
      %ge3A_256 = arith.cmpi sge, %shift_right_arithmetic3A_254, %ge3A_255 : i32
      %broadcast_in_dim3A = vector.broadcast %ge3A_256 : i1 to vector<16xi1>
      %and3A = arith.constant 127 : i32
      %and3A_257 = arith.andi %squeeze3A_252, %and3A : i32
      %broadcast_in_dim3A_258 = vector.broadcast %and3A_257 : i32 to vector<16xi32>
      %and3A_259 = arith.constant 127 : i32
      %and3A_260 = arith.andi %squeeze3A_252, %and3A_259 : i32
      %min3A_261 = arith.constant 31 : i32
      %min3A_262 = arith.minsi %and3A_260, %min3A_261 : i32
      %broadcast_in_dim3A_263 = vector.broadcast %min3A_262 : i32 to vector<16xi32>
      %broadcast_in_dim3A_264 = arith.constant 0 : i32
      %broadcast_in_dim3A_265 = vector.broadcast %broadcast_in_dim3A_264 : i32 to vector<16xi32>
      %add3A_266 = arith.constant 0 : i32
      %add3A_267 = vector.broadcast %add3A_266 : i32 to vector<16xi32>
      %add3A_268 = arith.addi %iota3A, %add3A_267 : vector<16xi32>
      %gather3A = tpu.vector_load_idx %arg10[%add3A_268, %broadcast_in_dim3A_263] : memref<64x32xf32, #tpu.memory_space<vmem>>[vector<16xi32>, vector<16xi32>], vector<16xf32>,
      %gather3A_269 = arith.constant 0 : i32
      %gather3A_270 = arith.constant 0 : i32
      %gather3A_271 = arith.constant 0 : i32
      %gather3A_272 = tpu.memref_slice %arg8[%gather3A_269, %gather3A_270, %gather3A_271] : memref<4x64x128xf32, #tpu.memory_space<vmem>> -> memref<1x64x128xf32, #tpu.memory_space<vmem>>
      %gather3A_273 = tpu.memref_squeeze %gather3A_272 : memref<1x64x128xf32, #tpu.memory_space<vmem>> -> memref<64x128xf32, #tpu.memory_space<vmem>>
      %gather3A_274 = tpu.vector_load_idx %gather3A_273[%add3A_268, %broadcast_in_dim3A_258] : memref<64x128xf32, #tpu.memory_space<vmem>>[vector<16xi32>, vector<16xi32>], vector<16xf32>,
      %select_n3A = arith.select %broadcast_in_dim3A, %gather3A, %gather3A_274 : vector<16xi1>, vector<16xf32>
      %gather3A_275 = tpu.vector_load_idx %arg11[%add3A_268, %broadcast_in_dim3A_263] : memref<64x32xf32, #tpu.memory_space<vmem>>[vector<16xi32>, vector<16xi32>], vector<16xf32>,
      %gather3A_276 = arith.constant 0 : i32
      %gather3A_277 = arith.constant 0 : i32
      %gather3A_278 = arith.constant 0 : i32
      %gather3A_279 = tpu.memref_slice %arg9[%gather3A_276, %gather3A_277, %gather3A_278] : memref<4x64x128xf32, #tpu.memory_space<vmem>> -> memref<1x64x128xf32, #tpu.memory_space<vmem>>
      %gather3A_280 = tpu.memref_squeeze %gather3A_279 : memref<1x64x128xf32, #tpu.memory_space<vmem>> -> memref<64x128xf32, #tpu.memory_space<vmem>>
      %gather3A_281 = tpu.vector_load_idx %gather3A_280[%add3A_268, %broadcast_in_dim3A_258] : memref<64x128xf32, #tpu.memory_space<vmem>>[vector<16xi32>, vector<16xi32>], vector<16xf32>,
      %select_n3A_282 = arith.select %broadcast_in_dim3A, %gather3A_275, %gather3A_281 : vector<16xi1>, vector<16xf32>
      tpu.vector_store_idx %arg12[%add3A_268, %broadcast_in_dim3A_265], %select_n3A : memref<64x8xf32, #tpu.memory_space<vmem>>[vector<16xi32>, vector<16xi32>], vector<16xf32>,
      tpu.vector_store_idx %arg13[%add3A_268, %broadcast_in_dim3A_265], %select_n3A_282 : memref<64x8xf32, #tpu.memory_space<vmem>>[vector<16xi32>, vector<16xi32>], vector<16xf32>,
      %add3A_283 = arith.constant 16 : i32
      %add3A_284 = vector.broadcast %add3A_283 : i32 to vector<16xi32>
      %add3A_285 = arith.addi %iota3A, %add3A_284 : vector<16xi32>
      %gather3A_286 = tpu.vector_load_idx %arg10[%add3A_285, %broadcast_in_dim3A_263] : memref<64x32xf32, #tpu.memory_space<vmem>>[vector<16xi32>, vector<16xi32>], vector<16xf32>,
      %gather3A_287 = arith.constant 0 : i32
      %gather3A_288 = arith.constant 0 : i32
      %gather3A_289 = arith.constant 0 : i32
      %gather3A_290 = tpu.memref_slice %arg8[%gather3A_287, %gather3A_288, %gather3A_289] : memref<4x64x128xf32, #tpu.memory_space<vmem>> -> memref<1x64x128xf32, #tpu.memory_space<vmem>>
      %gather3A_291 = tpu.memref_squeeze %gather3A_290 : memref<1x64x128xf32, #tpu.memory_space<vmem>> -> memref<64x128xf32, #tpu.memory_space<vmem>>
      %gather3A_292 = tpu.vector_load_idx %gather3A_291[%add3A_285, %broadcast_in_dim3A_258] : memref<64x128xf32, #tpu.memory_space<vmem>>[vector<16xi32>, vector<16xi32>], vector<16xf32>,
      %select_n3A_293 = arith.select %broadcast_in_dim3A, %gather3A_286, %gather3A_292 : vector<16xi1>, vector<16xf32>
      %gather3A_294 = tpu.vector_load_idx %arg11[%add3A_285, %broadcast_in_dim3A_263] : memref<64x32xf32, #tpu.memory_space<vmem>>[vector<16xi32>, vector<16xi32>], vector<16xf32>,
      %gather3A_295 = arith.constant 0 : i32
      %gather3A_296 = arith.constant 0 : i32
      %gather3A_297 = arith.constant 0 : i32
      %gather3A_298 = tpu.memref_slice %arg9[%gather3A_295, %gather3A_296, %gather3A_297] : memref<4x64x128xf32, #tpu.memory_space<vmem>> -> memref<1x64x128xf32, #tpu.memory_space<vmem>>
      %gather3A_299 = tpu.memref_squeeze %gather3A_298 : memref<1x64x128xf32, #tpu.memory_space<vmem>> -> memref<64x128xf32, #tpu.memory_space<vmem>>
      %gather3A_300 = tpu.vector_load_idx %gather3A_299[%add3A_285, %broadcast_in_dim3A_258] : memref<64x128xf32, #tpu.memory_space<vmem>>[vector<16xi32>, vector<16xi32>], vector<16xf32>,
      %select_n3A_301 = arith.select %broadcast_in_dim3A, %gather3A_294, %gather3A_300 : vector<16xi1>, vector<16xf32>
      tpu.vector_store_idx %arg12[%add3A_285, %broadcast_in_dim3A_265], %select_n3A_293 : memref<64x8xf32, #tpu.memory_space<vmem>>[vector<16xi32>, vector<16xi32>], vector<16xf32>,
      tpu.vector_store_idx %arg13[%add3A_285, %broadcast_in_dim3A_265], %select_n3A_301 : memref<64x8xf32, #tpu.memory_space<vmem>>[vector<16xi32>, vector<16xi32>], vector<16xf32>,
      %add3A_302 = arith.constant 32 : i32
      %add3A_303 = vector.broadcast %add3A_302 : i32 to vector<16xi32>
      %add3A_304 = arith.addi %iota3A, %add3A_303 : vector<16xi32>
      %gather3A_305 = tpu.vector_load_idx %arg10[%add3A_304, %broadcast_in_dim3A_263] : memref<64x32xf32, #tpu.memory_space<vmem>>[vector<16xi32>, vector<16xi32>], vector<16xf32>,
      %gather3A_306 = arith.constant 0 : i32
      %gather3A_307 = arith.constant 0 : i32
      %gather3A_308 = arith.constant 0 : i32
      %gather3A_309 = tpu.memref_slice %arg8[%gather3A_306, %gather3A_307, %gather3A_308] : memref<4x64x128xf32, #tpu.memory_space<vmem>> -> memref<1x64x128xf32, #tpu.memory_space<vmem>>
      %gather3A_310 = tpu.memref_squeeze %gather3A_309 : memref<1x64x128xf32, #tpu.memory_space<vmem>> -> memref<64x128xf32, #tpu.memory_space<vmem>>
      %gather3A_311 = tpu.vector_load_idx %gather3A_310[%add3A_304, %broadcast_in_dim3A_258] : memref<64x128xf32, #tpu.memory_space<vmem>>[vector<16xi32>, vector<16xi32>], vector<16xf32>,
      %select_n3A_312 = arith.select %broadcast_in_dim3A, %gather3A_305, %gather3A_311 : vector<16xi1>, vector<16xf32>
      %gather3A_313 = tpu.vector_load_idx %arg11[%add3A_304, %broadcast_in_dim3A_263] : memref<64x32xf32, #tpu.memory_space<vmem>>[vector<16xi32>, vector<16xi32>], vector<16xf32>,
      %gather3A_314 = arith.constant 0 : i32
      %gather3A_315 = arith.constant 0 : i32
      %gather3A_316 = arith.constant 0 : i32
      %gather3A_317 = tpu.memref_slice %arg9[%gather3A_314, %gather3A_315, %gather3A_316] : memref<4x64x128xf32, #tpu.memory_space<vmem>> -> memref<1x64x128xf32, #tpu.memory_space<vmem>>
      %gather3A_318 = tpu.memref_squeeze %gather3A_317 : memref<1x64x128xf32, #tpu.memory_space<vmem>> -> memref<64x128xf32, #tpu.memory_space<vmem>>
      %gather3A_319 = tpu.vector_load_idx %gather3A_318[%add3A_304, %broadcast_in_dim3A_258] : memref<64x128xf32, #tpu.memory_space<vmem>>[vector<16xi32>, vector<16xi32>], vector<16xf32>,
      %select_n3A_320 = arith.select %broadcast_in_dim3A, %gather3A_313, %gather3A_319 : vector<16xi1>, vector<16xf32>
      tpu.vector_store_idx %arg12[%add3A_304, %broadcast_in_dim3A_265], %select_n3A_312 : memref<64x8xf32, #tpu.memory_space<vmem>>[vector<16xi32>, vector<16xi32>], vector<16xf32>,
      tpu.vector_store_idx %arg13[%add3A_304, %broadcast_in_dim3A_265], %select_n3A_320 : memref<64x8xf32, #tpu.memory_space<vmem>>[vector<16xi32>, vector<16xi32>], vector<16xf32>,
      %add3A_321 = arith.constant 48 : i32
      %add3A_322 = vector.broadcast %add3A_321 : i32 to vector<16xi32>
      %add3A_323 = arith.addi %iota3A, %add3A_322 : vector<16xi32>
      %gather3A_324 = tpu.vector_load_idx %arg10[%add3A_323, %broadcast_in_dim3A_263] : memref<64x32xf32, #tpu.memory_space<vmem>>[vector<16xi32>, vector<16xi32>], vector<16xf32>,
      %gather3A_325 = arith.constant 0 : i32
      %gather3A_326 = arith.constant 0 : i32
      %gather3A_327 = arith.constant 0 : i32
      %gather3A_328 = tpu.memref_slice %arg8[%gather3A_325, %gather3A_326, %gather3A_327] : memref<4x64x128xf32, #tpu.memory_space<vmem>> -> memref<1x64x128xf32, #tpu.memory_space<vmem>>
      %gather3A_329 = tpu.memref_squeeze %gather3A_328 : memref<1x64x128xf32, #tpu.memory_space<vmem>> -> memref<64x128xf32, #tpu.memory_space<vmem>>
      %gather3A_330 = tpu.vector_load_idx %gather3A_329[%add3A_323, %broadcast_in_dim3A_258] : memref<64x128xf32, #tpu.memory_space<vmem>>[vector<16xi32>, vector<16xi32>], vector<16xf32>,
      %select_n3A_331 = arith.select %broadcast_in_dim3A, %gather3A_324, %gather3A_330 : vector<16xi1>, vector<16xf32>
      %gather3A_332 = tpu.vector_load_idx %arg11[%add3A_323, %broadcast_in_dim3A_263] : memref<64x32xf32, #tpu.memory_space<vmem>>[vector<16xi32>, vector<16xi32>], vector<16xf32>,
      %gather3A_333 = arith.constant 0 : i32
      %gather3A_334 = arith.constant 0 : i32
      %gather3A_335 = arith.constant 0 : i32
      %gather3A_336 = tpu.memref_slice %arg9[%gather3A_333, %gather3A_334, %gather3A_335] : memref<4x64x128xf32, #tpu.memory_space<vmem>> -> memref<1x64x128xf32, #tpu.memory_space<vmem>>
      %gather3A_337 = tpu.memref_squeeze %gather3A_336 : memref<1x64x128xf32, #tpu.memory_space<vmem>> -> memref<64x128xf32, #tpu.memory_space<vmem>>
      %gather3A_338 = tpu.vector_load_idx %gather3A_337[%add3A_323, %broadcast_in_dim3A_258] : memref<64x128xf32, #tpu.memory_space<vmem>>[vector<16xi32>, vector<16xi32>], vector<16xf32>,
      %select_n3A_339 = arith.select %broadcast_in_dim3A, %gather3A_332, %gather3A_338 : vector<16xi1>, vector<16xf32>
      tpu.vector_store_idx %arg12[%add3A_323, %broadcast_in_dim3A_265], %select_n3A_331 : memref<64x8xf32, #tpu.memory_space<vmem>>[vector<16xi32>, vector<16xi32>], vector<16xf32>,
      tpu.vector_store_idx %arg13[%add3A_323, %broadcast_in_dim3A_265], %select_n3A_339 : memref<64x8xf32, #tpu.memory_space<vmem>>[vector<16xi32>, vector<16xi32>], vector<16xf32>,
      %slice3A_340 = vector.extract_strided_slice %get3A_5 {offsets = [4], sizes = [1], strides = [1]} : vector<16xi32> to vector<1xi32>
      %squeeze3A_341 = vector.extract %slice3A_340[0] : i32 from vector<1xi32>
      %shift_right_arithmetic3A_342 = arith.constant 7 : i32
      %shift_right_arithmetic3A_343 = arith.shrsi %squeeze3A_341, %shift_right_arithmetic3A_342 : i32
      %min3A_344 = arith.constant 780 : i32
      %min3A_345 = arith.minsi %shift_right_arithmetic3A_343, %min3A_344 : i32
      %mul3A_346 = arith.constant 128 : i32
      %mul3A_347 = arith.muli %min3A_345, %mul3A_346 : i32
      %multiple_of3A_348 = tpu.assume_multiple %mul3A_347, 128 : i32
      %dma_start3A_349 = arith.constant 0 : i32
      %dma_start3A_350 = arith.constant 0 : i32
      %dma_start3A_351 = arith.constant 0 : i32
      %dma_start3A_352 = arith.constant 0 : i32
      %dma_start3A_353 = tpu.memref_slice %arg8[%dma_start3A_349, %dma_start3A_351, %dma_start3A_352] : memref<4x64x128xf32, #tpu.memory_space<vmem>> -> memref<1x64x128xf32, #tpu.memory_space<vmem>>
      %dma_start3A_354 = tpu.memref_squeeze %dma_start3A_353 : memref<1x64x128xf32, #tpu.memory_space<vmem>> -> memref<64x128xf32, #tpu.memory_space<vmem>>
      %dma_start3A_355 = arith.constant 0 : i32
      %dma_start3A_356 = tpu.memref_slice %arg2[%dma_start3A_355, %multiple_of3A_348] : memref<64x100000xf32, #tpu.memory_space<hbm>> -> memref<64x128xf32, #tpu.memory_space<hbm>>
      %dma_start3A_357 = tpu.memref_slice %arg14[%dma_start3A_350] : memref<4x!tpu.dma_semaphore, #tpu.memory_space<semaphore_mem>> -> memref<1x!tpu.dma_semaphore, #tpu.memory_space<semaphore_mem>>
      %dma_start3A_358 = tpu.memref_squeeze %dma_start3A_357 : memref<1x!tpu.dma_semaphore, #tpu.memory_space<semaphore_mem>> -> memref<!tpu.dma_semaphore, #tpu.memory_space<semaphore_mem>>
      %dma_start3A_359 = arith.constant 0 : i32
      %dma_start3A_360 = arith.constant 0 : i32
      %dma_start3A_361 = tpu.memref_slice %arg8[%dma_start3A_349, %dma_start3A_359, %dma_start3A_360] : memref<4x64x128xf32, #tpu.memory_space<vmem>> -> memref<1x64x128xf32, #tpu.memory_space<vmem>>
      %dma_start3A_362 = tpu.memref_squeeze %dma_start3A_361 : memref<1x64x128xf32, #tpu.memory_space<vmem>> -> memref<64x128xf32, #tpu.memory_space<vmem>>
      %dma_start3A_363 = arith.constant 0 : i32
      %dma_start3A_364 = tpu.memref_slice %arg2[%dma_start3A_363, %multiple_of3A_348] : memref<64x100000xf32, #tpu.memory_space<hbm>> -> memref<64x128xf32, #tpu.memory_space<hbm>>
      tpu.enqueue_dma source(%dma_start3A_364 : memref<64x128xf32, #tpu.memory_space<hbm>>) target(%dma_start3A_362 : memref<64x128xf32, #tpu.memory_space<vmem>>) target_semaphore(%dma_start3A_358 : memref<!tpu.dma_semaphore, #tpu.memory_space<semaphore_mem>>)
      %dma_start3A_365 = arith.constant 0 : i32
      %dma_start3A_366 = arith.constant 0 : i32
      %dma_start3A_367 = arith.constant 0 : i32
      %dma_start3A_368 = arith.constant 0 : i32
      %dma_start3A_369 = tpu.memref_slice %arg9[%dma_start3A_365, %dma_start3A_367, %dma_start3A_368] : memref<4x64x128xf32, #tpu.memory_space<vmem>> -> memref<1x64x128xf32, #tpu.memory_space<vmem>>
      %dma_start3A_370 = tpu.memref_squeeze %dma_start3A_369 : memref<1x64x128xf32, #tpu.memory_space<vmem>> -> memref<64x128xf32, #tpu.memory_space<vmem>>
      %dma_start3A_371 = arith.constant 0 : i32
      %dma_start3A_372 = tpu.memref_slice %arg3[%dma_start3A_371, %multiple_of3A_348] : memref<64x100000xf32, #tpu.memory_space<hbm>> -> memref<64x128xf32, #tpu.memory_space<hbm>>
      %dma_start3A_373 = tpu.memref_slice %arg15[%dma_start3A_366] : memref<4x!tpu.dma_semaphore, #tpu.memory_space<semaphore_mem>> -> memref<1x!tpu.dma_semaphore, #tpu.memory_space<semaphore_mem>>
      %dma_start3A_374 = tpu.memref_squeeze %dma_start3A_373 : memref<1x!tpu.dma_semaphore, #tpu.memory_space<semaphore_mem>> -> memref<!tpu.dma_semaphore, #tpu.memory_space<semaphore_mem>>
      %dma_start3A_375 = arith.constant 0 : i32
      %dma_start3A_376 = arith.constant 0 : i32
      %dma_start3A_377 = tpu.memref_slice %arg9[%dma_start3A_365, %dma_start3A_375, %dma_start3A_376] : memref<4x64x128xf32, #tpu.memory_space<vmem>> -> memref<1x64x128xf32, #tpu.memory_space<vmem>>
      %dma_start3A_378 = tpu.memref_squeeze %dma_start3A_377 : memref<1x64x128xf32, #tpu.memory_space<vmem>> -> memref<64x128xf32, #tpu.memory_space<vmem>>
      %dma_start3A_379 = arith.constant 0 : i32
      %dma_start3A_380 = tpu.memref_slice %arg3[%dma_start3A_379, %multiple_of3A_348] : memref<64x100000xf32, #tpu.memory_space<hbm>> -> memref<64x128xf32, #tpu.memory_space<hbm>>
      tpu.enqueue_dma source(%dma_start3A_380 : memref<64x128xf32, #tpu.memory_space<hbm>>) target(%dma_start3A_378 : memref<64x128xf32, #tpu.memory_space<vmem>>) target_semaphore(%dma_start3A_374 : memref<!tpu.dma_semaphore, #tpu.memory_space<semaphore_mem>>)
      %dma_wait3A_381 = arith.constant 1 : i32
      %dma_wait3A_382 = arith.constant 1 : i32
      %dma_wait3A_383 = arith.constant 0 : i32
      %dma_wait3A_384 = arith.constant 0 : i32
      %dma_wait3A_385 = tpu.memref_slice %arg8[%dma_wait3A_381, %dma_wait3A_383, %dma_wait3A_384] : memref<4x64x128xf32, #tpu.memory_space<vmem>> -> memref<1x64x128xf32, #tpu.memory_space<vmem>>
      %dma_wait3A_386 = tpu.memref_squeeze %dma_wait3A_385 : memref<1x64x128xf32, #tpu.memory_space<vmem>> -> memref<64x128xf32, #tpu.memory_space<vmem>>
      %dma_wait3A_387 = arith.constant 0 : i32
      %dma_wait3A_388 = tpu.memref_slice %arg2[%dma_wait3A_387, %multiple_of3A_105] : memref<64x100000xf32, #tpu.memory_space<hbm>> -> memref<64x128xf32, #tpu.memory_space<hbm>>
      %dma_wait3A_389 = tpu.memref_slice %arg14[%dma_wait3A_382] : memref<4x!tpu.dma_semaphore, #tpu.memory_space<semaphore_mem>> -> memref<1x!tpu.dma_semaphore, #tpu.memory_space<semaphore_mem>>
      %dma_wait3A_390 = tpu.memref_squeeze %dma_wait3A_389 : memref<1x!tpu.dma_semaphore, #tpu.memory_space<semaphore_mem>> -> memref<!tpu.dma_semaphore, #tpu.memory_space<semaphore_mem>>
      %dma_wait3A_391 = arith.constant 0 : i32
      %dma_wait3A_392 = arith.constant 0 : i32
      %dma_wait3A_393 = tpu.memref_slice %arg8[%dma_wait3A_381, %dma_wait3A_391, %dma_wait3A_392] : memref<4x64x128xf32, #tpu.memory_space<vmem>> -> memref<1x64x128xf32, #tpu.memory_space<vmem>>
      %dma_wait3A_394 = tpu.memref_squeeze %dma_wait3A_393 : memref<1x64x128xf32, #tpu.memory_space<vmem>> -> memref<64x128xf32, #tpu.memory_space<vmem>>
      %dma_wait3A_395 = arith.constant 0 : i32
      %dma_wait3A_396 = tpu.memref_slice %arg2[%dma_wait3A_395, %multiple_of3A_105] : memref<64x100000xf32, #tpu.memory_space<hbm>> -> memref<64x128xf32, #tpu.memory_space<hbm>>
      tpu.wait_dma2 semaphore(%dma_wait3A_390 : memref<!tpu.dma_semaphore, #tpu.memory_space<semaphore_mem>>) src(%dma_wait3A_396 : memref<64x128xf32, #tpu.memory_space<hbm>>) dst(%dma_wait3A_394 : memref<64x128xf32, #tpu.memory_space<vmem>>)
      %dma_wait3A_397 = arith.constant 1 : i32
      %dma_wait3A_398 = arith.constant 1 : i32
      %dma_wait3A_399 = arith.constant 0 : i32
      %dma_wait3A_400 = arith.constant 0 : i32
      %dma_wait3A_401 = tpu.memref_slice %arg9[%dma_wait3A_397, %dma_wait3A_399, %dma_wait3A_400] : memref<4x64x128xf32, #tpu.memory_space<vmem>> -> memref<1x64x128xf32, #tpu.memory_space<vmem>>
      %dma_wait3A_402 = tpu.memref_squeeze %dma_wait3A_401 : memref<1x64x128xf32, #tpu.memory_space<vmem>> -> memref<64x128xf32, #tpu.memory_space<vmem>>
      %dma_wait3A_403 = arith.constant 0 : i32
      %dma_wait3A_404 = tpu.memref_slice %arg3[%dma_wait3A_403, %multiple_of3A_105] : memref<64x100000xf32, #tpu.memory_space<hbm>> -> memref<64x128xf32, #tpu.memory_space<hbm>>
      %dma_wait3A_405 = tpu.memref_slice %arg15[%dma_wait3A_398] : memref<4x!tpu.dma_semaphore, #tpu.memory_space<semaphore_mem>> -> memref<1x!tpu.dma_semaphore, #tpu.memory_space<semaphore_mem>>
      %dma_wait3A_406 = tpu.memref_squeeze %dma_wait3A_405 : memref<1x!tpu.dma_semaphore, #tpu.memory_space<semaphore_mem>> -> memref<!tpu.dma_semaphore, #tpu.memory_space<semaphore_mem>>
      %dma_wait3A_407 = arith.constant 0 : i32
      %dma_wait3A_408 = arith.constant 0 : i32
      %dma_wait3A_409 = tpu.memref_slice %arg9[%dma_wait3A_397, %dma_wait3A_407, %dma_wait3A_408] : memref<4x64x128xf32, #tpu.memory_space<vmem>> -> memref<1x64x128xf32, #tpu.memory_space<vmem>>
      %dma_wait3A_410 = tpu.memref_squeeze %dma_wait3A_409 : memref<1x64x128xf32, #tpu.memory_space<vmem>> -> memref<64x128xf32, #tpu.memory_space<vmem>>
      %dma_wait3A_411 = arith.constant 0 : i32
      %dma_wait3A_412 = tpu.memref_slice %arg3[%dma_wait3A_411, %multiple_of3A_105] : memref<64x100000xf32, #tpu.memory_space<hbm>> -> memref<64x128xf32, #tpu.memory_space<hbm>>
      tpu.wait_dma2 semaphore(%dma_wait3A_406 : memref<!tpu.dma_semaphore, #tpu.memory_space<semaphore_mem>>) src(%dma_wait3A_412 : memref<64x128xf32, #tpu.memory_space<hbm>>) dst(%dma_wait3A_410 : memref<64x128xf32, #tpu.memory_space<vmem>>)
      %slice3A_413 = vector.extract_strided_slice %get3A_5 {offsets = [1], sizes = [1], strides = [1]} : vector<16xi32> to vector<1xi32>
      %squeeze3A_414 = vector.extract %slice3A_413[0] : i32 from vector<1xi32>
      %shift_right_arithmetic3A_415 = arith.constant 7 : i32
      %shift_right_arithmetic3A_416 = arith.shrsi %squeeze3A_414, %shift_right_arithmetic3A_415 : i32
      %ge3A_417 = arith.constant 781 : i32
      %ge3A_418 = arith.cmpi sge, %shift_right_arithmetic3A_416, %ge3A_417 : i32
      %broadcast_in_dim3A_419 = vector.broadcast %ge3A_418 : i1 to vector<16xi1>
      %and3A_420 = arith.constant 127 : i32
      %and3A_421 = arith.andi %squeeze3A_414, %and3A_420 : i32
      %broadcast_in_dim3A_422 = vector.broadcast %and3A_421 : i32 to vector<16xi32>
      %and3A_423 = arith.constant 127 : i32
      %and3A_424 = arith.andi %squeeze3A_414, %and3A_423 : i32
      %min3A_425 = arith.constant 31 : i32
      %min3A_426 = arith.minsi %and3A_424, %min3A_425 : i32
      %broadcast_in_dim3A_427 = vector.broadcast %min3A_426 : i32 to vector<16xi32>
      %broadcast_in_dim3A_428 = arith.constant 1 : i32
      %broadcast_in_dim3A_429 = vector.broadcast %broadcast_in_dim3A_428 : i32 to vector<16xi32>
      %add3A_430 = arith.constant 0 : i32
      %add3A_431 = vector.broadcast %add3A_430 : i32 to vector<16xi32>
      %add3A_432 = arith.addi %iota3A, %add3A_431 : vector<16xi32>
      %gather3A_433 = tpu.vector_load_idx %arg10[%add3A_432, %broadcast_in_dim3A_427] : memref<64x32xf32, #tpu.memory_space<vmem>>[vector<16xi32>, vector<16xi32>], vector<16xf32>,
      %gather3A_434 = arith.constant 1 : i32
      %gather3A_435 = arith.constant 0 : i32
      %gather3A_436 = arith.constant 0 : i32
      %gather3A_437 = tpu.memref_slice %arg8[%gather3A_434, %gather3A_435, %gather3A_436] : memref<4x64x128xf32, #tpu.memory_space<vmem>> -> memref<1x64x128xf32, #tpu.memory_space<vmem>>
      %gather3A_438 = tpu.memref_squeeze %gather3A_437 : memref<1x64x128xf32, #tpu.memory_space<vmem>> -> memref<64x128xf32, #tpu.memory_space<vmem>>
      %gather3A_439 = tpu.vector_load_idx %gather3A_438[%add3A_432, %broadcast_in_dim3A_422] : memref<64x128xf32, #tpu.memory_space<vmem>>[vector<16xi32>, vector<16xi32>], vector<16xf32>,
      %select_n3A_440 = arith.select %broadcast_in_dim3A_419, %gather3A_433, %gather3A_439 : vector<16xi1>, vector<16xf32>
      %gather3A_441 = tpu.vector_load_idx %arg11[%add3A_432, %broadcast_in_dim3A_427] : memref<64x32xf32, #tpu.memory_space<vmem>>[vector<16xi32>, vector<16xi32>], vector<16xf32>,
      %gather3A_442 = arith.constant 1 : i32
      %gather3A_443 = arith.constant 0 : i32
      %gather3A_444 = arith.constant 0 : i32
      %gather3A_445 = tpu.memref_slice %arg9[%gather3A_442, %gather3A_443, %gather3A_444] : memref<4x64x128xf32, #tpu.memory_space<vmem>> -> memref<1x64x128xf32, #tpu.memory_space<vmem>>
      %gather3A_446 = tpu.memref_squeeze %gather3A_445 : memref<1x64x128xf32, #tpu.memory_space<vmem>> -> memref<64x128xf32, #tpu.memory_space<vmem>>
      %gather3A_447 = tpu.vector_load_idx %gather3A_446[%add3A_432, %broadcast_in_dim3A_422] : memref<64x128xf32, #tpu.memory_space<vmem>>[vector<16xi32>, vector<16xi32>], vector<16xf32>,
      %select_n3A_448 = arith.select %broadcast_in_dim3A_419, %gather3A_441, %gather3A_447 : vector<16xi1>, vector<16xf32>
      tpu.vector_store_idx %arg12[%add3A_432, %broadcast_in_dim3A_429], %select_n3A_440 : memref<64x8xf32, #tpu.memory_space<vmem>>[vector<16xi32>, vector<16xi32>], vector<16xf32>,
      tpu.vector_store_idx %arg13[%add3A_432, %broadcast_in_dim3A_429], %select_n3A_448 : memref<64x8xf32, #tpu.memory_space<vmem>>[vector<16xi32>, vector<16xi32>], vector<16xf32>,
      %add3A_449 = arith.constant 16 : i32
      %add3A_450 = vector.broadcast %add3A_449 : i32 to vector<16xi32>
      %add3A_451 = arith.addi %iota3A, %add3A_450 : vector<16xi32>
      %gather3A_452 = tpu.vector_load_idx %arg10[%add3A_451, %broadcast_in_dim3A_427] : memref<64x32xf32, #tpu.memory_space<vmem>>[vector<16xi32>, vector<16xi32>], vector<16xf32>,
      %gather3A_453 = arith.constant 1 : i32
      %gather3A_454 = arith.constant 0 : i32
      %gather3A_455 = arith.constant 0 : i32
      %gather3A_456 = tpu.memref_slice %arg8[%gather3A_453, %gather3A_454, %gather3A_455] : memref<4x64x128xf32, #tpu.memory_space<vmem>> -> memref<1x64x128xf32, #tpu.memory_space<vmem>>
      %gather3A_457 = tpu.memref_squeeze %gather3A_456 : memref<1x64x128xf32, #tpu.memory_space<vmem>> -> memref<64x128xf32, #tpu.memory_space<vmem>>
      %gather3A_458 = tpu.vector_load_idx %gather3A_457[%add3A_451, %broadcast_in_dim3A_422] : memref<64x128xf32, #tpu.memory_space<vmem>>[vector<16xi32>, vector<16xi32>], vector<16xf32>,
      %select_n3A_459 = arith.select %broadcast_in_dim3A_419, %gather3A_452, %gather3A_458 : vector<16xi1>, vector<16xf32>
      %gather3A_460 = tpu.vector_load_idx %arg11[%add3A_451, %broadcast_in_dim3A_427] : memref<64x32xf32, #tpu.memory_space<vmem>>[vector<16xi32>, vector<16xi32>], vector<16xf32>,
      %gather3A_461 = arith.constant 1 : i32
      %gather3A_462 = arith.constant 0 : i32
      %gather3A_463 = arith.constant 0 : i32
      %gather3A_464 = tpu.memref_slice %arg9[%gather3A_461, %gather3A_462, %gather3A_463] : memref<4x64x128xf32, #tpu.memory_space<vmem>> -> memref<1x64x128xf32, #tpu.memory_space<vmem>>
      %gather3A_465 = tpu.memref_squeeze %gather3A_464 : memref<1x64x128xf32, #tpu.memory_space<vmem>> -> memref<64x128xf32, #tpu.memory_space<vmem>>
      %gather3A_466 = tpu.vector_load_idx %gather3A_465[%add3A_451, %broadcast_in_dim3A_422] : memref<64x128xf32, #tpu.memory_space<vmem>>[vector<16xi32>, vector<16xi32>], vector<16xf32>,
      %select_n3A_467 = arith.select %broadcast_in_dim3A_419, %gather3A_460, %gather3A_466 : vector<16xi1>, vector<16xf32>
      tpu.vector_store_idx %arg12[%add3A_451, %broadcast_in_dim3A_429], %select_n3A_459 : memref<64x8xf32, #tpu.memory_space<vmem>>[vector<16xi32>, vector<16xi32>], vector<16xf32>,
      tpu.vector_store_idx %arg13[%add3A_451, %broadcast_in_dim3A_429], %select_n3A_467 : memref<64x8xf32, #tpu.memory_space<vmem>>[vector<16xi32>, vector<16xi32>], vector<16xf32>,
      %add3A_468 = arith.constant 32 : i32
      %add3A_469 = vector.broadcast %add3A_468 : i32 to vector<16xi32>
      %add3A_470 = arith.addi %iota3A, %add3A_469 : vector<16xi32>
      %gather3A_471 = tpu.vector_load_idx %arg10[%add3A_470, %broadcast_in_dim3A_427] : memref<64x32xf32, #tpu.memory_space<vmem>>[vector<16xi32>, vector<16xi32>], vector<16xf32>,
      %gather3A_472 = arith.constant 1 : i32
      %gather3A_473 = arith.constant 0 : i32
      %gather3A_474 = arith.constant 0 : i32
      %gather3A_475 = tpu.memref_slice %arg8[%gather3A_472, %gather3A_473, %gather3A_474] : memref<4x64x128xf32, #tpu.memory_space<vmem>> -> memref<1x64x128xf32, #tpu.memory_space<vmem>>
      %gather3A_476 = tpu.memref_squeeze %gather3A_475 : memref<1x64x128xf32, #tpu.memory_space<vmem>> -> memref<64x128xf32, #tpu.memory_space<vmem>>
      %gather3A_477 = tpu.vector_load_idx %gather3A_476[%add3A_470, %broadcast_in_dim3A_422] : memref<64x128xf32, #tpu.memory_space<vmem>>[vector<16xi32>, vector<16xi32>], vector<16xf32>,
      %select_n3A_478 = arith.select %broadcast_in_dim3A_419, %gather3A_471, %gather3A_477 : vector<16xi1>, vector<16xf32>
      %gather3A_479 = tpu.vector_load_idx %arg11[%add3A_470, %broadcast_in_dim3A_427] : memref<64x32xf32, #tpu.memory_space<vmem>>[vector<16xi32>, vector<16xi32>], vector<16xf32>,
      %gather3A_480 = arith.constant 1 : i32
      %gather3A_481 = arith.constant 0 : i32
      %gather3A_482 = arith.constant 0 : i32
      %gather3A_483 = tpu.memref_slice %arg9[%gather3A_480, %gather3A_481, %gather3A_482] : memref<4x64x128xf32, #tpu.memory_space<vmem>> -> memref<1x64x128xf32, #tpu.memory_space<vmem>>
      %gather3A_484 = tpu.memref_squeeze %gather3A_483 : memref<1x64x128xf32, #tpu.memory_space<vmem>> -> memref<64x128xf32, #tpu.memory_space<vmem>>
      %gather3A_485 = tpu.vector_load_idx %gather3A_484[%add3A_470, %broadcast_in_dim3A_422] : memref<64x128xf32, #tpu.memory_space<vmem>>[vector<16xi32>, vector<16xi32>], vector<16xf32>,
      %select_n3A_486 = arith.select %broadcast_in_dim3A_419, %gather3A_479, %gather3A_485 : vector<16xi1>, vector<16xf32>
      tpu.vector_store_idx %arg12[%add3A_470, %broadcast_in_dim3A_429], %select_n3A_478 : memref<64x8xf32, #tpu.memory_space<vmem>>[vector<16xi32>, vector<16xi32>], vector<16xf32>,
      tpu.vector_store_idx %arg13[%add3A_470, %broadcast_in_dim3A_429], %select_n3A_486 : memref<64x8xf32, #tpu.memory_space<vmem>>[vector<16xi32>, vector<16xi32>], vector<16xf32>,
      %add3A_487 = arith.constant 48 : i32
      %add3A_488 = vector.broadcast %add3A_487 : i32 to vector<16xi32>
      %add3A_489 = arith.addi %iota3A, %add3A_488 : vector<16xi32>
      %gather3A_490 = tpu.vector_load_idx %arg10[%add3A_489, %broadcast_in_dim3A_427] : memref<64x32xf32, #tpu.memory_space<vmem>>[vector<16xi32>, vector<16xi32>], vector<16xf32>,
      %gather3A_491 = arith.constant 1 : i32
      %gather3A_492 = arith.constant 0 : i32
      %gather3A_493 = arith.constant 0 : i32
      %gather3A_494 = tpu.memref_slice %arg8[%gather3A_491, %gather3A_492, %gather3A_493] : memref<4x64x128xf32, #tpu.memory_space<vmem>> -> memref<1x64x128xf32, #tpu.memory_space<vmem>>
      %gather3A_495 = tpu.memref_squeeze %gather3A_494 : memref<1x64x128xf32, #tpu.memory_space<vmem>> -> memref<64x128xf32, #tpu.memory_space<vmem>>
      %gather3A_496 = tpu.vector_load_idx %gather3A_495[%add3A_489, %broadcast_in_dim3A_422] : memref<64x128xf32, #tpu.memory_space<vmem>>[vector<16xi32>, vector<16xi32>], vector<16xf32>,
      %select_n3A_497 = arith.select %broadcast_in_dim3A_419, %gather3A_490, %gather3A_496 : vector<16xi1>, vector<16xf32>
      %gather3A_498 = tpu.vector_load_idx %arg11[%add3A_489, %broadcast_in_dim3A_427] : memref<64x32xf32, #tpu.memory_space<vmem>>[vector<16xi32>, vector<16xi32>], vector<16xf32>,
      %gather3A_499 = arith.constant 1 : i32
      %gather3A_500 = arith.constant 0 : i32
      %gather3A_501 = arith.constant 0 : i32
      %gather3A_502 = tpu.memref_slice %arg9[%gather3A_499, %gather3A_500, %gather3A_501] : memref<4x64x128xf32, #tpu.memory_space<vmem>> -> memref<1x64x128xf32, #tpu.memory_space<vmem>>
      %gather3A_503 = tpu.memref_squeeze %gather3A_502 : memref<1x64x128xf32, #tpu.memory_space<vmem>> -> memref<64x128xf32, #tpu.memory_space<vmem>>
      %gather3A_504 = tpu.vector_load_idx %gather3A_503[%add3A_489, %broadcast_in_dim3A_422] : memref<64x128xf32, #tpu.memory_space<vmem>>[vector<16xi32>, vector<16xi32>], vector<16xf32>,
      %select_n3A_505 = arith.select %broadcast_in_dim3A_419, %gather3A_498, %gather3A_504 : vector<16xi1>, vector<16xf32>
      tpu.vector_store_idx %arg12[%add3A_489, %broadcast_in_dim3A_429], %select_n3A_497 : memref<64x8xf32, #tpu.memory_space<vmem>>[vector<16xi32>, vector<16xi32>], vector<16xf32>,
      tpu.vector_store_idx %arg13[%add3A_489, %broadcast_in_dim3A_429], %select_n3A_505 : memref<64x8xf32, #tpu.memory_space<vmem>>[vector<16xi32>, vector<16xi32>], vector<16xf32>,
      %slice3A_506 = vector.extract_strided_slice %get3A_5 {offsets = [5], sizes = [1], strides = [1]} : vector<16xi32> to vector<1xi32>
      %squeeze3A_507 = vector.extract %slice3A_506[0] : i32 from vector<1xi32>
      %shift_right_arithmetic3A_508 = arith.constant 7 : i32
      %shift_right_arithmetic3A_509 = arith.shrsi %squeeze3A_507, %shift_right_arithmetic3A_508 : i32
      %min3A_510 = arith.constant 780 : i32
      %min3A_511 = arith.minsi %shift_right_arithmetic3A_509, %min3A_510 : i32
      %mul3A_512 = arith.constant 128 : i32
      %mul3A_513 = arith.muli %min3A_511, %mul3A_512 : i32
      %multiple_of3A_514 = tpu.assume_multiple %mul3A_513, 128 : i32
      %dma_start3A_515 = arith.constant 1 : i32
      %dma_start3A_516 = arith.constant 1 : i32
      %dma_start3A_517 = arith.constant 0 : i32
      %dma_start3A_518 = arith.constant 0 : i32
      %dma_start3A_519 = tpu.memref_slice %arg8[%dma_start3A_515, %dma_start3A_517, %dma_start3A_518] : memref<4x64x128xf32, #tpu.memory_space<vmem>> -> memref<1x64x128xf32, #tpu.memory_space<vmem>>
      %dma_start3A_520 = tpu.memref_squeeze %dma_start3A_519 : memref<1x64x128xf32, #tpu.memory_space<vmem>> -> memref<64x128xf32, #tpu.memory_space<vmem>>
      %dma_start3A_521 = arith.constant 0 : i32
      %dma_start3A_522 = tpu.memref_slice %arg2[%dma_start3A_521, %multiple_of3A_514] : memref<64x100000xf32, #tpu.memory_space<hbm>> -> memref<64x128xf32, #tpu.memory_space<hbm>>
      %dma_start3A_523 = tpu.memref_slice %arg14[%dma_start3A_516] : memref<4x!tpu.dma_semaphore, #tpu.memory_space<semaphore_mem>> -> memref<1x!tpu.dma_semaphore, #tpu.memory_space<semaphore_mem>>
      %dma_start3A_524 = tpu.memref_squeeze %dma_start3A_523 : memref<1x!tpu.dma_semaphore, #tpu.memory_space<semaphore_mem>> -> memref<!tpu.dma_semaphore, #tpu.memory_space<semaphore_mem>>
      %dma_start3A_525 = arith.constant 0 : i32
      %dma_start3A_526 = arith.constant 0 : i32
      %dma_start3A_527 = tpu.memref_slice %arg8[%dma_start3A_515, %dma_start3A_525, %dma_start3A_526] : memref<4x64x128xf32, #tpu.memory_space<vmem>> -> memref<1x64x128xf32, #tpu.memory_space<vmem>>
      %dma_start3A_528 = tpu.memref_squeeze %dma_start3A_527 : memref<1x64x128xf32, #tpu.memory_space<vmem>> -> memref<64x128xf32, #tpu.memory_space<vmem>>
      %dma_start3A_529 = arith.constant 0 : i32
      %dma_start3A_530 = tpu.memref_slice %arg2[%dma_start3A_529, %multiple_of3A_514] : memref<64x100000xf32, #tpu.memory_space<hbm>> -> memref<64x128xf32, #tpu.memory_space<hbm>>
      tpu.enqueue_dma source(%dma_start3A_530 : memref<64x128xf32, #tpu.memory_space<hbm>>) target(%dma_start3A_528 : memref<64x128xf32, #tpu.memory_space<vmem>>) target_semaphore(%dma_start3A_524 : memref<!tpu.dma_semaphore, #tpu.memory_space<semaphore_mem>>)
      %dma_start3A_531 = arith.constant 1 : i32
      %dma_start3A_532 = arith.constant 1 : i32
      %dma_start3A_533 = arith.constant 0 : i32
      %dma_start3A_534 = arith.constant 0 : i32
      %dma_start3A_535 = tpu.memref_slice %arg9[%dma_start3A_531, %dma_start3A_533, %dma_start3A_534] : memref<4x64x128xf32, #tpu.memory_space<vmem>> -> memref<1x64x128xf32, #tpu.memory_space<vmem>>
      %dma_start3A_536 = tpu.memref_squeeze %dma_start3A_535 : memref<1x64x128xf32, #tpu.memory_space<vmem>> -> memref<64x128xf32, #tpu.memory_space<vmem>>
      %dma_start3A_537 = arith.constant 0 : i32
      %dma_start3A_538 = tpu.memref_slice %arg3[%dma_start3A_537, %multiple_of3A_514] : memref<64x100000xf32, #tpu.memory_space<hbm>> -> memref<64x128xf32, #tpu.memory_space<hbm>>
      %dma_start3A_539 = tpu.memref_slice %arg15[%dma_start3A_532] : memref<4x!tpu.dma_semaphore, #tpu.memory_space<semaphore_mem>> -> memref<1x!tpu.dma_semaphore, #tpu.memory_space<semaphore_mem>>
      %dma_start3A_540 = tpu.memref_squeeze %dma_start3A_539 : memref<1x!tpu.dma_semaphore, #tpu.memory_space<semaphore_mem>> -> memref<!tpu.dma_semaphore, #tpu.memory_space<semaphore_mem>>
      %dma_start3A_541 = arith.constant 0 : i32
      %dma_start3A_542 = arith.constant 0 : i32
      %dma_start3A_543 = tpu.memref_slice %arg9[%dma_start3A_531, %dma_start3A_541, %dma_start3A_542] : memref<4x64x128xf32, #tpu.memory_space<vmem>> -> memref<1x64x128xf32, #tpu.memory_space<vmem>>
      %dma_start3A_544 = tpu.memref_squeeze %dma_start3A_543 : memref<1x64x128xf32, #tpu.memory_space<vmem>> -> memref<64x128xf32, #tpu.memory_space<vmem>>
      %dma_start3A_545 = arith.constant 0 : i32
      %dma_start3A_546 = tpu.memref_slice %arg3[%dma_start3A_545, %multiple_of3A_514] : memref<64x100000xf32, #tpu.memory_space<hbm>> -> memref<64x128xf32, #tpu.memory_space<hbm>>
      tpu.enqueue_dma source(%dma_start3A_546 : memref<64x128xf32, #tpu.memory_space<hbm>>) target(%dma_start3A_544 : memref<64x128xf32, #tpu.memory_space<vmem>>) target_semaphore(%dma_start3A_540 : memref<!tpu.dma_semaphore, #tpu.memory_space<semaphore_mem>>)
      %dma_wait3A_547 = arith.constant 2 : i32
      %dma_wait3A_548 = arith.constant 2 : i32
      %dma_wait3A_549 = arith.constant 0 : i32
      %dma_wait3A_550 = arith.constant 0 : i32
      %dma_wait3A_551 = tpu.memref_slice %arg8[%dma_wait3A_547, %dma_wait3A_549, %dma_wait3A_550] : memref<4x64x128xf32, #tpu.memory_space<vmem>> -> memref<1x64x128xf32, #tpu.memory_space<vmem>>
      %dma_wait3A_552 = tpu.memref_squeeze %dma_wait3A_551 : memref<1x64x128xf32, #tpu.memory_space<vmem>> -> memref<64x128xf32, #tpu.memory_space<vmem>>
      %dma_wait3A_553 = arith.constant 0 : i32
      %dma_wait3A_554 = tpu.memref_slice %arg2[%dma_wait3A_553, %multiple_of3A_146] : memref<64x100000xf32, #tpu.memory_space<hbm>> -> memref<64x128xf32, #tpu.memory_space<hbm>>
      %dma_wait3A_555 = tpu.memref_slice %arg14[%dma_wait3A_548] : memref<4x!tpu.dma_semaphore, #tpu.memory_space<semaphore_mem>> -> memref<1x!tpu.dma_semaphore, #tpu.memory_space<semaphore_mem>>
      %dma_wait3A_556 = tpu.memref_squeeze %dma_wait3A_555 : memref<1x!tpu.dma_semaphore, #tpu.memory_space<semaphore_mem>> -> memref<!tpu.dma_semaphore, #tpu.memory_space<semaphore_mem>>
      %dma_wait3A_557 = arith.constant 0 : i32
      %dma_wait3A_558 = arith.constant 0 : i32
      %dma_wait3A_559 = tpu.memref_slice %arg8[%dma_wait3A_547, %dma_wait3A_557, %dma_wait3A_558] : memref<4x64x128xf32, #tpu.memory_space<vmem>> -> memref<1x64x128xf32, #tpu.memory_space<vmem>>
      %dma_wait3A_560 = tpu.memref_squeeze %dma_wait3A_559 : memref<1x64x128xf32, #tpu.memory_space<vmem>> -> memref<64x128xf32, #tpu.memory_space<vmem>>
      %dma_wait3A_561 = arith.constant 0 : i32
      %dma_wait3A_562 = tpu.memref_slice %arg2[%dma_wait3A_561, %multiple_of3A_146] : memref<64x100000xf32, #tpu.memory_space<hbm>> -> memref<64x128xf32, #tpu.memory_space<hbm>>
      tpu.wait_dma2 semaphore(%dma_wait3A_556 : memref<!tpu.dma_semaphore, #tpu.memory_space<semaphore_mem>>) src(%dma_wait3A_562 : memref<64x128xf32, #tpu.memory_space<hbm>>) dst(%dma_wait3A_560 : memref<64x128xf32, #tpu.memory_space<vmem>>)
      %dma_wait3A_563 = arith.constant 2 : i32
      %dma_wait3A_564 = arith.constant 2 : i32
      %dma_wait3A_565 = arith.constant 0 : i32
      %dma_wait3A_566 = arith.constant 0 : i32
      %dma_wait3A_567 = tpu.memref_slice %arg9[%dma_wait3A_563, %dma_wait3A_565, %dma_wait3A_566] : memref<4x64x128xf32, #tpu.memory_space<vmem>> -> memref<1x64x128xf32, #tpu.memory_space<vmem>>
      %dma_wait3A_568 = tpu.memref_squeeze %dma_wait3A_567 : memref<1x64x128xf32, #tpu.memory_space<vmem>> -> memref<64x128xf32, #tpu.memory_space<vmem>>
      %dma_wait3A_569 = arith.constant 0 : i32
      %dma_wait3A_570 = tpu.memref_slice %arg3[%dma_wait3A_569, %multiple_of3A_146] : memref<64x100000xf32, #tpu.memory_space<hbm>> -> memref<64x128xf32, #tpu.memory_space<hbm>>
      %dma_wait3A_571 = tpu.memref_slice %arg15[%dma_wait3A_564] : memref<4x!tpu.dma_semaphore, #tpu.memory_space<semaphore_mem>> -> memref<1x!tpu.dma_semaphore, #tpu.memory_space<semaphore_mem>>
      %dma_wait3A_572 = tpu.memref_squeeze %dma_wait3A_571 : memref<1x!tpu.dma_semaphore, #tpu.memory_space<semaphore_mem>> -> memref<!tpu.dma_semaphore, #tpu.memory_space<semaphore_mem>>
      %dma_wait3A_573 = arith.constant 0 : i32
      %dma_wait3A_574 = arith.constant 0 : i32
      %dma_wait3A_575 = tpu.memref_slice %arg9[%dma_wait3A_563, %dma_wait3A_573, %dma_wait3A_574] : memref<4x64x128xf32, #tpu.memory_space<vmem>> -> memref<1x64x128xf32, #tpu.memory_space<vmem>>
      %dma_wait3A_576 = tpu.memref_squeeze %dma_wait3A_575 : memref<1x64x128xf32, #tpu.memory_space<vmem>> -> memref<64x128xf32, #tpu.memory_space<vmem>>
      %dma_wait3A_577 = arith.constant 0 : i32
      %dma_wait3A_578 = tpu.memref_slice %arg3[%dma_wait3A_577, %multiple_of3A_146] : memref<64x100000xf32, #tpu.memory_space<hbm>> -> memref<64x128xf32, #tpu.memory_space<hbm>>
      tpu.wait_dma2 semaphore(%dma_wait3A_572 : memref<!tpu.dma_semaphore, #tpu.memory_space<semaphore_mem>>) src(%dma_wait3A_578 : memref<64x128xf32, #tpu.memory_space<hbm>>) dst(%dma_wait3A_576 : memref<64x128xf32, #tpu.memory_space<vmem>>)
      %slice3A_579 = vector.extract_strided_slice %get3A_5 {offsets = [2], sizes = [1], strides = [1]} : vector<16xi32> to vector<1xi32>
      %squeeze3A_580 = vector.extract %slice3A_579[0] : i32 from vector<1xi32>
      %shift_right_arithmetic3A_581 = arith.constant 7 : i32
      %shift_right_arithmetic3A_582 = arith.shrsi %squeeze3A_580, %shift_right_arithmetic3A_581 : i32
      %ge3A_583 = arith.constant 781 : i32
      %ge3A_584 = arith.cmpi sge, %shift_right_arithmetic3A_582, %ge3A_583 : i32
      %broadcast_in_dim3A_585 = vector.broadcast %ge3A_584 : i1 to vector<16xi1>
      %and3A_586 = arith.constant 127 : i32
      %and3A_587 = arith.andi %squeeze3A_580, %and3A_586 : i32
      %broadcast_in_dim3A_588 = vector.broadcast %and3A_587 : i32 to vector<16xi32>
      %and3A_589 = arith.constant 127 : i32
      %and3A_590 = arith.andi %squeeze3A_580, %and3A_589 : i32
      %min3A_591 = arith.constant 31 : i32
      %min3A_592 = arith.minsi %and3A_590, %min3A_591 : i32
      %broadcast_in_dim3A_593 = vector.broadcast %min3A_592 : i32 to vector<16xi32>
      %broadcast_in_dim3A_594 = arith.constant 2 : i32
      %broadcast_in_dim3A_595 = vector.broadcast %broadcast_in_dim3A_594 : i32 to vector<16xi32>
      %add3A_596 = arith.constant 0 : i32
      %add3A_597 = vector.broadcast %add3A_596 : i32 to vector<16xi32>
      %add3A_598 = arith.addi %iota3A, %add3A_597 : vector<16xi32>
      %gather3A_599 = tpu.vector_load_idx %arg10[%add3A_598, %broadcast_in_dim3A_593] : memref<64x32xf32, #tpu.memory_space<vmem>>[vector<16xi32>, vector<16xi32>], vector<16xf32>,
      %gather3A_600 = arith.constant 2 : i32
      %gather3A_601 = arith.constant 0 : i32
      %gather3A_602 = arith.constant 0 : i32
      %gather3A_603 = tpu.memref_slice %arg8[%gather3A_600, %gather3A_601, %gather3A_602] : memref<4x64x128xf32, #tpu.memory_space<vmem>> -> memref<1x64x128xf32, #tpu.memory_space<vmem>>
      %gather3A_604 = tpu.memref_squeeze %gather3A_603 : memref<1x64x128xf32, #tpu.memory_space<vmem>> -> memref<64x128xf32, #tpu.memory_space<vmem>>
      %gather3A_605 = tpu.vector_load_idx %gather3A_604[%add3A_598, %broadcast_in_dim3A_588] : memref<64x128xf32, #tpu.memory_space<vmem>>[vector<16xi32>, vector<16xi32>], vector<16xf32>,
      %select_n3A_606 = arith.select %broadcast_in_dim3A_585, %gather3A_599, %gather3A_605 : vector<16xi1>, vector<16xf32>
      %gather3A_607 = tpu.vector_load_idx %arg11[%add3A_598, %broadcast_in_dim3A_593] : memref<64x32xf32, #tpu.memory_space<vmem>>[vector<16xi32>, vector<16xi32>], vector<16xf32>,
      %gather3A_608 = arith.constant 2 : i32
      %gather3A_609 = arith.constant 0 : i32
      %gather3A_610 = arith.constant 0 : i32
      %gather3A_611 = tpu.memref_slice %arg9[%gather3A_608, %gather3A_609, %gather3A_610] : memref<4x64x128xf32, #tpu.memory_space<vmem>> -> memref<1x64x128xf32, #tpu.memory_space<vmem>>
      %gather3A_612 = tpu.memref_squeeze %gather3A_611 : memref<1x64x128xf32, #tpu.memory_space<vmem>> -> memref<64x128xf32, #tpu.memory_space<vmem>>
      %gather3A_613 = tpu.vector_load_idx %gather3A_612[%add3A_598, %broadcast_in_dim3A_588] : memref<64x128xf32, #tpu.memory_space<vmem>>[vector<16xi32>, vector<16xi32>], vector<16xf32>,
      %select_n3A_614 = arith.select %broadcast_in_dim3A_585, %gather3A_607, %gather3A_613 : vector<16xi1>, vector<16xf32>
      tpu.vector_store_idx %arg12[%add3A_598, %broadcast_in_dim3A_595], %select_n3A_606 : memref<64x8xf32, #tpu.memory_space<vmem>>[vector<16xi32>, vector<16xi32>], vector<16xf32>,
      tpu.vector_store_idx %arg13[%add3A_598, %broadcast_in_dim3A_595], %select_n3A_614 : memref<64x8xf32, #tpu.memory_space<vmem>>[vector<16xi32>, vector<16xi32>], vector<16xf32>,
      %add3A_615 = arith.constant 16 : i32
      %add3A_616 = vector.broadcast %add3A_615 : i32 to vector<16xi32>
      %add3A_617 = arith.addi %iota3A, %add3A_616 : vector<16xi32>
      %gather3A_618 = tpu.vector_load_idx %arg10[%add3A_617, %broadcast_in_dim3A_593] : memref<64x32xf32, #tpu.memory_space<vmem>>[vector<16xi32>, vector<16xi32>], vector<16xf32>,
      %gather3A_619 = arith.constant 2 : i32
      %gather3A_620 = arith.constant 0 : i32
      %gather3A_621 = arith.constant 0 : i32
      %gather3A_622 = tpu.memref_slice %arg8[%gather3A_619, %gather3A_620, %gather3A_621] : memref<4x64x128xf32, #tpu.memory_space<vmem>> -> memref<1x64x128xf32, #tpu.memory_space<vmem>>
      %gather3A_623 = tpu.memref_squeeze %gather3A_622 : memref<1x64x128xf32, #tpu.memory_space<vmem>> -> memref<64x128xf32, #tpu.memory_space<vmem>>
      %gather3A_624 = tpu.vector_load_idx %gather3A_623[%add3A_617, %broadcast_in_dim3A_588] : memref<64x128xf32, #tpu.memory_space<vmem>>[vector<16xi32>, vector<16xi32>], vector<16xf32>,
      %select_n3A_625 = arith.select %broadcast_in_dim3A_585, %gather3A_618, %gather3A_624 : vector<16xi1>, vector<16xf32>
      %gather3A_626 = tpu.vector_load_idx %arg11[%add3A_617, %broadcast_in_dim3A_593] : memref<64x32xf32, #tpu.memory_space<vmem>>[vector<16xi32>, vector<16xi32>], vector<16xf32>,
      %gather3A_627 = arith.constant 2 : i32
      %gather3A_628 = arith.constant 0 : i32
      %gather3A_629 = arith.constant 0 : i32
      %gather3A_630 = tpu.memref_slice %arg9[%gather3A_627, %gather3A_628, %gather3A_629] : memref<4x64x128xf32, #tpu.memory_space<vmem>> -> memref<1x64x128xf32, #tpu.memory_space<vmem>>
      %gather3A_631 = tpu.memref_squeeze %gather3A_630 : memref<1x64x128xf32, #tpu.memory_space<vmem>> -> memref<64x128xf32, #tpu.memory_space<vmem>>
      %gather3A_632 = tpu.vector_load_idx %gather3A_631[%add3A_617, %broadcast_in_dim3A_588] : memref<64x128xf32, #tpu.memory_space<vmem>>[vector<16xi32>, vector<16xi32>], vector<16xf32>,
      %select_n3A_633 = arith.select %broadcast_in_dim3A_585, %gather3A_626, %gather3A_632 : vector<16xi1>, vector<16xf32>
      tpu.vector_store_idx %arg12[%add3A_617, %broadcast_in_dim3A_595], %select_n3A_625 : memref<64x8xf32, #tpu.memory_space<vmem>>[vector<16xi32>, vector<16xi32>], vector<16xf32>,
      tpu.vector_store_idx %arg13[%add3A_617, %broadcast_in_dim3A_595], %select_n3A_633 : memref<64x8xf32, #tpu.memory_space<vmem>>[vector<16xi32>, vector<16xi32>], vector<16xf32>,
      %add3A_634 = arith.constant 32 : i32
      %add3A_635 = vector.broadcast %add3A_634 : i32 to vector<16xi32>
      %add3A_636 = arith.addi %iota3A, %add3A_635 : vector<16xi32>
      %gather3A_637 = tpu.vector_load_idx %arg10[%add3A_636, %broadcast_in_dim3A_593] : memref<64x32xf32, #tpu.memory_space<vmem>>[vector<16xi32>, vector<16xi32>], vector<16xf32>,
      %gather3A_638 = arith.constant 2 : i32
      %gather3A_639 = arith.constant 0 : i32
      %gather3A_640 = arith.constant 0 : i32
      %gather3A_641 = tpu.memref_slice %arg8[%gather3A_638, %gather3A_639, %gather3A_640] : memref<4x64x128xf32, #tpu.memory_space<vmem>> -> memref<1x64x128xf32, #tpu.memory_space<vmem>>
      %gather3A_642 = tpu.memref_squeeze %gather3A_641 : memref<1x64x128xf32, #tpu.memory_space<vmem>> -> memref<64x128xf32, #tpu.memory_space<vmem>>
      %gather3A_643 = tpu.vector_load_idx %gather3A_642[%add3A_636, %broadcast_in_dim3A_588] : memref<64x128xf32, #tpu.memory_space<vmem>>[vector<16xi32>, vector<16xi32>], vector<16xf32>,
      %select_n3A_644 = arith.select %broadcast_in_dim3A_585, %gather3A_637, %gather3A_643 : vector<16xi1>, vector<16xf32>
      %gather3A_645 = tpu.vector_load_idx %arg11[%add3A_636, %broadcast_in_dim3A_593] : memref<64x32xf32, #tpu.memory_space<vmem>>[vector<16xi32>, vector<16xi32>], vector<16xf32>,
      %gather3A_646 = arith.constant 2 : i32
      %gather3A_647 = arith.constant 0 : i32
      %gather3A_648 = arith.constant 0 : i32
      %gather3A_649 = tpu.memref_slice %arg9[%gather3A_646, %gather3A_647, %gather3A_648] : memref<4x64x128xf32, #tpu.memory_space<vmem>> -> memref<1x64x128xf32, #tpu.memory_space<vmem>>
      %gather3A_650 = tpu.memref_squeeze %gather3A_649 : memref<1x64x128xf32, #tpu.memory_space<vmem>> -> memref<64x128xf32, #tpu.memory_space<vmem>>
      %gather3A_651 = tpu.vector_load_idx %gather3A_650[%add3A_636, %broadcast_in_dim3A_588] : memref<64x128xf32, #tpu.memory_space<vmem>>[vector<16xi32>, vector<16xi32>], vector<16xf32>,
      %select_n3A_652 = arith.select %broadcast_in_dim3A_585, %gather3A_645, %gather3A_651 : vector<16xi1>, vector<16xf32>
      tpu.vector_store_idx %arg12[%add3A_636, %broadcast_in_dim3A_595], %select_n3A_644 : memref<64x8xf32, #tpu.memory_space<vmem>>[vector<16xi32>, vector<16xi32>], vector<16xf32>,
      tpu.vector_store_idx %arg13[%add3A_636, %broadcast_in_dim3A_595], %select_n3A_652 : memref<64x8xf32, #tpu.memory_space<vmem>>[vector<16xi32>, vector<16xi32>], vector<16xf32>,
      %add3A_653 = arith.constant 48 : i32
      %add3A_654 = vector.broadcast %add3A_653 : i32 to vector<16xi32>
      %add3A_655 = arith.addi %iota3A, %add3A_654 : vector<16xi32>
      %gather3A_656 = tpu.vector_load_idx %arg10[%add3A_655, %broadcast_in_dim3A_593] : memref<64x32xf32, #tpu.memory_space<vmem>>[vector<16xi32>, vector<16xi32>], vector<16xf32>,
      %gather3A_657 = arith.constant 2 : i32
      %gather3A_658 = arith.constant 0 : i32
      %gather3A_659 = arith.constant 0 : i32
      %gather3A_660 = tpu.memref_slice %arg8[%gather3A_657, %gather3A_658, %gather3A_659] : memref<4x64x128xf32, #tpu.memory_space<vmem>> -> memref<1x64x128xf32, #tpu.memory_space<vmem>>
      %gather3A_661 = tpu.memref_squeeze %gather3A_660 : memref<1x64x128xf32, #tpu.memory_space<vmem>> -> memref<64x128xf32, #tpu.memory_space<vmem>>
      %gather3A_662 = tpu.vector_load_idx %gather3A_661[%add3A_655, %broadcast_in_dim3A_588] : memref<64x128xf32, #tpu.memory_space<vmem>>[vector<16xi32>, vector<16xi32>], vector<16xf32>,
      %select_n3A_663 = arith.select %broadcast_in_dim3A_585, %gather3A_656, %gather3A_662 : vector<16xi1>, vector<16xf32>
      %gather3A_664 = tpu.vector_load_idx %arg11[%add3A_655, %broadcast_in_dim3A_593] : memref<64x32xf32, #tpu.memory_space<vmem>>[vector<16xi32>, vector<16xi32>], vector<16xf32>,
      %gather3A_665 = arith.constant 2 : i32
      %gather3A_666 = arith.constant 0 : i32
      %gather3A_667 = arith.constant 0 : i32
      %gather3A_668 = tpu.memref_slice %arg9[%gather3A_665, %gather3A_666, %gather3A_667] : memref<4x64x128xf32, #tpu.memory_space<vmem>> -> memref<1x64x128xf32, #tpu.memory_space<vmem>>
      %gather3A_669 = tpu.memref_squeeze %gather3A_668 : memref<1x64x128xf32, #tpu.memory_space<vmem>> -> memref<64x128xf32, #tpu.memory_space<vmem>>
      %gather3A_670 = tpu.vector_load_idx %gather3A_669[%add3A_655, %broadcast_in_dim3A_588] : memref<64x128xf32, #tpu.memory_space<vmem>>[vector<16xi32>, vector<16xi32>], vector<16xf32>,
      %select_n3A_671 = arith.select %broadcast_in_dim3A_585, %gather3A_664, %gather3A_670 : vector<16xi1>, vector<16xf32>
      tpu.vector_store_idx %arg12[%add3A_655, %broadcast_in_dim3A_595], %select_n3A_663 : memref<64x8xf32, #tpu.memory_space<vmem>>[vector<16xi32>, vector<16xi32>], vector<16xf32>,
      tpu.vector_store_idx %arg13[%add3A_655, %broadcast_in_dim3A_595], %select_n3A_671 : memref<64x8xf32, #tpu.memory_space<vmem>>[vector<16xi32>, vector<16xi32>], vector<16xf32>,
      %slice3A_672 = vector.extract_strided_slice %get3A_5 {offsets = [6], sizes = [1], strides = [1]} : vector<16xi32> to vector<1xi32>
      %squeeze3A_673 = vector.extract %slice3A_672[0] : i32 from vector<1xi32>
      %shift_right_arithmetic3A_674 = arith.constant 7 : i32
      %shift_right_arithmetic3A_675 = arith.shrsi %squeeze3A_673, %shift_right_arithmetic3A_674 : i32
      %min3A_676 = arith.constant 780 : i32
      %min3A_677 = arith.minsi %shift_right_arithmetic3A_675, %min3A_676 : i32
      %mul3A_678 = arith.constant 128 : i32
      %mul3A_679 = arith.muli %min3A_677, %mul3A_678 : i32
      %multiple_of3A_680 = tpu.assume_multiple %mul3A_679, 128 : i32
      %dma_start3A_681 = arith.constant 2 : i32
      %dma_start3A_682 = arith.constant 2 : i32
      %dma_start3A_683 = arith.constant 0 : i32
      %dma_start3A_684 = arith.constant 0 : i32
      %dma_start3A_685 = tpu.memref_slice %arg8[%dma_start3A_681, %dma_start3A_683, %dma_start3A_684] : memref<4x64x128xf32, #tpu.memory_space<vmem>> -> memref<1x64x128xf32, #tpu.memory_space<vmem>>
      %dma_start3A_686 = tpu.memref_squeeze %dma_start3A_685 : memref<1x64x128xf32, #tpu.memory_space<vmem>> -> memref<64x128xf32, #tpu.memory_space<vmem>>
      %dma_start3A_687 = arith.constant 0 : i32
      %dma_start3A_688 = tpu.memref_slice %arg2[%dma_start3A_687, %multiple_of3A_680] : memref<64x100000xf32, #tpu.memory_space<hbm>> -> memref<64x128xf32, #tpu.memory_space<hbm>>
      %dma_start3A_689 = tpu.memref_slice %arg14[%dma_start3A_682] : memref<4x!tpu.dma_semaphore, #tpu.memory_space<semaphore_mem>> -> memref<1x!tpu.dma_semaphore, #tpu.memory_space<semaphore_mem>>
      %dma_start3A_690 = tpu.memref_squeeze %dma_start3A_689 : memref<1x!tpu.dma_semaphore, #tpu.memory_space<semaphore_mem>> -> memref<!tpu.dma_semaphore, #tpu.memory_space<semaphore_mem>>
      %dma_start3A_691 = arith.constant 0 : i32
      %dma_start3A_692 = arith.constant 0 : i32
      %dma_start3A_693 = tpu.memref_slice %arg8[%dma_start3A_681, %dma_start3A_691, %dma_start3A_692] : memref<4x64x128xf32, #tpu.memory_space<vmem>> -> memref<1x64x128xf32, #tpu.memory_space<vmem>>
      %dma_start3A_694 = tpu.memref_squeeze %dma_start3A_693 : memref<1x64x128xf32, #tpu.memory_space<vmem>> -> memref<64x128xf32, #tpu.memory_space<vmem>>
      %dma_start3A_695 = arith.constant 0 : i32
      %dma_start3A_696 = tpu.memref_slice %arg2[%dma_start3A_695, %multiple_of3A_680] : memref<64x100000xf32, #tpu.memory_space<hbm>> -> memref<64x128xf32, #tpu.memory_space<hbm>>
      tpu.enqueue_dma source(%dma_start3A_696 : memref<64x128xf32, #tpu.memory_space<hbm>>) target(%dma_start3A_694 : memref<64x128xf32, #tpu.memory_space<vmem>>) target_semaphore(%dma_start3A_690 : memref<!tpu.dma_semaphore, #tpu.memory_space<semaphore_mem>>)
      %dma_start3A_697 = arith.constant 2 : i32
      %dma_start3A_698 = arith.constant 2 : i32
      %dma_start3A_699 = arith.constant 0 : i32
      %dma_start3A_700 = arith.constant 0 : i32
      %dma_start3A_701 = tpu.memref_slice %arg9[%dma_start3A_697, %dma_start3A_699, %dma_start3A_700] : memref<4x64x128xf32, #tpu.memory_space<vmem>> -> memref<1x64x128xf32, #tpu.memory_space<vmem>>
      %dma_start3A_702 = tpu.memref_squeeze %dma_start3A_701 : memref<1x64x128xf32, #tpu.memory_space<vmem>> -> memref<64x128xf32, #tpu.memory_space<vmem>>
      %dma_start3A_703 = arith.constant 0 : i32
      %dma_start3A_704 = tpu.memref_slice %arg3[%dma_start3A_703, %multiple_of3A_680] : memref<64x100000xf32, #tpu.memory_space<hbm>> -> memref<64x128xf32, #tpu.memory_space<hbm>>
      %dma_start3A_705 = tpu.memref_slice %arg15[%dma_start3A_698] : memref<4x!tpu.dma_semaphore, #tpu.memory_space<semaphore_mem>> -> memref<1x!tpu.dma_semaphore, #tpu.memory_space<semaphore_mem>>
      %dma_start3A_706 = tpu.memref_squeeze %dma_start3A_705 : memref<1x!tpu.dma_semaphore, #tpu.memory_space<semaphore_mem>> -> memref<!tpu.dma_semaphore, #tpu.memory_space<semaphore_mem>>
      %dma_start3A_707 = arith.constant 0 : i32
      %dma_start3A_708 = arith.constant 0 : i32
      %dma_start3A_709 = tpu.memref_slice %arg9[%dma_start3A_697, %dma_start3A_707, %dma_start3A_708] : memref<4x64x128xf32, #tpu.memory_space<vmem>> -> memref<1x64x128xf32, #tpu.memory_space<vmem>>
      %dma_start3A_710 = tpu.memref_squeeze %dma_start3A_709 : memref<1x64x128xf32, #tpu.memory_space<vmem>> -> memref<64x128xf32, #tpu.memory_space<vmem>>
      %dma_start3A_711 = arith.constant 0 : i32
      %dma_start3A_712 = tpu.memref_slice %arg3[%dma_start3A_711, %multiple_of3A_680] : memref<64x100000xf32, #tpu.memory_space<hbm>> -> memref<64x128xf32, #tpu.memory_space<hbm>>
      tpu.enqueue_dma source(%dma_start3A_712 : memref<64x128xf32, #tpu.memory_space<hbm>>) target(%dma_start3A_710 : memref<64x128xf32, #tpu.memory_space<vmem>>) target_semaphore(%dma_start3A_706 : memref<!tpu.dma_semaphore, #tpu.memory_space<semaphore_mem>>)
      %dma_wait3A_713 = arith.constant 3 : i32
      %dma_wait3A_714 = arith.constant 3 : i32
      %dma_wait3A_715 = arith.constant 0 : i32
      %dma_wait3A_716 = arith.constant 0 : i32
      %dma_wait3A_717 = tpu.memref_slice %arg8[%dma_wait3A_713, %dma_wait3A_715, %dma_wait3A_716] : memref<4x64x128xf32, #tpu.memory_space<vmem>> -> memref<1x64x128xf32, #tpu.memory_space<vmem>>
      %dma_wait3A_718 = tpu.memref_squeeze %dma_wait3A_717 : memref<1x64x128xf32, #tpu.memory_space<vmem>> -> memref<64x128xf32, #tpu.memory_space<vmem>>
      %dma_wait3A_719 = arith.constant 0 : i32
      %dma_wait3A_720 = tpu.memref_slice %arg2[%dma_wait3A_719, %multiple_of3A_187] : memref<64x100000xf32, #tpu.memory_space<hbm>> -> memref<64x128xf32, #tpu.memory_space<hbm>>
      %dma_wait3A_721 = tpu.memref_slice %arg14[%dma_wait3A_714] : memref<4x!tpu.dma_semaphore, #tpu.memory_space<semaphore_mem>> -> memref<1x!tpu.dma_semaphore, #tpu.memory_space<semaphore_mem>>
      %dma_wait3A_722 = tpu.memref_squeeze %dma_wait3A_721 : memref<1x!tpu.dma_semaphore, #tpu.memory_space<semaphore_mem>> -> memref<!tpu.dma_semaphore, #tpu.memory_space<semaphore_mem>>
      %dma_wait3A_723 = arith.constant 0 : i32
      %dma_wait3A_724 = arith.constant 0 : i32
      %dma_wait3A_725 = tpu.memref_slice %arg8[%dma_wait3A_713, %dma_wait3A_723, %dma_wait3A_724] : memref<4x64x128xf32, #tpu.memory_space<vmem>> -> memref<1x64x128xf32, #tpu.memory_space<vmem>>
      %dma_wait3A_726 = tpu.memref_squeeze %dma_wait3A_725 : memref<1x64x128xf32, #tpu.memory_space<vmem>> -> memref<64x128xf32, #tpu.memory_space<vmem>>
      %dma_wait3A_727 = arith.constant 0 : i32
      %dma_wait3A_728 = tpu.memref_slice %arg2[%dma_wait3A_727, %multiple_of3A_187] : memref<64x100000xf32, #tpu.memory_space<hbm>> -> memref<64x128xf32, #tpu.memory_space<hbm>>
      tpu.wait_dma2 semaphore(%dma_wait3A_722 : memref<!tpu.dma_semaphore, #tpu.memory_space<semaphore_mem>>) src(%dma_wait3A_728 : memref<64x128xf32, #tpu.memory_space<hbm>>) dst(%dma_wait3A_726 : memref<64x128xf32, #tpu.memory_space<vmem>>)
      %dma_wait3A_729 = arith.constant 3 : i32
      %dma_wait3A_730 = arith.constant 3 : i32
      %dma_wait3A_731 = arith.constant 0 : i32
      %dma_wait3A_732 = arith.constant 0 : i32
      %dma_wait3A_733 = tpu.memref_slice %arg9[%dma_wait3A_729, %dma_wait3A_731, %dma_wait3A_732] : memref<4x64x128xf32, #tpu.memory_space<vmem>> -> memref<1x64x128xf32, #tpu.memory_space<vmem>>
      %dma_wait3A_734 = tpu.memref_squeeze %dma_wait3A_733 : memref<1x64x128xf32, #tpu.memory_space<vmem>> -> memref<64x128xf32, #tpu.memory_space<vmem>>
      %dma_wait3A_735 = arith.constant 0 : i32
      %dma_wait3A_736 = tpu.memref_slice %arg3[%dma_wait3A_735, %multiple_of3A_187] : memref<64x100000xf32, #tpu.memory_space<hbm>> -> memref<64x128xf32, #tpu.memory_space<hbm>>
      %dma_wait3A_737 = tpu.memref_slice %arg15[%dma_wait3A_730] : memref<4x!tpu.dma_semaphore, #tpu.memory_space<semaphore_mem>> -> memref<1x!tpu.dma_semaphore, #tpu.memory_space<semaphore_mem>>
      %dma_wait3A_738 = tpu.memref_squeeze %dma_wait3A_737 : memref<1x!tpu.dma_semaphore, #tpu.memory_space<semaphore_mem>> -> memref<!tpu.dma_semaphore, #tpu.memory_space<semaphore_mem>>
      %dma_wait3A_739 = arith.constant 0 : i32
      %dma_wait3A_740 = arith.constant 0 : i32
      %dma_wait3A_741 = tpu.memref_slice %arg9[%dma_wait3A_729, %dma_wait3A_739, %dma_wait3A_740] : memref<4x64x128xf32, #tpu.memory_space<vmem>> -> memref<1x64x128xf32, #tpu.memory_space<vmem>>
      %dma_wait3A_742 = tpu.memref_squeeze %dma_wait3A_741 : memref<1x64x128xf32, #tpu.memory_space<vmem>> -> memref<64x128xf32, #tpu.memory_space<vmem>>
      %dma_wait3A_743 = arith.constant 0 : i32
      %dma_wait3A_744 = tpu.memref_slice %arg3[%dma_wait3A_743, %multiple_of3A_187] : memref<64x100000xf32, #tpu.memory_space<hbm>> -> memref<64x128xf32, #tpu.memory_space<hbm>>
      tpu.wait_dma2 semaphore(%dma_wait3A_738 : memref<!tpu.dma_semaphore, #tpu.memory_space<semaphore_mem>>) src(%dma_wait3A_744 : memref<64x128xf32, #tpu.memory_space<hbm>>) dst(%dma_wait3A_742 : memref<64x128xf32, #tpu.memory_space<vmem>>)
      %slice3A_745 = vector.extract_strided_slice %get3A_5 {offsets = [3], sizes = [1], strides = [1]} : vector<16xi32> to vector<1xi32>
      %squeeze3A_746 = vector.extract %slice3A_745[0] : i32 from vector<1xi32>
      %shift_right_arithmetic3A_747 = arith.constant 7 : i32
      %shift_right_arithmetic3A_748 = arith.shrsi %squeeze3A_746, %shift_right_arithmetic3A_747 : i32
      %ge3A_749 = arith.constant 781 : i32
      %ge3A_750 = arith.cmpi sge, %shift_right_arithmetic3A_748, %ge3A_749 : i32
      %broadcast_in_dim3A_751 = vector.broadcast %ge3A_750 : i1 to vector<16xi1>
      %and3A_752 = arith.constant 127 : i32
      %and3A_753 = arith.andi %squeeze3A_746, %and3A_752 : i32
      %broadcast_in_dim3A_754 = vector.broadcast %and3A_753 : i32 to vector<16xi32>
      %and3A_755 = arith.constant 127 : i32
      %and3A_756 = arith.andi %squeeze3A_746, %and3A_755 : i32
      %min3A_757 = arith.constant 31 : i32
      %min3A_758 = arith.minsi %and3A_756, %min3A_757 : i32
      %broadcast_in_dim3A_759 = vector.broadcast %min3A_758 : i32 to vector<16xi32>
      %broadcast_in_dim3A_760 = arith.constant 3 : i32
      %broadcast_in_dim3A_761 = vector.broadcast %broadcast_in_dim3A_760 : i32 to vector<16xi32>
      %add3A_762 = arith.constant 0 : i32
      %add3A_763 = vector.broadcast %add3A_762 : i32 to vector<16xi32>
      %add3A_764 = arith.addi %iota3A, %add3A_763 : vector<16xi32>
      %gather3A_765 = tpu.vector_load_idx %arg10[%add3A_764, %broadcast_in_dim3A_759] : memref<64x32xf32, #tpu.memory_space<vmem>>[vector<16xi32>, vector<16xi32>], vector<16xf32>,
      %gather3A_766 = arith.constant 3 : i32
      %gather3A_767 = arith.constant 0 : i32
      %gather3A_768 = arith.constant 0 : i32
      %gather3A_769 = tpu.memref_slice %arg8[%gather3A_766, %gather3A_767, %gather3A_768] : memref<4x64x128xf32, #tpu.memory_space<vmem>> -> memref<1x64x128xf32, #tpu.memory_space<vmem>>
      %gather3A_770 = tpu.memref_squeeze %gather3A_769 : memref<1x64x128xf32, #tpu.memory_space<vmem>> -> memref<64x128xf32, #tpu.memory_space<vmem>>
      %gather3A_771 = tpu.vector_load_idx %gather3A_770[%add3A_764, %broadcast_in_dim3A_754] : memref<64x128xf32, #tpu.memory_space<vmem>>[vector<16xi32>, vector<16xi32>], vector<16xf32>,
      %select_n3A_772 = arith.select %broadcast_in_dim3A_751, %gather3A_765, %gather3A_771 : vector<16xi1>, vector<16xf32>
      %gather3A_773 = tpu.vector_load_idx %arg11[%add3A_764, %broadcast_in_dim3A_759] : memref<64x32xf32, #tpu.memory_space<vmem>>[vector<16xi32>, vector<16xi32>], vector<16xf32>,
      %gather3A_774 = arith.constant 3 : i32
      %gather3A_775 = arith.constant 0 : i32
      %gather3A_776 = arith.constant 0 : i32
      %gather3A_777 = tpu.memref_slice %arg9[%gather3A_774, %gather3A_775, %gather3A_776] : memref<4x64x128xf32, #tpu.memory_space<vmem>> -> memref<1x64x128xf32, #tpu.memory_space<vmem>>
      %gather3A_778 = tpu.memref_squeeze %gather3A_777 : memref<1x64x128xf32, #tpu.memory_space<vmem>> -> memref<64x128xf32, #tpu.memory_space<vmem>>
      %gather3A_779 = tpu.vector_load_idx %gather3A_778[%add3A_764, %broadcast_in_dim3A_754] : memref<64x128xf32, #tpu.memory_space<vmem>>[vector<16xi32>, vector<16xi32>], vector<16xf32>,
      %select_n3A_780 = arith.select %broadcast_in_dim3A_751, %gather3A_773, %gather3A_779 : vector<16xi1>, vector<16xf32>
      tpu.vector_store_idx %arg12[%add3A_764, %broadcast_in_dim3A_761], %select_n3A_772 : memref<64x8xf32, #tpu.memory_space<vmem>>[vector<16xi32>, vector<16xi32>], vector<16xf32>,
      tpu.vector_store_idx %arg13[%add3A_764, %broadcast_in_dim3A_761], %select_n3A_780 : memref<64x8xf32, #tpu.memory_space<vmem>>[vector<16xi32>, vector<16xi32>], vector<16xf32>,
      %add3A_781 = arith.constant 16 : i32
      %add3A_782 = vector.broadcast %add3A_781 : i32 to vector<16xi32>
      %add3A_783 = arith.addi %iota3A, %add3A_782 : vector<16xi32>
      %gather3A_784 = tpu.vector_load_idx %arg10[%add3A_783, %broadcast_in_dim3A_759] : memref<64x32xf32, #tpu.memory_space<vmem>>[vector<16xi32>, vector<16xi32>], vector<16xf32>,
      %gather3A_785 = arith.constant 3 : i32
      %gather3A_786 = arith.constant 0 : i32
      %gather3A_787 = arith.constant 0 : i32
      %gather3A_788 = tpu.memref_slice %arg8[%gather3A_785, %gather3A_786, %gather3A_787] : memref<4x64x128xf32, #tpu.memory_space<vmem>> -> memref<1x64x128xf32, #tpu.memory_space<vmem>>
      %gather3A_789 = tpu.memref_squeeze %gather3A_788 : memref<1x64x128xf32, #tpu.memory_space<vmem>> -> memref<64x128xf32, #tpu.memory_space<vmem>>
      %gather3A_790 = tpu.vector_load_idx %gather3A_789[%add3A_783, %broadcast_in_dim3A_754] : memref<64x128xf32, #tpu.memory_space<vmem>>[vector<16xi32>, vector<16xi32>], vector<16xf32>,
      %select_n3A_791 = arith.select %broadcast_in_dim3A_751, %gather3A_784, %gather3A_790 : vector<16xi1>, vector<16xf32>
      %gather3A_792 = tpu.vector_load_idx %arg11[%add3A_783, %broadcast_in_dim3A_759] : memref<64x32xf32, #tpu.memory_space<vmem>>[vector<16xi32>, vector<16xi32>], vector<16xf32>,
      %gather3A_793 = arith.constant 3 : i32
      %gather3A_794 = arith.constant 0 : i32
      %gather3A_795 = arith.constant 0 : i32
      %gather3A_796 = tpu.memref_slice %arg9[%gather3A_793, %gather3A_794, %gather3A_795] : memref<4x64x128xf32, #tpu.memory_space<vmem>> -> memref<1x64x128xf32, #tpu.memory_space<vmem>>
      %gather3A_797 = tpu.memref_squeeze %gather3A_796 : memref<1x64x128xf32, #tpu.memory_space<vmem>> -> memref<64x128xf32, #tpu.memory_space<vmem>>
      %gather3A_798 = tpu.vector_load_idx %gather3A_797[%add3A_783, %broadcast_in_dim3A_754] : memref<64x128xf32, #tpu.memory_space<vmem>>[vector<16xi32>, vector<16xi32>], vector<16xf32>,
      %select_n3A_799 = arith.select %broadcast_in_dim3A_751, %gather3A_792, %gather3A_798 : vector<16xi1>, vector<16xf32>
      tpu.vector_store_idx %arg12[%add3A_783, %broadcast_in_dim3A_761], %select_n3A_791 : memref<64x8xf32, #tpu.memory_space<vmem>>[vector<16xi32>, vector<16xi32>], vector<16xf32>,
      tpu.vector_store_idx %arg13[%add3A_783, %broadcast_in_dim3A_761], %select_n3A_799 : memref<64x8xf32, #tpu.memory_space<vmem>>[vector<16xi32>, vector<16xi32>], vector<16xf32>,
      %add3A_800 = arith.constant 32 : i32
      %add3A_801 = vector.broadcast %add3A_800 : i32 to vector<16xi32>
      %add3A_802 = arith.addi %iota3A, %add3A_801 : vector<16xi32>
      %gather3A_803 = tpu.vector_load_idx %arg10[%add3A_802, %broadcast_in_dim3A_759] : memref<64x32xf32, #tpu.memory_space<vmem>>[vector<16xi32>, vector<16xi32>], vector<16xf32>,
      %gather3A_804 = arith.constant 3 : i32
      %gather3A_805 = arith.constant 0 : i32
      %gather3A_806 = arith.constant 0 : i32
      %gather3A_807 = tpu.memref_slice %arg8[%gather3A_804, %gather3A_805, %gather3A_806] : memref<4x64x128xf32, #tpu.memory_space<vmem>> -> memref<1x64x128xf32, #tpu.memory_space<vmem>>
      %gather3A_808 = tpu.memref_squeeze %gather3A_807 : memref<1x64x128xf32, #tpu.memory_space<vmem>> -> memref<64x128xf32, #tpu.memory_space<vmem>>
      %gather3A_809 = tpu.vector_load_idx %gather3A_808[%add3A_802, %broadcast_in_dim3A_754] : memref<64x128xf32, #tpu.memory_space<vmem>>[vector<16xi32>, vector<16xi32>], vector<16xf32>,
      %select_n3A_810 = arith.select %broadcast_in_dim3A_751, %gather3A_803, %gather3A_809 : vector<16xi1>, vector<16xf32>
      %gather3A_811 = tpu.vector_load_idx %arg11[%add3A_802, %broadcast_in_dim3A_759] : memref<64x32xf32, #tpu.memory_space<vmem>>[vector<16xi32>, vector<16xi32>], vector<16xf32>,
      %gather3A_812 = arith.constant 3 : i32
      %gather3A_813 = arith.constant 0 : i32
      %gather3A_814 = arith.constant 0 : i32
      %gather3A_815 = tpu.memref_slice %arg9[%gather3A_812, %gather3A_813, %gather3A_814] : memref<4x64x128xf32, #tpu.memory_space<vmem>> -> memref<1x64x128xf32, #tpu.memory_space<vmem>>
      %gather3A_816 = tpu.memref_squeeze %gather3A_815 : memref<1x64x128xf32, #tpu.memory_space<vmem>> -> memref<64x128xf32, #tpu.memory_space<vmem>>
      %gather3A_817 = tpu.vector_load_idx %gather3A_816[%add3A_802, %broadcast_in_dim3A_754] : memref<64x128xf32, #tpu.memory_space<vmem>>[vector<16xi32>, vector<16xi32>], vector<16xf32>,
      %select_n3A_818 = arith.select %broadcast_in_dim3A_751, %gather3A_811, %gather3A_817 : vector<16xi1>, vector<16xf32>
      tpu.vector_store_idx %arg12[%add3A_802, %broadcast_in_dim3A_761], %select_n3A_810 : memref<64x8xf32, #tpu.memory_space<vmem>>[vector<16xi32>, vector<16xi32>], vector<16xf32>,
      tpu.vector_store_idx %arg13[%add3A_802, %broadcast_in_dim3A_761], %select_n3A_818 : memref<64x8xf32, #tpu.memory_space<vmem>>[vector<16xi32>, vector<16xi32>], vector<16xf32>,
      %add3A_819 = arith.constant 48 : i32
      %add3A_820 = vector.broadcast %add3A_819 : i32 to vector<16xi32>
      %add3A_821 = arith.addi %iota3A, %add3A_820 : vector<16xi32>
      %gather3A_822 = tpu.vector_load_idx %arg10[%add3A_821, %broadcast_in_dim3A_759] : memref<64x32xf32, #tpu.memory_space<vmem>>[vector<16xi32>, vector<16xi32>], vector<16xf32>,
      %gather3A_823 = arith.constant 3 : i32
      %gather3A_824 = arith.constant 0 : i32
      %gather3A_825 = arith.constant 0 : i32
      %gather3A_826 = tpu.memref_slice %arg8[%gather3A_823, %gather3A_824, %gather3A_825] : memref<4x64x128xf32, #tpu.memory_space<vmem>> -> memref<1x64x128xf32, #tpu.memory_space<vmem>>
      %gather3A_827 = tpu.memref_squeeze %gather3A_826 : memref<1x64x128xf32, #tpu.memory_space<vmem>> -> memref<64x128xf32, #tpu.memory_space<vmem>>
      %gather3A_828 = tpu.vector_load_idx %gather3A_827[%add3A_821, %broadcast_in_dim3A_754] : memref<64x128xf32, #tpu.memory_space<vmem>>[vector<16xi32>, vector<16xi32>], vector<16xf32>,
      %select_n3A_829 = arith.select %broadcast_in_dim3A_751, %gather3A_822, %gather3A_828 : vector<16xi1>, vector<16xf32>
      %gather3A_830 = tpu.vector_load_idx %arg11[%add3A_821, %broadcast_in_dim3A_759] : memref<64x32xf32, #tpu.memory_space<vmem>>[vector<16xi32>, vector<16xi32>], vector<16xf32>,
      %gather3A_831 = arith.constant 3 : i32
      %gather3A_832 = arith.constant 0 : i32
      %gather3A_833 = arith.constant 0 : i32
      %gather3A_834 = tpu.memref_slice %arg9[%gather3A_831, %gather3A_832, %gather3A_833] : memref<4x64x128xf32, #tpu.memory_space<vmem>> -> memref<1x64x128xf32, #tpu.memory_space<vmem>>
      %gather3A_835 = tpu.memref_squeeze %gather3A_834 : memref<1x64x128xf32, #tpu.memory_space<vmem>> -> memref<64x128xf32, #tpu.memory_space<vmem>>
      %gather3A_836 = tpu.vector_load_idx %gather3A_835[%add3A_821, %broadcast_in_dim3A_754] : memref<64x128xf32, #tpu.memory_space<vmem>>[vector<16xi32>, vector<16xi32>], vector<16xf32>,
      %select_n3A_837 = arith.select %broadcast_in_dim3A_751, %gather3A_830, %gather3A_836 : vector<16xi1>, vector<16xf32>
      tpu.vector_store_idx %arg12[%add3A_821, %broadcast_in_dim3A_761], %select_n3A_829 : memref<64x8xf32, #tpu.memory_space<vmem>>[vector<16xi32>, vector<16xi32>], vector<16xf32>,
      tpu.vector_store_idx %arg13[%add3A_821, %broadcast_in_dim3A_761], %select_n3A_837 : memref<64x8xf32, #tpu.memory_space<vmem>>[vector<16xi32>, vector<16xi32>], vector<16xf32>,
      %slice3A_838 = vector.extract_strided_slice %get3A_5 {offsets = [7], sizes = [1], strides = [1]} : vector<16xi32> to vector<1xi32>
      %squeeze3A_839 = vector.extract %slice3A_838[0] : i32 from vector<1xi32>
      %shift_right_arithmetic3A_840 = arith.constant 7 : i32
      %shift_right_arithmetic3A_841 = arith.shrsi %squeeze3A_839, %shift_right_arithmetic3A_840 : i32
      %min3A_842 = arith.constant 780 : i32
      %min3A_843 = arith.minsi %shift_right_arithmetic3A_841, %min3A_842 : i32
      %mul3A_844 = arith.constant 128 : i32
      %mul3A_845 = arith.muli %min3A_843, %mul3A_844 : i32
      %multiple_of3A_846 = tpu.assume_multiple %mul3A_845, 128 : i32
      %dma_start3A_847 = arith.constant 3 : i32
      %dma_start3A_848 = arith.constant 3 : i32
      %dma_start3A_849 = arith.constant 0 : i32
      %dma_start3A_850 = arith.constant 0 : i32
      %dma_start3A_851 = tpu.memref_slice %arg8[%dma_start3A_847, %dma_start3A_849, %dma_start3A_850] : memref<4x64x128xf32, #tpu.memory_space<vmem>> -> memref<1x64x128xf32, #tpu.memory_space<vmem>>
      %dma_start3A_852 = tpu.memref_squeeze %dma_start3A_851 : memref<1x64x128xf32, #tpu.memory_space<vmem>> -> memref<64x128xf32, #tpu.memory_space<vmem>>
      %dma_start3A_853 = arith.constant 0 : i32
      %dma_start3A_854 = tpu.memref_slice %arg2[%dma_start3A_853, %multiple_of3A_846] : memref<64x100000xf32, #tpu.memory_space<hbm>> -> memref<64x128xf32, #tpu.memory_space<hbm>>
      %dma_start3A_855 = tpu.memref_slice %arg14[%dma_start3A_848] : memref<4x!tpu.dma_semaphore, #tpu.memory_space<semaphore_mem>> -> memref<1x!tpu.dma_semaphore, #tpu.memory_space<semaphore_mem>>
      %dma_start3A_856 = tpu.memref_squeeze %dma_start3A_855 : memref<1x!tpu.dma_semaphore, #tpu.memory_space<semaphore_mem>> -> memref<!tpu.dma_semaphore, #tpu.memory_space<semaphore_mem>>
      %dma_start3A_857 = arith.constant 0 : i32
      %dma_start3A_858 = arith.constant 0 : i32
      %dma_start3A_859 = tpu.memref_slice %arg8[%dma_start3A_847, %dma_start3A_857, %dma_start3A_858] : memref<4x64x128xf32, #tpu.memory_space<vmem>> -> memref<1x64x128xf32, #tpu.memory_space<vmem>>
      %dma_start3A_860 = tpu.memref_squeeze %dma_start3A_859 : memref<1x64x128xf32, #tpu.memory_space<vmem>> -> memref<64x128xf32, #tpu.memory_space<vmem>>
      %dma_start3A_861 = arith.constant 0 : i32
      %dma_start3A_862 = tpu.memref_slice %arg2[%dma_start3A_861, %multiple_of3A_846] : memref<64x100000xf32, #tpu.memory_space<hbm>> -> memref<64x128xf32, #tpu.memory_space<hbm>>
      tpu.enqueue_dma source(%dma_start3A_862 : memref<64x128xf32, #tpu.memory_space<hbm>>) target(%dma_start3A_860 : memref<64x128xf32, #tpu.memory_space<vmem>>) target_semaphore(%dma_start3A_856 : memref<!tpu.dma_semaphore, #tpu.memory_space<semaphore_mem>>)
      %dma_start3A_863 = arith.constant 3 : i32
      %dma_start3A_864 = arith.constant 3 : i32
      %dma_start3A_865 = arith.constant 0 : i32
      %dma_start3A_866 = arith.constant 0 : i32
      %dma_start3A_867 = tpu.memref_slice %arg9[%dma_start3A_863, %dma_start3A_865, %dma_start3A_866] : memref<4x64x128xf32, #tpu.memory_space<vmem>> -> memref<1x64x128xf32, #tpu.memory_space<vmem>>
      %dma_start3A_868 = tpu.memref_squeeze %dma_start3A_867 : memref<1x64x128xf32, #tpu.memory_space<vmem>> -> memref<64x128xf32, #tpu.memory_space<vmem>>
      %dma_start3A_869 = arith.constant 0 : i32
      %dma_start3A_870 = tpu.memref_slice %arg3[%dma_start3A_869, %multiple_of3A_846] : memref<64x100000xf32, #tpu.memory_space<hbm>> -> memref<64x128xf32, #tpu.memory_space<hbm>>
      %dma_start3A_871 = tpu.memref_slice %arg15[%dma_start3A_864] : memref<4x!tpu.dma_semaphore, #tpu.memory_space<semaphore_mem>> -> memref<1x!tpu.dma_semaphore, #tpu.memory_space<semaphore_mem>>
      %dma_start3A_872 = tpu.memref_squeeze %dma_start3A_871 : memref<1x!tpu.dma_semaphore, #tpu.memory_space<semaphore_mem>> -> memref<!tpu.dma_semaphore, #tpu.memory_space<semaphore_mem>>
      %dma_start3A_873 = arith.constant 0 : i32
      %dma_start3A_874 = arith.constant 0 : i32
      %dma_start3A_875 = tpu.memref_slice %arg9[%dma_start3A_863, %dma_start3A_873, %dma_start3A_874] : memref<4x64x128xf32, #tpu.memory_space<vmem>> -> memref<1x64x128xf32, #tpu.memory_space<vmem>>
      %dma_start3A_876 = tpu.memref_squeeze %dma_start3A_875 : memref<1x64x128xf32, #tpu.memory_space<vmem>> -> memref<64x128xf32, #tpu.memory_space<vmem>>
      %dma_start3A_877 = arith.constant 0 : i32
      %dma_start3A_878 = tpu.memref_slice %arg3[%dma_start3A_877, %multiple_of3A_846] : memref<64x100000xf32, #tpu.memory_space<hbm>> -> memref<64x128xf32, #tpu.memory_space<hbm>>
      tpu.enqueue_dma source(%dma_start3A_878 : memref<64x128xf32, #tpu.memory_space<hbm>>) target(%dma_start3A_876 : memref<64x128xf32, #tpu.memory_space<vmem>>) target_semaphore(%dma_start3A_872 : memref<!tpu.dma_semaphore, #tpu.memory_space<semaphore_mem>>)
      %dma_wait3A_879 = arith.constant 0 : i32
      %dma_wait3A_880 = arith.constant 0 : i32
      %dma_wait3A_881 = arith.constant 0 : i32
      %dma_wait3A_882 = arith.constant 0 : i32
      %dma_wait3A_883 = tpu.memref_slice %arg8[%dma_wait3A_879, %dma_wait3A_881, %dma_wait3A_882] : memref<4x64x128xf32, #tpu.memory_space<vmem>> -> memref<1x64x128xf32, #tpu.memory_space<vmem>>
      %dma_wait3A_884 = tpu.memref_squeeze %dma_wait3A_883 : memref<1x64x128xf32, #tpu.memory_space<vmem>> -> memref<64x128xf32, #tpu.memory_space<vmem>>
      %dma_wait3A_885 = arith.constant 0 : i32
      %dma_wait3A_886 = tpu.memref_slice %arg2[%dma_wait3A_885, %multiple_of3A_348] : memref<64x100000xf32, #tpu.memory_space<hbm>> -> memref<64x128xf32, #tpu.memory_space<hbm>>
      %dma_wait3A_887 = tpu.memref_slice %arg14[%dma_wait3A_880] : memref<4x!tpu.dma_semaphore, #tpu.memory_space<semaphore_mem>> -> memref<1x!tpu.dma_semaphore, #tpu.memory_space<semaphore_mem>>
      %dma_wait3A_888 = tpu.memref_squeeze %dma_wait3A_887 : memref<1x!tpu.dma_semaphore, #tpu.memory_space<semaphore_mem>> -> memref<!tpu.dma_semaphore, #tpu.memory_space<semaphore_mem>>
      %dma_wait3A_889 = arith.constant 0 : i32
      %dma_wait3A_890 = arith.constant 0 : i32
      %dma_wait3A_891 = tpu.memref_slice %arg8[%dma_wait3A_879, %dma_wait3A_889, %dma_wait3A_890] : memref<4x64x128xf32, #tpu.memory_space<vmem>> -> memref<1x64x128xf32, #tpu.memory_space<vmem>>
      %dma_wait3A_892 = tpu.memref_squeeze %dma_wait3A_891 : memref<1x64x128xf32, #tpu.memory_space<vmem>> -> memref<64x128xf32, #tpu.memory_space<vmem>>
      %dma_wait3A_893 = arith.constant 0 : i32
      %dma_wait3A_894 = tpu.memref_slice %arg2[%dma_wait3A_893, %multiple_of3A_348] : memref<64x100000xf32, #tpu.memory_space<hbm>> -> memref<64x128xf32, #tpu.memory_space<hbm>>
      tpu.wait_dma2 semaphore(%dma_wait3A_888 : memref<!tpu.dma_semaphore, #tpu.memory_space<semaphore_mem>>) src(%dma_wait3A_894 : memref<64x128xf32, #tpu.memory_space<hbm>>) dst(%dma_wait3A_892 : memref<64x128xf32, #tpu.memory_space<vmem>>)
      %dma_wait3A_895 = arith.constant 0 : i32
      %dma_wait3A_896 = arith.constant 0 : i32
      %dma_wait3A_897 = arith.constant 0 : i32
      %dma_wait3A_898 = arith.constant 0 : i32
      %dma_wait3A_899 = tpu.memref_slice %arg9[%dma_wait3A_895, %dma_wait3A_897, %dma_wait3A_898] : memref<4x64x128xf32, #tpu.memory_space<vmem>> -> memref<1x64x128xf32, #tpu.memory_space<vmem>>
      %dma_wait3A_900 = tpu.memref_squeeze %dma_wait3A_899 : memref<1x64x128xf32, #tpu.memory_space<vmem>> -> memref<64x128xf32, #tpu.memory_space<vmem>>
      %dma_wait3A_901 = arith.constant 0 : i32
      %dma_wait3A_902 = tpu.memref_slice %arg3[%dma_wait3A_901, %multiple_of3A_348] : memref<64x100000xf32, #tpu.memory_space<hbm>> -> memref<64x128xf32, #tpu.memory_space<hbm>>
      %dma_wait3A_903 = tpu.memref_slice %arg15[%dma_wait3A_896] : memref<4x!tpu.dma_semaphore, #tpu.memory_space<semaphore_mem>> -> memref<1x!tpu.dma_semaphore, #tpu.memory_space<semaphore_mem>>
      %dma_wait3A_904 = tpu.memref_squeeze %dma_wait3A_903 : memref<1x!tpu.dma_semaphore, #tpu.memory_space<semaphore_mem>> -> memref<!tpu.dma_semaphore, #tpu.memory_space<semaphore_mem>>
      %dma_wait3A_905 = arith.constant 0 : i32
      %dma_wait3A_906 = arith.constant 0 : i32
      %dma_wait3A_907 = tpu.memref_slice %arg9[%dma_wait3A_895, %dma_wait3A_905, %dma_wait3A_906] : memref<4x64x128xf32, #tpu.memory_space<vmem>> -> memref<1x64x128xf32, #tpu.memory_space<vmem>>
      %dma_wait3A_908 = tpu.memref_squeeze %dma_wait3A_907 : memref<1x64x128xf32, #tpu.memory_space<vmem>> -> memref<64x128xf32, #tpu.memory_space<vmem>>
      %dma_wait3A_909 = arith.constant 0 : i32
      %dma_wait3A_910 = tpu.memref_slice %arg3[%dma_wait3A_909, %multiple_of3A_348] : memref<64x100000xf32, #tpu.memory_space<hbm>> -> memref<64x128xf32, #tpu.memory_space<hbm>>
      tpu.wait_dma2 semaphore(%dma_wait3A_904 : memref<!tpu.dma_semaphore, #tpu.memory_space<semaphore_mem>>) src(%dma_wait3A_910 : memref<64x128xf32, #tpu.memory_space<hbm>>) dst(%dma_wait3A_908 : memref<64x128xf32, #tpu.memory_space<vmem>>)
      %slice3A_911 = vector.extract_strided_slice %get3A_5 {offsets = [4], sizes = [1], strides = [1]} : vector<16xi32> to vector<1xi32>
      %squeeze3A_912 = vector.extract %slice3A_911[0] : i32 from vector<1xi32>
      %shift_right_arithmetic3A_913 = arith.constant 7 : i32
      %shift_right_arithmetic3A_914 = arith.shrsi %squeeze3A_912, %shift_right_arithmetic3A_913 : i32
      %ge3A_915 = arith.constant 781 : i32
      %ge3A_916 = arith.cmpi sge, %shift_right_arithmetic3A_914, %ge3A_915 : i32
      %broadcast_in_dim3A_917 = vector.broadcast %ge3A_916 : i1 to vector<16xi1>
      %and3A_918 = arith.constant 127 : i32
      %and3A_919 = arith.andi %squeeze3A_912, %and3A_918 : i32
      %broadcast_in_dim3A_920 = vector.broadcast %and3A_919 : i32 to vector<16xi32>
      %and3A_921 = arith.constant 127 : i32
      %and3A_922 = arith.andi %squeeze3A_912, %and3A_921 : i32
      %min3A_923 = arith.constant 31 : i32
      %min3A_924 = arith.minsi %and3A_922, %min3A_923 : i32
      %broadcast_in_dim3A_925 = vector.broadcast %min3A_924 : i32 to vector<16xi32>
      %broadcast_in_dim3A_926 = arith.constant 4 : i32
      %broadcast_in_dim3A_927 = vector.broadcast %broadcast_in_dim3A_926 : i32 to vector<16xi32>
      %add3A_928 = arith.constant 0 : i32
      %add3A_929 = vector.broadcast %add3A_928 : i32 to vector<16xi32>
      %add3A_930 = arith.addi %iota3A, %add3A_929 : vector<16xi32>
      %gather3A_931 = tpu.vector_load_idx %arg10[%add3A_930, %broadcast_in_dim3A_925] : memref<64x32xf32, #tpu.memory_space<vmem>>[vector<16xi32>, vector<16xi32>], vector<16xf32>,
      %gather3A_932 = arith.constant 0 : i32
      %gather3A_933 = arith.constant 0 : i32
      %gather3A_934 = arith.constant 0 : i32
      %gather3A_935 = tpu.memref_slice %arg8[%gather3A_932, %gather3A_933, %gather3A_934] : memref<4x64x128xf32, #tpu.memory_space<vmem>> -> memref<1x64x128xf32, #tpu.memory_space<vmem>>
      %gather3A_936 = tpu.memref_squeeze %gather3A_935 : memref<1x64x128xf32, #tpu.memory_space<vmem>> -> memref<64x128xf32, #tpu.memory_space<vmem>>
      %gather3A_937 = tpu.vector_load_idx %gather3A_936[%add3A_930, %broadcast_in_dim3A_920] : memref<64x128xf32, #tpu.memory_space<vmem>>[vector<16xi32>, vector<16xi32>], vector<16xf32>,
      %select_n3A_938 = arith.select %broadcast_in_dim3A_917, %gather3A_931, %gather3A_937 : vector<16xi1>, vector<16xf32>
      %gather3A_939 = tpu.vector_load_idx %arg11[%add3A_930, %broadcast_in_dim3A_925] : memref<64x32xf32, #tpu.memory_space<vmem>>[vector<16xi32>, vector<16xi32>], vector<16xf32>,
      %gather3A_940 = arith.constant 0 : i32
      %gather3A_941 = arith.constant 0 : i32
      %gather3A_942 = arith.constant 0 : i32
      %gather3A_943 = tpu.memref_slice %arg9[%gather3A_940, %gather3A_941, %gather3A_942] : memref<4x64x128xf32, #tpu.memory_space<vmem>> -> memref<1x64x128xf32, #tpu.memory_space<vmem>>
      %gather3A_944 = tpu.memref_squeeze %gather3A_943 : memref<1x64x128xf32, #tpu.memory_space<vmem>> -> memref<64x128xf32, #tpu.memory_space<vmem>>
      %gather3A_945 = tpu.vector_load_idx %gather3A_944[%add3A_930, %broadcast_in_dim3A_920] : memref<64x128xf32, #tpu.memory_space<vmem>>[vector<16xi32>, vector<16xi32>], vector<16xf32>,
      %select_n3A_946 = arith.select %broadcast_in_dim3A_917, %gather3A_939, %gather3A_945 : vector<16xi1>, vector<16xf32>
      tpu.vector_store_idx %arg12[%add3A_930, %broadcast_in_dim3A_927], %select_n3A_938 : memref<64x8xf32, #tpu.memory_space<vmem>>[vector<16xi32>, vector<16xi32>], vector<16xf32>,
      tpu.vector_store_idx %arg13[%add3A_930, %broadcast_in_dim3A_927], %select_n3A_946 : memref<64x8xf32, #tpu.memory_space<vmem>>[vector<16xi32>, vector<16xi32>], vector<16xf32>,
      %add3A_947 = arith.constant 16 : i32
      %add3A_948 = vector.broadcast %add3A_947 : i32 to vector<16xi32>
      %add3A_949 = arith.addi %iota3A, %add3A_948 : vector<16xi32>
      %gather3A_950 = tpu.vector_load_idx %arg10[%add3A_949, %broadcast_in_dim3A_925] : memref<64x32xf32, #tpu.memory_space<vmem>>[vector<16xi32>, vector<16xi32>], vector<16xf32>,
      %gather3A_951 = arith.constant 0 : i32
      %gather3A_952 = arith.constant 0 : i32
      %gather3A_953 = arith.constant 0 : i32
      %gather3A_954 = tpu.memref_slice %arg8[%gather3A_951, %gather3A_952, %gather3A_953] : memref<4x64x128xf32, #tpu.memory_space<vmem>> -> memref<1x64x128xf32, #tpu.memory_space<vmem>>
      %gather3A_955 = tpu.memref_squeeze %gather3A_954 : memref<1x64x128xf32, #tpu.memory_space<vmem>> -> memref<64x128xf32, #tpu.memory_space<vmem>>
      %gather3A_956 = tpu.vector_load_idx %gather3A_955[%add3A_949, %broadcast_in_dim3A_920] : memref<64x128xf32, #tpu.memory_space<vmem>>[vector<16xi32>, vector<16xi32>], vector<16xf32>,
      %select_n3A_957 = arith.select %broadcast_in_dim3A_917, %gather3A_950, %gather3A_956 : vector<16xi1>, vector<16xf32>
      %gather3A_958 = tpu.vector_load_idx %arg11[%add3A_949, %broadcast_in_dim3A_925] : memref<64x32xf32, #tpu.memory_space<vmem>>[vector<16xi32>, vector<16xi32>], vector<16xf32>,
      %gather3A_959 = arith.constant 0 : i32
      %gather3A_960 = arith.constant 0 : i32
      %gather3A_961 = arith.constant 0 : i32
      %gather3A_962 = tpu.memref_slice %arg9[%gather3A_959, %gather3A_960, %gather3A_961] : memref<4x64x128xf32, #tpu.memory_space<vmem>> -> memref<1x64x128xf32, #tpu.memory_space<vmem>>
      %gather3A_963 = tpu.memref_squeeze %gather3A_962 : memref<1x64x128xf32, #tpu.memory_space<vmem>> -> memref<64x128xf32, #tpu.memory_space<vmem>>
      %gather3A_964 = tpu.vector_load_idx %gather3A_963[%add3A_949, %broadcast_in_dim3A_920] : memref<64x128xf32, #tpu.memory_space<vmem>>[vector<16xi32>, vector<16xi32>], vector<16xf32>,
      %select_n3A_965 = arith.select %broadcast_in_dim3A_917, %gather3A_958, %gather3A_964 : vector<16xi1>, vector<16xf32>
      tpu.vector_store_idx %arg12[%add3A_949, %broadcast_in_dim3A_927], %select_n3A_957 : memref<64x8xf32, #tpu.memory_space<vmem>>[vector<16xi32>, vector<16xi32>], vector<16xf32>,
      tpu.vector_store_idx %arg13[%add3A_949, %broadcast_in_dim3A_927], %select_n3A_965 : memref<64x8xf32, #tpu.memory_space<vmem>>[vector<16xi32>, vector<16xi32>], vector<16xf32>,
      %add3A_966 = arith.constant 32 : i32
      %add3A_967 = vector.broadcast %add3A_966 : i32 to vector<16xi32>
      %add3A_968 = arith.addi %iota3A, %add3A_967 : vector<16xi32>
      %gather3A_969 = tpu.vector_load_idx %arg10[%add3A_968, %broadcast_in_dim3A_925] : memref<64x32xf32, #tpu.memory_space<vmem>>[vector<16xi32>, vector<16xi32>], vector<16xf32>,
      %gather3A_970 = arith.constant 0 : i32
      %gather3A_971 = arith.constant 0 : i32
      %gather3A_972 = arith.constant 0 : i32
      %gather3A_973 = tpu.memref_slice %arg8[%gather3A_970, %gather3A_971, %gather3A_972] : memref<4x64x128xf32, #tpu.memory_space<vmem>> -> memref<1x64x128xf32, #tpu.memory_space<vmem>>
      %gather3A_974 = tpu.memref_squeeze %gather3A_973 : memref<1x64x128xf32, #tpu.memory_space<vmem>> -> memref<64x128xf32, #tpu.memory_space<vmem>>
      %gather3A_975 = tpu.vector_load_idx %gather3A_974[%add3A_968, %broadcast_in_dim3A_920] : memref<64x128xf32, #tpu.memory_space<vmem>>[vector<16xi32>, vector<16xi32>], vector<16xf32>,
      %select_n3A_976 = arith.select %broadcast_in_dim3A_917, %gather3A_969, %gather3A_975 : vector<16xi1>, vector<16xf32>
      %gather3A_977 = tpu.vector_load_idx %arg11[%add3A_968, %broadcast_in_dim3A_925] : memref<64x32xf32, #tpu.memory_space<vmem>>[vector<16xi32>, vector<16xi32>], vector<16xf32>,
      %gather3A_978 = arith.constant 0 : i32
      %gather3A_979 = arith.constant 0 : i32
      %gather3A_980 = arith.constant 0 : i32
      %gather3A_981 = tpu.memref_slice %arg9[%gather3A_978, %gather3A_979, %gather3A_980] : memref<4x64x128xf32, #tpu.memory_space<vmem>> -> memref<1x64x128xf32, #tpu.memory_space<vmem>>
      %gather3A_982 = tpu.memref_squeeze %gather3A_981 : memref<1x64x128xf32, #tpu.memory_space<vmem>> -> memref<64x128xf32, #tpu.memory_space<vmem>>
      %gather3A_983 = tpu.vector_load_idx %gather3A_982[%add3A_968, %broadcast_in_dim3A_920] : memref<64x128xf32, #tpu.memory_space<vmem>>[vector<16xi32>, vector<16xi32>], vector<16xf32>,
      %select_n3A_984 = arith.select %broadcast_in_dim3A_917, %gather3A_977, %gather3A_983 : vector<16xi1>, vector<16xf32>
      tpu.vector_store_idx %arg12[%add3A_968, %broadcast_in_dim3A_927], %select_n3A_976 : memref<64x8xf32, #tpu.memory_space<vmem>>[vector<16xi32>, vector<16xi32>], vector<16xf32>,
      tpu.vector_store_idx %arg13[%add3A_968, %broadcast_in_dim3A_927], %select_n3A_984 : memref<64x8xf32, #tpu.memory_space<vmem>>[vector<16xi32>, vector<16xi32>], vector<16xf32>,
      %add3A_985 = arith.constant 48 : i32
      %add3A_986 = vector.broadcast %add3A_985 : i32 to vector<16xi32>
      %add3A_987 = arith.addi %iota3A, %add3A_986 : vector<16xi32>
      %gather3A_988 = tpu.vector_load_idx %arg10[%add3A_987, %broadcast_in_dim3A_925] : memref<64x32xf32, #tpu.memory_space<vmem>>[vector<16xi32>, vector<16xi32>], vector<16xf32>,
      %gather3A_989 = arith.constant 0 : i32
      %gather3A_990 = arith.constant 0 : i32
      %gather3A_991 = arith.constant 0 : i32
      %gather3A_992 = tpu.memref_slice %arg8[%gather3A_989, %gather3A_990, %gather3A_991] : memref<4x64x128xf32, #tpu.memory_space<vmem>> -> memref<1x64x128xf32, #tpu.memory_space<vmem>>
      %gather3A_993 = tpu.memref_squeeze %gather3A_992 : memref<1x64x128xf32, #tpu.memory_space<vmem>> -> memref<64x128xf32, #tpu.memory_space<vmem>>
      %gather3A_994 = tpu.vector_load_idx %gather3A_993[%add3A_987, %broadcast_in_dim3A_920] : memref<64x128xf32, #tpu.memory_space<vmem>>[vector<16xi32>, vector<16xi32>], vector<16xf32>,
      %select_n3A_995 = arith.select %broadcast_in_dim3A_917, %gather3A_988, %gather3A_994 : vector<16xi1>, vector<16xf32>
      %gather3A_996 = tpu.vector_load_idx %arg11[%add3A_987, %broadcast_in_dim3A_925] : memref<64x32xf32, #tpu.memory_space<vmem>>[vector<16xi32>, vector<16xi32>], vector<16xf32>,
      %gather3A_997 = arith.constant 0 : i32
      %gather3A_998 = arith.constant 0 : i32
      %gather3A_999 = arith.constant 0 : i32
      %gather3A_1000 = tpu.memref_slice %arg9[%gather3A_997, %gather3A_998, %gather3A_999] : memref<4x64x128xf32, #tpu.memory_space<vmem>> -> memref<1x64x128xf32, #tpu.memory_space<vmem>>
      %gather3A_1001 = tpu.memref_squeeze %gather3A_1000 : memref<1x64x128xf32, #tpu.memory_space<vmem>> -> memref<64x128xf32, #tpu.memory_space<vmem>>
      %gather3A_1002 = tpu.vector_load_idx %gather3A_1001[%add3A_987, %broadcast_in_dim3A_920] : memref<64x128xf32, #tpu.memory_space<vmem>>[vector<16xi32>, vector<16xi32>], vector<16xf32>,
      %select_n3A_1003 = arith.select %broadcast_in_dim3A_917, %gather3A_996, %gather3A_1002 : vector<16xi1>, vector<16xf32>
      tpu.vector_store_idx %arg12[%add3A_987, %broadcast_in_dim3A_927], %select_n3A_995 : memref<64x8xf32, #tpu.memory_space<vmem>>[vector<16xi32>, vector<16xi32>], vector<16xf32>,
      tpu.vector_store_idx %arg13[%add3A_987, %broadcast_in_dim3A_927], %select_n3A_1003 : memref<64x8xf32, #tpu.memory_space<vmem>>[vector<16xi32>, vector<16xi32>], vector<16xf32>,
      %dma_wait3A_1004 = arith.constant 1 : i32
      %dma_wait3A_1005 = arith.constant 1 : i32
      %dma_wait3A_1006 = arith.constant 0 : i32
      %dma_wait3A_1007 = arith.constant 0 : i32
      %dma_wait3A_1008 = tpu.memref_slice %arg8[%dma_wait3A_1004, %dma_wait3A_1006, %dma_wait3A_1007] : memref<4x64x128xf32, #tpu.memory_space<vmem>> -> memref<1x64x128xf32, #tpu.memory_space<vmem>>
      %dma_wait3A_1009 = tpu.memref_squeeze %dma_wait3A_1008 : memref<1x64x128xf32, #tpu.memory_space<vmem>> -> memref<64x128xf32, #tpu.memory_space<vmem>>
      %dma_wait3A_1010 = arith.constant 0 : i32
      %dma_wait3A_1011 = tpu.memref_slice %arg2[%dma_wait3A_1010, %multiple_of3A_514] : memref<64x100000xf32, #tpu.memory_space<hbm>> -> memref<64x128xf32, #tpu.memory_space<hbm>>
      %dma_wait3A_1012 = tpu.memref_slice %arg14[%dma_wait3A_1005] : memref<4x!tpu.dma_semaphore, #tpu.memory_space<semaphore_mem>> -> memref<1x!tpu.dma_semaphore, #tpu.memory_space<semaphore_mem>>
      %dma_wait3A_1013 = tpu.memref_squeeze %dma_wait3A_1012 : memref<1x!tpu.dma_semaphore, #tpu.memory_space<semaphore_mem>> -> memref<!tpu.dma_semaphore, #tpu.memory_space<semaphore_mem>>
      %dma_wait3A_1014 = arith.constant 0 : i32
      %dma_wait3A_1015 = arith.constant 0 : i32
      %dma_wait3A_1016 = tpu.memref_slice %arg8[%dma_wait3A_1004, %dma_wait3A_1014, %dma_wait3A_1015] : memref<4x64x128xf32, #tpu.memory_space<vmem>> -> memref<1x64x128xf32, #tpu.memory_space<vmem>>
      %dma_wait3A_1017 = tpu.memref_squeeze %dma_wait3A_1016 : memref<1x64x128xf32, #tpu.memory_space<vmem>> -> memref<64x128xf32, #tpu.memory_space<vmem>>
      %dma_wait3A_1018 = arith.constant 0 : i32
      %dma_wait3A_1019 = tpu.memref_slice %arg2[%dma_wait3A_1018, %multiple_of3A_514] : memref<64x100000xf32, #tpu.memory_space<hbm>> -> memref<64x128xf32, #tpu.memory_space<hbm>>
      tpu.wait_dma2 semaphore(%dma_wait3A_1013 : memref<!tpu.dma_semaphore, #tpu.memory_space<semaphore_mem>>) src(%dma_wait3A_1019 : memref<64x128xf32, #tpu.memory_space<hbm>>) dst(%dma_wait3A_1017 : memref<64x128xf32, #tpu.memory_space<vmem>>)
      %dma_wait3A_1020 = arith.constant 1 : i32
      %dma_wait3A_1021 = arith.constant 1 : i32
      %dma_wait3A_1022 = arith.constant 0 : i32
      %dma_wait3A_1023 = arith.constant 0 : i32
      %dma_wait3A_1024 = tpu.memref_slice %arg9[%dma_wait3A_1020, %dma_wait3A_1022, %dma_wait3A_1023] : memref<4x64x128xf32, #tpu.memory_space<vmem>> -> memref<1x64x128xf32, #tpu.memory_space<vmem>>
      %dma_wait3A_1025 = tpu.memref_squeeze %dma_wait3A_1024 : memref<1x64x128xf32, #tpu.memory_space<vmem>> -> memref<64x128xf32, #tpu.memory_space<vmem>>
      %dma_wait3A_1026 = arith.constant 0 : i32
      %dma_wait3A_1027 = tpu.memref_slice %arg3[%dma_wait3A_1026, %multiple_of3A_514] : memref<64x100000xf32, #tpu.memory_space<hbm>> -> memref<64x128xf32, #tpu.memory_space<hbm>>
      %dma_wait3A_1028 = tpu.memref_slice %arg15[%dma_wait3A_1021] : memref<4x!tpu.dma_semaphore, #tpu.memory_space<semaphore_mem>> -> memref<1x!tpu.dma_semaphore, #tpu.memory_space<semaphore_mem>>
      %dma_wait3A_1029 = tpu.memref_squeeze %dma_wait3A_1028 : memref<1x!tpu.dma_semaphore, #tpu.memory_space<semaphore_mem>> -> memref<!tpu.dma_semaphore, #tpu.memory_space<semaphore_mem>>
      %dma_wait3A_1030 = arith.constant 0 : i32
      %dma_wait3A_1031 = arith.constant 0 : i32
      %dma_wait3A_1032 = tpu.memref_slice %arg9[%dma_wait3A_1020, %dma_wait3A_1030, %dma_wait3A_1031] : memref<4x64x128xf32, #tpu.memory_space<vmem>> -> memref<1x64x128xf32, #tpu.memory_space<vmem>>
      %dma_wait3A_1033 = tpu.memref_squeeze %dma_wait3A_1032 : memref<1x64x128xf32, #tpu.memory_space<vmem>> -> memref<64x128xf32, #tpu.memory_space<vmem>>
      %dma_wait3A_1034 = arith.constant 0 : i32
      %dma_wait3A_1035 = tpu.memref_slice %arg3[%dma_wait3A_1034, %multiple_of3A_514] : memref<64x100000xf32, #tpu.memory_space<hbm>> -> memref<64x128xf32, #tpu.memory_space<hbm>>
      tpu.wait_dma2 semaphore(%dma_wait3A_1029 : memref<!tpu.dma_semaphore, #tpu.memory_space<semaphore_mem>>) src(%dma_wait3A_1035 : memref<64x128xf32, #tpu.memory_space<hbm>>) dst(%dma_wait3A_1033 : memref<64x128xf32, #tpu.memory_space<vmem>>)
      %slice3A_1036 = vector.extract_strided_slice %get3A_5 {offsets = [5], sizes = [1], strides = [1]} : vector<16xi32> to vector<1xi32>
      %squeeze3A_1037 = vector.extract %slice3A_1036[0] : i32 from vector<1xi32>
      %shift_right_arithmetic3A_1038 = arith.constant 7 : i32
      %shift_right_arithmetic3A_1039 = arith.shrsi %squeeze3A_1037, %shift_right_arithmetic3A_1038 : i32
      %ge3A_1040 = arith.constant 781 : i32
      %ge3A_1041 = arith.cmpi sge, %shift_right_arithmetic3A_1039, %ge3A_1040 : i32
      %broadcast_in_dim3A_1042 = vector.broadcast %ge3A_1041 : i1 to vector<16xi1>
      %and3A_1043 = arith.constant 127 : i32
      %and3A_1044 = arith.andi %squeeze3A_1037, %and3A_1043 : i32
      %broadcast_in_dim3A_1045 = vector.broadcast %and3A_1044 : i32 to vector<16xi32>
      %and3A_1046 = arith.constant 127 : i32
      %and3A_1047 = arith.andi %squeeze3A_1037, %and3A_1046 : i32
      %min3A_1048 = arith.constant 31 : i32
      %min3A_1049 = arith.minsi %and3A_1047, %min3A_1048 : i32
      %broadcast_in_dim3A_1050 = vector.broadcast %min3A_1049 : i32 to vector<16xi32>
      %broadcast_in_dim3A_1051 = arith.constant 5 : i32
      %broadcast_in_dim3A_1052 = vector.broadcast %broadcast_in_dim3A_1051 : i32 to vector<16xi32>
      %add3A_1053 = arith.constant 0 : i32
      %add3A_1054 = vector.broadcast %add3A_1053 : i32 to vector<16xi32>
      %add3A_1055 = arith.addi %iota3A, %add3A_1054 : vector<16xi32>
      %gather3A_1056 = tpu.vector_load_idx %arg10[%add3A_1055, %broadcast_in_dim3A_1050] : memref<64x32xf32, #tpu.memory_space<vmem>>[vector<16xi32>, vector<16xi32>], vector<16xf32>,
      %gather3A_1057 = arith.constant 1 : i32
      %gather3A_1058 = arith.constant 0 : i32
      %gather3A_1059 = arith.constant 0 : i32
      %gather3A_1060 = tpu.memref_slice %arg8[%gather3A_1057, %gather3A_1058, %gather3A_1059] : memref<4x64x128xf32, #tpu.memory_space<vmem>> -> memref<1x64x128xf32, #tpu.memory_space<vmem>>
      %gather3A_1061 = tpu.memref_squeeze %gather3A_1060 : memref<1x64x128xf32, #tpu.memory_space<vmem>> -> memref<64x128xf32, #tpu.memory_space<vmem>>
      %gather3A_1062 = tpu.vector_load_idx %gather3A_1061[%add3A_1055, %broadcast_in_dim3A_1045] : memref<64x128xf32, #tpu.memory_space<vmem>>[vector<16xi32>, vector<16xi32>], vector<16xf32>,
      %select_n3A_1063 = arith.select %broadcast_in_dim3A_1042, %gather3A_1056, %gather3A_1062 : vector<16xi1>, vector<16xf32>
      %gather3A_1064 = tpu.vector_load_idx %arg11[%add3A_1055, %broadcast_in_dim3A_1050] : memref<64x32xf32, #tpu.memory_space<vmem>>[vector<16xi32>, vector<16xi32>], vector<16xf32>,
      %gather3A_1065 = arith.constant 1 : i32
      %gather3A_1066 = arith.constant 0 : i32
      %gather3A_1067 = arith.constant 0 : i32
      %gather3A_1068 = tpu.memref_slice %arg9[%gather3A_1065, %gather3A_1066, %gather3A_1067] : memref<4x64x128xf32, #tpu.memory_space<vmem>> -> memref<1x64x128xf32, #tpu.memory_space<vmem>>
      %gather3A_1069 = tpu.memref_squeeze %gather3A_1068 : memref<1x64x128xf32, #tpu.memory_space<vmem>> -> memref<64x128xf32, #tpu.memory_space<vmem>>
      %gather3A_1070 = tpu.vector_load_idx %gather3A_1069[%add3A_1055, %broadcast_in_dim3A_1045] : memref<64x128xf32, #tpu.memory_space<vmem>>[vector<16xi32>, vector<16xi32>], vector<16xf32>,
      %select_n3A_1071 = arith.select %broadcast_in_dim3A_1042, %gather3A_1064, %gather3A_1070 : vector<16xi1>, vector<16xf32>
      tpu.vector_store_idx %arg12[%add3A_1055, %broadcast_in_dim3A_1052], %select_n3A_1063 : memref<64x8xf32, #tpu.memory_space<vmem>>[vector<16xi32>, vector<16xi32>], vector<16xf32>,
      tpu.vector_store_idx %arg13[%add3A_1055, %broadcast_in_dim3A_1052], %select_n3A_1071 : memref<64x8xf32, #tpu.memory_space<vmem>>[vector<16xi32>, vector<16xi32>], vector<16xf32>,
      %add3A_1072 = arith.constant 16 : i32
      %add3A_1073 = vector.broadcast %add3A_1072 : i32 to vector<16xi32>
      %add3A_1074 = arith.addi %iota3A, %add3A_1073 : vector<16xi32>
      %gather3A_1075 = tpu.vector_load_idx %arg10[%add3A_1074, %broadcast_in_dim3A_1050] : memref<64x32xf32, #tpu.memory_space<vmem>>[vector<16xi32>, vector<16xi32>], vector<16xf32>,
      %gather3A_1076 = arith.constant 1 : i32
      %gather3A_1077 = arith.constant 0 : i32
      %gather3A_1078 = arith.constant 0 : i32
      %gather3A_1079 = tpu.memref_slice %arg8[%gather3A_1076, %gather3A_1077, %gather3A_1078] : memref<4x64x128xf32, #tpu.memory_space<vmem>> -> memref<1x64x128xf32, #tpu.memory_space<vmem>>
      %gather3A_1080 = tpu.memref_squeeze %gather3A_1079 : memref<1x64x128xf32, #tpu.memory_space<vmem>> -> memref<64x128xf32, #tpu.memory_space<vmem>>
      %gather3A_1081 = tpu.vector_load_idx %gather3A_1080[%add3A_1074, %broadcast_in_dim3A_1045] : memref<64x128xf32, #tpu.memory_space<vmem>>[vector<16xi32>, vector<16xi32>], vector<16xf32>,
      %select_n3A_1082 = arith.select %broadcast_in_dim3A_1042, %gather3A_1075, %gather3A_1081 : vector<16xi1>, vector<16xf32>
      %gather3A_1083 = tpu.vector_load_idx %arg11[%add3A_1074, %broadcast_in_dim3A_1050] : memref<64x32xf32, #tpu.memory_space<vmem>>[vector<16xi32>, vector<16xi32>], vector<16xf32>,
      %gather3A_1084 = arith.constant 1 : i32
      %gather3A_1085 = arith.constant 0 : i32
      %gather3A_1086 = arith.constant 0 : i32
      %gather3A_1087 = tpu.memref_slice %arg9[%gather3A_1084, %gather3A_1085, %gather3A_1086] : memref<4x64x128xf32, #tpu.memory_space<vmem>> -> memref<1x64x128xf32, #tpu.memory_space<vmem>>
      %gather3A_1088 = tpu.memref_squeeze %gather3A_1087 : memref<1x64x128xf32, #tpu.memory_space<vmem>> -> memref<64x128xf32, #tpu.memory_space<vmem>>
      %gather3A_1089 = tpu.vector_load_idx %gather3A_1088[%add3A_1074, %broadcast_in_dim3A_1045] : memref<64x128xf32, #tpu.memory_space<vmem>>[vector<16xi32>, vector<16xi32>], vector<16xf32>,
      %select_n3A_1090 = arith.select %broadcast_in_dim3A_1042, %gather3A_1083, %gather3A_1089 : vector<16xi1>, vector<16xf32>
      tpu.vector_store_idx %arg12[%add3A_1074, %broadcast_in_dim3A_1052], %select_n3A_1082 : memref<64x8xf32, #tpu.memory_space<vmem>>[vector<16xi32>, vector<16xi32>], vector<16xf32>,
      tpu.vector_store_idx %arg13[%add3A_1074, %broadcast_in_dim3A_1052], %select_n3A_1090 : memref<64x8xf32, #tpu.memory_space<vmem>>[vector<16xi32>, vector<16xi32>], vector<16xf32>,
      %add3A_1091 = arith.constant 32 : i32
      %add3A_1092 = vector.broadcast %add3A_1091 : i32 to vector<16xi32>
      %add3A_1093 = arith.addi %iota3A, %add3A_1092 : vector<16xi32>
      %gather3A_1094 = tpu.vector_load_idx %arg10[%add3A_1093, %broadcast_in_dim3A_1050] : memref<64x32xf32, #tpu.memory_space<vmem>>[vector<16xi32>, vector<16xi32>], vector<16xf32>,
      %gather3A_1095 = arith.constant 1 : i32
      %gather3A_1096 = arith.constant 0 : i32
      %gather3A_1097 = arith.constant 0 : i32
      %gather3A_1098 = tpu.memref_slice %arg8[%gather3A_1095, %gather3A_1096, %gather3A_1097] : memref<4x64x128xf32, #tpu.memory_space<vmem>> -> memref<1x64x128xf32, #tpu.memory_space<vmem>>
      %gather3A_1099 = tpu.memref_squeeze %gather3A_1098 : memref<1x64x128xf32, #tpu.memory_space<vmem>> -> memref<64x128xf32, #tpu.memory_space<vmem>>
      %gather3A_1100 = tpu.vector_load_idx %gather3A_1099[%add3A_1093, %broadcast_in_dim3A_1045] : memref<64x128xf32, #tpu.memory_space<vmem>>[vector<16xi32>, vector<16xi32>], vector<16xf32>,
      %select_n3A_1101 = arith.select %broadcast_in_dim3A_1042, %gather3A_1094, %gather3A_1100 : vector<16xi1>, vector<16xf32>
      %gather3A_1102 = tpu.vector_load_idx %arg11[%add3A_1093, %broadcast_in_dim3A_1050] : memref<64x32xf32, #tpu.memory_space<vmem>>[vector<16xi32>, vector<16xi32>], vector<16xf32>,
      %gather3A_1103 = arith.constant 1 : i32
      %gather3A_1104 = arith.constant 0 : i32
      %gather3A_1105 = arith.constant 0 : i32
      %gather3A_1106 = tpu.memref_slice %arg9[%gather3A_1103, %gather3A_1104, %gather3A_1105] : memref<4x64x128xf32, #tpu.memory_space<vmem>> -> memref<1x64x128xf32, #tpu.memory_space<vmem>>
      %gather3A_1107 = tpu.memref_squeeze %gather3A_1106 : memref<1x64x128xf32, #tpu.memory_space<vmem>> -> memref<64x128xf32, #tpu.memory_space<vmem>>
      %gather3A_1108 = tpu.vector_load_idx %gather3A_1107[%add3A_1093, %broadcast_in_dim3A_1045] : memref<64x128xf32, #tpu.memory_space<vmem>>[vector<16xi32>, vector<16xi32>], vector<16xf32>,
      %select_n3A_1109 = arith.select %broadcast_in_dim3A_1042, %gather3A_1102, %gather3A_1108 : vector<16xi1>, vector<16xf32>
      tpu.vector_store_idx %arg12[%add3A_1093, %broadcast_in_dim3A_1052], %select_n3A_1101 : memref<64x8xf32, #tpu.memory_space<vmem>>[vector<16xi32>, vector<16xi32>], vector<16xf32>,
      tpu.vector_store_idx %arg13[%add3A_1093, %broadcast_in_dim3A_1052], %select_n3A_1109 : memref<64x8xf32, #tpu.memory_space<vmem>>[vector<16xi32>, vector<16xi32>], vector<16xf32>,
      %add3A_1110 = arith.constant 48 : i32
      %add3A_1111 = vector.broadcast %add3A_1110 : i32 to vector<16xi32>
      %add3A_1112 = arith.addi %iota3A, %add3A_1111 : vector<16xi32>
      %gather3A_1113 = tpu.vector_load_idx %arg10[%add3A_1112, %broadcast_in_dim3A_1050] : memref<64x32xf32, #tpu.memory_space<vmem>>[vector<16xi32>, vector<16xi32>], vector<16xf32>,
      %gather3A_1114 = arith.constant 1 : i32
      %gather3A_1115 = arith.constant 0 : i32
      %gather3A_1116 = arith.constant 0 : i32
      %gather3A_1117 = tpu.memref_slice %arg8[%gather3A_1114, %gather3A_1115, %gather3A_1116] : memref<4x64x128xf32, #tpu.memory_space<vmem>> -> memref<1x64x128xf32, #tpu.memory_space<vmem>>
      %gather3A_1118 = tpu.memref_squeeze %gather3A_1117 : memref<1x64x128xf32, #tpu.memory_space<vmem>> -> memref<64x128xf32, #tpu.memory_space<vmem>>
      %gather3A_1119 = tpu.vector_load_idx %gather3A_1118[%add3A_1112, %broadcast_in_dim3A_1045] : memref<64x128xf32, #tpu.memory_space<vmem>>[vector<16xi32>, vector<16xi32>], vector<16xf32>,
      %select_n3A_1120 = arith.select %broadcast_in_dim3A_1042, %gather3A_1113, %gather3A_1119 : vector<16xi1>, vector<16xf32>
      %gather3A_1121 = tpu.vector_load_idx %arg11[%add3A_1112, %broadcast_in_dim3A_1050] : memref<64x32xf32, #tpu.memory_space<vmem>>[vector<16xi32>, vector<16xi32>], vector<16xf32>,
      %gather3A_1122 = arith.constant 1 : i32
      %gather3A_1123 = arith.constant 0 : i32
      %gather3A_1124 = arith.constant 0 : i32
      %gather3A_1125 = tpu.memref_slice %arg9[%gather3A_1122, %gather3A_1123, %gather3A_1124] : memref<4x64x128xf32, #tpu.memory_space<vmem>> -> memref<1x64x128xf32, #tpu.memory_space<vmem>>
      %gather3A_1126 = tpu.memref_squeeze %gather3A_1125 : memref<1x64x128xf32, #tpu.memory_space<vmem>> -> memref<64x128xf32, #tpu.memory_space<vmem>>
      %gather3A_1127 = tpu.vector_load_idx %gather3A_1126[%add3A_1112, %broadcast_in_dim3A_1045] : memref<64x128xf32, #tpu.memory_space<vmem>>[vector<16xi32>, vector<16xi32>], vector<16xf32>,
      %select_n3A_1128 = arith.select %broadcast_in_dim3A_1042, %gather3A_1121, %gather3A_1127 : vector<16xi1>, vector<16xf32>
      tpu.vector_store_idx %arg12[%add3A_1112, %broadcast_in_dim3A_1052], %select_n3A_1120 : memref<64x8xf32, #tpu.memory_space<vmem>>[vector<16xi32>, vector<16xi32>], vector<16xf32>,
      tpu.vector_store_idx %arg13[%add3A_1112, %broadcast_in_dim3A_1052], %select_n3A_1128 : memref<64x8xf32, #tpu.memory_space<vmem>>[vector<16xi32>, vector<16xi32>], vector<16xf32>,
      %dma_wait3A_1129 = arith.constant 2 : i32
      %dma_wait3A_1130 = arith.constant 2 : i32
      %dma_wait3A_1131 = arith.constant 0 : i32
      %dma_wait3A_1132 = arith.constant 0 : i32
      %dma_wait3A_1133 = tpu.memref_slice %arg8[%dma_wait3A_1129, %dma_wait3A_1131, %dma_wait3A_1132] : memref<4x64x128xf32, #tpu.memory_space<vmem>> -> memref<1x64x128xf32, #tpu.memory_space<vmem>>
      %dma_wait3A_1134 = tpu.memref_squeeze %dma_wait3A_1133 : memref<1x64x128xf32, #tpu.memory_space<vmem>> -> memref<64x128xf32, #tpu.memory_space<vmem>>
      %dma_wait3A_1135 = arith.constant 0 : i32
      %dma_wait3A_1136 = tpu.memref_slice %arg2[%dma_wait3A_1135, %multiple_of3A_680] : memref<64x100000xf32, #tpu.memory_space<hbm>> -> memref<64x128xf32, #tpu.memory_space<hbm>>
      %dma_wait3A_1137 = tpu.memref_slice %arg14[%dma_wait3A_1130] : memref<4x!tpu.dma_semaphore, #tpu.memory_space<semaphore_mem>> -> memref<1x!tpu.dma_semaphore, #tpu.memory_space<semaphore_mem>>
      %dma_wait3A_1138 = tpu.memref_squeeze %dma_wait3A_1137 : memref<1x!tpu.dma_semaphore, #tpu.memory_space<semaphore_mem>> -> memref<!tpu.dma_semaphore, #tpu.memory_space<semaphore_mem>>
      %dma_wait3A_1139 = arith.constant 0 : i32
      %dma_wait3A_1140 = arith.constant 0 : i32
      %dma_wait3A_1141 = tpu.memref_slice %arg8[%dma_wait3A_1129, %dma_wait3A_1139, %dma_wait3A_1140] : memref<4x64x128xf32, #tpu.memory_space<vmem>> -> memref<1x64x128xf32, #tpu.memory_space<vmem>>
      %dma_wait3A_1142 = tpu.memref_squeeze %dma_wait3A_1141 : memref<1x64x128xf32, #tpu.memory_space<vmem>> -> memref<64x128xf32, #tpu.memory_space<vmem>>
      %dma_wait3A_1143 = arith.constant 0 : i32
      %dma_wait3A_1144 = tpu.memref_slice %arg2[%dma_wait3A_1143, %multiple_of3A_680] : memref<64x100000xf32, #tpu.memory_space<hbm>> -> memref<64x128xf32, #tpu.memory_space<hbm>>
      tpu.wait_dma2 semaphore(%dma_wait3A_1138 : memref<!tpu.dma_semaphore, #tpu.memory_space<semaphore_mem>>) src(%dma_wait3A_1144 : memref<64x128xf32, #tpu.memory_space<hbm>>) dst(%dma_wait3A_1142 : memref<64x128xf32, #tpu.memory_space<vmem>>)
      %dma_wait3A_1145 = arith.constant 2 : i32
      %dma_wait3A_1146 = arith.constant 2 : i32
      %dma_wait3A_1147 = arith.constant 0 : i32
      %dma_wait3A_1148 = arith.constant 0 : i32
      %dma_wait3A_1149 = tpu.memref_slice %arg9[%dma_wait3A_1145, %dma_wait3A_1147, %dma_wait3A_1148] : memref<4x64x128xf32, #tpu.memory_space<vmem>> -> memref<1x64x128xf32, #tpu.memory_space<vmem>>
      %dma_wait3A_1150 = tpu.memref_squeeze %dma_wait3A_1149 : memref<1x64x128xf32, #tpu.memory_space<vmem>> -> memref<64x128xf32, #tpu.memory_space<vmem>>
      %dma_wait3A_1151 = arith.constant 0 : i32
      %dma_wait3A_1152 = tpu.memref_slice %arg3[%dma_wait3A_1151, %multiple_of3A_680] : memref<64x100000xf32, #tpu.memory_space<hbm>> -> memref<64x128xf32, #tpu.memory_space<hbm>>
      %dma_wait3A_1153 = tpu.memref_slice %arg15[%dma_wait3A_1146] : memref<4x!tpu.dma_semaphore, #tpu.memory_space<semaphore_mem>> -> memref<1x!tpu.dma_semaphore, #tpu.memory_space<semaphore_mem>>
      %dma_wait3A_1154 = tpu.memref_squeeze %dma_wait3A_1153 : memref<1x!tpu.dma_semaphore, #tpu.memory_space<semaphore_mem>> -> memref<!tpu.dma_semaphore, #tpu.memory_space<semaphore_mem>>
      %dma_wait3A_1155 = arith.constant 0 : i32
      %dma_wait3A_1156 = arith.constant 0 : i32
      %dma_wait3A_1157 = tpu.memref_slice %arg9[%dma_wait3A_1145, %dma_wait3A_1155, %dma_wait3A_1156] : memref<4x64x128xf32, #tpu.memory_space<vmem>> -> memref<1x64x128xf32, #tpu.memory_space<vmem>>
      %dma_wait3A_1158 = tpu.memref_squeeze %dma_wait3A_1157 : memref<1x64x128xf32, #tpu.memory_space<vmem>> -> memref<64x128xf32, #tpu.memory_space<vmem>>
      %dma_wait3A_1159 = arith.constant 0 : i32
      %dma_wait3A_1160 = tpu.memref_slice %arg3[%dma_wait3A_1159, %multiple_of3A_680] : memref<64x100000xf32, #tpu.memory_space<hbm>> -> memref<64x128xf32, #tpu.memory_space<hbm>>
      tpu.wait_dma2 semaphore(%dma_wait3A_1154 : memref<!tpu.dma_semaphore, #tpu.memory_space<semaphore_mem>>) src(%dma_wait3A_1160 : memref<64x128xf32, #tpu.memory_space<hbm>>) dst(%dma_wait3A_1158 : memref<64x128xf32, #tpu.memory_space<vmem>>)
      %slice3A_1161 = vector.extract_strided_slice %get3A_5 {offsets = [6], sizes = [1], strides = [1]} : vector<16xi32> to vector<1xi32>
      %squeeze3A_1162 = vector.extract %slice3A_1161[0] : i32 from vector<1xi32>
      %shift_right_arithmetic3A_1163 = arith.constant 7 : i32
      %shift_right_arithmetic3A_1164 = arith.shrsi %squeeze3A_1162, %shift_right_arithmetic3A_1163 : i32
      %ge3A_1165 = arith.constant 781 : i32
      %ge3A_1166 = arith.cmpi sge, %shift_right_arithmetic3A_1164, %ge3A_1165 : i32
      %broadcast_in_dim3A_1167 = vector.broadcast %ge3A_1166 : i1 to vector<16xi1>
      %and3A_1168 = arith.constant 127 : i32
      %and3A_1169 = arith.andi %squeeze3A_1162, %and3A_1168 : i32
      %broadcast_in_dim3A_1170 = vector.broadcast %and3A_1169 : i32 to vector<16xi32>
      %and3A_1171 = arith.constant 127 : i32
      %and3A_1172 = arith.andi %squeeze3A_1162, %and3A_1171 : i32
      %min3A_1173 = arith.constant 31 : i32
      %min3A_1174 = arith.minsi %and3A_1172, %min3A_1173 : i32
      %broadcast_in_dim3A_1175 = vector.broadcast %min3A_1174 : i32 to vector<16xi32>
      %broadcast_in_dim3A_1176 = arith.constant 6 : i32
      %broadcast_in_dim3A_1177 = vector.broadcast %broadcast_in_dim3A_1176 : i32 to vector<16xi32>
      %add3A_1178 = arith.constant 0 : i32
      %add3A_1179 = vector.broadcast %add3A_1178 : i32 to vector<16xi32>
      %add3A_1180 = arith.addi %iota3A, %add3A_1179 : vector<16xi32>
      %gather3A_1181 = tpu.vector_load_idx %arg10[%add3A_1180, %broadcast_in_dim3A_1175] : memref<64x32xf32, #tpu.memory_space<vmem>>[vector<16xi32>, vector<16xi32>], vector<16xf32>,
      %gather3A_1182 = arith.constant 2 : i32
      %gather3A_1183 = arith.constant 0 : i32
      %gather3A_1184 = arith.constant 0 : i32
      %gather3A_1185 = tpu.memref_slice %arg8[%gather3A_1182, %gather3A_1183, %gather3A_1184] : memref<4x64x128xf32, #tpu.memory_space<vmem>> -> memref<1x64x128xf32, #tpu.memory_space<vmem>>
      %gather3A_1186 = tpu.memref_squeeze %gather3A_1185 : memref<1x64x128xf32, #tpu.memory_space<vmem>> -> memref<64x128xf32, #tpu.memory_space<vmem>>
      %gather3A_1187 = tpu.vector_load_idx %gather3A_1186[%add3A_1180, %broadcast_in_dim3A_1170] : memref<64x128xf32, #tpu.memory_space<vmem>>[vector<16xi32>, vector<16xi32>], vector<16xf32>,
      %select_n3A_1188 = arith.select %broadcast_in_dim3A_1167, %gather3A_1181, %gather3A_1187 : vector<16xi1>, vector<16xf32>
      %gather3A_1189 = tpu.vector_load_idx %arg11[%add3A_1180, %broadcast_in_dim3A_1175] : memref<64x32xf32, #tpu.memory_space<vmem>>[vector<16xi32>, vector<16xi32>], vector<16xf32>,
      %gather3A_1190 = arith.constant 2 : i32
      %gather3A_1191 = arith.constant 0 : i32
      %gather3A_1192 = arith.constant 0 : i32
      %gather3A_1193 = tpu.memref_slice %arg9[%gather3A_1190, %gather3A_1191, %gather3A_1192] : memref<4x64x128xf32, #tpu.memory_space<vmem>> -> memref<1x64x128xf32, #tpu.memory_space<vmem>>
      %gather3A_1194 = tpu.memref_squeeze %gather3A_1193 : memref<1x64x128xf32, #tpu.memory_space<vmem>> -> memref<64x128xf32, #tpu.memory_space<vmem>>
      %gather3A_1195 = tpu.vector_load_idx %gather3A_1194[%add3A_1180, %broadcast_in_dim3A_1170] : memref<64x128xf32, #tpu.memory_space<vmem>>[vector<16xi32>, vector<16xi32>], vector<16xf32>,
      %select_n3A_1196 = arith.select %broadcast_in_dim3A_1167, %gather3A_1189, %gather3A_1195 : vector<16xi1>, vector<16xf32>
      tpu.vector_store_idx %arg12[%add3A_1180, %broadcast_in_dim3A_1177], %select_n3A_1188 : memref<64x8xf32, #tpu.memory_space<vmem>>[vector<16xi32>, vector<16xi32>], vector<16xf32>,
      tpu.vector_store_idx %arg13[%add3A_1180, %broadcast_in_dim3A_1177], %select_n3A_1196 : memref<64x8xf32, #tpu.memory_space<vmem>>[vector<16xi32>, vector<16xi32>], vector<16xf32>,
      %add3A_1197 = arith.constant 16 : i32
      %add3A_1198 = vector.broadcast %add3A_1197 : i32 to vector<16xi32>
      %add3A_1199 = arith.addi %iota3A, %add3A_1198 : vector<16xi32>
      %gather3A_1200 = tpu.vector_load_idx %arg10[%add3A_1199, %broadcast_in_dim3A_1175] : memref<64x32xf32, #tpu.memory_space<vmem>>[vector<16xi32>, vector<16xi32>], vector<16xf32>,
      %gather3A_1201 = arith.constant 2 : i32
      %gather3A_1202 = arith.constant 0 : i32
      %gather3A_1203 = arith.constant 0 : i32
      %gather3A_1204 = tpu.memref_slice %arg8[%gather3A_1201, %gather3A_1202, %gather3A_1203] : memref<4x64x128xf32, #tpu.memory_space<vmem>> -> memref<1x64x128xf32, #tpu.memory_space<vmem>>
      %gather3A_1205 = tpu.memref_squeeze %gather3A_1204 : memref<1x64x128xf32, #tpu.memory_space<vmem>> -> memref<64x128xf32, #tpu.memory_space<vmem>>
      %gather3A_1206 = tpu.vector_load_idx %gather3A_1205[%add3A_1199, %broadcast_in_dim3A_1170] : memref<64x128xf32, #tpu.memory_space<vmem>>[vector<16xi32>, vector<16xi32>], vector<16xf32>,
      %select_n3A_1207 = arith.select %broadcast_in_dim3A_1167, %gather3A_1200, %gather3A_1206 : vector<16xi1>, vector<16xf32>
      %gather3A_1208 = tpu.vector_load_idx %arg11[%add3A_1199, %broadcast_in_dim3A_1175] : memref<64x32xf32, #tpu.memory_space<vmem>>[vector<16xi32>, vector<16xi32>], vector<16xf32>,
      %gather3A_1209 = arith.constant 2 : i32
      %gather3A_1210 = arith.constant 0 : i32
      %gather3A_1211 = arith.constant 0 : i32
      %gather3A_1212 = tpu.memref_slice %arg9[%gather3A_1209, %gather3A_1210, %gather3A_1211] : memref<4x64x128xf32, #tpu.memory_space<vmem>> -> memref<1x64x128xf32, #tpu.memory_space<vmem>>
      %gather3A_1213 = tpu.memref_squeeze %gather3A_1212 : memref<1x64x128xf32, #tpu.memory_space<vmem>> -> memref<64x128xf32, #tpu.memory_space<vmem>>
      %gather3A_1214 = tpu.vector_load_idx %gather3A_1213[%add3A_1199, %broadcast_in_dim3A_1170] : memref<64x128xf32, #tpu.memory_space<vmem>>[vector<16xi32>, vector<16xi32>], vector<16xf32>,
      %select_n3A_1215 = arith.select %broadcast_in_dim3A_1167, %gather3A_1208, %gather3A_1214 : vector<16xi1>, vector<16xf32>
      tpu.vector_store_idx %arg12[%add3A_1199, %broadcast_in_dim3A_1177], %select_n3A_1207 : memref<64x8xf32, #tpu.memory_space<vmem>>[vector<16xi32>, vector<16xi32>], vector<16xf32>,
      tpu.vector_store_idx %arg13[%add3A_1199, %broadcast_in_dim3A_1177], %select_n3A_1215 : memref<64x8xf32, #tpu.memory_space<vmem>>[vector<16xi32>, vector<16xi32>], vector<16xf32>,
      %add3A_1216 = arith.constant 32 : i32
      %add3A_1217 = vector.broadcast %add3A_1216 : i32 to vector<16xi32>
      %add3A_1218 = arith.addi %iota3A, %add3A_1217 : vector<16xi32>
      %gather3A_1219 = tpu.vector_load_idx %arg10[%add3A_1218, %broadcast_in_dim3A_1175] : memref<64x32xf32, #tpu.memory_space<vmem>>[vector<16xi32>, vector<16xi32>], vector<16xf32>,
      %gather3A_1220 = arith.constant 2 : i32
      %gather3A_1221 = arith.constant 0 : i32
      %gather3A_1222 = arith.constant 0 : i32
      %gather3A_1223 = tpu.memref_slice %arg8[%gather3A_1220, %gather3A_1221, %gather3A_1222] : memref<4x64x128xf32, #tpu.memory_space<vmem>> -> memref<1x64x128xf32, #tpu.memory_space<vmem>>
      %gather3A_1224 = tpu.memref_squeeze %gather3A_1223 : memref<1x64x128xf32, #tpu.memory_space<vmem>> -> memref<64x128xf32, #tpu.memory_space<vmem>>
      %gather3A_1225 = tpu.vector_load_idx %gather3A_1224[%add3A_1218, %broadcast_in_dim3A_1170] : memref<64x128xf32, #tpu.memory_space<vmem>>[vector<16xi32>, vector<16xi32>], vector<16xf32>,
      %select_n3A_1226 = arith.select %broadcast_in_dim3A_1167, %gather3A_1219, %gather3A_1225 : vector<16xi1>, vector<16xf32>
      %gather3A_1227 = tpu.vector_load_idx %arg11[%add3A_1218, %broadcast_in_dim3A_1175] : memref<64x32xf32, #tpu.memory_space<vmem>>[vector<16xi32>, vector<16xi32>], vector<16xf32>,
      %gather3A_1228 = arith.constant 2 : i32
      %gather3A_1229 = arith.constant 0 : i32
      %gather3A_1230 = arith.constant 0 : i32
      %gather3A_1231 = tpu.memref_slice %arg9[%gather3A_1228, %gather3A_1229, %gather3A_1230] : memref<4x64x128xf32, #tpu.memory_space<vmem>> -> memref<1x64x128xf32, #tpu.memory_space<vmem>>
      %gather3A_1232 = tpu.memref_squeeze %gather3A_1231 : memref<1x64x128xf32, #tpu.memory_space<vmem>> -> memref<64x128xf32, #tpu.memory_space<vmem>>
      %gather3A_1233 = tpu.vector_load_idx %gather3A_1232[%add3A_1218, %broadcast_in_dim3A_1170] : memref<64x128xf32, #tpu.memory_space<vmem>>[vector<16xi32>, vector<16xi32>], vector<16xf32>,
      %select_n3A_1234 = arith.select %broadcast_in_dim3A_1167, %gather3A_1227, %gather3A_1233 : vector<16xi1>, vector<16xf32>
      tpu.vector_store_idx %arg12[%add3A_1218, %broadcast_in_dim3A_1177], %select_n3A_1226 : memref<64x8xf32, #tpu.memory_space<vmem>>[vector<16xi32>, vector<16xi32>], vector<16xf32>,
      tpu.vector_store_idx %arg13[%add3A_1218, %broadcast_in_dim3A_1177], %select_n3A_1234 : memref<64x8xf32, #tpu.memory_space<vmem>>[vector<16xi32>, vector<16xi32>], vector<16xf32>,
      %add3A_1235 = arith.constant 48 : i32
      %add3A_1236 = vector.broadcast %add3A_1235 : i32 to vector<16xi32>
      %add3A_1237 = arith.addi %iota3A, %add3A_1236 : vector<16xi32>
      %gather3A_1238 = tpu.vector_load_idx %arg10[%add3A_1237, %broadcast_in_dim3A_1175] : memref<64x32xf32, #tpu.memory_space<vmem>>[vector<16xi32>, vector<16xi32>], vector<16xf32>,
      %gather3A_1239 = arith.constant 2 : i32
      %gather3A_1240 = arith.constant 0 : i32
      %gather3A_1241 = arith.constant 0 : i32
      %gather3A_1242 = tpu.memref_slice %arg8[%gather3A_1239, %gather3A_1240, %gather3A_1241] : memref<4x64x128xf32, #tpu.memory_space<vmem>> -> memref<1x64x128xf32, #tpu.memory_space<vmem>>
      %gather3A_1243 = tpu.memref_squeeze %gather3A_1242 : memref<1x64x128xf32, #tpu.memory_space<vmem>> -> memref<64x128xf32, #tpu.memory_space<vmem>>
      %gather3A_1244 = tpu.vector_load_idx %gather3A_1243[%add3A_1237, %broadcast_in_dim3A_1170] : memref<64x128xf32, #tpu.memory_space<vmem>>[vector<16xi32>, vector<16xi32>], vector<16xf32>,
      %select_n3A_1245 = arith.select %broadcast_in_dim3A_1167, %gather3A_1238, %gather3A_1244 : vector<16xi1>, vector<16xf32>
      %gather3A_1246 = tpu.vector_load_idx %arg11[%add3A_1237, %broadcast_in_dim3A_1175] : memref<64x32xf32, #tpu.memory_space<vmem>>[vector<16xi32>, vector<16xi32>], vector<16xf32>,
      %gather3A_1247 = arith.constant 2 : i32
      %gather3A_1248 = arith.constant 0 : i32
      %gather3A_1249 = arith.constant 0 : i32
      %gather3A_1250 = tpu.memref_slice %arg9[%gather3A_1247, %gather3A_1248, %gather3A_1249] : memref<4x64x128xf32, #tpu.memory_space<vmem>> -> memref<1x64x128xf32, #tpu.memory_space<vmem>>
      %gather3A_1251 = tpu.memref_squeeze %gather3A_1250 : memref<1x64x128xf32, #tpu.memory_space<vmem>> -> memref<64x128xf32, #tpu.memory_space<vmem>>
      %gather3A_1252 = tpu.vector_load_idx %gather3A_1251[%add3A_1237, %broadcast_in_dim3A_1170] : memref<64x128xf32, #tpu.memory_space<vmem>>[vector<16xi32>, vector<16xi32>], vector<16xf32>,
      %select_n3A_1253 = arith.select %broadcast_in_dim3A_1167, %gather3A_1246, %gather3A_1252 : vector<16xi1>, vector<16xf32>
      tpu.vector_store_idx %arg12[%add3A_1237, %broadcast_in_dim3A_1177], %select_n3A_1245 : memref<64x8xf32, #tpu.memory_space<vmem>>[vector<16xi32>, vector<16xi32>], vector<16xf32>,
      tpu.vector_store_idx %arg13[%add3A_1237, %broadcast_in_dim3A_1177], %select_n3A_1253 : memref<64x8xf32, #tpu.memory_space<vmem>>[vector<16xi32>, vector<16xi32>], vector<16xf32>,
      %dma_wait3A_1254 = arith.constant 3 : i32
      %dma_wait3A_1255 = arith.constant 3 : i32
      %dma_wait3A_1256 = arith.constant 0 : i32
      %dma_wait3A_1257 = arith.constant 0 : i32
      %dma_wait3A_1258 = tpu.memref_slice %arg8[%dma_wait3A_1254, %dma_wait3A_1256, %dma_wait3A_1257] : memref<4x64x128xf32, #tpu.memory_space<vmem>> -> memref<1x64x128xf32, #tpu.memory_space<vmem>>
      %dma_wait3A_1259 = tpu.memref_squeeze %dma_wait3A_1258 : memref<1x64x128xf32, #tpu.memory_space<vmem>> -> memref<64x128xf32, #tpu.memory_space<vmem>>
      %dma_wait3A_1260 = arith.constant 0 : i32
      %dma_wait3A_1261 = tpu.memref_slice %arg2[%dma_wait3A_1260, %multiple_of3A_846] : memref<64x100000xf32, #tpu.memory_space<hbm>> -> memref<64x128xf32, #tpu.memory_space<hbm>>
      %dma_wait3A_1262 = tpu.memref_slice %arg14[%dma_wait3A_1255] : memref<4x!tpu.dma_semaphore, #tpu.memory_space<semaphore_mem>> -> memref<1x!tpu.dma_semaphore, #tpu.memory_space<semaphore_mem>>
      %dma_wait3A_1263 = tpu.memref_squeeze %dma_wait3A_1262 : memref<1x!tpu.dma_semaphore, #tpu.memory_space<semaphore_mem>> -> memref<!tpu.dma_semaphore, #tpu.memory_space<semaphore_mem>>
      %dma_wait3A_1264 = arith.constant 0 : i32
      %dma_wait3A_1265 = arith.constant 0 : i32
      %dma_wait3A_1266 = tpu.memref_slice %arg8[%dma_wait3A_1254, %dma_wait3A_1264, %dma_wait3A_1265] : memref<4x64x128xf32, #tpu.memory_space<vmem>> -> memref<1x64x128xf32, #tpu.memory_space<vmem>>
      %dma_wait3A_1267 = tpu.memref_squeeze %dma_wait3A_1266 : memref<1x64x128xf32, #tpu.memory_space<vmem>> -> memref<64x128xf32, #tpu.memory_space<vmem>>
      %dma_wait3A_1268 = arith.constant 0 : i32
      %dma_wait3A_1269 = tpu.memref_slice %arg2[%dma_wait3A_1268, %multiple_of3A_846] : memref<64x100000xf32, #tpu.memory_space<hbm>> -> memref<64x128xf32, #tpu.memory_space<hbm>>
      tpu.wait_dma2 semaphore(%dma_wait3A_1263 : memref<!tpu.dma_semaphore, #tpu.memory_space<semaphore_mem>>) src(%dma_wait3A_1269 : memref<64x128xf32, #tpu.memory_space<hbm>>) dst(%dma_wait3A_1267 : memref<64x128xf32, #tpu.memory_space<vmem>>)
      %dma_wait3A_1270 = arith.constant 3 : i32
      %dma_wait3A_1271 = arith.constant 3 : i32
      %dma_wait3A_1272 = arith.constant 0 : i32
      %dma_wait3A_1273 = arith.constant 0 : i32
      %dma_wait3A_1274 = tpu.memref_slice %arg9[%dma_wait3A_1270, %dma_wait3A_1272, %dma_wait3A_1273] : memref<4x64x128xf32, #tpu.memory_space<vmem>> -> memref<1x64x128xf32, #tpu.memory_space<vmem>>
      %dma_wait3A_1275 = tpu.memref_squeeze %dma_wait3A_1274 : memref<1x64x128xf32, #tpu.memory_space<vmem>> -> memref<64x128xf32, #tpu.memory_space<vmem>>
      %dma_wait3A_1276 = arith.constant 0 : i32
      %dma_wait3A_1277 = tpu.memref_slice %arg3[%dma_wait3A_1276, %multiple_of3A_846] : memref<64x100000xf32, #tpu.memory_space<hbm>> -> memref<64x128xf32, #tpu.memory_space<hbm>>
      %dma_wait3A_1278 = tpu.memref_slice %arg15[%dma_wait3A_1271] : memref<4x!tpu.dma_semaphore, #tpu.memory_space<semaphore_mem>> -> memref<1x!tpu.dma_semaphore, #tpu.memory_space<semaphore_mem>>
      %dma_wait3A_1279 = tpu.memref_squeeze %dma_wait3A_1278 : memref<1x!tpu.dma_semaphore, #tpu.memory_space<semaphore_mem>> -> memref<!tpu.dma_semaphore, #tpu.memory_space<semaphore_mem>>
      %dma_wait3A_1280 = arith.constant 0 : i32
      %dma_wait3A_1281 = arith.constant 0 : i32
      %dma_wait3A_1282 = tpu.memref_slice %arg9[%dma_wait3A_1270, %dma_wait3A_1280, %dma_wait3A_1281] : memref<4x64x128xf32, #tpu.memory_space<vmem>> -> memref<1x64x128xf32, #tpu.memory_space<vmem>>
      %dma_wait3A_1283 = tpu.memref_squeeze %dma_wait3A_1282 : memref<1x64x128xf32, #tpu.memory_space<vmem>> -> memref<64x128xf32, #tpu.memory_space<vmem>>
      %dma_wait3A_1284 = arith.constant 0 : i32
      %dma_wait3A_1285 = tpu.memref_slice %arg3[%dma_wait3A_1284, %multiple_of3A_846] : memref<64x100000xf32, #tpu.memory_space<hbm>> -> memref<64x128xf32, #tpu.memory_space<hbm>>
      tpu.wait_dma2 semaphore(%dma_wait3A_1279 : memref<!tpu.dma_semaphore, #tpu.memory_space<semaphore_mem>>) src(%dma_wait3A_1285 : memref<64x128xf32, #tpu.memory_space<hbm>>) dst(%dma_wait3A_1283 : memref<64x128xf32, #tpu.memory_space<vmem>>)
      %slice3A_1286 = vector.extract_strided_slice %get3A_5 {offsets = [7], sizes = [1], strides = [1]} : vector<16xi32> to vector<1xi32>
      %squeeze3A_1287 = vector.extract %slice3A_1286[0] : i32 from vector<1xi32>
      %shift_right_arithmetic3A_1288 = arith.constant 7 : i32
      %shift_right_arithmetic3A_1289 = arith.shrsi %squeeze3A_1287, %shift_right_arithmetic3A_1288 : i32
      %ge3A_1290 = arith.constant 781 : i32
      %ge3A_1291 = arith.cmpi sge, %shift_right_arithmetic3A_1289, %ge3A_1290 : i32
      %broadcast_in_dim3A_1292 = vector.broadcast %ge3A_1291 : i1 to vector<16xi1>
      %and3A_1293 = arith.constant 127 : i32
      %and3A_1294 = arith.andi %squeeze3A_1287, %and3A_1293 : i32
      %broadcast_in_dim3A_1295 = vector.broadcast %and3A_1294 : i32 to vector<16xi32>
      %and3A_1296 = arith.constant 127 : i32
      %and3A_1297 = arith.andi %squeeze3A_1287, %and3A_1296 : i32
      %min3A_1298 = arith.constant 31 : i32
      %min3A_1299 = arith.minsi %and3A_1297, %min3A_1298 : i32
      %broadcast_in_dim3A_1300 = vector.broadcast %min3A_1299 : i32 to vector<16xi32>
      %broadcast_in_dim3A_1301 = arith.constant 7 : i32
      %broadcast_in_dim3A_1302 = vector.broadcast %broadcast_in_dim3A_1301 : i32 to vector<16xi32>
      %add3A_1303 = arith.constant 0 : i32
      %add3A_1304 = vector.broadcast %add3A_1303 : i32 to vector<16xi32>
      %add3A_1305 = arith.addi %iota3A, %add3A_1304 : vector<16xi32>
      %gather3A_1306 = tpu.vector_load_idx %arg10[%add3A_1305, %broadcast_in_dim3A_1300] : memref<64x32xf32, #tpu.memory_space<vmem>>[vector<16xi32>, vector<16xi32>], vector<16xf32>,
      %gather3A_1307 = arith.constant 3 : i32
      %gather3A_1308 = arith.constant 0 : i32
      %gather3A_1309 = arith.constant 0 : i32
      %gather3A_1310 = tpu.memref_slice %arg8[%gather3A_1307, %gather3A_1308, %gather3A_1309] : memref<4x64x128xf32, #tpu.memory_space<vmem>> -> memref<1x64x128xf32, #tpu.memory_space<vmem>>
      %gather3A_1311 = tpu.memref_squeeze %gather3A_1310 : memref<1x64x128xf32, #tpu.memory_space<vmem>> -> memref<64x128xf32, #tpu.memory_space<vmem>>
      %gather3A_1312 = tpu.vector_load_idx %gather3A_1311[%add3A_1305, %broadcast_in_dim3A_1295] : memref<64x128xf32, #tpu.memory_space<vmem>>[vector<16xi32>, vector<16xi32>], vector<16xf32>,
      %select_n3A_1313 = arith.select %broadcast_in_dim3A_1292, %gather3A_1306, %gather3A_1312 : vector<16xi1>, vector<16xf32>
      %gather3A_1314 = tpu.vector_load_idx %arg11[%add3A_1305, %broadcast_in_dim3A_1300] : memref<64x32xf32, #tpu.memory_space<vmem>>[vector<16xi32>, vector<16xi32>], vector<16xf32>,
      %gather3A_1315 = arith.constant 3 : i32
      %gather3A_1316 = arith.constant 0 : i32
      %gather3A_1317 = arith.constant 0 : i32
      %gather3A_1318 = tpu.memref_slice %arg9[%gather3A_1315, %gather3A_1316, %gather3A_1317] : memref<4x64x128xf32, #tpu.memory_space<vmem>> -> memref<1x64x128xf32, #tpu.memory_space<vmem>>
      %gather3A_1319 = tpu.memref_squeeze %gather3A_1318 : memref<1x64x128xf32, #tpu.memory_space<vmem>> -> memref<64x128xf32, #tpu.memory_space<vmem>>
      %gather3A_1320 = tpu.vector_load_idx %gather3A_1319[%add3A_1305, %broadcast_in_dim3A_1295] : memref<64x128xf32, #tpu.memory_space<vmem>>[vector<16xi32>, vector<16xi32>], vector<16xf32>,
      %select_n3A_1321 = arith.select %broadcast_in_dim3A_1292, %gather3A_1314, %gather3A_1320 : vector<16xi1>, vector<16xf32>
      tpu.vector_store_idx %arg12[%add3A_1305, %broadcast_in_dim3A_1302], %select_n3A_1313 : memref<64x8xf32, #tpu.memory_space<vmem>>[vector<16xi32>, vector<16xi32>], vector<16xf32>,
      tpu.vector_store_idx %arg13[%add3A_1305, %broadcast_in_dim3A_1302], %select_n3A_1321 : memref<64x8xf32, #tpu.memory_space<vmem>>[vector<16xi32>, vector<16xi32>], vector<16xf32>,
      %add3A_1322 = arith.constant 16 : i32
      %add3A_1323 = vector.broadcast %add3A_1322 : i32 to vector<16xi32>
      %add3A_1324 = arith.addi %iota3A, %add3A_1323 : vector<16xi32>
      %gather3A_1325 = tpu.vector_load_idx %arg10[%add3A_1324, %broadcast_in_dim3A_1300] : memref<64x32xf32, #tpu.memory_space<vmem>>[vector<16xi32>, vector<16xi32>], vector<16xf32>,
      %gather3A_1326 = arith.constant 3 : i32
      %gather3A_1327 = arith.constant 0 : i32
      %gather3A_1328 = arith.constant 0 : i32
      %gather3A_1329 = tpu.memref_slice %arg8[%gather3A_1326, %gather3A_1327, %gather3A_1328] : memref<4x64x128xf32, #tpu.memory_space<vmem>> -> memref<1x64x128xf32, #tpu.memory_space<vmem>>
      %gather3A_1330 = tpu.memref_squeeze %gather3A_1329 : memref<1x64x128xf32, #tpu.memory_space<vmem>> -> memref<64x128xf32, #tpu.memory_space<vmem>>
      %gather3A_1331 = tpu.vector_load_idx %gather3A_1330[%add3A_1324, %broadcast_in_dim3A_1295] : memref<64x128xf32, #tpu.memory_space<vmem>>[vector<16xi32>, vector<16xi32>], vector<16xf32>,
      %select_n3A_1332 = arith.select %broadcast_in_dim3A_1292, %gather3A_1325, %gather3A_1331 : vector<16xi1>, vector<16xf32>
      %gather3A_1333 = tpu.vector_load_idx %arg11[%add3A_1324, %broadcast_in_dim3A_1300] : memref<64x32xf32, #tpu.memory_space<vmem>>[vector<16xi32>, vector<16xi32>], vector<16xf32>,
      %gather3A_1334 = arith.constant 3 : i32
      %gather3A_1335 = arith.constant 0 : i32
      %gather3A_1336 = arith.constant 0 : i32
      %gather3A_1337 = tpu.memref_slice %arg9[%gather3A_1334, %gather3A_1335, %gather3A_1336] : memref<4x64x128xf32, #tpu.memory_space<vmem>> -> memref<1x64x128xf32, #tpu.memory_space<vmem>>
      %gather3A_1338 = tpu.memref_squeeze %gather3A_1337 : memref<1x64x128xf32, #tpu.memory_space<vmem>> -> memref<64x128xf32, #tpu.memory_space<vmem>>
      %gather3A_1339 = tpu.vector_load_idx %gather3A_1338[%add3A_1324, %broadcast_in_dim3A_1295] : memref<64x128xf32, #tpu.memory_space<vmem>>[vector<16xi32>, vector<16xi32>], vector<16xf32>,
      %select_n3A_1340 = arith.select %broadcast_in_dim3A_1292, %gather3A_1333, %gather3A_1339 : vector<16xi1>, vector<16xf32>
      tpu.vector_store_idx %arg12[%add3A_1324, %broadcast_in_dim3A_1302], %select_n3A_1332 : memref<64x8xf32, #tpu.memory_space<vmem>>[vector<16xi32>, vector<16xi32>], vector<16xf32>,
      tpu.vector_store_idx %arg13[%add3A_1324, %broadcast_in_dim3A_1302], %select_n3A_1340 : memref<64x8xf32, #tpu.memory_space<vmem>>[vector<16xi32>, vector<16xi32>], vector<16xf32>,
      %add3A_1341 = arith.constant 32 : i32
      %add3A_1342 = vector.broadcast %add3A_1341 : i32 to vector<16xi32>
      %add3A_1343 = arith.addi %iota3A, %add3A_1342 : vector<16xi32>
      %gather3A_1344 = tpu.vector_load_idx %arg10[%add3A_1343, %broadcast_in_dim3A_1300] : memref<64x32xf32, #tpu.memory_space<vmem>>[vector<16xi32>, vector<16xi32>], vector<16xf32>,
      %gather3A_1345 = arith.constant 3 : i32
      %gather3A_1346 = arith.constant 0 : i32
      %gather3A_1347 = arith.constant 0 : i32
      %gather3A_1348 = tpu.memref_slice %arg8[%gather3A_1345, %gather3A_1346, %gather3A_1347] : memref<4x64x128xf32, #tpu.memory_space<vmem>> -> memref<1x64x128xf32, #tpu.memory_space<vmem>>
      %gather3A_1349 = tpu.memref_squeeze %gather3A_1348 : memref<1x64x128xf32, #tpu.memory_space<vmem>> -> memref<64x128xf32, #tpu.memory_space<vmem>>
      %gather3A_1350 = tpu.vector_load_idx %gather3A_1349[%add3A_1343, %broadcast_in_dim3A_1295] : memref<64x128xf32, #tpu.memory_space<vmem>>[vector<16xi32>, vector<16xi32>], vector<16xf32>,
      %select_n3A_1351 = arith.select %broadcast_in_dim3A_1292, %gather3A_1344, %gather3A_1350 : vector<16xi1>, vector<16xf32>
      %gather3A_1352 = tpu.vector_load_idx %arg11[%add3A_1343, %broadcast_in_dim3A_1300] : memref<64x32xf32, #tpu.memory_space<vmem>>[vector<16xi32>, vector<16xi32>], vector<16xf32>,
      %gather3A_1353 = arith.constant 3 : i32
      %gather3A_1354 = arith.constant 0 : i32
      %gather3A_1355 = arith.constant 0 : i32
      %gather3A_1356 = tpu.memref_slice %arg9[%gather3A_1353, %gather3A_1354, %gather3A_1355] : memref<4x64x128xf32, #tpu.memory_space<vmem>> -> memref<1x64x128xf32, #tpu.memory_space<vmem>>
      %gather3A_1357 = tpu.memref_squeeze %gather3A_1356 : memref<1x64x128xf32, #tpu.memory_space<vmem>> -> memref<64x128xf32, #tpu.memory_space<vmem>>
      %gather3A_1358 = tpu.vector_load_idx %gather3A_1357[%add3A_1343, %broadcast_in_dim3A_1295] : memref<64x128xf32, #tpu.memory_space<vmem>>[vector<16xi32>, vector<16xi32>], vector<16xf32>,
      %select_n3A_1359 = arith.select %broadcast_in_dim3A_1292, %gather3A_1352, %gather3A_1358 : vector<16xi1>, vector<16xf32>
      tpu.vector_store_idx %arg12[%add3A_1343, %broadcast_in_dim3A_1302], %select_n3A_1351 : memref<64x8xf32, #tpu.memory_space<vmem>>[vector<16xi32>, vector<16xi32>], vector<16xf32>,
      tpu.vector_store_idx %arg13[%add3A_1343, %broadcast_in_dim3A_1302], %select_n3A_1359 : memref<64x8xf32, #tpu.memory_space<vmem>>[vector<16xi32>, vector<16xi32>], vector<16xf32>,
      %add3A_1360 = arith.constant 48 : i32
      %add3A_1361 = vector.broadcast %add3A_1360 : i32 to vector<16xi32>
      %add3A_1362 = arith.addi %iota3A, %add3A_1361 : vector<16xi32>
      %gather3A_1363 = tpu.vector_load_idx %arg10[%add3A_1362, %broadcast_in_dim3A_1300] : memref<64x32xf32, #tpu.memory_space<vmem>>[vector<16xi32>, vector<16xi32>], vector<16xf32>,
      %gather3A_1364 = arith.constant 3 : i32
      %gather3A_1365 = arith.constant 0 : i32
      %gather3A_1366 = arith.constant 0 : i32
      %gather3A_1367 = tpu.memref_slice %arg8[%gather3A_1364, %gather3A_1365, %gather3A_1366] : memref<4x64x128xf32, #tpu.memory_space<vmem>> -> memref<1x64x128xf32, #tpu.memory_space<vmem>>
      %gather3A_1368 = tpu.memref_squeeze %gather3A_1367 : memref<1x64x128xf32, #tpu.memory_space<vmem>> -> memref<64x128xf32, #tpu.memory_space<vmem>>
      %gather3A_1369 = tpu.vector_load_idx %gather3A_1368[%add3A_1362, %broadcast_in_dim3A_1295] : memref<64x128xf32, #tpu.memory_space<vmem>>[vector<16xi32>, vector<16xi32>], vector<16xf32>,
      %select_n3A_1370 = arith.select %broadcast_in_dim3A_1292, %gather3A_1363, %gather3A_1369 : vector<16xi1>, vector<16xf32>
      %gather3A_1371 = tpu.vector_load_idx %arg11[%add3A_1362, %broadcast_in_dim3A_1300] : memref<64x32xf32, #tpu.memory_space<vmem>>[vector<16xi32>, vector<16xi32>], vector<16xf32>,
      %gather3A_1372 = arith.constant 3 : i32
      %gather3A_1373 = arith.constant 0 : i32
      %gather3A_1374 = arith.constant 0 : i32
      %gather3A_1375 = tpu.memref_slice %arg9[%gather3A_1372, %gather3A_1373, %gather3A_1374] : memref<4x64x128xf32, #tpu.memory_space<vmem>> -> memref<1x64x128xf32, #tpu.memory_space<vmem>>
      %gather3A_1376 = tpu.memref_squeeze %gather3A_1375 : memref<1x64x128xf32, #tpu.memory_space<vmem>> -> memref<64x128xf32, #tpu.memory_space<vmem>>
      %gather3A_1377 = tpu.vector_load_idx %gather3A_1376[%add3A_1362, %broadcast_in_dim3A_1295] : memref<64x128xf32, #tpu.memory_space<vmem>>[vector<16xi32>, vector<16xi32>], vector<16xf32>,
      %select_n3A_1378 = arith.select %broadcast_in_dim3A_1292, %gather3A_1371, %gather3A_1377 : vector<16xi1>, vector<16xf32>
      tpu.vector_store_idx %arg12[%add3A_1362, %broadcast_in_dim3A_1302], %select_n3A_1370 : memref<64x8xf32, #tpu.memory_space<vmem>>[vector<16xi32>, vector<16xi32>], vector<16xf32>,
      tpu.vector_store_idx %arg13[%add3A_1362, %broadcast_in_dim3A_1302], %select_n3A_1378 : memref<64x8xf32, #tpu.memory_space<vmem>>[vector<16xi32>, vector<16xi32>], vector<16xf32>,
      "tpu.region"() ({
        %run_scoped3A = tpu.sem_alloc : memref<!tpu.dma_semaphore, #tpu.memory_space<semaphore_mem>>
        %dma_start3A_1379 = arith.constant 0 : i32
        %dma_start3A_1380 = arith.constant 0 : i32
        %dma_start3A_1381 = tpu.memref_slice %arg5[%add3A, %dma_start3A_1379, %dma_start3A_1380] : memref<16x64x8xf32, #tpu.memory_space<hbm>> -> memref<1x64x8xf32, #tpu.memory_space<hbm>>
        %dma_start3A_1382 = tpu.memref_squeeze %dma_start3A_1381 : memref<1x64x8xf32, #tpu.memory_space<hbm>> -> memref<64x8xf32, #tpu.memory_space<hbm>>
        %dma_start3A_1383 = arith.constant 0 : i32
        %dma_start3A_1384 = arith.constant 0 : i32
        %dma_start3A_1385 = tpu.memref_slice %arg5[%add3A, %dma_start3A_1383, %dma_start3A_1384] : memref<16x64x8xf32, #tpu.memory_space<hbm>> -> memref<1x64x8xf32, #tpu.memory_space<hbm>>
        %dma_start3A_1386 = tpu.memref_squeeze %dma_start3A_1385 : memref<1x64x8xf32, #tpu.memory_space<hbm>> -> memref<64x8xf32, #tpu.memory_space<hbm>>
        tpu.enqueue_dma source(%arg12 : memref<64x8xf32, #tpu.memory_space<vmem>>) target(%dma_start3A_1386 : memref<64x8xf32, #tpu.memory_space<hbm>>) target_semaphore(%run_scoped3A : memref<!tpu.dma_semaphore, #tpu.memory_space<semaphore_mem>>)
        %dma_wait3A_1387 = arith.constant 0 : i32
        %dma_wait3A_1388 = arith.constant 0 : i32
        %dma_wait3A_1389 = tpu.memref_slice %arg5[%add3A, %dma_wait3A_1387, %dma_wait3A_1388] : memref<16x64x8xf32, #tpu.memory_space<hbm>> -> memref<1x64x8xf32, #tpu.memory_space<hbm>>
        %dma_wait3A_1390 = tpu.memref_squeeze %dma_wait3A_1389 : memref<1x64x8xf32, #tpu.memory_space<hbm>> -> memref<64x8xf32, #tpu.memory_space<hbm>>
        %dma_wait3A_1391 = arith.constant 0 : i32
        %dma_wait3A_1392 = arith.constant 0 : i32
        %dma_wait3A_1393 = tpu.memref_slice %arg5[%add3A, %dma_wait3A_1391, %dma_wait3A_1392] : memref<16x64x8xf32, #tpu.memory_space<hbm>> -> memref<1x64x8xf32, #tpu.memory_space<hbm>>
        %dma_wait3A_1394 = tpu.memref_squeeze %dma_wait3A_1393 : memref<1x64x8xf32, #tpu.memory_space<hbm>> -> memref<64x8xf32, #tpu.memory_space<hbm>>
        tpu.wait_dma2 semaphore(%run_scoped3A : memref<!tpu.dma_semaphore, #tpu.memory_space<semaphore_mem>>) src(%arg12 : memref<64x8xf32, #tpu.memory_space<vmem>>) dst(%dma_wait3A_1394 : memref<64x8xf32, #tpu.memory_space<hbm>>)
        tpu.yield
      }) : () -> ()
      "tpu.region"() ({
        %run_scoped3A = tpu.sem_alloc : memref<!tpu.dma_semaphore, #tpu.memory_space<semaphore_mem>>
        %dma_start3A_1379 = arith.constant 0 : i32
        %dma_start3A_1380 = arith.constant 0 : i32
        %dma_start3A_1381 = tpu.memref_slice %arg6[%add3A, %dma_start3A_1379, %dma_start3A_1380] : memref<16x64x8xf32, #tpu.memory_space<hbm>> -> memref<1x64x8xf32, #tpu.memory_space<hbm>>
        %dma_start3A_1382 = tpu.memref_squeeze %dma_start3A_1381 : memref<1x64x8xf32, #tpu.memory_space<hbm>> -> memref<64x8xf32, #tpu.memory_space<hbm>>
        %dma_start3A_1383 = arith.constant 0 : i32
        %dma_start3A_1384 = arith.constant 0 : i32
        %dma_start3A_1385 = tpu.memref_slice %arg6[%add3A, %dma_start3A_1383, %dma_start3A_1384] : memref<16x64x8xf32, #tpu.memory_space<hbm>> -> memref<1x64x8xf32, #tpu.memory_space<hbm>>
        %dma_start3A_1386 = tpu.memref_squeeze %dma_start3A_1385 : memref<1x64x8xf32, #tpu.memory_space<hbm>> -> memref<64x8xf32, #tpu.memory_space<hbm>>
        tpu.enqueue_dma source(%arg13 : memref<64x8xf32, #tpu.memory_space<vmem>>) target(%dma_start3A_1386 : memref<64x8xf32, #tpu.memory_space<hbm>>) target_semaphore(%run_scoped3A : memref<!tpu.dma_semaphore, #tpu.memory_space<semaphore_mem>>)
        %dma_wait3A_1387 = arith.constant 0 : i32
        %dma_wait3A_1388 = arith.constant 0 : i32
        %dma_wait3A_1389 = tpu.memref_slice %arg6[%add3A, %dma_wait3A_1387, %dma_wait3A_1388] : memref<16x64x8xf32, #tpu.memory_space<hbm>> -> memref<1x64x8xf32, #tpu.memory_space<hbm>>
        %dma_wait3A_1390 = tpu.memref_squeeze %dma_wait3A_1389 : memref<1x64x8xf32, #tpu.memory_space<hbm>> -> memref<64x8xf32, #tpu.memory_space<hbm>>
        %dma_wait3A_1391 = arith.constant 0 : i32
        %dma_wait3A_1392 = arith.constant 0 : i32
        %dma_wait3A_1393 = tpu.memref_slice %arg6[%add3A, %dma_wait3A_1391, %dma_wait3A_1392] : memref<16x64x8xf32, #tpu.memory_space<hbm>> -> memref<1x64x8xf32, #tpu.memory_space<hbm>>
        %dma_wait3A_1394 = tpu.memref_squeeze %dma_wait3A_1393 : memref<1x64x8xf32, #tpu.memory_space<hbm>> -> memref<64x8xf32, #tpu.memory_space<hbm>>
        tpu.wait_dma2 semaphore(%run_scoped3A : memref<!tpu.dma_semaphore, #tpu.memory_space<semaphore_mem>>) src(%arg13 : memref<64x8xf32, #tpu.memory_space<vmem>>) dst(%dma_wait3A_1394 : memref<64x8xf32, #tpu.memory_space<hbm>>)
        tpu.yield
      }) : () -> ()
    } else {
    }
    return
  }
}

module attributes {stable_mosaic.version = 14 : i64} {
  func.func @_tc_dense_body(%arg0: memref<128x4096xi32, #tpu.memory_space<vmem>>, %arg1: memref<128x64xf32, #tpu.memory_space<vmem>>, %arg2: memref<128x64xf32, #tpu.memory_space<vmem>>, %arg3: memref<1x64xf32, #tpu.memory_space<vmem>>, %arg4: memref<64x4096xf32, #tpu.memory_space<vmem>>, %arg5: memref<64x4096xf32, #tpu.memory_space<vmem>>, %arg6: memref<64x4096xf32, #tpu.memory_space<vmem>>, %arg7: memref<64x128xf32, #tpu.memory_space<vmem>>, %arg8: memref<1x1xf32, #tpu.memory_space<smem>>) attributes {dimension_semantics = [], scalar_prefetch = 0 : i64, scratch_operands = 0 : i64, tpu.core_type = #tpu.core_type<tc>} {
    %get3A = arith.constant 0 : index
    %get3A_0 = arith.constant 0 : index
    %get3A_1 = vector.load %arg5[%get3A, %get3A_0] : memref<64x4096xf32, #tpu.memory_space<vmem>>, vector<64x4096xf32>
    %get3A_2 = arith.constant 0 : index
    %get3A_3 = arith.constant 0 : index
    %get3A_4 = vector.load %arg4[%get3A_2, %get3A_3] : memref<64x4096xf32, #tpu.memory_space<vmem>>, vector<64x4096xf32>
    %add3A = arith.addf %get3A_4, %get3A_1 : vector<64x4096xf32>
    %reduce_sum3A = arith.constant dense<0.000000e+00> : vector<64xf32>
    %reduce_sum3A_5 = vector.multi_reduction <add>, %add3A, %reduce_sum3A [1] : vector<64x4096xf32> to vector<64xf32>
    %broadcast_in_dim3A = vector.shape_cast %reduce_sum3A_5 : vector<64xf32> to vector<64x1xf32>
    %div3A = vector.broadcast %broadcast_in_dim3A : vector<64x1xf32> to vector<64x4096xf32>
    %div3A_6 = arith.divf %add3A, %div3A : vector<64x4096xf32>
    %get3A_7 = arith.constant 0 : index
    %get3A_8 = arith.constant 0 : index
    %get3A_9 = vector.load %arg1[%get3A_7, %get3A_8] : memref<128x64xf32, #tpu.memory_space<vmem>>, vector<128x64xf32>
    %get3A_10 = arith.constant 0 : index
    %get3A_11 = arith.constant 0 : index
    %get3A_12 = vector.load %arg3[%get3A_10, %get3A_11] : memref<1x64xf32, #tpu.memory_space<vmem>>, vector<1x64xf32>
    %get3A_13 = arith.constant 0 : index
    %get3A_14 = arith.constant 0 : index
    %get3A_15 = vector.load %arg2[%get3A_13, %get3A_14] : memref<128x64xf32, #tpu.memory_space<vmem>>, vector<128x64xf32>
    %mul3A = vector.broadcast %get3A_12 : vector<1x64xf32> to vector<128x64xf32>
    %mul3A_16 = arith.mulf %mul3A, %get3A_15 : vector<128x64xf32>
    %add3A_17 = arith.addf %mul3A_16, %get3A_9 : vector<128x64xf32>
    %get3A_18 = arith.constant 0 : index
    %get3A_19 = arith.constant 0 : index
    %get3A_20 = vector.load %arg0[%get3A_18, %get3A_19] : memref<128x4096xi32, #tpu.memory_space<vmem>>, vector<128x4096xi32>
    %convert_element_type3A = arith.sitofp %get3A_20 : vector<128x4096xi32> to vector<128x4096xf32>
    %gt3A = arith.constant 0 : i32
    %gt3A_21 = vector.broadcast %gt3A : i32 to vector<128x4096xi32>
    %gt3A_22 = arith.cmpi sgt, %get3A_20, %gt3A_21 : vector<128x4096xi32>
    %convert_element_type3A_23 = arith.extui %gt3A_22 : vector<128x4096xi1> to vector<128x4096xi32>
    %convert_element_type3A_24 = arith.sitofp %convert_element_type3A_23 : vector<128x4096xi32> to vector<128x4096xf32>
    %dot_general3A = arith.constant dense<0.000000e+00> : vector<128x4096xf32>
    %dot_general3A_25 = tpu.matmul %add3A_17, %div3A_6, %dot_general3A {dimension_numbers = #tpu.dot_dimension_numbers<[1], [0], [0], [1], [0, 0, 1, 1], [], []>, precision = #tpu.contract_precision<fp32>, transpose_lhs_hint = false} : vector<128x64xf32>, vector<64x4096xf32>, vector<128x4096xf32> -> vector<128x4096xf32>
    %add3A_26 = arith.constant 9.99999997E-7 : f32
    %add3A_27 = vector.broadcast %add3A_26 : f32 to vector<128x4096xf32>
    %add3A_28 = arith.addf %dot_general3A_25, %add3A_27 : vector<128x4096xf32>
    %div3A_29 = arith.divf %convert_element_type3A, %add3A_28 : vector<128x4096xf32>
    %dot_general3A_30 = arith.constant dense<0.000000e+00> : vector<64x4096xf32>
    %dot_general3A_31 = tpu.matmul %add3A_17, %div3A_29, %dot_general3A_30 {dimension_numbers = #tpu.dot_dimension_numbers<[0], [0], [1], [1], [0, 1, 1, 1], [], []>, precision = #tpu.contract_precision<fp32>, transpose_lhs_hint = false} : vector<128x64xf32>, vector<128x4096xf32>, vector<64x4096xf32> -> vector<64x4096xf32>
    %mul3A_32 = arith.mulf %div3A_6, %dot_general3A_31 : vector<64x4096xf32>
    %dot_general3A_33 = arith.constant dense<0.000000e+00> : vector<128x64xf32>
    %dot_general3A_34 = tpu.matmul %div3A_29, %div3A_6, %dot_general3A_33 {dimension_numbers = #tpu.dot_dimension_numbers<[1], [1], [0], [0], [0, 0, 1, 0], [], []>, precision = #tpu.contract_precision<fp32>, transpose_lhs_hint = false} : vector<128x4096xf32>, vector<64x4096xf32>, vector<128x64xf32> -> vector<128x64xf32>
    %mul3A_35 = arith.mulf %add3A_17, %dot_general3A_34 : vector<128x64xf32>
    %max3A = arith.constant 1.000000e-30 : f32
    %max3A_36 = vector.broadcast %max3A : f32 to vector<128x64xf32>
    %max3A_37 = arith.maximumf %add3A_17, %max3A_36 : vector<128x64xf32>
    %log3A = math.log %max3A_37 : vector<128x64xf32>
    %mul3A_38 = arith.mulf %add3A_17, %log3A : vector<128x64xf32>
    %log3A_39 = math.log %div3A_6 : vector<64x4096xf32>
    %mul3A_40 = arith.mulf %div3A_6, %log3A_39 : vector<64x4096xf32>
    %dot_general3A_41 = arith.constant dense<0.000000e+00> : vector<128x4096xf32>
    %dot_general3A_42 = tpu.matmul %mul3A_38, %div3A_6, %dot_general3A_41 {dimension_numbers = #tpu.dot_dimension_numbers<[1], [0], [0], [1], [0, 0, 1, 1], [], []>, transpose_lhs_hint = false} : vector<128x64xf32>, vector<64x4096xf32>, vector<128x4096xf32> -> vector<128x4096xf32>
    %dot_general3A_43 = arith.constant dense<0.000000e+00> : vector<128x4096xf32>
    %dot_general3A_44 = tpu.matmul %add3A_17, %mul3A_40, %dot_general3A_43 {dimension_numbers = #tpu.dot_dimension_numbers<[1], [0], [0], [1], [0, 0, 1, 1], [], []>, transpose_lhs_hint = false} : vector<128x64xf32>, vector<64x4096xf32>, vector<128x4096xf32> -> vector<128x4096xf32>
    %add3A_45 = arith.addf %dot_general3A_42, %dot_general3A_44 : vector<128x4096xf32>
    %log3A_46 = math.log %add3A_28 : vector<128x4096xf32>
    %mul3A_47 = arith.mulf %dot_general3A_25, %log3A_46 : vector<128x4096xf32>
    %sub3A = arith.subf %add3A_45, %mul3A_47 : vector<128x4096xf32>
    %mul3A_48 = arith.mulf %convert_element_type3A_24, %sub3A : vector<128x4096xf32>
    %div3A_49 = arith.divf %mul3A_48, %add3A_28 : vector<128x4096xf32>
    %reduce_sum3A_50 = vector.shape_cast %div3A_49 : vector<128x4096xf32> to vector<1x128x4096xf32>
    %reduce_sum3A_51 = arith.constant dense<0.000000e+00> : vector<1xf32>
    %reduce_sum3A_52 = vector.multi_reduction <add>, %reduce_sum3A_50, %reduce_sum3A_51 [1, 2] : vector<1x128x4096xf32> to vector<1xf32>
    %reduce_sum3A_53 = vector.shape_cast %reduce_sum3A_52 : vector<1xf32> to vector<1x1x1xf32>
    %reduce_sum3A_54 = vector.extract %reduce_sum3A_53[0, 0, 0] : f32 from vector<1x1x1xf32>
    %mul3A_55 = arith.constant 0.76507622 : f32
    %mul3A_56 = vector.broadcast %mul3A_55 : f32 to vector<64x4096xf32>
    %mul3A_57 = arith.mulf %mul3A_56, %get3A_1 : vector<64x4096xf32>
    %mul3A_58 = arith.constant 183.53421 : f32
    %mul3A_59 = vector.broadcast %mul3A_58 : f32 to vector<64x4096xf32>
    %mul3A_60 = arith.mulf %mul3A_59, %mul3A_32 : vector<64x4096xf32>
    %add3A_61 = arith.addf %mul3A_57, %mul3A_60 : vector<64x4096xf32>
    %swap3A = arith.constant 0 : index
    %swap3A_62 = arith.constant 0 : index
    %swap3A_63 = vector.load %arg6[%swap3A, %swap3A_62] : memref<64x4096xf32, #tpu.memory_space<vmem>>, vector<64x4096xf32>
    tpu.vector_store %arg6[%swap3A, %swap3A_62], %add3A_61 {strides = array<i32>} : memref<64x4096xf32, #tpu.memory_space<vmem>>, vector<64x4096xf32>,
    %mul3A_64 = arith.constant 0.76507622 : f32
    %mul3A_65 = vector.broadcast %mul3A_64 : f32 to vector<128x64xf32>
    %mul3A_66 = arith.mulf %mul3A_65, %get3A_9 : vector<128x64xf32>
    %mul3A_67 = arith.constant 0.234923795 : f32
    %mul3A_68 = vector.broadcast %mul3A_67 : f32 to vector<128x64xf32>
    %mul3A_69 = arith.mulf %mul3A_68, %mul3A_35 : vector<128x64xf32>
    %add3A_70 = arith.addf %mul3A_66, %mul3A_69 : vector<128x64xf32>
    %transpose3A = tpu.transpose %add3A_70, [1, 0] : vector<128x64xf32> -> vector<64x128xf32>
    %swap3A_71 = arith.constant 0 : index
    %swap3A_72 = arith.constant 0 : index
    %swap3A_73 = vector.load %arg7[%swap3A_71, %swap3A_72] : memref<64x128xf32, #tpu.memory_space<vmem>>, vector<64x128xf32>
    tpu.vector_store %arg7[%swap3A_71, %swap3A_72], %transpose3A {strides = array<i32>} : memref<64x128xf32, #tpu.memory_space<vmem>>, vector<64x128xf32>,
    %swap3A_74 = arith.constant 0 : index
    %swap3A_75 = arith.constant 0 : index
    %swap3A_76 = memref.load %arg8[%swap3A_74, %swap3A_75] : memref<1x1xf32, #tpu.memory_space<smem>>
    memref.store %reduce_sum3A_54, %arg8[%swap3A_74, %swap3A_75] : memref<1x1xf32, #tpu.memory_space<smem>>
    return
  }
}

module attributes {stable_mosaic.version = 14 : i64} {
  func.func @_tc_copy_body(%arg0: i32, %arg1: memref<64x4096xf32, #tpu.memory_space<vmem>>, %arg2: memref<64x4096xf32, #tpu.memory_space<vmem>>) attributes {dimension_semantics = [#tpu.dimension_semantics<arbitrary>], iteration_bounds = array<i64: 25>, scalar_prefetch = 0 : i64, scratch_operands = 0 : i64, tpu.core_type = #tpu.core_type<tc>, window_params = [{transform_indices = @transform_0, window_bounds = array<i64: 64, 4096>}, {transform_indices = @transform_1, window_bounds = array<i64: 64, 4096>}]} {
    %get3A = arith.constant 0 : index
    %get3A_0 = arith.constant 0 : index
    %get3A_1 = vector.load %arg1[%get3A, %get3A_0] : memref<64x4096xf32, #tpu.memory_space<vmem>>, vector<64x4096xf32>
    %swap3A = arith.constant 0 : index
    %swap3A_2 = arith.constant 0 : index
    %swap3A_3 = vector.load %arg2[%swap3A, %swap3A_2] : memref<64x4096xf32, #tpu.memory_space<vmem>>, vector<64x4096xf32>
    tpu.vector_store %arg2[%swap3A, %swap3A_2], %get3A_1 {strides = array<i32>} : memref<64x4096xf32, #tpu.memory_space<vmem>>, vector<64x4096xf32>,
    return
  }
  func.func @transform_0(%arg0: i32) -> (i32, i32) {
    %c0_i32 = arith.constant 0 : i32
    %c0_i32_0 = arith.constant 0 : i32
    return %c0_i32, %arg0 : i32, i32
  }
  func.func @transform_1(%arg0: i32) -> (i32, i32) {
    %c0_i32 = arith.constant 0 : i32
    %c0_i32_0 = arith.constant 0 : i32
    return %c0_i32, %arg0 : i32, i32
  }
}

module attributes {stable_mosaic.version = 14 : i64} {
  func.func @_tc_tail_body(%arg0: i32, %arg1: memref<64x128xf32, #tpu.memory_space<vmem>>, %arg2: memref<1x128xi32, #tpu.memory_space<vmem>>, %arg3: memref<64x128xf32, #tpu.memory_space<vmem>>, %arg4: memref<64x128xf32, #tpu.memory_space<vmem>>) attributes {dimension_semantics = [#tpu.dimension_semantics<arbitrary>], iteration_bounds = array<i64: 1>, scalar_prefetch = 0 : i64, scratch_operands = 0 : i64, tpu.core_type = #tpu.core_type<tc>, window_params = [{transform_indices = @transform_0, window_bounds = array<i64: 64, 128>}, {pipeline_mode = #tpu.pipeline_mode<synchronous>, transform_indices = @transform_1, window_bounds = array<i64: 1, 128>}, {pipeline_mode = #tpu.pipeline_mode<synchronous>, transform_indices = @transform_2, window_bounds = array<i64: 64, 128>}, {transform_indices = @transform_3, window_bounds = array<i64: 64, 128>}]} {
    %get3A = arith.constant 0 : index
    %get3A_0 = arith.constant 0 : index
    %get3A_1 = vector.load %arg2[%get3A, %get3A_0] : memref<1x128xi32, #tpu.memory_space<vmem>>, vector<1x128xi32>
    %iota3A = tpu.iota {dimensions = array<i32: 0>} : vector<128x128xi32>
    %iota3A_2 = tpu.iota {dimensions = array<i32: 1>} : vector<128x128xi32>
    %reshape3A = vector.shape_cast %get3A_1 : vector<1x128xi32> to vector<128x1xi32>
    %eq3A = vector.broadcast %reshape3A : vector<128x1xi32> to vector<128x128xi32>
    %eq3A_3 = vector.broadcast %get3A_1 : vector<1x128xi32> to vector<128x128xi32>
    %eq3A_4 = arith.cmpi eq, %eq3A, %eq3A_3 : vector<128x128xi32>
    %gt3A = arith.cmpi sgt, %iota3A_2, %iota3A : vector<128x128xi32>
    %and3A = arith.andi %eq3A_4, %gt3A : vector<128x128xi1>
    %convert_element_type3A = arith.extui %and3A : vector<128x128xi1> to vector<128x128xi32>
    %convert_element_type3A_5 = arith.sitofp %convert_element_type3A : vector<128x128xi32> to vector<128x128xf32>
    %reduce_sum3A = arith.constant dense<0.000000e+00> : vector<128xf32>
    %reduce_sum3A_6 = vector.multi_reduction <add>, %convert_element_type3A_5, %reduce_sum3A [1] : vector<128x128xf32> to vector<128xf32>
    %broadcast_in_dim3A = vector.shape_cast %reduce_sum3A_6 : vector<128xf32> to vector<128x1xf32>
    %eq3A_7 = arith.constant 0.000000e+00 : f32
    %eq3A_8 = vector.broadcast %eq3A_7 : f32 to vector<128x1xf32>
    %eq3A_9 = arith.cmpf oeq, %broadcast_in_dim3A, %eq3A_8 : vector<128x1xf32>
    %iota3A_10 = tpu.iota {dimensions = array<i32: 1>} : vector<128x128xi32>
    %add3A = arith.constant 99968 : i32
    %add3A_11 = vector.broadcast %add3A : i32 to vector<128x128xi32>
    %add3A_12 = arith.addi %iota3A_10, %add3A_11 : vector<128x128xi32>
    %reshape3A_13 = vector.shape_cast %get3A_1 : vector<1x128xi32> to vector<128x1xi32>
    %eq3A_14 = vector.broadcast %reshape3A_13 : vector<128x1xi32> to vector<128x128xi32>
    %eq3A_15 = arith.cmpi eq, %eq3A_14, %add3A_12 : vector<128x128xi32>
    %and3A_16 = vector.broadcast %eq3A_9 : vector<128x1xi1> to vector<128x128xi1>
    %and3A_17 = arith.andi %eq3A_15, %and3A_16 : vector<128x128xi1>
    %convert_element_type3A_18 = arith.extui %and3A_17 : vector<128x128xi1> to vector<128x128xi32>
    %convert_element_type3A_19 = arith.sitofp %convert_element_type3A_18 : vector<128x128xi32> to vector<128x128xf32>
    %get3A_20 = arith.constant 0 : index
    %get3A_21 = arith.constant 0 : index
    %get3A_22 = vector.load %arg3[%get3A_20, %get3A_21] : memref<64x128xf32, #tpu.memory_space<vmem>>, vector<64x128xf32>
    %dot_general3A = arith.constant dense<0.000000e+00> : vector<64x128xf32>
    %dot_general3A_23 = tpu.matmul %get3A_22, %convert_element_type3A_19, %dot_general3A {dimension_numbers = #tpu.dot_dimension_numbers<[1], [0], [0], [1], [0, 0, 1, 1], [], []>, transpose_lhs_hint = false} : vector<64x128xf32>, vector<128x128xf32>, vector<64x128xf32> -> vector<64x128xf32>
    %reduce_sum3A_24 = arith.constant dense<0.000000e+00> : vector<128xf32>
    %reduce_sum3A_25 = vector.multi_reduction <add>, %convert_element_type3A_19, %reduce_sum3A_24 [0] : vector<128x128xf32> to vector<128xf32>
    %broadcast_in_dim3A_26 = vector.shape_cast %reduce_sum3A_25 : vector<128xf32> to vector<1x128xf32>
    %gt3A_27 = arith.constant 0.000000e+00 : f32
    %gt3A_28 = vector.broadcast %gt3A_27 : f32 to vector<1x128xf32>
    %gt3A_29 = arith.cmpf ogt, %broadcast_in_dim3A_26, %gt3A_28 : vector<1x128xf32>
    %get3A_30 = arith.constant 0 : index
    %get3A_31 = arith.constant 0 : index
    %get3A_32 = vector.load %arg1[%get3A_30, %get3A_31] : memref<64x128xf32, #tpu.memory_space<vmem>>, vector<64x128xf32>
    %broadcast_in_dim3A_33 = vector.shape_cast %gt3A_29 : vector<1x128xi1> to vector<1x128xi1>
    %broadcast_in_dim3A_34 = vector.broadcast %broadcast_in_dim3A_33 : vector<1x128xi1> to vector<64x128xi1>
    %select_n3A = arith.select %broadcast_in_dim3A_34, %dot_general3A_23, %get3A_32 : vector<64x128xi1>, vector<64x128xf32>
    %swap3A = arith.constant 0 : index
    %swap3A_35 = arith.constant 0 : index
    %swap3A_36 = vector.load %arg4[%swap3A, %swap3A_35] : memref<64x128xf32, #tpu.memory_space<vmem>>, vector<64x128xf32>
    tpu.vector_store %arg4[%swap3A, %swap3A_35], %select_n3A {strides = array<i32>} : memref<64x128xf32, #tpu.memory_space<vmem>>, vector<64x128xf32>,
    return
  }
  func.func @transform_0(%arg0: i32) -> (i32, i32) {
    %c0_i32 = arith.constant 0 : i32
    %c781_i32 = arith.constant 781 : i32
    %c0_i32_0 = arith.constant 0 : i32
    return %c0_i32, %c781_i32 : i32, i32
  }
  func.func @transform_1(%arg0: i32) -> (i32, i32) {
    %c0_i32 = arith.constant 0 : i32
    %c0_i32_0 = arith.constant 0 : i32
    %c0_i32_1 = arith.constant 0 : i32
    return %c0_i32, %c0_i32_0 : i32, i32
  }
  func.func @transform_2(%arg0: i32) -> (i32, i32) {
    %c0_i32 = arith.constant 0 : i32
    %c0_i32_0 = arith.constant 0 : i32
    %c0_i32_1 = arith.constant 0 : i32
    return %c0_i32, %c0_i32_0 : i32, i32
  }
  func.func @transform_3(%arg0: i32) -> (i32, i32) {
    %c0_i32 = arith.constant 0 : i32
    %c781_i32 = arith.constant 781 : i32
    %c0_i32_0 = arith.constant 0 : i32
    return %c0_i32, %c781_i32 : i32, i32
  }
}

</mosaic_0001>

<sc_bundles>
// kernel: kernel.10.cloned.1.call-start
scs
__scs_entry_jumppad:
0x0: {  	(pc) =	sbr.rel $0x88, $3  }
0x1: {  	(tag) =	ssettag $0x0;
	lr =	simm.s32 $0x1  }
0x2: {  	[smem:$0x3F9A] =	sst lr;
	_ =	strace $0xD0000000  }
0x3: {  	_ = 	snop  }
0x4: {  	_ = 	snop  }
0x5: {  	_ = 	snop  }
0x6: {  	_ = 	snop  }
0x7: {  	_ = 	snop  }
__scs_overlays_trampoline_lowered:
0x8: {  	[smem:$0x3FA9] =	sst s0  }
0x9: {  	[smem:$0x3FAA] =	sst s1  }
0xa: {  	[smem:$0x3FAB] =	sst s2  }
0xb: {  	[smem:$0x3FAC] =	sst s3  }
0xc: {  	[smem:$0x3FAD] =	sst s4  }
0xd: {  	[smem:$0x3FAE] =	sst s5  }
0xe: {  	[smem:$0x3FAF] =	sst s6  }
0xf: {  	[smem:$0x3FB0] =	sst s7  }
0x10: {  	[smem:$0x3FB1] =	sst s8  }
0x11: {  	[smem:$0x3FB2] =	sst s9;
	s0 =	simm.s32 @!p0 $0x0  }
0x12: {  	s1 =	sld [smem:$0x3F98];
	s0 =	simm.s32 @p0 $0x1  }
0x13: {  	[smem:$0x3FB3] =	sst s0;
	s0 =	simm.s32 @!p1 $0x0  }
0x14: {  	s2 =	sld [smem:$0x3F97];
	s0 =	simm.s32 @p1 $0x1  }
0x15: {  	[smem:$0x3FB4] =	sst s0;
	s0 =	simm.s32 @!p2 $0x0  }
0x16: {  	s3 =	sld [smem:$0x3FDB];
	s0 =	simm.s32 @p2 $0x1  }
0x17: {  	s4 =	simm.s32 $0x1BF5;
	[smem:$0x3FB6] =	sst s0  }
0x18: {  	s0 =	sld [smem:$0x3F99];
	_ =	swait.ge [sflag:s4], $0x0  }
0x19: {  	s7 =	sld [smem:$0x3F9A]  }
0x1a: {  	s8 =	sadd.s32 $0xFFFFE003, lr  }
0x1b: {  	s9 =	sadd.s32 $0xFFFFFEF7, lr;
	s5 =	simm.s32 $0xFFFFFFFF;
	p2 =	slt.u32 s8, $0xFFFFF086  }
0x1c: {  	p1 =	slt.u32 s9, $0xF7A;
	s5 =	simm.s32 @!p2 $0x0  }
0x1d: {  	s5 =	simm.s32 @p1 $0x1;
	p0 =	seq.s32 s7, s2  }
0x1e: {  	s7 =	smul.u32 @!p0 $0xF7A, s2;
	p2 =	seq.s32 @!p0 s5, $0x0  }
0x1f: {  	s9 =	smul.u32 $0xF7A, s1;
	s8 =	simm.s32 @!p0 $0x1BF5;
	p2 =	por !p2, p0  }
0x20: {  	[sflag:s8] =	ssyncset.s32 @!p0 $0xFFFFF086;
	s6 =	sadd.s32 @!p0 s3, s7;
	s7 =	simm.s32 @!p0 $0x108  }
0x21: {  	s3 =	sadd.s32 s3, s9;
	s6 =	sadd.s32 @!p0 $0x88, s6;
	s7 =	simm.s32 @p2 $0x1082  }
0x22: {  	[simem:s7], [sflag:s8] =	dma.local @!p0 [hbm:s6], $0xF7A  }
0x23: {  	s9 =	sor.u32 $0xD0000000, s2;
	s6 =	simm.s32 $0x108;
	_ =	swait.ge @!p0 [sflag:s8], $0x0  }
0x24: {  	s3 =	sadd.s32 $0x88, s3;
	s6 =	simm.s32 @!p1 $0x1082;
	[sflag:s4] =	ssyncset.s32 $0xFFFFF086  }
0x25: {  	[simem:s6], [sflag:s4] =	dma.local [hbm:s3], $0xF7A  }
0x26: {  	[smem:$0x3F9A] =	sst s1;
	(tag) =	ssettag s2;
	_ =	strace s9  }
0x27: {  	s1 =	sld [smem:$0x3FAA]  }
0x28: {  	s2 =	sld [smem:$0x3FAB]  }
0x29: {  	s4 =	sld [smem:$0x3FAD]  }
0x2a: {  	p0 =	seq.s32 s5, $0x0;
	s5 =	sld [smem:$0x3FAE]  }
0x2b: {  	s6 =	sld [smem:$0x3FAF]  }
0x2c: {  	s7 =	sld [smem:$0x3FB0]  }
0x2d: {  	s3 =	simm.s32 $0x108;
	s8 =	sld [smem:$0x3FB1]  }
0x2e: {  	s3 =	simm.s32 @!p0 $0x1082;
	s9 =	sld [smem:$0x3FB2]  }
0x2f: {  	lr =	sadd.s32 s0, s3;
	s0 =	sld [smem:$0x3FA9]  }
0x30: {  	s3 =	sld [smem:$0x3FAC]  }
0x31: {  	[smem:$0x3FB5] =	sst s10  }
0x32: {  	s10 =	sld [smem:$0x3FB3];
	_ =	sdelay $0x3  }
0x33: {  	p0 =	seq.s32 s10, $0x1;
	s10 =	sld [smem:$0x3FB5];
	_ =	sdelay $0x3  }
0x34: {  	[smem:$0x3FB5] =	sst s10  }
0x35: {  	s10 =	sld [smem:$0x3FB4];
	_ =	sdelay $0x3  }
0x36: {  	p1 =	seq.s32 s10, $0x1;
	s10 =	sld [smem:$0x3FB5];
	_ =	sdelay $0x3  }
0x37: {  	[smem:$0x3FB5] =	sst s10  }
0x38: {  	s10 =	sld [smem:$0x3FB6]  }
0x39: {  	_ = 	snop;
	(pc) =	sbr.ind lr, $3  }
0x3a: {  	_ = 	snop  }
0x3b: {  	_ = 	snop  }
0x3c: {  	p2 =	seq.s32 s10, $0x1;
	s10 =	sld [smem:$0x3FB5]  }
0x3d: {  	_ =	shalt  }
0x3e: {  	_ =	shalt  }
0x3f: {  	_ =	shalt  }
0x40: {  	_ =	shalt  }
0x41: {  	_ =	shalt  }
0x42: {  	_ =	shalt  }
0x43: {  	_ =	shalt  }
0x44: {  	_ =	shalt  }
0x45: {  	_ =	shalt  }
0x46: {  	_ =	shalt  }
0x47: {  	_ =	shalt  }
0x48: {  	_ =	shalt  }
0x49: {  	_ =	shalt  }
0x4a: {  	_ =	shalt  }
0x4b: {  	_ =	shalt  }
0x4c: {  	_ =	shalt  }
0x4d: {  	_ =	shalt  }
0x4e: {  	_ =	shalt  }
0x4f: {  	_ =	shalt  }
0x50: {  	_ =	shalt  }
0x51: {  	_ =	shalt  }
0x52: {  	_ =	shalt  }
0x53: {  	_ =	shalt  }
0x54: {  	_ =	shalt  }
0x55: {  	_ =	shalt  }
0x56: {  	_ =	shalt  }
0x57: {  	_ =	shalt  }
0x58: {  	_ =	shalt  }
0x59: {  	_ =	shalt  }
0x5a: {  	_ =	shalt  }
0x5b: {  	_ =	shalt  }
0x5c: {  	_ =	shalt  }
0x5d: {  	_ =	shalt  }
0x5e: {  	_ =	shalt  }
0x5f: {  	_ =	shalt  }
0x60: {  	_ =	shalt  }
0x61: {  	_ =	shalt  }
0x62: {  	_ =	shalt  }
0x63: {  	_ =	shalt  }
0x64: {  	_ =	shalt  }
0x65: {  	_ =	shalt  }
0x66: {  	_ =	shalt  }
0x67: {  	_ =	shalt  }
0x68: {  	_ =	shalt  }
0x69: {  	_ =	shalt  }
0x6a: {  	_ =	shalt  }
0x6b: {  	_ =	shalt  }
0x6c: {  	_ =	shalt  }
0x6d: {  	_ =	shalt  }
0x6e: {  	_ =	shalt  }
0x6f: {  	_ =	shalt  }
0x70: {  	_ =	shalt  }
0x71: {  	_ =	shalt  }
0x72: {  	_ =	shalt  }
0x73: {  	_ =	shalt  }
0x74: {  	_ =	shalt  }
0x75: {  	_ =	shalt  }
0x76: {  	_ =	shalt  }
0x77: {  	_ =	shalt  }
0x78: {  	_ =	shalt  }
0x79: {  	_ =	shalt  }
0x7a: {  	_ =	shalt  }
0x7b: {  	_ =	shalt  }
0x7c: {  	_ =	shalt  }
0x7d: {  	_ =	shalt  }
0x7e: {  	_ =	shalt  }
0x7f: {  	_ =	shalt  }
0x80: {  	_ =	shalt  }
0x81: {  	_ =	shalt  }
0x82: {  	_ =	shalt  }
0x83: {  	_ =	shalt  }
0x84: {  	_ =	shalt  }
0x85: {  	_ =	shalt  }
0x86: {  	_ =	shalt  }
0x87: {  	_ =	shalt  }
.Lfunc_end0:
.L_simem_size_0:
called_computation.1_lowered:
.L_overlay_start_0:
0x88: {  	s2 =	sld [smem:$0x3FD9]  }
0x89: {  	s3 =	sld [smem:$0x3FFE];
	_ =	sdelay $0x1  }
0x8a: {  	s1 =	srdreg.scid  }
0x8b: {  	s0 =	sand.u32 $0x1, s1  }
0x8c: {  	s14 =	sshll.u32 s0, $0xA;
	s2 =	sadd.s32 s3, s2  }
0x8d: {  	s2 =	sadd.s32 s2, s14  }
0x8e: {  	[smem:$0x3FC1] =	sst s2  }
0x8f: {  	_ = 	snop  }
0x90: {  	s2 =	sld [smem:$0x3FD0];
	_ =	sdelay $0x2  }
0x91: {  	s4 =	simm.s32 $0xA;
	s5 =	simm.s32 $0x10;
	s15 =	sld [smem:$0x3FC8]  }
0x92: {  	[smem:s5], [sflag:s4] =	dma.local [hbm:s2], $0x1  }
0x93: {  	_ =	swait.eq [sflag:s4], $0x1  }
0x94: {  	[sflag:s4] =	ssyncset.done $0x0  }
0x95: {  	[sflag:s4] =	ssyncadd.s32 $0xFFFFFFFF  }
0x96: {  	s16 =	sld [smem:$0x10];
	(tm) =	ssettm $0x1  }
0x97: {  	s17 =	sld [smem:$0x3FFB];
	_ =	sdelay $0x3  }
0x98: {  	_ =	strace s17  }
0x99: {  	s4 =	sld [smem:$0x3FFC];
	_ =	sdelay $0x3  }
0x9a: {  	_ =	strace s4  }
0x9b: {  	s4 =	sld [smem:$0x3FFD];
	_ =	sdelay $0x3  }
0x9c: {  	_ =	strace s4  }
0x9d: {  	_ =	strace $0x8FFFFFFF  }
0x9e: {  	s18 =	sld [smem:$0x3FDB];
	_ =	sdelay $0x1  }
0x9f: {  	s19 =	simm.s32 $_scs_section_size  }
0xa0: {  	s6 =	simm.s32 $_size__tile_overlayer_lowered;
	s7 =	simm.s32 $_tile_overlayer_lowered  }
0xa1: {  	s22 =	simm.s32 $0x1BFF;
	s21 =	sshll.u32 s7, $0x1;
	s4 =	sadd.s32 s19, s18  }
0xa2: {  	s8 =	simm.s32 $0x0;
	s20 =	sshll.u32 s6, $0x1;
	s6 =	sadd.s32 s21, s4  }
0xa3: {  	[timem:s8], [sflag:s22] =	dma.local [hbm:s6], s20  }
0xa4: {  	_ =	swait.ge [sflag:s22], s20  }
0xa5: {  	s5 =	ssub.s32 $0x0, s20;
	[sflag:s22] =	ssyncset.done $0x0  }
0xa6: {  	[sflag:s22] =	ssyncadd.s32 s5;
	_ =	sdelay $0x1  }
0xa7: {  	s23 =	simm.s32 $0x1B8B  }
0xa8: {  	_ =	swait.ge [sflag:s23], $0x1  }
0xa9: {  	[sflag:s23] =	ssyncset.done $0x0  }
0xaa: {  	s25 =	simm.s32 $0x1B8E;
	s24 =	sld [smem:$0x3FFE];
	[sflag:s23] =	ssyncadd.s32 $0xFFFFFFFF  }
0xab: {  	s26 =	simm.s32 $execute0_lowered;
	[smem:$0x3FD2] =	sst s25  }
0xac: {  	s6 =	sshll.u32 s26, $0x1;
	_ =	strace $0x80000049;
	[dreg:$0x1] =	wrdreg $0xFFFFFFFF  }
0xad: {  	s28 =	simm.s32 $_size_execute0_lowered;
	s4 =	sadd.s32 s4, s6;
	[dreg:$0x0] =	wrdreg $0x0  }
0xae: {  	s6 =	sshll.u32 s28, $0x1;
	[dreg:$0x2] =	wrdreg s4  }
0xaf: {  	[dreg:$0x3] =	wrdreg s6  }
0xb0: {  	[dreg:$0x4] =	wrdreg $0xC0  }
0xb1: {  	_ =	task [dreg:s8], $0x5FFFF  }
0xb2: {  	[dreg:$0x1] =	wrdreg $0xFFFFFFFF  }
0xb3: {  	[dreg:$0x0] =	wrdreg $0x60  }
0xb4: {  	[dreg:$0x2] =	wrdreg s16  }
0xb5: {  	[dreg:$0x3] =	wrdreg s15  }
0xb6: {  	[dreg:$0x4] =	wrdreg s24  }
0xb7: {  	[dreg:$0x5] =	wrdreg $0x9  }
0xb8: {  	_ =	task.clear_ibuf [dreg:s8], $0x6FFFF;
	_ =	strace $0x90000049  }
0xb9: {  	s29 =	simm.s32 $0x9;
	_ =	strace $0x8000004B  }
0xba: {  	_ =	swait.ge [sflag:s29], $0x1  }
0xbb: {  	[sflag:s29] =	ssyncadd.s32 $0xFFFFFFFF  }
0xbc: {  	_ =	strace $0x9000004B  }
0xbd: {  	_ =	sfence  }
0xbe: {  	s30 =	sld [smem:$0x0];
	_ =	sdelay $0x2  }
0xbf: {  	s31 =	sshll.u32 s1, $0xD;
	s1 =	sshrl.u32 s1, $0x2  }
0xc0: {  	s3 =	sand.u32 $0x4000, s31;
	s1 =	sadd.s32 s1, s30  }
0xc1: {  	s0 =	sor.u32 s3, s0;
	s1 =	sshll.u32 s1, $0x11  }
0xc2: {  	s0 =	sor.u32 s1, s0  }
0xc3: {  	s0 =	sadd.s32 $0x8F2B, s0  }
0xc4: {  	[sflag:s0] =	ssyncadd.remote.s32 $0x1  }
0xc5: {  	_ =	sfence.sel $0xFFFF  }
0xc6: {  	[dreg:$0x0] =	wrdreg $0xFFFFFFFF;
	(pc) =	sbr.abs _section_cstart, $3  }
0xc7: {  	[dreg:$0x1] =	wrdreg $0xFFFFFFFF  }
0xc8: {  	_ =	task.clear_ibuf [dreg:s8], $0x2FFFF;
	_ =	strace $0x9FFFFFFF  }
0xc9: {  	(tm) =	ssettm $0x7FFFFFFF  }
tec
execute0_lowered:
.L_overlay_start_1:
0x0: {  	(tag) =	ssettag $0x1  }
0x1: {  	s1 =	rddreg [dreg:$0x0]  }
0x2: {  	s2 =	rddreg [dreg:$0x1];
	s0 =	srdreg.scid  }
0x3: {  	s5 =	rddreg [dreg:$0x2];
	s4 =	simm.s32 $0x0;
	s3 =	stileid.u32  }
.Ltmp0:
0x4: {  	s6 =	sand.u32 $0x1, s0;
	s0 =	rddreg [dreg:$0x3];
	(pc) =	sbr.rel .LBB2_1-.Ltmp0, $4  }
0x5: {  	s9 =	simm.s32 $0x0;
	[smem:$0x7FF] =	sst s4;
	s7 =	ssub.s32 $0x2, s6  }
0x6: {  	s31 =	sshll.u32 s3, $0x1;
	s5 =	sadd.s32 $0x1C00, s5;
	s8 =	sshrl.u32 s7, $0x1  }
0x7: {  	_ =	strace $0x8000004A;
	s7 =	ssub.s32 s7, s8;
	s8 =	sor.u32 s6, s31  }
0x8: {  	v1 =	vimm.s32 $0x0;
	s6 =	smax.u32 s7, $0x1;
	v0 =	vmov s8;
	s7 =	simm.s32 $0x1;
	s8 =	simm.s32 $0x100  }
.LBB2_5:
0x9: {  	s9 =	sadd.s32 $0x1, s9  }
0xa: {  	p0 =	sne.s32 s9, s6  }
.Ltmp1:
0xb: {  	_ = 	snop;
	(pc) =	sbr.rel @!p0 .LBB2_6-.Ltmp1, $1  }
0xc: {  	_ =	sdelay $0x3  }
.LBB2_1:
0xd: {  	[tilespmem:s4], [sflag:$0x1] =	stream.linear.gather [hbm4b:s2+s4], $0x80, $0x38;
	[tilespmem:$0x4100] =	vst v63  }
0xe: {  	_ =	swait.ge [sflag:s7], $0x80  }
0xf: {  	[sflag:s7] =	ssyncset.done $0x0  }
.Ltmp2:
0x10: {  	[sflag:s7] =	ssyncadd.s32 $0xFFFFFF80;
	(pc) =	sbr.rel .LBB2_2-.Ltmp2, $4  }
0x11: {  	[tilespmem:s8], [sflag:$0x1] =	stream.linear.gather [hbm4b:s5+s4], $0x2000, $0x38;
	[tilespmem:$0x4100] =	vst v63  }
0x12: {  	_ =	swait.ge [sflag:s7], $0x2000  }
0x13: {  	[sflag:s7] =	ssyncset.done $0x0  }
0x14: {  	s10 =	simm.s32 $0xF;
	s11 =	simm.s32 $0x0;
	[sflag:s7] =	ssyncadd.s32 $0xFFFFE000  }
.LBB2_4:
0x15: {  	s10 =	sadd.s32 $0x10, s10  }
0x16: {  	p0 =	sne.s32 s10, $0x8F  }
.Ltmp3:
0x17: {  	_ = 	snop;
	(pc) =	sbr.rel @!p0 .LBB2_5-.Ltmp3, $2  }
0x18: {  	_ =	sdelay $0x2  }
0x19: {  	s11 =	sadd.s32 $0x10, s11  }
.LBB2_2:
0x1a: {  	v2 =	vld [tilespmem:s11+$0x0];
	_ =	sdelay $0x4  }
0x1b: {  	v3 =	vshra.s32 v2, $0x7  }
0x1c: {  	v4 =	vand.u32 $0x1F, v3  }
0x1d: {  	vm1 =	vlt.s32 v3, $0x30D;
	vm0 =	veq.s32 v4, v0  }
0x1e: {  	vm0 =	vmand vm1, vm0  }
0x1f: {  	v3 =	vmpcnt.ones.xlane vm0;
	_ =	sdelay $0x1  }
0x20: {  	(v2sf) =	vpush v3, $0x0;
	_ =	sdelay $0xe  }
0x21: {  	s12 =	spop (v2sf)  }
0x22: {  	p0 =	slt.s32 s12, $0x1  }
.Ltmp4:
0x23: {  	_ = 	snop;
	(pc) =	sbr.rel @p0 .LBB2_4-.Ltmp4, $1  }
0x24: {  	_ =	sdelay $0x3  }
0x25: {  	v3 =	vsel vm0, $0x1, v1  }
0x26: {  	(v2sf) =	vpush v3, $0x0;
	_ =	sdelay $0xe  }
0x27: {  	s12 =	spop (v2sf)  }
0x28: {  	p1 =	seq.s32 s12, $0x0  }
0x29: {  	(v2sf) =	vpush @!p1 v2, $0x0;
	_ =	sdelay $0xb  }
0x2a: {  	s12 =	sadd.s32 $0xFFFFFFF1, s10  }
0x2b: {  	v4 =	vmov @!p1 s12  }
0x2c: {  	v5 =	vlaneseq.u32 @!p1;
	v4 =	vand.u32 @!p1 $0x70, v4  }
0x2d: {  	v5 =	vmul.u32 @!p1 $0x80, v5;
	v4 =	vbroadcast @!p1 v4, $0x0;
	s13 =	spop @!p1 (v2sf)  }
0x2e: {  	s14 =	simm.s32 @!p1 $0x400;
	s15 =	simm.s32 @!p1 $0xC3800;
	s12 =	sand.u32 @!p1 $0xFFFFF80, s13  }
0x2f: {  	s16 =	simm.s32 @!p1 $0x2100;
	s17 =	simm.s32 @!p1 $0x2;
	v6 =	vor.u32 @!p1 v5, v4;
	s12 =	sadd.s32 @!p1 s1, s12  }
0x30: {  	[tilespmem:s16], [sflag:$0x2] =	stream.strided.gather @!p1 [hbm4b:s12+s14], $0x2000, s15, s14, $0x38;
	[tilespmem:$0x4100] =	vst v63  }
0x31: {  	_ =	swait.ge @!p1 [sflag:s17], $0x2000  }
0x32: {  	[sflag:s17] =	ssyncset.done @!p1 $0x0  }
0x33: {  	s18 =	simm.s32 @!p1 $0x100;
	s13 =	sand.u32 @!p1 $0x7F, s13;
	[sflag:s17] =	ssyncadd.s32 @!p1 $0xFFFFE000  }
0x34: {  	v8 =	vor.u32 @!p1 $0x800, v5;
	v7 =	vor.u32 @!p1 s13, v5;
	v6 =	vld.idx.msk @!p1 [tilespmem:v6+s18+$0x0], $0xffff  }
0x35: {  	v9 =	vor.u32 @!p1 v8, v4;
	_ =	sdelay $0x3  }
0x36: {  	[tilespmem:v7+s16+$0x0] =	vst.idx.msk @!p1 $0xffff, v6  }
0x37: {  	v7 =	vor.u32 @!p1 s13, v8;
	v8 =	vor.u32 @!p1 $0x1000, v5;
	v6 =	vld.idx.msk @!p1 [tilespmem:v9+s18+$0x0], $0xffff  }
0x38: {  	v9 =	vor.u32 @!p1 v8, v4;
	_ =	sdelay $0x3  }
0x39: {  	[tilespmem:v7+s16+$0x0] =	vst.idx.msk @!p1 $0xffff, v6  }
0x3a: {  	v5 =	vor.u32 @!p1 $0x1800, v5;
	v7 =	vor.u32 @!p1 s13, v8;
	v6 =	vld.idx.msk @!p1 [tilespmem:v9+s18+$0x0], $0xffff  }
0x3b: {  	v4 =	vor.u32 @!p1 v5, v4;
	_ =	sdelay $0x3  }
0x3c: {  	[tilespmem:v7+s16+$0x0] =	vst.idx.msk @!p1 $0xffff, v6  }
0x3d: {  	v5 =	vor.u32 @!p1 s13, v5;
	v4 =	vld.idx.msk @!p1 [tilespmem:v4+s18+$0x0], $0xffff;
	_ =	sdelay $0x4  }
0x3e: {  	[tilespmem:v5+s16+$0x0] =	vst.idx.msk @!p1 $0xffff, v4  }
0x3f: {  	[hbm4b:s12+s14] =	stream.strided.scatter @!p1 [tilespmem:s16], [sflag:$0x2], $0x2000, s15, s14, $0x38;
	[tilespmem:$0x4100] =	vst v63  }
0x40: {  	_ =	swait.ge @!p1 [sflag:s17], $0x2000  }
0x41: {  	(v2sf) =	vpush v3, $0x1;
	_ =	sdelay $0xe  }
0x42: {  	s15 =	spop (v2sf)  }
0x43: {  	p0 =	seq.s32 s15, $0x0  }
0x44: {  	(v2sf) =	vpush @!p0 v2, $0x1;
	_ =	sdelay $0xb  }
0x45: {  	s12 =	sadd.s32 @!p0 $0xFFFFFFF2, s10  }
0x46: {  	v4 =	vmov @!p0 s12  }
0x47: {  	[sflag:s17] =	ssyncset.done @!p1 $0x0;
	v5 =	vlaneseq.u32 @!p0;
	v4 =	vand.u32 @!p0 $0x71, v4  }
0x48: {  	[sflag:s17] =	ssyncadd.s32 @!p1 $0xFFFFE000;
	v5 =	vmul.u32 @!p0 $0x80, v5;
	v4 =	vbroadcast @!p0 v4, $0x0;
	s13 =	spop @!p0 (v2sf)  }
0x49: {  	s14 =	simm.s32 @!p0 $0x400;
	s15 =	simm.s32 @!p0 $0xC3800;
	s12 =	sand.u32 @!p0 $0xFFFFF80, s13  }
0x4a: {  	s16 =	simm.s32 @!p0 $0x2100;
	s17 =	simm.s32 @!p0 $0x2;
	v6 =	vor.u32 @!p0 v5, v4;
	s12 =	sadd.s32 @!p0 s1, s12  }
0x4b: {  	[tilespmem:s16], [sflag:$0x2] =	stream.strided.gather @!p0 [hbm4b:s12+s14], $0x2000, s15, s14, $0x38;
	[tilespmem:$0x4100] =	vst v63  }
0x4c: {  	_ =	swait.ge @!p0 [sflag:s17], $0x2000  }
0x4d: {  	[sflag:s17] =	ssyncset.done @!p0 $0x0  }
0x4e: {  	s18 =	simm.s32 @!p0 $0x100;
	s13 =	sand.u32 @!p0 $0x7F, s13;
	[sflag:s17] =	ssyncadd.s32 @!p0 $0xFFFFE000  }
0x4f: {  	v8 =	vor.u32 @!p0 $0x800, v5;
	v7 =	vor.u32 @!p0 s13, v5;
	v6 =	vld.idx.msk @!p0 [tilespmem:v6+s18+$0x0], $0xffff  }
0x50: {  	v9 =	vor.u32 @!p0 v8, v4;
	_ =	sdelay $0x3  }
0x51: {  	[tilespmem:v7+s16+$0x0] =	vst.idx.msk @!p0 $0xffff, v6  }
0x52: {  	v7 =	vor.u32 @!p0 s13, v8;
	v8 =	vor.u32 @!p0 $0x1000, v5;
	v6 =	vld.idx.msk @!p0 [tilespmem:v9+s18+$0x0], $0xffff  }
0x53: {  	v9 =	vor.u32 @!p0 v8, v4;
	_ =	sdelay $0x3  }
0x54: {  	[tilespmem:v7+s16+$0x0] =	vst.idx.msk @!p0 $0xffff, v6  }
0x55: {  	v5 =	vor.u32 @!p0 $0x1800, v5;
	v7 =	vor.u32 @!p0 s13, v8;
	v6 =	vld.idx.msk @!p0 [tilespmem:v9+s18+$0x0], $0xffff  }
0x56: {  	v4 =	vor.u32 @!p0 v5, v4;
	_ =	sdelay $0x3  }
0x57: {  	[tilespmem:v7+s16+$0x0] =	vst.idx.msk @!p0 $0xffff, v6  }
0x58: {  	v5 =	vor.u32 @!p0 s13, v5;
	v4 =	vld.idx.msk @!p0 [tilespmem:v4+s18+$0x0], $0xffff;
	_ =	sdelay $0x4  }
0x59: {  	[tilespmem:v5+s16+$0x0] =	vst.idx.msk @!p0 $0xffff, v4  }
0x5a: {  	[hbm4b:s12+s14] =	stream.strided.scatter @!p0 [tilespmem:s16], [sflag:$0x2], $0x2000, s15, s14, $0x38;
	[tilespmem:$0x4100] =	vst v63  }
0x5b: {  	_ =	swait.ge @!p0 [sflag:s17], $0x2000  }
0x5c: {  	(v2sf) =	vpush v3, $0x2;
	_ =	sdelay $0xe  }
0x5d: {  	s16 =	spop (v2sf)  }
0x5e: {  	p1 =	seq.s32 s16, $0x0  }
0x5f: {  	(v2sf) =	vpush @!p1 v2, $0x2;
	_ =	sdelay $0xb  }
0x60: {  	s12 =	sadd.s32 @!p1 $0xFFFFFFF3, s10  }
0x61: {  	v4 =	vmov @!p1 s12  }
0x62: {  	[sflag:s17] =	ssyncset.done @!p0 $0x0;
	v5 =	vlaneseq.u32 @!p1;
	v4 =	vand.u32 @!p1 $0x72, v4  }
0x63: {  	[sflag:s17] =	ssyncadd.s32 @!p0 $0xFFFFE000;
	v5 =	vmul.u32 @!p1 $0x80, v5;
	v4 =	vbroadcast @!p1 v4, $0x0;
	s13 =	spop @!p1 (v2sf)  }
0x64: {  	s14 =	simm.s32 @!p1 $0x400;
	s15 =	simm.s32 @!p1 $0xC3800;
	s12 =	sand.u32 @!p1 $0xFFFFF80, s13  }
0x65: {  	s16 =	simm.s32 @!p1 $0x2100;
	s17 =	simm.s32 @!p1 $0x2;
	v6 =	vor.u32 @!p1 v5, v4;
	s12 =	sadd.s32 @!p1 s1, s12  }
0x66: {  	[tilespmem:s16], [sflag:$0x2] =	stream.strided.gather @!p1 [hbm4b:s12+s14], $0x2000, s15, s14, $0x38;
	[tilespmem:$0x4100] =	vst v63  }
0x67: {  	_ =	swait.ge @!p1 [sflag:s17], $0x2000  }
0x68: {  	[sflag:s17] =	ssyncset.done @!p1 $0x0  }
0x69: {  	s18 =	simm.s32 @!p1 $0x100;
	s13 =	sand.u32 @!p1 $0x7F, s13;
	[sflag:s17] =	ssyncadd.s32 @!p1 $0xFFFFE000  }
0x6a: {  	v8 =	vor.u32 @!p1 $0x800, v5;
	v7 =	vor.u32 @!p1 s13, v5;
	v6 =	vld.idx.msk @!p1 [tilespmem:v6+s18+$0x0], $0xffff  }
0x6b: {  	v9 =	vor.u32 @!p1 v8, v4;
	_ =	sdelay $0x3  }
0x6c: {  	[tilespmem:v7+s16+$0x0] =	vst.idx.msk @!p1 $0xffff, v6  }
0x6d: {  	v7 =	vor.u32 @!p1 s13, v8;
	v8 =	vor.u32 @!p1 $0x1000, v5;
	v6 =	vld.idx.msk @!p1 [tilespmem:v9+s18+$0x0], $0xffff  }
0x6e: {  	v9 =	vor.u32 @!p1 v8, v4;
	_ =	sdelay $0x3  }
0x6f: {  	[tilespmem:v7+s16+$0x0] =	vst.idx.msk @!p1 $0xffff, v6  }
0x70: {  	v5 =	vor.u32 @!p1 $0x1800, v5;
	v7 =	vor.u32 @!p1 s13, v8;
	v6 =	vld.idx.msk @!p1 [tilespmem:v9+s18+$0x0], $0xffff  }
0x71: {  	v4 =	vor.u32 @!p1 v5, v4;
	_ =	sdelay $0x3  }
0x72: {  	[tilespmem:v7+s16+$0x0] =	vst.idx.msk @!p1 $0xffff, v6  }
0x73: {  	v5 =	vor.u32 @!p1 s13, v5;
	v4 =	vld.idx.msk @!p1 [tilespmem:v4+s18+$0x0], $0xffff;
	_ =	sdelay $0x4  }
0x74: {  	[tilespmem:v5+s16+$0x0] =	vst.idx.msk @!p1 $0xffff, v4  }
0x75: {  	[hbm4b:s12+s14] =	stream.strided.scatter @!p1 [tilespmem:s16], [sflag:$0x2], $0x2000, s15, s14, $0x38;
	[tilespmem:$0x4100] =	vst v63  }
0x76: {  	_ =	swait.ge @!p1 [sflag:s17], $0x2000  }
0x77: {  	(v2sf) =	vpush v3, $0x3;
	_ =	sdelay $0xe  }
0x78: {  	s18 =	spop (v2sf)  }
0x79: {  	p0 =	seq.s32 s18, $0x0  }
0x7a: {  	(v2sf) =	vpush @!p0 v2, $0x3;
	_ =	sdelay $0xb  }
0x7b: {  	s12 =	sadd.s32 @!p0 $0xFFFFFFF4, s10  }
0x7c: {  	v4 =	vmov @!p0 s12  }
0x7d: {  	[sflag:s17] =	ssyncset.done @!p1 $0x0;
	v5 =	vlaneseq.u32 @!p0;
	v4 =	vand.u32 @!p0 $0x73, v4  }
0x7e: {  	[sflag:s17] =	ssyncadd.s32 @!p1 $0xFFFFE000;
	v5 =	vmul.u32 @!p0 $0x80, v5;
	v4 =	vbroadcast @!p0 v4, $0x0;
	s13 =	spop @!p0 (v2sf)  }
0x7f: {  	s14 =	simm.s32 @!p0 $0x400;
	s15 =	simm.s32 @!p0 $0xC3800;
	s12 =	sand.u32 @!p0 $0xFFFFF80, s13  }
0x80: {  	s16 =	simm.s32 @!p0 $0x2100;
	s17 =	simm.s32 @!p0 $0x2;
	v6 =	vor.u32 @!p0 v5, v4;
	s12 =	sadd.s32 @!p0 s1, s12  }
0x81: {  	[tilespmem:s16], [sflag:$0x2] =	stream.strided.gather @!p0 [hbm4b:s12+s14], $0x2000, s15, s14, $0x38;
	[tilespmem:$0x4100] =	vst v63  }
0x82: {  	_ =	swait.ge @!p0 [sflag:s17], $0x2000  }
0x83: {  	[sflag:s17] =	ssyncset.done @!p0 $0x0  }
0x84: {  	s18 =	simm.s32 @!p0 $0x100;
	s13 =	sand.u32 @!p0 $0x7F, s13;
	[sflag:s17] =	ssyncadd.s32 @!p0 $0xFFFFE000  }
0x85: {  	v8 =	vor.u32 @!p0 $0x800, v5;
	v7 =	vor.u32 @!p0 s13, v5;
	v6 =	vld.idx.msk @!p0 [tilespmem:v6+s18+$0x0], $0xffff  }
0x86: {  	v9 =	vor.u32 @!p0 v8, v4;
	_ =	sdelay $0x3  }
0x87: {  	[tilespmem:v7+s16+$0x0] =	vst.idx.msk @!p0 $0xffff, v6  }
0x88: {  	v7 =	vor.u32 @!p0 s13, v8;
	v8 =	vor.u32 @!p0 $0x1000, v5;
	v6 =	vld.idx.msk @!p0 [tilespmem:v9+s18+$0x0], $0xffff  }
0x89: {  	v9 =	vor.u32 @!p0 v8, v4;
	_ =	sdelay $0x3  }
0x8a: {  	[tilespmem:v7+s16+$0x0] =	vst.idx.msk @!p0 $0xffff, v6  }
0x8b: {  	v5 =	vor.u32 @!p0 $0x1800, v5;
	v7 =	vor.u32 @!p0 s13, v8;
	v6 =	vld.idx.msk @!p0 [tilespmem:v9+s18+$0x0], $0xffff  }
0x8c: {  	v4 =	vor.u32 @!p0 v5, v4;
	_ =	sdelay $0x3  }
0x8d: {  	[tilespmem:v7+s16+$0x0] =	vst.idx.msk @!p0 $0xffff, v6  }
0x8e: {  	v5 =	vor.u32 @!p0 s13, v5;
	v4 =	vld.idx.msk @!p0 [tilespmem:v4+s18+$0x0], $0xffff;
	_ =	sdelay $0x4  }
0x8f: {  	[tilespmem:v5+s16+$0x0] =	vst.idx.msk @!p0 $0xffff, v4  }
0x90: {  	[hbm4b:s12+s14] =	stream.strided.scatter @!p0 [tilespmem:s16], [sflag:$0x2], $0x2000, s15, s14, $0x38;
	[tilespmem:$0x4100] =	vst v63  }
0x91: {  	_ =	swait.ge @!p0 [sflag:s17], $0x2000  }
0x92: {  	(v2sf) =	vpush v3, $0x4;
	_ =	sdelay $0xe  }
0x93: {  	s19 =	spop (v2sf)  }
0x94: {  	p1 =	seq.s32 s19, $0x0  }
0x95: {  	(v2sf) =	vpush @!p1 v2, $0x4;
	_ =	sdelay $0xb  }
0x96: {  	s12 =	sadd.s32 @!p1 $0xFFFFFFF5, s10  }
0x97: {  	v4 =	vmov @!p1 s12  }
0x98: {  	[sflag:s17] =	ssyncset.done @!p0 $0x0;
	v5 =	vlaneseq.u32 @!p1;
	v4 =	vand.u32 @!p1 $0x74, v4  }
0x99: {  	[sflag:s17] =	ssyncadd.s32 @!p0 $0xFFFFE000;
	v5 =	vmul.u32 @!p1 $0x80, v5;
	v4 =	vbroadcast @!p1 v4, $0x0;
	s13 =	spop @!p1 (v2sf)  }
0x9a: {  	s14 =	simm.s32 @!p1 $0x400;
	s15 =	simm.s32 @!p1 $0xC3800;
	s12 =	sand.u32 @!p1 $0xFFFFF80, s13  }
0x9b: {  	s16 =	simm.s32 @!p1 $0x2100;
	s17 =	simm.s32 @!p1 $0x2;
	v6 =	vor.u32 @!p1 v5, v4;
	s12 =	sadd.s32 @!p1 s1, s12  }
0x9c: {  	[tilespmem:s16], [sflag:$0x2] =	stream.strided.gather @!p1 [hbm4b:s12+s14], $0x2000, s15, s14, $0x38;
	[tilespmem:$0x4100] =	vst v63  }
0x9d: {  	_ =	swait.ge @!p1 [sflag:s17], $0x2000  }
0x9e: {  	[sflag:s17] =	ssyncset.done @!p1 $0x0  }
0x9f: {  	s18 =	simm.s32 @!p1 $0x100;
	s13 =	sand.u32 @!p1 $0x7F, s13;
	[sflag:s17] =	ssyncadd.s32 @!p1 $0xFFFFE000  }
0xa0: {  	v8 =	vor.u32 @!p1 $0x800, v5;
	v7 =	vor.u32 @!p1 s13, v5;
	v6 =	vld.idx.msk @!p1 [tilespmem:v6+s18+$0x0], $0xffff  }
0xa1: {  	v9 =	vor.u32 @!p1 v8, v4;
	_ =	sdelay $0x3  }
0xa2: {  	[tilespmem:v7+s16+$0x0] =	vst.idx.msk @!p1 $0xffff, v6  }
0xa3: {  	v7 =	vor.u32 @!p1 s13, v8;
	v8 =	vor.u32 @!p1 $0x1000, v5;
	v6 =	vld.idx.msk @!p1 [tilespmem:v9+s18+$0x0], $0xffff  }
0xa4: {  	v9 =	vor.u32 @!p1 v8, v4;
	_ =	sdelay $0x3  }
0xa5: {  	[tilespmem:v7+s16+$0x0] =	vst.idx.msk @!p1 $0xffff, v6  }
0xa6: {  	v5 =	vor.u32 @!p1 $0x1800, v5;
	v7 =	vor.u32 @!p1 s13, v8;
	v6 =	vld.idx.msk @!p1 [tilespmem:v9+s18+$0x0], $0xffff  }
0xa7: {  	v4 =	vor.u32 @!p1 v5, v4;
	_ =	sdelay $0x3  }
0xa8: {  	[tilespmem:v7+s16+$0x0] =	vst.idx.msk @!p1 $0xffff, v6  }
0xa9: {  	v5 =	vor.u32 @!p1 s13, v5;
	v4 =	vld.idx.msk @!p1 [tilespmem:v4+s18+$0x0], $0xffff;
	_ =	sdelay $0x4  }
0xaa: {  	[tilespmem:v5+s16+$0x0] =	vst.idx.msk @!p1 $0xffff, v4  }
0xab: {  	[hbm4b:s12+s14] =	stream.strided.scatter @!p1 [tilespmem:s16], [sflag:$0x2], $0x2000, s15, s14, $0x38;
	[tilespmem:$0x4100] =	vst v63  }
0xac: {  	_ =	swait.ge @!p1 [sflag:s17], $0x2000  }
0xad: {  	(v2sf) =	vpush v3, $0x5;
	_ =	sdelay $0xe  }
0xae: {  	s20 =	spop (v2sf)  }
0xaf: {  	p0 =	seq.s32 s20, $0x0  }
0xb0: {  	(v2sf) =	vpush @!p0 v2, $0x5;
	_ =	sdelay $0xb  }
0xb1: {  	s12 =	sadd.s32 @!p0 $0xFFFFFFF6, s10  }
0xb2: {  	v4 =	vmov @!p0 s12  }
0xb3: {  	[sflag:s17] =	ssyncset.done @!p1 $0x0;
	v5 =	vlaneseq.u32 @!p0;
	v4 =	vand.u32 @!p0 $0x75, v4  }
0xb4: {  	[sflag:s17] =	ssyncadd.s32 @!p1 $0xFFFFE000;
	v5 =	vmul.u32 @!p0 $0x80, v5;
	v4 =	vbroadcast @!p0 v4, $0x0;
	s13 =	spop @!p0 (v2sf)  }
0xb5: {  	s14 =	simm.s32 @!p0 $0x400;
	s15 =	simm.s32 @!p0 $0xC3800;
	s12 =	sand.u32 @!p0 $0xFFFFF80, s13  }
0xb6: {  	s16 =	simm.s32 @!p0 $0x2100;
	s17 =	simm.s32 @!p0 $0x2;
	v6 =	vor.u32 @!p0 v5, v4;
	s12 =	sadd.s32 @!p0 s1, s12  }
0xb7: {  	[tilespmem:s16], [sflag:$0x2] =	stream.strided.gather @!p0 [hbm4b:s12+s14], $0x2000, s15, s14, $0x38;
	[tilespmem:$0x4100] =	vst v63  }
0xb8: {  	_ =	swait.ge @!p0 [sflag:s17], $0x2000  }
0xb9: {  	[sflag:s17] =	ssyncset.done @!p0 $0x0  }
0xba: {  	s18 =	simm.s32 @!p0 $0x100;
	s13 =	sand.u32 @!p0 $0x7F, s13;
	[sflag:s17] =	ssyncadd.s32 @!p0 $0xFFFFE000  }
0xbb: {  	v8 =	vor.u32 @!p0 $0x800, v5;
	v7 =	vor.u32 @!p0 s13, v5;
	v6 =	vld.idx.msk @!p0 [tilespmem:v6+s18+$0x0], $0xffff  }
0xbc: {  	v9 =	vor.u32 @!p0 v8, v4;
	_ =	sdelay $0x3  }
0xbd: {  	[tilespmem:v7+s16+$0x0] =	vst.idx.msk @!p0 $0xffff, v6  }
0xbe: {  	v7 =	vor.u32 @!p0 s13, v8;
	v8 =	vor.u32 @!p0 $0x1000, v5;
	v6 =	vld.idx.msk @!p0 [tilespmem:v9+s18+$0x0], $0xffff  }
0xbf: {  	v9 =	vor.u32 @!p0 v8, v4;
	_ =	sdelay $0x3  }
0xc0: {  	[tilespmem:v7+s16+$0x0] =	vst.idx.msk @!p0 $0xffff, v6  }
0xc1: {  	v5 =	vor.u32 @!p0 $0x1800, v5;
	v7 =	vor.u32 @!p0 s13, v8;
	v6 =	vld.idx.msk @!p0 [tilespmem:v9+s18+$0x0], $0xffff  }
0xc2: {  	v4 =	vor.u32 @!p0 v5, v4;
	_ =	sdelay $0x3  }
0xc3: {  	[tilespmem:v7+s16+$0x0] =	vst.idx.msk @!p0 $0xffff, v6  }
0xc4: {  	v5 =	vor.u32 @!p0 s13, v5;
	v4 =	vld.idx.msk @!p0 [tilespmem:v4+s18+$0x0], $0xffff;
	_ =	sdelay $0x4  }
0xc5: {  	[tilespmem:v5+s16+$0x0] =	vst.idx.msk @!p0 $0xffff, v4  }
0xc6: {  	[hbm4b:s12+s14] =	stream.strided.scatter @!p0 [tilespmem:s16], [sflag:$0x2], $0x2000, s15, s14, $0x38;
	[tilespmem:$0x4100] =	vst v63  }
0xc7: {  	_ =	swait.ge @!p0 [sflag:s17], $0x2000  }
0xc8: {  	(v2sf) =	vpush v3, $0x6;
	_ =	sdelay $0xe  }
0xc9: {  	s21 =	spop (v2sf)  }
0xca: {  	p1 =	seq.s32 s21, $0x0  }
0xcb: {  	(v2sf) =	vpush @!p1 v2, $0x6;
	_ =	sdelay $0xb  }
0xcc: {  	s12 =	sadd.s32 @!p1 $0xFFFFFFF7, s10  }
0xcd: {  	v4 =	vmov @!p1 s12  }
0xce: {  	[sflag:s17] =	ssyncset.done @!p0 $0x0;
	v5 =	vlaneseq.u32 @!p1;
	v4 =	vand.u32 @!p1 $0x76, v4  }
0xcf: {  	[sflag:s17] =	ssyncadd.s32 @!p0 $0xFFFFE000;
	v5 =	vmul.u32 @!p1 $0x80, v5;
	v4 =	vbroadcast @!p1 v4, $0x0;
	s13 =	spop @!p1 (v2sf)  }
0xd0: {  	s14 =	simm.s32 @!p1 $0x400;
	s15 =	simm.s32 @!p1 $0xC3800;
	s12 =	sand.u32 @!p1 $0xFFFFF80, s13  }
0xd1: {  	s16 =	simm.s32 @!p1 $0x2100;
	s17 =	simm.s32 @!p1 $0x2;
	v6 =	vor.u32 @!p1 v5, v4;
	s12 =	sadd.s32 @!p1 s1, s12  }
0xd2: {  	[tilespmem:s16], [sflag:$0x2] =	stream.strided.gather @!p1 [hbm4b:s12+s14], $0x2000, s15, s14, $0x38;
	[tilespmem:$0x4100] =	vst v63  }
0xd3: {  	_ =	swait.ge @!p1 [sflag:s17], $0x2000  }
0xd4: {  	[sflag:s17] =	ssyncset.done @!p1 $0x0  }
0xd5: {  	s18 =	simm.s32 @!p1 $0x100;
	s13 =	sand.u32 @!p1 $0x7F, s13;
	[sflag:s17] =	ssyncadd.s32 @!p1 $0xFFFFE000  }
0xd6: {  	v8 =	vor.u32 @!p1 $0x800, v5;
	v7 =	vor.u32 @!p1 s13, v5;
	v6 =	vld.idx.msk @!p1 [tilespmem:v6+s18+$0x0], $0xffff  }
0xd7: {  	v9 =	vor.u32 @!p1 v8, v4;
	_ =	sdelay $0x3  }
0xd8: {  	[tilespmem:v7+s16+$0x0] =	vst.idx.msk @!p1 $0xffff, v6  }
0xd9: {  	v7 =	vor.u32 @!p1 s13, v8;
	v8 =	vor.u32 @!p1 $0x1000, v5;
	v6 =	vld.idx.msk @!p1 [tilespmem:v9+s18+$0x0], $0xffff  }
0xda: {  	v9 =	vor.u32 @!p1 v8, v4;
	_ =	sdelay $0x3  }
0xdb: {  	[tilespmem:v7+s16+$0x0] =	vst.idx.msk @!p1 $0xffff, v6  }
0xdc: {  	v5 =	vor.u32 @!p1 $0x1800, v5;
	v7 =	vor.u32 @!p1 s13, v8;
	v6 =	vld.idx.msk @!p1 [tilespmem:v9+s18+$0x0], $0xffff  }
0xdd: {  	v4 =	vor.u32 @!p1 v5, v4;
	_ =	sdelay $0x3  }
0xde: {  	[tilespmem:v7+s16+$0x0] =	vst.idx.msk @!p1 $0xffff, v6  }
0xdf: {  	v5 =	vor.u32 @!p1 s13, v5;
	v4 =	vld.idx.msk @!p1 [tilespmem:v4+s18+$0x0], $0xffff;
	_ =	sdelay $0x4  }
0xe0: {  	[tilespmem:v5+s16+$0x0] =	vst.idx.msk @!p1 $0xffff, v4  }
0xe1: {  	[hbm4b:s12+s14] =	stream.strided.scatter @!p1 [tilespmem:s16], [sflag:$0x2], $0x2000, s15, s14, $0x38;
	[tilespmem:$0x4100] =	vst v63  }
0xe2: {  	_ =	swait.ge @!p1 [sflag:s17], $0x2000  }
0xe3: {  	(v2sf) =	vpush v3, $0x7;
	_ =	sdelay $0xe  }
0xe4: {  	s22 =	spop (v2sf)  }
0xe5: {  	p0 =	seq.s32 s22, $0x0  }
0xe6: {  	(v2sf) =	vpush @!p0 v2, $0x7;
	_ =	sdelay $0xb  }
0xe7: {  	s12 =	sadd.s32 @!p0 $0xFFFFFFF8, s10  }
0xe8: {  	v4 =	vmov @!p0 s12  }
0xe9: {  	[sflag:s17] =	ssyncset.done @!p1 $0x0;
	v5 =	vlaneseq.u32 @!p0;
	v4 =	vand.u32 @!p0 $0x77, v4  }
0xea: {  	[sflag:s17] =	ssyncadd.s32 @!p1 $0xFFFFE000;
	v5 =	vmul.u32 @!p0 $0x80, v5;
	v4 =	vbroadcast @!p0 v4, $0x0;
	s13 =	spop @!p0 (v2sf)  }
0xeb: {  	s14 =	simm.s32 @!p0 $0x400;
	s15 =	simm.s32 @!p0 $0xC3800;
	s12 =	sand.u32 @!p0 $0xFFFFF80, s13  }
0xec: {  	s16 =	simm.s32 @!p0 $0x2100;
	s17 =	simm.s32 @!p0 $0x2;
	v6 =	vor.u32 @!p0 v5, v4;
	s12 =	sadd.s32 @!p0 s1, s12  }
0xed: {  	[tilespmem:s16], [sflag:$0x2] =	stream.strided.gather @!p0 [hbm4b:s12+s14], $0x2000, s15, s14, $0x38;
	[tilespmem:$0x4100] =	vst v63  }
0xee: {  	_ =	swait.ge @!p0 [sflag:s17], $0x2000  }
0xef: {  	[sflag:s17] =	ssyncset.done @!p0 $0x0  }
0xf0: {  	s18 =	simm.s32 @!p0 $0x100;
	s13 =	sand.u32 @!p0 $0x7F, s13;
	[sflag:s17] =	ssyncadd.s32 @!p0 $0xFFFFE000  }
0xf1: {  	v8 =	vor.u32 @!p0 $0x800, v5;
	v7 =	vor.u32 @!p0 s13, v5;
	v6 =	vld.idx.msk @!p0 [tilespmem:v6+s18+$0x0], $0xffff  }
0xf2: {  	v9 =	vor.u32 @!p0 v8, v4;
	_ =	sdelay $0x3  }
0xf3: {  	[tilespmem:v7+s16+$0x0] =	vst.idx.msk @!p0 $0xffff, v6  }
0xf4: {  	v7 =	vor.u32 @!p0 s13, v8;
	v8 =	vor.u32 @!p0 $0x1000, v5;
	v6 =	vld.idx.msk @!p0 [tilespmem:v9+s18+$0x0], $0xffff  }
0xf5: {  	v9 =	vor.u32 @!p0 v8, v4;
	_ =	sdelay $0x3  }
0xf6: {  	[tilespmem:v7+s16+$0x0] =	vst.idx.msk @!p0 $0xffff, v6  }
0xf7: {  	v5 =	vor.u32 @!p0 $0x1800, v5;
	v7 =	vor.u32 @!p0 s13, v8;
	v6 =	vld.idx.msk @!p0 [tilespmem:v9+s18+$0x0], $0xffff  }
0xf8: {  	v4 =	vor.u32 @!p0 v5, v4;
	_ =	sdelay $0x3  }
0xf9: {  	[tilespmem:v7+s16+$0x0] =	vst.idx.msk @!p0 $0xffff, v6  }
0xfa: {  	v5 =	vor.u32 @!p0 s13, v5;
	v4 =	vld.idx.msk @!p0 [tilespmem:v4+s18+$0x0], $0xffff;
	_ =	sdelay $0x4  }
0xfb: {  	[tilespmem:v5+s16+$0x0] =	vst.idx.msk @!p0 $0xffff, v4  }
0xfc: {  	[hbm4b:s12+s14] =	stream.strided.scatter @!p0 [tilespmem:s16], [sflag:$0x2], $0x2000, s15, s14, $0x38;
	[tilespmem:$0x4100] =	vst v63  }
0xfd: {  	_ =	swait.ge @!p0 [sflag:s17], $0x2000  }
0xfe: {  	(v2sf) =	vpush v3, $0x8;
	_ =	sdelay $0xe  }
0xff: {  	s23 =	spop (v2sf)  }
0x100: {  	p1 =	seq.s32 s23, $0x0  }
0x101: {  	(v2sf) =	vpush @!p1 v2, $0x8;
	_ =	sdelay $0xb  }
0x102: {  	s12 =	sadd.s32 @!p1 $0xFFFFFFF9, s10  }
0x103: {  	v4 =	vmov @!p1 s12  }
0x104: {  	[sflag:s17] =	ssyncset.done @!p0 $0x0;
	v5 =	vlaneseq.u32 @!p1;
	v4 =	vand.u32 @!p1 $0x78, v4  }
0x105: {  	[sflag:s17] =	ssyncadd.s32 @!p0 $0xFFFFE000;
	v5 =	vmul.u32 @!p1 $0x80, v5;
	v4 =	vbroadcast @!p1 v4, $0x0;
	s13 =	spop @!p1 (v2sf)  }
0x106: {  	s14 =	simm.s32 @!p1 $0x400;
	s15 =	simm.s32 @!p1 $0xC3800;
	s12 =	sand.u32 @!p1 $0xFFFFF80, s13  }
0x107: {  	s16 =	simm.s32 @!p1 $0x2100;
	s17 =	simm.s32 @!p1 $0x2;
	v6 =	vor.u32 @!p1 v5, v4;
	s12 =	sadd.s32 @!p1 s1, s12  }
0x108: {  	[tilespmem:s16], [sflag:$0x2] =	stream.strided.gather @!p1 [hbm4b:s12+s14], $0x2000, s15, s14, $0x38;
	[tilespmem:$0x4100] =	vst v63  }
0x109: {  	_ =	swait.ge @!p1 [sflag:s17], $0x2000  }
0x10a: {  	[sflag:s17] =	ssyncset.done @!p1 $0x0  }
0x10b: {  	s18 =	simm.s32 @!p1 $0x100;
	s13 =	sand.u32 @!p1 $0x7F, s13;
	[sflag:s17] =	ssyncadd.s32 @!p1 $0xFFFFE000  }
0x10c: {  	v8 =	vor.u32 @!p1 $0x800, v5;
	v7 =	vor.u32 @!p1 s13, v5;
	v6 =	vld.idx.msk @!p1 [tilespmem:v6+s18+$0x0], $0xffff  }
0x10d: {  	v9 =	vor.u32 @!p1 v8, v4;
	_ =	sdelay $0x3  }
0x10e: {  	[tilespmem:v7+s16+$0x0] =	vst.idx.msk @!p1 $0xffff, v6  }
0x10f: {  	v7 =	vor.u32 @!p1 s13, v8;
	v8 =	vor.u32 @!p1 $0x1000, v5;
	v6 =	vld.idx.msk @!p1 [tilespmem:v9+s18+$0x0], $0xffff  }
0x110: {  	v9 =	vor.u32 @!p1 v8, v4;
	_ =	sdelay $0x3  }
0x111: {  	[tilespmem:v7+s16+$0x0] =	vst.idx.msk @!p1 $0xffff, v6  }
0x112: {  	v5 =	vor.u32 @!p1 $0x1800, v5;
	v7 =	vor.u32 @!p1 s13, v8;
	v6 =	vld.idx.msk @!p1 [tilespmem:v9+s18+$0x0], $0xffff  }
0x113: {  	v4 =	vor.u32 @!p1 v5, v4;
	_ =	sdelay $0x3  }
0x114: {  	[tilespmem:v7+s16+$0x0] =	vst.idx.msk @!p1 $0xffff, v6  }
0x115: {  	v5 =	vor.u32 @!p1 s13, v5;
	v4 =	vld.idx.msk @!p1 [tilespmem:v4+s18+$0x0], $0xffff;
	_ =	sdelay $0x4  }
0x116: {  	[tilespmem:v5+s16+$0x0] =	vst.idx.msk @!p1 $0xffff, v4  }
0x117: {  	[hbm4b:s12+s14] =	stream.strided.scatter @!p1 [tilespmem:s16], [sflag:$0x2], $0x2000, s15, s14, $0x38;
	[tilespmem:$0x4100] =	vst v63  }
0x118: {  	_ =	swait.ge @!p1 [sflag:s17], $0x2000  }
0x119: {  	(v2sf) =	vpush v3, $0x9;
	_ =	sdelay $0xe  }
0x11a: {  	s24 =	spop (v2sf)  }
0x11b: {  	p0 =	seq.s32 s24, $0x0  }
0x11c: {  	(v2sf) =	vpush @!p0 v2, $0x9;
	_ =	sdelay $0xb  }
0x11d: {  	s12 =	sadd.s32 @!p0 $0xFFFFFFFA, s10  }
0x11e: {  	v4 =	vmov @!p0 s12  }
0x11f: {  	[sflag:s17] =	ssyncset.done @!p1 $0x0;
	v5 =	vlaneseq.u32 @!p0;
	v4 =	vand.u32 @!p0 $0x79, v4  }
0x120: {  	[sflag:s17] =	ssyncadd.s32 @!p1 $0xFFFFE000;
	v5 =	vmul.u32 @!p0 $0x80, v5;
	v4 =	vbroadcast @!p0 v4, $0x0;
	s13 =	spop @!p0 (v2sf)  }
0x121: {  	s14 =	simm.s32 @!p0 $0x400;
	s15 =	simm.s32 @!p0 $0xC3800;
	s12 =	sand.u32 @!p0 $0xFFFFF80, s13  }
0x122: {  	s16 =	simm.s32 @!p0 $0x2100;
	s17 =	simm.s32 @!p0 $0x2;
	v6 =	vor.u32 @!p0 v5, v4;
	s12 =	sadd.s32 @!p0 s1, s12  }
0x123: {  	[tilespmem:s16], [sflag:$0x2] =	stream.strided.gather @!p0 [hbm4b:s12+s14], $0x2000, s15, s14, $0x38;
	[tilespmem:$0x4100] =	vst v63  }
0x124: {  	_ =	swait.ge @!p0 [sflag:s17], $0x2000  }
0x125: {  	[sflag:s17] =	ssyncset.done @!p0 $0x0  }
0x126: {  	s18 =	simm.s32 @!p0 $0x100;
	s13 =	sand.u32 @!p0 $0x7F, s13;
	[sflag:s17] =	ssyncadd.s32 @!p0 $0xFFFFE000  }
0x127: {  	v8 =	vor.u32 @!p0 $0x800, v5;
	v7 =	vor.u32 @!p0 s13, v5;
	v6 =	vld.idx.msk @!p0 [tilespmem:v6+s18+$0x0], $0xffff  }
0x128: {  	v9 =	vor.u32 @!p0 v8, v4;
	_ =	sdelay $0x3  }
0x129: {  	[tilespmem:v7+s16+$0x0] =	vst.idx.msk @!p0 $0xffff, v6  }
0x12a: {  	v7 =	vor.u32 @!p0 s13, v8;
	v8 =	vor.u32 @!p0 $0x1000, v5;
	v6 =	vld.idx.msk @!p0 [tilespmem:v9+s18+$0x0], $0xffff  }
0x12b: {  	v9 =	vor.u32 @!p0 v8, v4;
	_ =	sdelay $0x3  }
0x12c: {  	[tilespmem:v7+s16+$0x0] =	vst.idx.msk @!p0 $0xffff, v6  }
0x12d: {  	v5 =	vor.u32 @!p0 $0x1800, v5;
	v7 =	vor.u32 @!p0 s13, v8;
	v6 =	vld.idx.msk @!p0 [tilespmem:v9+s18+$0x0], $0xffff  }
0x12e: {  	v4 =	vor.u32 @!p0 v5, v4;
	_ =	sdelay $0x3  }
0x12f: {  	[tilespmem:v7+s16+$0x0] =	vst.idx.msk @!p0 $0xffff, v6  }
0x130: {  	v5 =	vor.u32 @!p0 s13, v5;
	v4 =	vld.idx.msk @!p0 [tilespmem:v4+s18+$0x0], $0xffff;
	_ =	sdelay $0x4  }
0x131: {  	[tilespmem:v5+s16+$0x0] =	vst.idx.msk @!p0 $0xffff, v4  }
0x132: {  	[hbm4b:s12+s14] =	stream.strided.scatter @!p0 [tilespmem:s16], [sflag:$0x2], $0x2000, s15, s14, $0x38;
	[tilespmem:$0x4100] =	vst v63  }
0x133: {  	_ =	swait.ge @!p0 [sflag:s17], $0x2000  }
0x134: {  	(v2sf) =	vpush v3, $0xA;
	_ =	sdelay $0xe  }
0x135: {  	s25 =	spop (v2sf)  }
0x136: {  	p1 =	seq.s32 s25, $0x0  }
0x137: {  	(v2sf) =	vpush @!p1 v2, $0xA;
	_ =	sdelay $0xb  }
0x138: {  	s12 =	sadd.s32 @!p1 $0xFFFFFFFB, s10  }
0x139: {  	v4 =	vmov @!p1 s12  }
0x13a: {  	[sflag:s17] =	ssyncset.done @!p0 $0x0;
	v5 =	vlaneseq.u32 @!p1;
	v4 =	vand.u32 @!p1 $0x7A, v4  }
0x13b: {  	[sflag:s17] =	ssyncadd.s32 @!p0 $0xFFFFE000;
	v5 =	vmul.u32 @!p1 $0x80, v5;
	v4 =	vbroadcast @!p1 v4, $0x0;
	s13 =	spop @!p1 (v2sf)  }
0x13c: {  	s14 =	simm.s32 @!p1 $0x400;
	s15 =	simm.s32 @!p1 $0xC3800;
	s12 =	sand.u32 @!p1 $0xFFFFF80, s13  }
0x13d: {  	s16 =	simm.s32 @!p1 $0x2100;
	s17 =	simm.s32 @!p1 $0x2;
	v6 =	vor.u32 @!p1 v5, v4;
	s12 =	sadd.s32 @!p1 s1, s12  }
0x13e: {  	[tilespmem:s16], [sflag:$0x2] =	stream.strided.gather @!p1 [hbm4b:s12+s14], $0x2000, s15, s14, $0x38;
	[tilespmem:$0x4100] =	vst v63  }
0x13f: {  	_ =	swait.ge @!p1 [sflag:s17], $0x2000  }
0x140: {  	[sflag:s17] =	ssyncset.done @!p1 $0x0  }
0x141: {  	s18 =	simm.s32 @!p1 $0x100;
	s13 =	sand.u32 @!p1 $0x7F, s13;
	[sflag:s17] =	ssyncadd.s32 @!p1 $0xFFFFE000  }
0x142: {  	v8 =	vor.u32 @!p1 $0x800, v5;
	v7 =	vor.u32 @!p1 s13, v5;
	v6 =	vld.idx.msk @!p1 [tilespmem:v6+s18+$0x0], $0xffff  }
0x143: {  	v9 =	vor.u32 @!p1 v8, v4;
	_ =	sdelay $0x3  }
0x144: {  	[tilespmem:v7+s16+$0x0] =	vst.idx.msk @!p1 $0xffff, v6  }
0x145: {  	v7 =	vor.u32 @!p1 s13, v8;
	v8 =	vor.u32 @!p1 $0x1000, v5;
	v6 =	vld.idx.msk @!p1 [tilespmem:v9+s18+$0x0], $0xffff  }
0x146: {  	v9 =	vor.u32 @!p1 v8, v4;
	_ =	sdelay $0x3  }
0x147: {  	[tilespmem:v7+s16+$0x0] =	vst.idx.msk @!p1 $0xffff, v6  }
0x148: {  	v5 =	vor.u32 @!p1 $0x1800, v5;
	v7 =	vor.u32 @!p1 s13, v8;
	v6 =	vld.idx.msk @!p1 [tilespmem:v9+s18+$0x0], $0xffff  }
0x149: {  	v4 =	vor.u32 @!p1 v5, v4;
	_ =	sdelay $0x3  }
0x14a: {  	[tilespmem:v7+s16+$0x0] =	vst.idx.msk @!p1 $0xffff, v6  }
0x14b: {  	v5 =	vor.u32 @!p1 s13, v5;
	v4 =	vld.idx.msk @!p1 [tilespmem:v4+s18+$0x0], $0xffff;
	_ =	sdelay $0x4  }
0x14c: {  	[tilespmem:v5+s16+$0x0] =	vst.idx.msk @!p1 $0xffff, v4  }
0x14d: {  	[hbm4b:s12+s14] =	stream.strided.scatter @!p1 [tilespmem:s16], [sflag:$0x2], $0x2000, s15, s14, $0x38;
	[tilespmem:$0x4100] =	vst v63  }
0x14e: {  	_ =	swait.ge @!p1 [sflag:s17], $0x2000  }
0x14f: {  	(v2sf) =	vpush v3, $0xB;
	_ =	sdelay $0xe  }
0x150: {  	s26 =	spop (v2sf)  }
0x151: {  	p0 =	seq.s32 s26, $0x0  }
0x152: {  	(v2sf) =	vpush @!p0 v2, $0xB;
	_ =	sdelay $0xb  }
0x153: {  	s12 =	sadd.s32 @!p0 $0xFFFFFFFC, s10  }
0x154: {  	v4 =	vmov @!p0 s12  }
0x155: {  	[sflag:s17] =	ssyncset.done @!p1 $0x0;
	v5 =	vlaneseq.u32 @!p0;
	v4 =	vand.u32 @!p0 $0x7B, v4  }
0x156: {  	[sflag:s17] =	ssyncadd.s32 @!p1 $0xFFFFE000;
	v5 =	vmul.u32 @!p0 $0x80, v5;
	v4 =	vbroadcast @!p0 v4, $0x0;
	s13 =	spop @!p0 (v2sf)  }
0x157: {  	s14 =	simm.s32 @!p0 $0x400;
	s15 =	simm.s32 @!p0 $0xC3800;
	s12 =	sand.u32 @!p0 $0xFFFFF80, s13  }
0x158: {  	s16 =	simm.s32 @!p0 $0x2100;
	s17 =	simm.s32 @!p0 $0x2;
	v6 =	vor.u32 @!p0 v5, v4;
	s12 =	sadd.s32 @!p0 s1, s12  }
0x159: {  	[tilespmem:s16], [sflag:$0x2] =	stream.strided.gather @!p0 [hbm4b:s12+s14], $0x2000, s15, s14, $0x38;
	[tilespmem:$0x4100] =	vst v63  }
0x15a: {  	_ =	swait.ge @!p0 [sflag:s17], $0x2000  }
0x15b: {  	[sflag:s17] =	ssyncset.done @!p0 $0x0  }
0x15c: {  	s18 =	simm.s32 @!p0 $0x100;
	s13 =	sand.u32 @!p0 $0x7F, s13;
	[sflag:s17] =	ssyncadd.s32 @!p0 $0xFFFFE000  }
0x15d: {  	v8 =	vor.u32 @!p0 $0x800, v5;
	v7 =	vor.u32 @!p0 s13, v5;
	v6 =	vld.idx.msk @!p0 [tilespmem:v6+s18+$0x0], $0xffff  }
0x15e: {  	v9 =	vor.u32 @!p0 v8, v4;
	_ =	sdelay $0x3  }
0x15f: {  	[tilespmem:v7+s16+$0x0] =	vst.idx.msk @!p0 $0xffff, v6  }
0x160: {  	v7 =	vor.u32 @!p0 s13, v8;
	v8 =	vor.u32 @!p0 $0x1000, v5;
	v6 =	vld.idx.msk @!p0 [tilespmem:v9+s18+$0x0], $0xffff  }
0x161: {  	v9 =	vor.u32 @!p0 v8, v4;
	_ =	sdelay $0x3  }
0x162: {  	[tilespmem:v7+s16+$0x0] =	vst.idx.msk @!p0 $0xffff, v6  }
0x163: {  	v5 =	vor.u32 @!p0 $0x1800, v5;
	v7 =	vor.u32 @!p0 s13, v8;
	v6 =	vld.idx.msk @!p0 [tilespmem:v9+s18+$0x0], $0xffff  }
0x164: {  	v4 =	vor.u32 @!p0 v5, v4;
	_ =	sdelay $0x3  }
0x165: {  	[tilespmem:v7+s16+$0x0] =	vst.idx.msk @!p0 $0xffff, v6  }
0x166: {  	v5 =	vor.u32 @!p0 s13, v5;
	v4 =	vld.idx.msk @!p0 [tilespmem:v4+s18+$0x0], $0xffff;
	_ =	sdelay $0x4  }
0x167: {  	[tilespmem:v5+s16+$0x0] =	vst.idx.msk @!p0 $0xffff, v4  }
0x168: {  	[hbm4b:s12+s14] =	stream.strided.scatter @!p0 [tilespmem:s16], [sflag:$0x2], $0x2000, s15, s14, $0x38;
	[tilespmem:$0x4100] =	vst v63  }
0x169: {  	_ =	swait.ge @!p0 [sflag:s17], $0x2000  }
0x16a: {  	(v2sf) =	vpush v3, $0xC;
	_ =	sdelay $0xe  }
0x16b: {  	s28 =	spop (v2sf)  }
0x16c: {  	p1 =	seq.s32 s28, $0x0  }
0x16d: {  	(v2sf) =	vpush @!p1 v2, $0xC;
	_ =	sdelay $0xb  }
0x16e: {  	s12 =	sadd.s32 @!p1 $0xFFFFFFFD, s10  }
0x16f: {  	v4 =	vmov @!p1 s12  }
0x170: {  	[sflag:s17] =	ssyncset.done @!p0 $0x0;
	v5 =	vlaneseq.u32 @!p1;
	v4 =	vand.u32 @!p1 $0x7C, v4  }
0x171: {  	[sflag:s17] =	ssyncadd.s32 @!p0 $0xFFFFE000;
	v5 =	vmul.u32 @!p1 $0x80, v5;
	v4 =	vbroadcast @!p1 v4, $0x0;
	s13 =	spop @!p1 (v2sf)  }
0x172: {  	s14 =	simm.s32 @!p1 $0x400;
	s15 =	simm.s32 @!p1 $0xC3800;
	s12 =	sand.u32 @!p1 $0xFFFFF80, s13  }
0x173: {  	s16 =	simm.s32 @!p1 $0x2100;
	s17 =	simm.s32 @!p1 $0x2;
	v6 =	vor.u32 @!p1 v5, v4;
	s12 =	sadd.s32 @!p1 s1, s12  }
0x174: {  	[tilespmem:s16], [sflag:$0x2] =	stream.strided.gather @!p1 [hbm4b:s12+s14], $0x2000, s15, s14, $0x38;
	[tilespmem:$0x4100] =	vst v63  }
0x175: {  	_ =	swait.ge @!p1 [sflag:s17], $0x2000  }
0x176: {  	[sflag:s17] =	ssyncset.done @!p1 $0x0  }
0x177: {  	s18 =	simm.s32 @!p1 $0x100;
	s13 =	sand.u32 @!p1 $0x7F, s13;
	[sflag:s17] =	ssyncadd.s32 @!p1 $0xFFFFE000  }
0x178: {  	v8 =	vor.u32 @!p1 $0x800, v5;
	v7 =	vor.u32 @!p1 s13, v5;
	v6 =	vld.idx.msk @!p1 [tilespmem:v6+s18+$0x0], $0xffff  }
0x179: {  	v9 =	vor.u32 @!p1 v8, v4;
	_ =	sdelay $0x3  }
0x17a: {  	[tilespmem:v7+s16+$0x0] =	vst.idx.msk @!p1 $0xffff, v6  }
0x17b: {  	v7 =	vor.u32 @!p1 s13, v8;
	v8 =	vor.u32 @!p1 $0x1000, v5;
	v6 =	vld.idx.msk @!p1 [tilespmem:v9+s18+$0x0], $0xffff  }
0x17c: {  	v9 =	vor.u32 @!p1 v8, v4;
	_ =	sdelay $0x3  }
0x17d: {  	[tilespmem:v7+s16+$0x0] =	vst.idx.msk @!p1 $0xffff, v6  }
0x17e: {  	v5 =	vor.u32 @!p1 $0x1800, v5;
	v7 =	vor.u32 @!p1 s13, v8;
	v6 =	vld.idx.msk @!p1 [tilespmem:v9+s18+$0x0], $0xffff  }
0x17f: {  	v4 =	vor.u32 @!p1 v5, v4;
	_ =	sdelay $0x3  }
0x180: {  	[tilespmem:v7+s16+$0x0] =	vst.idx.msk @!p1 $0xffff, v6  }
0x181: {  	v5 =	vor.u32 @!p1 s13, v5;
	v4 =	vld.idx.msk @!p1 [tilespmem:v4+s18+$0x0], $0xffff;
	_ =	sdelay $0x4  }
0x182: {  	[tilespmem:v5+s16+$0x0] =	vst.idx.msk @!p1 $0xffff, v4  }
0x183: {  	[hbm4b:s12+s14] =	stream.strided.scatter @!p1 [tilespmem:s16], [sflag:$0x2], $0x2000, s15, s14, $0x38;
	[tilespmem:$0x4100] =	vst v63  }
0x184: {  	_ =	swait.ge @!p1 [sflag:s17], $0x2000  }
0x185: {  	(v2sf) =	vpush v3, $0xD;
	_ =	sdelay $0xe  }
0x186: {  	s29 =	spop (v2sf)  }
0x187: {  	p0 =	seq.s32 s29, $0x0  }
0x188: {  	(v2sf) =	vpush @!p0 v2, $0xD;
	_ =	sdelay $0xb  }
0x189: {  	s12 =	sadd.s32 @!p0 $0xFFFFFFFE, s10  }
0x18a: {  	v4 =	vmov @!p0 s12  }
0x18b: {  	[sflag:s17] =	ssyncset.done @!p1 $0x0;
	v5 =	vlaneseq.u32 @!p0;
	v4 =	vand.u32 @!p0 $0x7D, v4  }
0x18c: {  	[sflag:s17] =	ssyncadd.s32 @!p1 $0xFFFFE000;
	v5 =	vmul.u32 @!p0 $0x80, v5;
	v4 =	vbroadcast @!p0 v4, $0x0;
	s13 =	spop @!p0 (v2sf)  }
0x18d: {  	s14 =	simm.s32 @!p0 $0x400;
	s15 =	simm.s32 @!p0 $0xC3800;
	s12 =	sand.u32 @!p0 $0xFFFFF80, s13  }
0x18e: {  	s16 =	simm.s32 @!p0 $0x2100;
	s17 =	simm.s32 @!p0 $0x2;
	v6 =	vor.u32 @!p0 v5, v4;
	s12 =	sadd.s32 @!p0 s1, s12  }
0x18f: {  	[tilespmem:s16], [sflag:$0x2] =	stream.strided.gather @!p0 [hbm4b:s12+s14], $0x2000, s15, s14, $0x38;
	[tilespmem:$0x4100] =	vst v63  }
0x190: {  	_ =	swait.ge @!p0 [sflag:s17], $0x2000  }
0x191: {  	[sflag:s17] =	ssyncset.done @!p0 $0x0  }
0x192: {  	s18 =	simm.s32 @!p0 $0x100;
	s13 =	sand.u32 @!p0 $0x7F, s13;
	[sflag:s17] =	ssyncadd.s32 @!p0 $0xFFFFE000  }
0x193: {  	v8 =	vor.u32 @!p0 $0x800, v5;
	v7 =	vor.u32 @!p0 s13, v5;
	v6 =	vld.idx.msk @!p0 [tilespmem:v6+s18+$0x0], $0xffff  }
0x194: {  	v9 =	vor.u32 @!p0 v8, v4;
	_ =	sdelay $0x3  }
0x195: {  	[tilespmem:v7+s16+$0x0] =	vst.idx.msk @!p0 $0xffff, v6  }
0x196: {  	v7 =	vor.u32 @!p0 s13, v8;
	v8 =	vor.u32 @!p0 $0x1000, v5;
	v6 =	vld.idx.msk @!p0 [tilespmem:v9+s18+$0x0], $0xffff  }
0x197: {  	v9 =	vor.u32 @!p0 v8, v4;
	_ =	sdelay $0x3  }
0x198: {  	[tilespmem:v7+s16+$0x0] =	vst.idx.msk @!p0 $0xffff, v6  }
0x199: {  	v5 =	vor.u32 @!p0 $0x1800, v5;
	v7 =	vor.u32 @!p0 s13, v8;
	v6 =	vld.idx.msk @!p0 [tilespmem:v9+s18+$0x0], $0xffff  }
0x19a: {  	v4 =	vor.u32 @!p0 v5, v4;
	_ =	sdelay $0x3  }
0x19b: {  	[tilespmem:v7+s16+$0x0] =	vst.idx.msk @!p0 $0xffff, v6  }
0x19c: {  	v5 =	vor.u32 @!p0 s13, v5;
	v4 =	vld.idx.msk @!p0 [tilespmem:v4+s18+$0x0], $0xffff;
	_ =	sdelay $0x4  }
0x19d: {  	[tilespmem:v5+s16+$0x0] =	vst.idx.msk @!p0 $0xffff, v4  }
0x19e: {  	[hbm4b:s12+s14] =	stream.strided.scatter @!p0 [tilespmem:s16], [sflag:$0x2], $0x2000, s15, s14, $0x38;
	[tilespmem:$0x4100] =	vst v63  }
0x19f: {  	_ =	swait.ge @!p0 [sflag:s17], $0x2000  }
0x1a0: {  	(v2sf) =	vpush v3, $0xE;
	_ =	sdelay $0xe  }
0x1a1: {  	s30 =	spop (v2sf)  }
0x1a2: {  	p1 =	seq.s32 s30, $0x0  }
0x1a3: {  	(v2sf) =	vpush @!p1 v2, $0xE;
	_ =	sdelay $0xb  }
0x1a4: {  	s12 =	sadd.s32 @!p1 $0xFFFFFFFF, s10  }
0x1a5: {  	v4 =	vmov @!p1 s12  }
0x1a6: {  	[sflag:s17] =	ssyncset.done @!p0 $0x0;
	v5 =	vlaneseq.u32 @!p1;
	v4 =	vand.u32 @!p1 $0x7E, v4  }
0x1a7: {  	[sflag:s17] =	ssyncadd.s32 @!p0 $0xFFFFE000;
	v5 =	vmul.u32 @!p1 $0x80, v5;
	v4 =	vbroadcast @!p1 v4, $0x0;
	s13 =	spop @!p1 (v2sf)  }
0x1a8: {  	s14 =	simm.s32 @!p1 $0x400;
	s15 =	simm.s32 @!p1 $0xC3800;
	s12 =	sand.u32 @!p1 $0xFFFFF80, s13  }
0x1a9: {  	s16 =	simm.s32 @!p1 $0x2100;
	s17 =	simm.s32 @!p1 $0x2;
	v6 =	vor.u32 @!p1 v5, v4;
	s12 =	sadd.s32 @!p1 s1, s12  }
0x1aa: {  	[tilespmem:s16], [sflag:$0x2] =	stream.strided.gather @!p1 [hbm4b:s12+s14], $0x2000, s15, s14, $0x38;
	[tilespmem:$0x4100] =	vst v63  }
0x1ab: {  	_ =	swait.ge @!p1 [sflag:s17], $0x2000  }
0x1ac: {  	[sflag:s17] =	ssyncset.done @!p1 $0x0  }
0x1ad: {  	s18 =	simm.s32 @!p1 $0x100;
	s13 =	sand.u32 @!p1 $0x7F, s13;
	[sflag:s17] =	ssyncadd.s32 @!p1 $0xFFFFE000  }
0x1ae: {  	v8 =	vor.u32 @!p1 $0x800, v5;
	v7 =	vor.u32 @!p1 s13, v5;
	v6 =	vld.idx.msk @!p1 [tilespmem:v6+s18+$0x0], $0xffff  }
0x1af: {  	v9 =	vor.u32 @!p1 v8, v4;
	_ =	sdelay $0x3  }
0x1b0: {  	[tilespmem:v7+s16+$0x0] =	vst.idx.msk @!p1 $0xffff, v6  }
0x1b1: {  	v7 =	vor.u32 @!p1 s13, v8;
	v8 =	vor.u32 @!p1 $0x1000, v5;
	v6 =	vld.idx.msk @!p1 [tilespmem:v9+s18+$0x0], $0xffff  }
0x1b2: {  	v9 =	vor.u32 @!p1 v8, v4;
	_ =	sdelay $0x3  }
0x1b3: {  	[tilespmem:v7+s16+$0x0] =	vst.idx.msk @!p1 $0xffff, v6  }
0x1b4: {  	v5 =	vor.u32 @!p1 $0x1800, v5;
	v7 =	vor.u32 @!p1 s13, v8;
	v6 =	vld.idx.msk @!p1 [tilespmem:v9+s18+$0x0], $0xffff  }
0x1b5: {  	v4 =	vor.u32 @!p1 v5, v4;
	_ =	sdelay $0x3  }
0x1b6: {  	[tilespmem:v7+s16+$0x0] =	vst.idx.msk @!p1 $0xffff, v6  }
0x1b7: {  	v5 =	vor.u32 @!p1 s13, v5;
	v4 =	vld.idx.msk @!p1 [tilespmem:v4+s18+$0x0], $0xffff;
	_ =	sdelay $0x4  }
0x1b8: {  	[tilespmem:v5+s16+$0x0] =	vst.idx.msk @!p1 $0xffff, v4  }
0x1b9: {  	[hbm4b:s12+s14] =	stream.strided.scatter @!p1 [tilespmem:s16], [sflag:$0x2], $0x2000, s15, s14, $0x38;
	[tilespmem:$0x4100] =	vst v63  }
0x1ba: {  	_ =	swait.ge @!p1 [sflag:s17], $0x2000  }
0x1bb: {  	(v2sf) =	vpush v3, $0xF;
	_ =	sdelay $0xe  }
0x1bc: {  	s31 =	spop (v2sf)  }
0x1bd: {  	p0 =	seq.s32 s31, $0x0  }
0x1be: {  	(v2sf) =	vpush @!p0 v2, $0xF;
	_ =	sdelay $0xc  }
0x1bf: {  	v2 =	vmov @!p0 s10  }
0x1c0: {  	[sflag:s17] =	ssyncset.done @!p1 $0x0;
	v3 =	vlaneseq.u32 @!p0;
	v2 =	vand.u32 @!p0 $0x7F, v2  }
0x1c1: {  	[sflag:s17] =	ssyncadd.s32 @!p1 $0xFFFFE000;
	v3 =	vmul.u32 @!p0 $0x80, v3;
	v2 =	vbroadcast @!p0 v2, $0x0;
	s12 =	spop @!p0 (v2sf)  }
0x1c2: {  	s14 =	simm.s32 @!p0 $0x400;
	s15 =	simm.s32 @!p0 $0xC3800;
	s13 =	sand.u32 @!p0 $0xFFFFF80, s12  }
0x1c3: {  	s16 =	simm.s32 @!p0 $0x2100;
	s17 =	simm.s32 @!p0 $0x2;
	v4 =	vor.u32 @!p0 v3, v2;
	s13 =	sadd.s32 @!p0 s1, s13  }
0x1c4: {  	[tilespmem:s16], [sflag:$0x2] =	stream.strided.gather @!p0 [hbm4b:s13+s14], $0x2000, s15, s14, $0x38;
	[tilespmem:$0x4100] =	vst v63  }
0x1c5: {  	_ =	swait.ge @!p0 [sflag:s17], $0x2000  }
0x1c6: {  	[sflag:s17] =	ssyncset.done @!p0 $0x0  }
0x1c7: {  	s12 =	sand.u32 @!p0 $0x7F, s12;
	[sflag:s17] =	ssyncadd.s32 @!p0 $0xFFFFE000;
	s17 =	simm.s32 @!p0 $0x100  }
0x1c8: {  	v6 =	vor.u32 @!p0 $0x800, v3;
	v5 =	vor.u32 @!p0 s12, v3;
	v4 =	vld.idx.msk @!p0 [tilespmem:v4+s17+$0x0], $0xffff  }
0x1c9: {  	v7 =	vor.u32 @!p0 v6, v2;
	_ =	sdelay $0x3  }
0x1ca: {  	[tilespmem:v5+s16+$0x0] =	vst.idx.msk @!p0 $0xffff, v4  }
0x1cb: {  	v5 =	vor.u32 @!p0 s12, v6;
	v6 =	vor.u32 @!p0 $0x1000, v3;
	v4 =	vld.idx.msk @!p0 [tilespmem:v7+s17+$0x0], $0xffff  }
0x1cc: {  	v7 =	vor.u32 @!p0 v6, v2;
	_ =	sdelay $0x3  }
0x1cd: {  	[tilespmem:v5+s16+$0x0] =	vst.idx.msk @!p0 $0xffff, v4  }
0x1ce: {  	v3 =	vor.u32 @!p0 $0x1800, v3;
	v5 =	vor.u32 @!p0 s12, v6;
	v4 =	vld.idx.msk @!p0 [tilespmem:v7+s17+$0x0], $0xffff  }
0x1cf: {  	v2 =	vor.u32 @!p0 v3, v2;
	_ =	sdelay $0x3  }
0x1d0: {  	[tilespmem:v5+s16+$0x0] =	vst.idx.msk @!p0 $0xffff, v4  }
0x1d1: {  	v3 =	vor.u32 @!p0 s12, v3;
	v2 =	vld.idx.msk @!p0 [tilespmem:v2+s17+$0x0], $0xffff;
	_ =	sdelay $0x4  }
.Ltmp5:
0x1d2: {  	s12 =	simm.s32 @!p0 $0x1;
	[tilespmem:v3+s16+$0x0] =	vst.idx.msk @!p0 $0xffff, v2;
	(pc) =	sbr.rel .LBB2_4-.Ltmp5, $4  }
0x1d3: {  	[hbm4b:s13+s14] =	stream.strided.scatter @!p0 [tilespmem:s16], [sflag:$0x1], $0x2000, s15, s14, $0x38;
	[tilespmem:$0x4100] =	vst v63  }
0x1d4: {  	_ =	swait.ge @!p0 [sflag:s12], $0x2000  }
0x1d5: {  	[sflag:s12] =	ssyncset.done @!p0 $0x0  }
0x1d6: {  	[sflag:s12] =	ssyncadd.s32 @!p0 $0xFFFFE000  }
.LBB2_6:
0x1d7: {  	_ =	sfence.sel $0x180000  }
0x1d8: {  	[bflag:$0x0] =	sbarrier.arrive $0xFFFF  }
0x1d9: {  	p0 =	sne.s32 s3, $0x0;
	_ =	strace $0x9000004A  }
0x1da: {  	s0 =	sadd.s32 @!p0 $0x100000, s0;
	[bflag:$0x2] =	sbarrier.arrive $0xFFFF  }
0x1db: {  	[sflag:s0] =	ssyncadd.tile.s32 @!p0 $0x1;
	_ =	shalt  }
.Lfunc_end2:
_tile_overlayer_lowered:
.L_overlay_start_2:
0x1dc: {  	(tag) =	ssettag $0x2  }
0x1dd: {  	s0 =	rddreg [dreg:$0x0];
	s2 =	stileid.u32  }
0x1de: {  	s1 =	rddreg [dreg:$0x1];
	p0 =	sne.s32 s2, $0x0  }
0x1df: {  	s3 =	rddreg [dreg:$0x2];
	[bflag:$0x3] =	sbarrier.arrive $0xFFFF;
	s2 =	simm.s32 @!p0 $0x1C01  }
0x1e0: {  	[timem:s3], [sflag:s2] =	dma.local @!p0 [hbm:s0], s1  }
0x1e1: {  	s0 =	simm.s32 @!p0 $0x1  }
0x1e2: {  	_ =	swait.ge @!p0 [sflag:s0], s1  }
0x1e3: {  	s1 =	ssub.s32 @!p0 $0x0, s1;
	[sflag:s0] =	ssyncset.done @!p0 $0x0  }
0x1e4: {  	[sflag:s0] =	ssyncadd.s32 @!p0 s1  }
0x1e5: {  	[bflag:$0x3] =	sbarrier.arrive $0xFFFF  }
0x1e6: {  	_ =	shalt  }

// kernel: kernel.7.cloned.1.call-start
scs
__scs_entry_jumppad:
0x0: {  	(pc) =	sbr.rel $0x88, $3  }
0x1: {  	(tag) =	ssettag $0x0;
	lr =	simm.s32 $0x1  }
0x2: {  	[smem:$0x3F9A] =	sst lr;
	_ =	strace $0xD0000000  }
0x3: {  	_ = 	snop  }
0x4: {  	_ = 	snop  }
0x5: {  	_ = 	snop  }
0x6: {  	_ = 	snop  }
0x7: {  	_ = 	snop  }
__scs_overlays_trampoline_lowered:
0x8: {  	[smem:$0x3FA9] =	sst s0  }
0x9: {  	[smem:$0x3FAA] =	sst s1  }
0xa: {  	[smem:$0x3FAB] =	sst s2  }
0xb: {  	[smem:$0x3FAC] =	sst s3  }
0xc: {  	[smem:$0x3FAD] =	sst s4  }
0xd: {  	[smem:$0x3FAE] =	sst s5  }
0xe: {  	[smem:$0x3FAF] =	sst s6  }
0xf: {  	[smem:$0x3FB0] =	sst s7  }
0x10: {  	[smem:$0x3FB1] =	sst s8  }
0x11: {  	[smem:$0x3FB2] =	sst s9;
	s0 =	simm.s32 @!p0 $0x0  }
0x12: {  	s1 =	sld [smem:$0x3F98];
	s0 =	simm.s32 @p0 $0x1  }
0x13: {  	[smem:$0x3FB3] =	sst s0;
	s0 =	simm.s32 @!p1 $0x0  }
0x14: {  	s2 =	sld [smem:$0x3F97];
	s0 =	simm.s32 @p1 $0x1  }
0x15: {  	[smem:$0x3FB4] =	sst s0;
	s0 =	simm.s32 @!p2 $0x0  }
0x16: {  	s3 =	sld [smem:$0x3FDB];
	s0 =	simm.s32 @p2 $0x1  }
0x17: {  	s4 =	simm.s32 $0x1BF5;
	[smem:$0x3FB6] =	sst s0  }
0x18: {  	s0 =	sld [smem:$0x3F99];
	_ =	swait.ge [sflag:s4], $0x0  }
0x19: {  	s7 =	sld [smem:$0x3F9A]  }
0x1a: {  	s8 =	sadd.s32 $0xFFFFE003, lr  }
0x1b: {  	s9 =	sadd.s32 $0xFFFFFEF7, lr;
	s5 =	simm.s32 $0xFFFFFFFF;
	p2 =	slt.u32 s8, $0xFFFFF086  }
0x1c: {  	p1 =	slt.u32 s9, $0xF7A;
	s5 =	simm.s32 @!p2 $0x0  }
0x1d: {  	s5 =	simm.s32 @p1 $0x1;
	p0 =	seq.s32 s7, s2  }
0x1e: {  	s7 =	smul.u32 @!p0 $0xF7A, s2;
	p2 =	seq.s32 @!p0 s5, $0x0  }
0x1f: {  	s9 =	smul.u32 $0xF7A, s1;
	s8 =	simm.s32 @!p0 $0x1BF5;
	p2 =	por !p2, p0  }
0x20: {  	[sflag:s8] =	ssyncset.s32 @!p0 $0xFFFFF086;
	s6 =	sadd.s32 @!p0 s3, s7;
	s7 =	simm.s32 @!p0 $0x108  }
0x21: {  	s3 =	sadd.s32 s3, s9;
	s6 =	sadd.s32 @!p0 $0x88, s6;
	s7 =	simm.s32 @p2 $0x1082  }
0x22: {  	[simem:s7], [sflag:s8] =	dma.local @!p0 [hbm:s6], $0xF7A  }
0x23: {  	s9 =	sor.u32 $0xD0000000, s2;
	s6 =	simm.s32 $0x108;
	_ =	swait.ge @!p0 [sflag:s8], $0x0  }
0x24: {  	s3 =	sadd.s32 $0x88, s3;
	s6 =	simm.s32 @!p1 $0x1082;
	[sflag:s4] =	ssyncset.s32 $0xFFFFF086  }
0x25: {  	[simem:s6], [sflag:s4] =	dma.local [hbm:s3], $0xF7A  }
0x26: {  	[smem:$0x3F9A] =	sst s1;
	(tag) =	ssettag s2;
	_ =	strace s9  }
0x27: {  	s1 =	sld [smem:$0x3FAA]  }
0x28: {  	s2 =	sld [smem:$0x3FAB]  }
0x29: {  	s4 =	sld [smem:$0x3FAD]  }
0x2a: {  	p0 =	seq.s32 s5, $0x0;
	s5 =	sld [smem:$0x3FAE]  }
0x2b: {  	s6 =	sld [smem:$0x3FAF]  }
0x2c: {  	s7 =	sld [smem:$0x3FB0]  }
0x2d: {  	s3 =	simm.s32 $0x108;
	s8 =	sld [smem:$0x3FB1]  }
0x2e: {  	s3 =	simm.s32 @!p0 $0x1082;
	s9 =	sld [smem:$0x3FB2]  }
0x2f: {  	lr =	sadd.s32 s0, s3;
	s0 =	sld [smem:$0x3FA9]  }
0x30: {  	s3 =	sld [smem:$0x3FAC]  }
0x31: {  	[smem:$0x3FB5] =	sst s10  }
0x32: {  	s10 =	sld [smem:$0x3FB3];
	_ =	sdelay $0x3  }
0x33: {  	p0 =	seq.s32 s10, $0x1;
	s10 =	sld [smem:$0x3FB5];
	_ =	sdelay $0x3  }
0x34: {  	[smem:$0x3FB5] =	sst s10  }
0x35: {  	s10 =	sld [smem:$0x3FB4];
	_ =	sdelay $0x3  }
0x36: {  	p1 =	seq.s32 s10, $0x1;
	s10 =	sld [smem:$0x3FB5];
	_ =	sdelay $0x3  }
0x37: {  	[smem:$0x3FB5] =	sst s10  }
0x38: {  	s10 =	sld [smem:$0x3FB6]  }
0x39: {  	_ = 	snop;
	(pc) =	sbr.ind lr, $3  }
0x3a: {  	_ = 	snop  }
0x3b: {  	_ = 	snop  }
0x3c: {  	p2 =	seq.s32 s10, $0x1;
	s10 =	sld [smem:$0x3FB5]  }
0x3d: {  	_ =	shalt  }
0x3e: {  	_ =	shalt  }
0x3f: {  	_ =	shalt  }
0x40: {  	_ =	shalt  }
0x41: {  	_ =	shalt  }
0x42: {  	_ =	shalt  }
0x43: {  	_ =	shalt  }
0x44: {  	_ =	shalt  }
0x45: {  	_ =	shalt  }
0x46: {  	_ =	shalt  }
0x47: {  	_ =	shalt  }
0x48: {  	_ =	shalt  }
0x49: {  	_ =	shalt  }
0x4a: {  	_ =	shalt  }
0x4b: {  	_ =	shalt  }
0x4c: {  	_ =	shalt  }
0x4d: {  	_ =	shalt  }
0x4e: {  	_ =	shalt  }
0x4f: {  	_ =	shalt  }
0x50: {  	_ =	shalt  }
0x51: {  	_ =	shalt  }
0x52: {  	_ =	shalt  }
0x53: {  	_ =	shalt  }
0x54: {  	_ =	shalt  }
0x55: {  	_ =	shalt  }
0x56: {  	_ =	shalt  }
0x57: {  	_ =	shalt  }
0x58: {  	_ =	shalt  }
0x59: {  	_ =	shalt  }
0x5a: {  	_ =	shalt  }
0x5b: {  	_ =	shalt  }
0x5c: {  	_ =	shalt  }
0x5d: {  	_ =	shalt  }
0x5e: {  	_ =	shalt  }
0x5f: {  	_ =	shalt  }
0x60: {  	_ =	shalt  }
0x61: {  	_ =	shalt  }
0x62: {  	_ =	shalt  }
0x63: {  	_ =	shalt  }
0x64: {  	_ =	shalt  }
0x65: {  	_ =	shalt  }
0x66: {  	_ =	shalt  }
0x67: {  	_ =	shalt  }
0x68: {  	_ =	shalt  }
0x69: {  	_ =	shalt  }
0x6a: {  	_ =	shalt  }
0x6b: {  	_ =	shalt  }
0x6c: {  	_ =	shalt  }
0x6d: {  	_ =	shalt  }
0x6e: {  	_ =	shalt  }
0x6f: {  	_ =	shalt  }
0x70: {  	_ =	shalt  }
0x71: {  	_ =	shalt  }
0x72: {  	_ =	shalt  }
0x73: {  	_ =	shalt  }
0x74: {  	_ =	shalt  }
0x75: {  	_ =	shalt  }
0x76: {  	_ =	shalt  }
0x77: {  	_ =	shalt  }
0x78: {  	_ =	shalt  }
0x79: {  	_ =	shalt  }
0x7a: {  	_ =	shalt  }
0x7b: {  	_ =	shalt  }
0x7c: {  	_ =	shalt  }
0x7d: {  	_ =	shalt  }
0x7e: {  	_ =	shalt  }
0x7f: {  	_ =	shalt  }
0x80: {  	_ =	shalt  }
0x81: {  	_ =	shalt  }
0x82: {  	_ =	shalt  }
0x83: {  	_ =	shalt  }
0x84: {  	_ =	shalt  }
0x85: {  	_ =	shalt  }
0x86: {  	_ =	shalt  }
0x87: {  	_ =	shalt  }
.Lfunc_end0:
.L_simem_size_0:
called_computation_lowered:
.L_overlay_start_0:
0x88: {  	s2 =	sld [smem:$0x3FD9]  }
0x89: {  	s3 =	sld [smem:$0x3FFE];
	_ =	sdelay $0x1  }
0x8a: {  	s1 =	srdreg.scid  }
0x8b: {  	s0 =	sand.u32 $0x1, s1  }
0x8c: {  	s14 =	sshll.u32 s0, $0xA;
	s2 =	sadd.s32 s3, s2  }
0x8d: {  	s2 =	sadd.s32 s2, s14  }
0x8e: {  	[smem:$0x3FC1] =	sst s2  }
0x8f: {  	_ = 	snop  }
0x90: {  	s2 =	sld [smem:$0x3FD0]  }
0x91: {  	s15 =	sld [smem:$0x3FC8]  }
0x92: {  	s4 =	sld [smem:$0x3FC7]  }
0x93: {  	s6 =	simm.s32 $0xA;
	s7 =	simm.s32 $0x10;
	s5 =	sld [smem:$0x3FC6]  }
0x94: {  	[smem:s7], [sflag:s6] =	dma.local [hbm:s2], $0x1  }
0x95: {  	_ =	swait.eq [sflag:s6], $0x1  }
0x96: {  	[sflag:s6] =	ssyncset.done $0x0  }
0x97: {  	[sflag:s6] =	ssyncadd.s32 $0xFFFFFFFF  }
0x98: {  	s16 =	sld [smem:$0x11];
	(tm) =	ssettm $0x1  }
0x99: {  	s17 =	sld [smem:$0x3FFB];
	_ =	sdelay $0x3  }
0x9a: {  	_ =	strace s17  }
0x9b: {  	s6 =	sld [smem:$0x3FFC];
	_ =	sdelay $0x3  }
0x9c: {  	_ =	strace s6  }
0x9d: {  	s6 =	sld [smem:$0x3FFD];
	_ =	sdelay $0x3  }
0x9e: {  	_ =	strace s6  }
0x9f: {  	_ =	strace $0x8FFFFFFF  }
0xa0: {  	s18 =	sld [smem:$0x3FDB];
	_ =	sdelay $0x1  }
0xa1: {  	s19 =	simm.s32 $_scs_section_size  }
0xa2: {  	s8 =	simm.s32 $_size__tile_overlayer_lowered;
	s9 =	simm.s32 $_tile_overlayer_lowered  }
0xa3: {  	s22 =	simm.s32 $0x1BFF;
	s21 =	sshll.u32 s9, $0x1;
	s6 =	sadd.s32 s19, s18  }
0xa4: {  	s10 =	simm.s32 $0x0;
	s20 =	sshll.u32 s8, $0x1;
	s8 =	sadd.s32 s21, s6  }
0xa5: {  	[timem:s10], [sflag:s22] =	dma.local [hbm:s8], s20  }
0xa6: {  	_ =	swait.ge [sflag:s22], s20  }
0xa7: {  	s7 =	ssub.s32 $0x0, s20;
	[sflag:s22] =	ssyncset.done $0x0  }
0xa8: {  	[sflag:s22] =	ssyncadd.s32 s7;
	_ =	sdelay $0x1  }
0xa9: {  	s23 =	simm.s32 $0x1B8B  }
0xaa: {  	_ =	swait.ge [sflag:s23], $0x1  }
0xab: {  	[sflag:s23] =	ssyncset.done $0x0  }
0xac: {  	s25 =	simm.s32 $0x1B8E;
	s24 =	sld [smem:$0x3FFE];
	[sflag:s23] =	ssyncadd.s32 $0xFFFFFFFF  }
0xad: {  	s26 =	simm.s32 $execute0_lowered;
	[smem:$0x3FD2] =	sst s25  }
0xae: {  	s8 =	sshll.u32 s26, $0x1;
	_ =	strace $0x80000046;
	[dreg:$0x1] =	wrdreg $0xFFFFFFFF  }
0xaf: {  	s28 =	simm.s32 $_size_execute0_lowered;
	s6 =	sadd.s32 s6, s8;
	[dreg:$0x0] =	wrdreg $0x0  }
0xb0: {  	s8 =	sshll.u32 s28, $0x1;
	[dreg:$0x2] =	wrdreg s6  }
0xb1: {  	[dreg:$0x3] =	wrdreg s8  }
0xb2: {  	[dreg:$0x4] =	wrdreg $0xC0  }
0xb3: {  	_ =	task [dreg:s10], $0x5FFFF  }
0xb4: {  	[dreg:$0x1] =	wrdreg $0xFFFFFFFF  }
0xb5: {  	[dreg:$0x0] =	wrdreg $0x60  }
0xb6: {  	[dreg:$0x2] =	wrdreg s4  }
0xb7: {  	[dreg:$0x3] =	wrdreg s5  }
0xb8: {  	[dreg:$0x4] =	wrdreg s15  }
0xb9: {  	[dreg:$0x5] =	wrdreg s16  }
0xba: {  	[dreg:$0x6] =	wrdreg s24  }
0xbb: {  	[dreg:$0x7] =	wrdreg $0x9  }
0xbc: {  	_ =	task.clear_ibuf [dreg:s10], $0x8FFFF;
	_ =	strace $0x90000046  }
0xbd: {  	s29 =	simm.s32 $0x9;
	_ =	strace $0x80000048  }
0xbe: {  	_ =	swait.ge [sflag:s29], $0x1  }
0xbf: {  	[sflag:s29] =	ssyncadd.s32 $0xFFFFFFFF  }
0xc0: {  	_ =	strace $0x90000048  }
0xc1: {  	_ =	sfence  }
0xc2: {  	s30 =	sld [smem:$0x0];
	_ =	sdelay $0x2  }
0xc3: {  	s31 =	sshll.u32 s1, $0xD;
	s1 =	sshrl.u32 s1, $0x2  }
0xc4: {  	s3 =	sand.u32 $0x4000, s31;
	s1 =	sadd.s32 s1, s30  }
0xc5: {  	s0 =	sor.u32 s3, s0;
	s1 =	sshll.u32 s1, $0x11  }
0xc6: {  	s0 =	sor.u32 s1, s0  }
0xc7: {  	s0 =	sadd.s32 $0x8F2B, s0  }
0xc8: {  	[sflag:s0] =	ssyncadd.remote.s32 $0x1  }
0xc9: {  	_ =	sfence.sel $0xFFFF  }
0xca: {  	[dreg:$0x0] =	wrdreg $0xFFFFFFFF;
	(pc) =	sbr.abs _section_cstart, $3  }
0xcb: {  	[dreg:$0x1] =	wrdreg $0xFFFFFFFF  }
0xcc: {  	_ =	task.clear_ibuf [dreg:s10], $0x2FFFF;
	_ =	strace $0x9FFFFFFF  }
0xcd: {  	(tm) =	ssettm $0x7FFFFFFF  }
tec
execute0_lowered:
.L_overlay_start_1:
0x0: {  	(tag) =	ssettag $0x1  }
0x1: {  	s3 =	stileid.u32  }
0x2: {  	p0 =	sgt.u32 s3, $0x7  }
.Ltmp0:
0x3: {  	_ = 	snop;
	(pc) =	sbr.rel @p0 .LBB2_3-.Ltmp0, $4  }
0x4: {  	s0 =	rddreg [dreg:$0x2]  }
0x5: {  	s1 =	rddreg [dreg:$0x3];
	s7 =	simm.s32 $0x0  }
0x6: {  	[smem:$0x7FF] =	sst s7  }
0x7: {  	s2 =	rddreg [dreg:$0x4];
	_ =	strace $0x80000047  }
0x8: {  	v0 =	vlaneseq.u32  }
0x9: {  	s3 =	srdreg.scid;
	s6 =	rddreg [dreg:$0x0];
	v0 =	vmul.u32 $0x80, v0  }
0xa: {  	s4 =	stileid.u32;
	s30 =	rddreg [dreg:$0x1];
	s11 =	simm.s32 $0x9  }
0xb: {  	s12 =	simm.s32 $0x400;
	s13 =	simm.s32 $0xC3800;
	s14 =	simm.s32 $0x10080;
	v1 =	vor.u32 $0x800, v0  }
0xc: {  	s15 =	simm.s32 $0x12080;
	s16 =	simm.s32 $0x80;
	s17 =	simm.s32 $0x8080;
	v2 =	vor.u32 $0x1000, v0;
	v3 =	vor.u32 $0x1800, v0;
	v4 =	vor.u32 $0x1, v0  }
0xd: {  	s18 =	simm.s32 $0x2080;
	s19 =	simm.s32 $0xA080;
	s20 =	simm.s32 $0x4080;
	v5 =	vor.u32 $0x801, v0;
	v6 =	vor.u32 $0x1001, v0;
	v7 =	vor.u32 $0x1801, v0  }
0xe: {  	s21 =	simm.s32 $0xC080;
	s22 =	simm.s32 $0x6080;
	s23 =	simm.s32 $0xE080;
	v8 =	vor.u32 $0x2, v0;
	v9 =	vor.u32 $0x802, v0;
	v10 =	vor.u32 $0x1002, v0  }
0xf: {  	s3 =	sand.u32 $0x1, s3;
	s4 =	sshll.u32 s4, $0x1;
	s6 =	sadd.s32 $0x18680, s6;
	v11 =	vor.u32 $0x1802, v0;
	v12 =	vor.u32 $0x3, v0;
	v13 =	vor.u32 $0x803, v0  }
0x10: {  	s26 =	simm.s32 $0x14080;
	s4 =	sor.u32 s3, s4;
	[dreg:$0x6] =	wrdreg s6;
	v14 =	vor.u32 $0x1003, v0;
	v15 =	vor.u32 $0x1803, v0;
	v16 =	vor.u32 $0x4, v0  }
0x11: {  	s3 =	ssub.s32 $0x2, s3;
	s6 =	sadd.s32 $0x18680, s30;
	s5 =	sshll.u32 s4, $0xA;
	v17 =	vor.u32 $0x804, v0;
	v18 =	vor.u32 $0x1004, v0;
	v19 =	vor.u32 $0x1804, v0  }
0x12: {  	[dreg:$0x7] =	wrdreg s6;
	s31 =	sshrl.u32 s3, $0x1;
	s0 =	sadd.s32 s0, s4;
	v20 =	vor.u32 $0x5, v0;
	v21 =	vor.u32 $0x805, v0;
	v22 =	vor.u32 $0x1005, v0  }
0x13: {  	v23 =	vor.u32 $0x1805, v0;
	v24 =	vor.u32 $0x6, v0;
	v25 =	vor.u32 $0x806, v0;
	s2 =	sadd.s32 s5, s2;
	s1 =	sadd.s32 s1, s5;
	[dreg:$0xa] =	wrdreg s0  }
0x14: {  	v26 =	vor.u32 $0x1006, v0;
	v27 =	vor.u32 $0x1806, v0;
	v28 =	vor.u32 $0x7, v0;
	[dreg:$0x8] =	wrdreg s1;
	s2 =	sadd.s32 $0x1C00, s2;
	s1 =	ssub.s32 s3, s31  }
0x15: {  	s28 =	simm.s32 $0x16080;
	v29 =	vor.u32 $0x807, v0;
	v30 =	vor.u32 $0x1007, v0;
	v31 =	vor.u32 $0x1807, v0;
	[dreg:$0x9] =	wrdreg s2;
	s10 =	smax.u32 s1, $0x1  }
.LBB2_2:
0x16: {  	s0 =	rddreg [dreg:$0xa]  }
0x17: {  	[tilespmem:s7], [sflag:$0x9] =	stream.linear.gather [hbm4b:s0+s7], $0x8, $0x38;
	[tilespmem:$0x18080] =	vst v63  }
0x18: {  	_ =	swait.ge [sflag:s11], $0x8  }
0x19: {  	[sflag:s11] =	ssyncset.done $0x0  }
0x1a: {  	[sflag:s11] =	ssyncadd.s32 $0xFFFFFFF8  }
0x1b: {  	v32 =	vld [tilespmem:$0x0];
	_ =	sdelay $0x4  }
0x1c: {  	(v2sf) =	vpush v32, $0x0  }
0x1d: {  	(v2sf) =	vpush v32, $0x1  }
0x1e: {  	(v2sf) =	vpush v32, $0x2  }
0x1f: {  	(v2sf) =	vpush v32, $0x3  }
0x20: {  	(v2sf) =	vpush v32, $0x4  }
0x21: {  	(v2sf) =	vpush v32, $0x5  }
0x22: {  	(v2sf) =	vpush v32, $0x6  }
0x23: {  	(v2sf) =	vpush v32, $0x7;
	_ =	sdelay $0x7  }
0x24: {  	s6 =	spop (v2sf)  }
0x25: {  	s31 =	spop (v2sf)  }
0x26: {  	s29 =	spop (v2sf)  }
0x27: {  	s24 =	spop (v2sf)  }
0x28: {  	s9 =	spop (v2sf)  }
0x29: {  	s8 =	spop (v2sf)  }
0x2a: {  	s1 =	spop (v2sf)  }
0x2b: {  	s2 =	spop (v2sf)  }
0x2c: {  	s4 =	sshra.s32 s2, $0x7  }
0x2d: {  	s25 =	sshra.s32 s1, $0x7;
	p0 =	sgt.s32 s4, $0x30C  }
0x2e: {  	p1 =	sgt.s32 @!p0 s25, $0x30C  }
0x2f: {  	s30 =	sshra.s32 s8, $0x7;
	p1 =	por p0, p1  }
0x30: {  	p2 =	sgt.s32 @!p1 s30, $0x30C  }
0x31: {  	s5 =	sshra.s32 s9, $0x7;
	p1 =	por p1, p2  }
0x32: {  	p2 =	sgt.s32 @!p1 s5, $0x30C  }
0x33: {  	s0 =	sshra.s32 s24, $0x7;
	p1 =	por p1, p2  }
0x34: {  	p2 =	sgt.s32 @!p1 s0, $0x30C  }
0x35: {  	[dreg:$0xc] =	wrdreg s1;
	s1 =	sshra.s32 s29, $0x7;
	p1 =	por p1, p2  }
0x36: {  	p2 =	sgt.s32 @!p1 s1, $0x30C  }
0x37: {  	s3 =	sshra.s32 s6, $0x7;
	p1 =	por p1, p2  }
0x38: {  	p2 =	sgt.s32 @!p1 s3, $0x30C  }
0x39: {  	[dreg:$0xb] =	wrdreg s2;
	s2 =	sshra.s32 s31, $0x7;
	p1 =	por p1, p2  }
0x3a: {  	p2 =	slt.s32 @!p1 s2, $0x30D  }
0x3b: {  	p1 =	por p1, !p2  }
0x3c: {  	s7 =	rddreg @p1 [dreg:$0x6]  }
0x3d: {  	[tilespmem:s14], [sflag:$0x9] =	stream.strided.gather @p1 [hbm4b:s7+s12], $0x2000, s13, s12, $0x38;
	[tilespmem:$0x18080] =	vst v63  }
0x3e: {  	_ =	swait.ge @p1 [sflag:s11], $0x2000  }
0x3f: {  	[sflag:s11] =	ssyncset.done @p1 $0x0  }
0x40: {  	s7 =	rddreg @p1 [dreg:$0x7];
	[sflag:s11] =	ssyncadd.s32 @p1 $0xFFFFE000  }
0x41: {  	[tilespmem:s15], [sflag:$0x9] =	stream.strided.gather @p1 [hbm4b:s7+s12], $0x2000, s13, s12, $0x38;
	[tilespmem:$0x18080] =	vst v63  }
0x42: {  	_ =	swait.ge @p1 [sflag:s11], $0x2000  }
0x43: {  	[sflag:s11] =	ssyncset.done @p1 $0x0  }
0x44: {  	[sflag:s11] =	ssyncadd.s32 @p1 $0xFFFFE000;
	p1 =	slt.s32 s3, $0x30C  }
0x45: {  	p3 =	sgt.s32 s3, $0x30C;
	s3 =	simm.s32 @!p1 $0x30C  }
0x46: {  	p5 =	sgt.s32 s1, $0x30C;
	p4 =	sgt.s32 s2, $0x30C;
	s3 =	sshll.u32 s3, $0x7  }
0x47: {  	s11 =	rddreg [dreg:$0x0];
	p1 =	slt.s32 s2, $0x30C;
	s3 =	sand.u32 $0x1FFFFF80, s3  }
0x48: {  	p2 =	sgt.s32 s0, $0x30C;
	s2 =	simm.s32 @!p1 $0x30C;
	s7 =	sadd.s32 s11, s3  }
0x49: {  	[tilespmem:s16], [sflag:$0x1] =	stream.strided.gather [hbm4b:s7+s12], $0x2000, s13, s12, $0x38;
	[tilespmem:$0x18080] =	vst v63  }
0x4a: {  	p1 =	slt.s32 s1, $0x30C;
	s2 =	sshll.u32 s2, $0x7;
	s7 =	rddreg [dreg:$0x1]  }
0x4b: {  	s1 =	simm.s32 @!p1 $0x30C;
	s2 =	sand.u32 $0x1FFFFF80, s2;
	s3 =	sadd.s32 s7, s3  }
0x4c: {  	[tilespmem:s17], [sflag:$0x5] =	stream.strided.gather [hbm4b:s3+s12], $0x2000, s13, s12, $0x38;
	[tilespmem:$0x18080] =	vst v63  }
0x4d: {  	p1 =	slt.s32 s0, $0x30C;
	s1 =	sshll.u32 s1, $0x7;
	s3 =	sadd.s32 s11, s2  }
0x4e: {  	[tilespmem:s18], [sflag:$0x2] =	stream.strided.gather [hbm4b:s3+s12], $0x2000, s13, s12, $0x38;
	[tilespmem:$0x18080] =	vst v63  }
0x4f: {  	s0 =	simm.s32 @!p1 $0x30C;
	s1 =	sand.u32 $0x1FFFFF80, s1;
	s2 =	sadd.s32 s7, s2  }
0x50: {  	[tilespmem:s19], [sflag:$0x6] =	stream.strided.gather [hbm4b:s2+s12], $0x2000, s13, s12, $0x38;
	[tilespmem:$0x18080] =	vst v63  }
0x51: {  	s0 =	sshll.u32 s0, $0x7;
	s3 =	sadd.s32 s11, s1  }
0x52: {  	[tilespmem:s20], [sflag:$0x3] =	stream.strided.gather [hbm4b:s3+s12], $0x2000, s13, s12, $0x38;
	[tilespmem:$0x18080] =	vst v63  }
0x53: {  	s0 =	sand.u32 $0x1FFFFF80, s0;
	s1 =	sadd.s32 s7, s1  }
0x54: {  	[tilespmem:s21], [sflag:$0x7] =	stream.strided.gather [hbm4b:s1+s12], $0x2000, s13, s12, $0x38;
	[tilespmem:$0x18080] =	vst v63  }
0x55: {  	s3 =	sadd.s32 s11, s0  }
0x56: {  	[tilespmem:s22], [sflag:$0x4] =	stream.strided.gather [hbm4b:s3+s12], $0x2000, s13, s12, $0x38;
	[tilespmem:$0x18080] =	vst v63  }
0x57: {  	s0 =	sadd.s32 s7, s0  }
0x58: {  	[tilespmem:s23], [sflag:$0x8] =	stream.strided.gather [hbm4b:s0+s12], $0x2000, s13, s12, $0x38;
	[tilespmem:$0x18080] =	vst v63  }
0x59: {  	s2 =	simm.s32 $0x1;
	s0 =	sand.u32 $0x7F, s6  }
0x5a: {  	_ =	swait.ge [sflag:s2], $0x2000;
	s6 =	smin.u32 s0, $0x1F  }
0x5b: {  	[sflag:s2] =	ssyncset.done $0x0;
	v40 =	vor.u32 s6, v0  }
0x5c: {  	s3 =	simm.s32 $0x5;
	v33 =	vor.u32 s0, v0;
	[sflag:s2] =	ssyncadd.s32 $0xFFFFE000  }
0x5d: {  	_ =	swait.ge [sflag:s3], $0x2000  }
0x5e: {  	[sflag:s3] =	ssyncset.done $0x0  }
0x5f: {  	[sflag:s3] =	ssyncadd.s32 $0xFFFFE000  }
0x60: {  	v34 =	vld.idx.msk [tilespmem:v40+s14+$0x0], $0xffff  }
0x61: {  	v35 =	vld.idx.msk [tilespmem:v33+s16+$0x0], $0xffff  }
0x62: {  	v32 =	vld.idx.msk [tilespmem:v40+s15+$0x0], $0xffff  }
0x63: {  	v33 =	vld.idx.msk [tilespmem:v33+s17+$0x0], $0xffff;
	_ =	sdelay $0x1  }
0x64: {  	v36 =	vor.u32 s6, v1  }
0x65: {  	v37 =	vor.u32 s0, v1  }
0x66: {  	v34 =	vpsel p3, v34, v35  }
0x67: {  	v32 =	vpsel p3, v32, v33;
	[tilespmem:v0+s26+$0x0] =	vst.idx.msk $0xffff, v34  }
0x68: {  	[tilespmem:v0+s28+$0x0] =	vst.idx.msk $0xffff, v32  }
0x69: {  	v32 =	vld.idx.msk [tilespmem:v36+s14+$0x0], $0xffff  }
0x6a: {  	v41 =	vld.idx.msk [tilespmem:v37+s16+$0x0], $0xffff  }
0x6b: {  	v34 =	vld.idx.msk [tilespmem:v36+s15+$0x0], $0xffff  }
0x6c: {  	v42 =	vld.idx.msk [tilespmem:v37+s17+$0x0], $0xffff;
	_ =	sdelay $0x1  }
0x6d: {  	v43 =	vor.u32 s6, v2  }
0x6e: {  	v44 =	vor.u32 s0, v2  }
0x6f: {  	v32 =	vpsel p3, v32, v41  }
0x70: {  	v45 =	vpsel p3, v34, v42;
	[tilespmem:v1+s26+$0x0] =	vst.idx.msk $0xffff, v32  }
0x71: {  	[tilespmem:v1+s28+$0x0] =	vst.idx.msk $0xffff, v45  }
0x72: {  	v32 =	vld.idx.msk [tilespmem:v43+s14+$0x0], $0xffff  }
0x73: {  	v33 =	vld.idx.msk [tilespmem:v44+s16+$0x0], $0xffff  }
0x74: {  	v46 =	vld.idx.msk [tilespmem:v43+s15+$0x0], $0xffff  }
0x75: {  	v47 =	vld.idx.msk [tilespmem:v44+s17+$0x0], $0xffff;
	_ =	sdelay $0x1  }
0x76: {  	v48 =	vor.u32 s6, v3  }
0x77: {  	v49 =	vor.u32 s0, v3  }
0x78: {  	v32 =	vpsel p3, v32, v33  }
0x79: {  	v50 =	vpsel p3, v46, v47;
	[tilespmem:v2+s26+$0x0] =	vst.idx.msk $0xffff, v32  }
0x7a: {  	[tilespmem:v2+s28+$0x0] =	vst.idx.msk $0xffff, v50  }
0x7b: {  	v32 =	vld.idx.msk [tilespmem:v48+s14+$0x0], $0xffff  }
0x7c: {  	v33 =	vld.idx.msk [tilespmem:v49+s16+$0x0], $0xffff  }
0x7d: {  	v51 =	vld.idx.msk [tilespmem:v48+s15+$0x0], $0xffff  }
0x7e: {  	v52 =	vld.idx.msk [tilespmem:v49+s17+$0x0], $0xffff;
	_ =	sdelay $0x1  }
0x7f: {  	p6 =	slt.s32 s5, $0x30C  }
0x80: {  	p1 =	sgt.s32 s5, $0x30C;
	s5 =	simm.s32 @!p6 $0x30C  }
0x81: {  	s5 =	sshll.u32 s5, $0x7;
	v32 =	vpsel p3, v32, v33  }
0x82: {  	s0 =	sand.u32 $0x1FFFFF80, s5;
	v53 =	vpsel p3, v51, v52;
	[tilespmem:v3+s26+$0x0] =	vst.idx.msk $0xffff, v32  }
0x83: {  	s6 =	sadd.s32 s11, s0;
	[tilespmem:v3+s28+$0x0] =	vst.idx.msk $0xffff, v53  }
0x84: {  	[tilespmem:s16], [sflag:$0x1] =	stream.strided.gather [hbm4b:s6+s12], $0x2000, s13, s12, $0x38;
	[tilespmem:$0x18080] =	vst v63  }
0x85: {  	s0 =	sadd.s32 s7, s0  }
0x86: {  	[tilespmem:s17], [sflag:$0x5] =	stream.strided.gather [hbm4b:s0+s12], $0x2000, s13, s12, $0x38;
	[tilespmem:$0x18080] =	vst v63  }
0x87: {  	s5 =	simm.s32 $0x2;
	s0 =	sand.u32 $0x7F, s31  }
0x88: {  	_ =	swait.ge [sflag:s5], $0x2000;
	s31 =	smin.u32 s0, $0x1F  }
0x89: {  	[sflag:s5] =	ssyncset.done $0x0;
	v54 =	vor.u32 s31, v0  }
0x8a: {  	s6 =	simm.s32 $0x6;
	v55 =	vor.u32 s0, v0;
	[sflag:s5] =	ssyncadd.s32 $0xFFFFE000  }
0x8b: {  	_ =	swait.ge [sflag:s6], $0x2000  }
0x8c: {  	[sflag:s6] =	ssyncset.done $0x0  }
0x8d: {  	[sflag:s6] =	ssyncadd.s32 $0xFFFFE000  }
0x8e: {  	v56 =	vld.idx.msk [tilespmem:v54+s14+$0x0], $0xffff  }
0x8f: {  	v57 =	vld.idx.msk [tilespmem:v55+s18+$0x0], $0xffff  }
0x90: {  	v32 =	vld.idx.msk [tilespmem:v54+s15+$0x0], $0xffff  }
0x91: {  	v33 =	vld.idx.msk [tilespmem:v55+s19+$0x0], $0xffff;
	_ =	sdelay $0x1  }
0x92: {  	v58 =	vor.u32 s31, v1  }
0x93: {  	v59 =	vor.u32 s0, v1  }
0x94: {  	v34 =	vpsel p4, v56, v57  }
0x95: {  	v32 =	vpsel p4, v32, v33;
	[tilespmem:v4+s26+$0x0] =	vst.idx.msk $0xffff, v34  }
0x96: {  	[tilespmem:v4+s28+$0x0] =	vst.idx.msk $0xffff, v32  }
0x97: {  	v32 =	vld.idx.msk [tilespmem:v58+s14+$0x0], $0xffff  }
0x98: {  	v60 =	vld.idx.msk [tilespmem:v59+s18+$0x0], $0xffff  }
0x99: {  	v34 =	vld.idx.msk [tilespmem:v58+s15+$0x0], $0xffff  }
0x9a: {  	v61 =	vld.idx.msk [tilespmem:v59+s19+$0x0], $0xffff;
	_ =	sdelay $0x1  }
0x9b: {  	v62 =	vor.u32 s31, v2  }
0x9c: {  	v63 =	vor.u32 s0, v2  }
0x9d: {  	v32 =	vpsel p4, v32, v60  }
0x9e: {  	v39 =	vpsel p4, v34, v61;
	[tilespmem:v5+s26+$0x0] =	vst.idx.msk $0xffff, v32  }
0x9f: {  	[tilespmem:v5+s28+$0x0] =	vst.idx.msk $0xffff, v39  }
0xa0: {  	v32 =	vld.idx.msk [tilespmem:v62+s14+$0x0], $0xffff  }
0xa1: {  	v33 =	vld.idx.msk [tilespmem:v63+s18+$0x0], $0xffff  }
0xa2: {  	v40 =	vld.idx.msk [tilespmem:v62+s15+$0x0], $0xffff  }
0xa3: {  	v41 =	vld.idx.msk [tilespmem:v63+s19+$0x0], $0xffff;
	_ =	sdelay $0x1  }
0xa4: {  	v42 =	vor.u32 s31, v3  }
0xa5: {  	v43 =	vor.u32 s0, v3  }
0xa6: {  	v32 =	vpsel p4, v32, v33  }
0xa7: {  	v44 =	vpsel p4, v40, v41;
	[tilespmem:v6+s26+$0x0] =	vst.idx.msk $0xffff, v32  }
0xa8: {  	[tilespmem:v6+s28+$0x0] =	vst.idx.msk $0xffff, v44  }
0xa9: {  	v32 =	vld.idx.msk [tilespmem:v42+s14+$0x0], $0xffff  }
0xaa: {  	v33 =	vld.idx.msk [tilespmem:v43+s18+$0x0], $0xffff  }
0xab: {  	v45 =	vld.idx.msk [tilespmem:v42+s15+$0x0], $0xffff  }
0xac: {  	v46 =	vld.idx.msk [tilespmem:v43+s19+$0x0], $0xffff;
	_ =	sdelay $0x1  }
0xad: {  	p6 =	slt.s32 s30, $0x30C  }
0xae: {  	p3 =	sgt.s32 s30, $0x30C;
	s30 =	simm.s32 @!p6 $0x30C  }
0xaf: {  	s1 =	sshll.u32 s30, $0x7;
	v32 =	vpsel p4, v32, v33  }
0xb0: {  	s0 =	sand.u32 $0x1FFFFF80, s1;
	v47 =	vpsel p4, v45, v46;
	[tilespmem:v7+s26+$0x0] =	vst.idx.msk $0xffff, v32  }
0xb1: {  	s30 =	sadd.s32 s11, s0;
	[tilespmem:v7+s28+$0x0] =	vst.idx.msk $0xffff, v47  }
0xb2: {  	[tilespmem:s18], [sflag:$0x2] =	stream.strided.gather [hbm4b:s30+s12], $0x2000, s13, s12, $0x38;
	[tilespmem:$0x18080] =	vst v63  }
0xb3: {  	s0 =	sadd.s32 s7, s0  }
0xb4: {  	[tilespmem:s19], [sflag:$0x6] =	stream.strided.gather [hbm4b:s0+s12], $0x2000, s13, s12, $0x38;
	[tilespmem:$0x18080] =	vst v63  }
0xb5: {  	s0 =	sand.u32 $0x7F, s29;
	s29 =	simm.s32 $0x3  }
0xb6: {  	_ =	swait.ge [sflag:s29], $0x2000;
	s31 =	smin.u32 s0, $0x1F  }
0xb7: {  	[sflag:s29] =	ssyncset.done $0x0;
	v48 =	vor.u32 s31, v0  }
0xb8: {  	s30 =	simm.s32 $0x7;
	v49 =	vor.u32 s0, v0;
	[sflag:s29] =	ssyncadd.s32 $0xFFFFE000  }
0xb9: {  	_ =	swait.ge [sflag:s30], $0x2000  }
0xba: {  	[sflag:s30] =	ssyncset.done $0x0  }
0xbb: {  	[sflag:s30] =	ssyncadd.s32 $0xFFFFE000  }
0xbc: {  	v50 =	vld.idx.msk [tilespmem:v48+s14+$0x0], $0xffff  }
0xbd: {  	v51 =	vld.idx.msk [tilespmem:v49+s20+$0x0], $0xffff  }
0xbe: {  	v32 =	vld.idx.msk [tilespmem:v48+s15+$0x0], $0xffff  }
0xbf: {  	v33 =	vld.idx.msk [tilespmem:v49+s21+$0x0], $0xffff;
	_ =	sdelay $0x1  }
0xc0: {  	v52 =	vor.u32 s31, v1  }
0xc1: {  	v53 =	vor.u32 s0, v1  }
0xc2: {  	v34 =	vpsel p5, v50, v51  }
0xc3: {  	v32 =	vpsel p5, v32, v33;
	[tilespmem:v8+s26+$0x0] =	vst.idx.msk $0xffff, v34  }
0xc4: {  	[tilespmem:v8+s28+$0x0] =	vst.idx.msk $0xffff, v32  }
0xc5: {  	v32 =	vld.idx.msk [tilespmem:v52+s14+$0x0], $0xffff  }
0xc6: {  	v54 =	vld.idx.msk [tilespmem:v53+s20+$0x0], $0xffff  }
0xc7: {  	v34 =	vld.idx.msk [tilespmem:v52+s15+$0x0], $0xffff  }
0xc8: {  	v55 =	vld.idx.msk [tilespmem:v53+s21+$0x0], $0xffff;
	_ =	sdelay $0x1  }
0xc9: {  	v56 =	vor.u32 s31, v2  }
0xca: {  	v57 =	vor.u32 s0, v2  }
0xcb: {  	v32 =	vpsel p5, v32, v54  }
0xcc: {  	v58 =	vpsel p5, v34, v55;
	[tilespmem:v9+s26+$0x0] =	vst.idx.msk $0xffff, v32  }
0xcd: {  	[tilespmem:v9+s28+$0x0] =	vst.idx.msk $0xffff, v58  }
0xce: {  	v32 =	vld.idx.msk [tilespmem:v56+s14+$0x0], $0xffff  }
0xcf: {  	v33 =	vld.idx.msk [tilespmem:v57+s20+$0x0], $0xffff  }
0xd0: {  	v59 =	vld.idx.msk [tilespmem:v56+s15+$0x0], $0xffff  }
0xd1: {  	v60 =	vld.idx.msk [tilespmem:v57+s21+$0x0], $0xffff;
	_ =	sdelay $0x1  }
0xd2: {  	v61 =	vor.u32 s31, v3  }
0xd3: {  	v62 =	vor.u32 s0, v3  }
0xd4: {  	v32 =	vpsel p5, v32, v33  }
0xd5: {  	v63 =	vpsel p5, v59, v60;
	[tilespmem:v10+s26+$0x0] =	vst.idx.msk $0xffff, v32  }
0xd6: {  	[tilespmem:v10+s28+$0x0] =	vst.idx.msk $0xffff, v63  }
0xd7: {  	v32 =	vld.idx.msk [tilespmem:v61+s14+$0x0], $0xffff  }
0xd8: {  	v33 =	vld.idx.msk [tilespmem:v62+s20+$0x0], $0xffff  }
0xd9: {  	v38 =	vld.idx.msk [tilespmem:v61+s15+$0x0], $0xffff  }
0xda: {  	v39 =	vld.idx.msk [tilespmem:v62+s21+$0x0], $0xffff;
	_ =	sdelay $0x1  }
0xdb: {  	p6 =	slt.s32 s25, $0x30C  }
0xdc: {  	p4 =	sgt.s32 s25, $0x30C;
	s25 =	simm.s32 @!p6 $0x30C  }
0xdd: {  	s1 =	sshll.u32 s25, $0x7;
	v32 =	vpsel p5, v32, v33  }
0xde: {  	s0 =	sand.u32 $0x1FFFFF80, s1;
	v40 =	vpsel p5, v38, v39;
	[tilespmem:v11+s26+$0x0] =	vst.idx.msk $0xffff, v32  }
0xdf: {  	s25 =	sadd.s32 s11, s0;
	[tilespmem:v11+s28+$0x0] =	vst.idx.msk $0xffff, v40  }
0xe0: {  	[tilespmem:s20], [sflag:$0x3] =	stream.strided.gather [hbm4b:s25+s12], $0x2000, s13, s12, $0x38;
	[tilespmem:$0x18080] =	vst v63  }
0xe1: {  	s0 =	sadd.s32 s7, s0  }
0xe2: {  	[tilespmem:s21], [sflag:$0x7] =	stream.strided.gather [hbm4b:s0+s12], $0x2000, s13, s12, $0x38;
	[tilespmem:$0x18080] =	vst v63  }
0xe3: {  	s0 =	sand.u32 $0x7F, s24;
	s24 =	simm.s32 $0x4  }
0xe4: {  	_ =	swait.ge [sflag:s24], $0x2000;
	s31 =	smin.u32 s0, $0x1F  }
0xe5: {  	[sflag:s24] =	ssyncset.done $0x0;
	v41 =	vor.u32 s31, v0  }
0xe6: {  	s25 =	simm.s32 $0x8;
	v42 =	vor.u32 s0, v0;
	[sflag:s24] =	ssyncadd.s32 $0xFFFFE000  }
0xe7: {  	_ =	swait.ge [sflag:s25], $0x2000  }
0xe8: {  	[sflag:s25] =	ssyncset.done $0x0  }
0xe9: {  	[sflag:s25] =	ssyncadd.s32 $0xFFFFE000  }
0xea: {  	v43 =	vld.idx.msk [tilespmem:v41+s14+$0x0], $0xffff  }
0xeb: {  	v44 =	vld.idx.msk [tilespmem:v42+s22+$0x0], $0xffff  }
0xec: {  	v32 =	vld.idx.msk [tilespmem:v41+s15+$0x0], $0xffff  }
0xed: {  	v33 =	vld.idx.msk [tilespmem:v42+s23+$0x0], $0xffff;
	_ =	sdelay $0x1  }
0xee: {  	v45 =	vor.u32 s31, v1  }
0xef: {  	v46 =	vor.u32 s0, v1  }
0xf0: {  	v34 =	vpsel p2, v43, v44  }
0xf1: {  	v32 =	vpsel p2, v32, v33;
	[tilespmem:v12+s26+$0x0] =	vst.idx.msk $0xffff, v34  }
0xf2: {  	[tilespmem:v12+s28+$0x0] =	vst.idx.msk $0xffff, v32  }
0xf3: {  	v32 =	vld.idx.msk [tilespmem:v45+s14+$0x0], $0xffff  }
0xf4: {  	v47 =	vld.idx.msk [tilespmem:v46+s22+$0x0], $0xffff  }
0xf5: {  	v34 =	vld.idx.msk [tilespmem:v45+s15+$0x0], $0xffff  }
0xf6: {  	v48 =	vld.idx.msk [tilespmem:v46+s23+$0x0], $0xffff;
	_ =	sdelay $0x1  }
0xf7: {  	v49 =	vor.u32 s31, v2  }
0xf8: {  	v50 =	vor.u32 s0, v2  }
0xf9: {  	v32 =	vpsel p2, v32, v47  }
0xfa: {  	v51 =	vpsel p2, v34, v48;
	[tilespmem:v13+s26+$0x0] =	vst.idx.msk $0xffff, v32  }
0xfb: {  	[tilespmem:v13+s28+$0x0] =	vst.idx.msk $0xffff, v51  }
0xfc: {  	v32 =	vld.idx.msk [tilespmem:v49+s14+$0x0], $0xffff  }
0xfd: {  	v33 =	vld.idx.msk [tilespmem:v50+s22+$0x0], $0xffff  }
0xfe: {  	v52 =	vld.idx.msk [tilespmem:v49+s15+$0x0], $0xffff  }
0xff: {  	v53 =	vld.idx.msk [tilespmem:v50+s23+$0x0], $0xffff;
	_ =	sdelay $0x1  }
0x100: {  	v54 =	vor.u32 s31, v3  }
0x101: {  	v55 =	vor.u32 s0, v3  }
0x102: {  	v32 =	vpsel p2, v32, v33  }
0x103: {  	v56 =	vpsel p2, v52, v53;
	[tilespmem:v14+s26+$0x0] =	vst.idx.msk $0xffff, v32  }
0x104: {  	[tilespmem:v14+s28+$0x0] =	vst.idx.msk $0xffff, v56  }
0x105: {  	v32 =	vld.idx.msk [tilespmem:v54+s14+$0x0], $0xffff  }
0x106: {  	v33 =	vld.idx.msk [tilespmem:v55+s22+$0x0], $0xffff  }
0x107: {  	v57 =	vld.idx.msk [tilespmem:v54+s15+$0x0], $0xffff  }
0x108: {  	v58 =	vld.idx.msk [tilespmem:v55+s23+$0x0], $0xffff;
	_ =	sdelay $0x1  }
0x109: {  	p5 =	slt.s32 s4, $0x30C  }
0x10a: {  	s4 =	simm.s32 @!p5 $0x30C  }
0x10b: {  	s1 =	sshll.u32 s4, $0x7;
	v32 =	vpsel p2, v32, v33  }
0x10c: {  	s0 =	sand.u32 $0x1FFFFF80, s1;
	v59 =	vpsel p2, v57, v58;
	[tilespmem:v15+s26+$0x0] =	vst.idx.msk $0xffff, v32  }
0x10d: {  	s4 =	sadd.s32 s11, s0;
	[tilespmem:v15+s28+$0x0] =	vst.idx.msk $0xffff, v59  }
0x10e: {  	[tilespmem:s22], [sflag:$0x4] =	stream.strided.gather [hbm4b:s4+s12], $0x2000, s13, s12, $0x38;
	[tilespmem:$0x18080] =	vst v63  }
0x10f: {  	s9 =	sand.u32 $0x7F, s9;
	s0 =	sadd.s32 s7, s0  }
0x110: {  	[tilespmem:s23], [sflag:$0x8] =	stream.strided.gather [hbm4b:s0+s12], $0x2000, s13, s12, $0x38;
	[tilespmem:$0x18080] =	vst v63  }
0x111: {  	s31 =	smin.u32 s9, $0x1F;
	_ =	swait.ge [sflag:s2], $0x2000  }
0x112: {  	v60 =	vor.u32 s31, v0;
	[sflag:s2] =	ssyncset.done $0x0  }
0x113: {  	v61 =	vor.u32 s9, v0;
	[sflag:s2] =	ssyncadd.s32 $0xFFFFE000  }
0x114: {  	_ =	swait.ge [sflag:s3], $0x2000  }
0x115: {  	[sflag:s3] =	ssyncset.done $0x0  }
0x116: {  	[sflag:s3] =	ssyncadd.s32 $0xFFFFE000  }
0x117: {  	v62 =	vld.idx.msk [tilespmem:v60+s14+$0x0], $0xffff  }
0x118: {  	v63 =	vld.idx.msk [tilespmem:v61+s16+$0x0], $0xffff  }
0x119: {  	v32 =	vld.idx.msk [tilespmem:v60+s15+$0x0], $0xffff  }
0x11a: {  	v33 =	vld.idx.msk [tilespmem:v61+s17+$0x0], $0xffff;
	_ =	sdelay $0x1  }
0x11b: {  	v40 =	vor.u32 s31, v1  }
0x11c: {  	v41 =	vor.u32 s9, v1  }
0x11d: {  	v34 =	vpsel p1, v62, v63  }
0x11e: {  	v32 =	vpsel p1, v32, v33;
	[tilespmem:v16+s26+$0x0] =	vst.idx.msk $0xffff, v34  }
0x11f: {  	[tilespmem:v16+s28+$0x0] =	vst.idx.msk $0xffff, v32  }
0x120: {  	v32 =	vld.idx.msk [tilespmem:v40+s14+$0x0], $0xffff  }
0x121: {  	v42 =	vld.idx.msk [tilespmem:v41+s16+$0x0], $0xffff  }
0x122: {  	v34 =	vld.idx.msk [tilespmem:v40+s15+$0x0], $0xffff  }
0x123: {  	v43 =	vld.idx.msk [tilespmem:v41+s17+$0x0], $0xffff;
	_ =	sdelay $0x1  }
0x124: {  	v44 =	vor.u32 s31, v2  }
0x125: {  	v45 =	vor.u32 s9, v2  }
0x126: {  	v32 =	vpsel p1, v32, v42  }
0x127: {  	v46 =	vpsel p1, v34, v43;
	[tilespmem:v17+s26+$0x0] =	vst.idx.msk $0xffff, v32  }
0x128: {  	[tilespmem:v17+s28+$0x0] =	vst.idx.msk $0xffff, v46  }
0x129: {  	v32 =	vld.idx.msk [tilespmem:v44+s14+$0x0], $0xffff  }
0x12a: {  	v33 =	vld.idx.msk [tilespmem:v45+s16+$0x0], $0xffff  }
0x12b: {  	v47 =	vld.idx.msk [tilespmem:v44+s15+$0x0], $0xffff  }
0x12c: {  	v48 =	vld.idx.msk [tilespmem:v45+s17+$0x0], $0xffff;
	_ =	sdelay $0x1  }
0x12d: {  	v49 =	vor.u32 s31, v3  }
0x12e: {  	v50 =	vor.u32 s9, v3  }
0x12f: {  	v32 =	vpsel p1, v32, v33  }
0x130: {  	v51 =	vpsel p1, v47, v48;
	[tilespmem:v18+s26+$0x0] =	vst.idx.msk $0xffff, v32  }
0x131: {  	[tilespmem:v18+s28+$0x0] =	vst.idx.msk $0xffff, v51  }
0x132: {  	v32 =	vld.idx.msk [tilespmem:v49+s14+$0x0], $0xffff  }
0x133: {  	v33 =	vld.idx.msk [tilespmem:v50+s16+$0x0], $0xffff  }
0x134: {  	v52 =	vld.idx.msk [tilespmem:v49+s15+$0x0], $0xffff  }
0x135: {  	v53 =	vld.idx.msk [tilespmem:v50+s17+$0x0], $0xffff;
	_ =	sdelay $0x3  }
0x136: {  	v32 =	vpsel p1, v32, v33  }
0x137: {  	v54 =	vpsel p1, v52, v53;
	[tilespmem:v19+s26+$0x0] =	vst.idx.msk $0xffff, v32  }
0x138: {  	s3 =	sand.u32 $0x7F, s8;
	[tilespmem:v19+s28+$0x0] =	vst.idx.msk $0xffff, v54  }
0x139: {  	s4 =	smin.u32 s3, $0x1F;
	_ =	swait.ge [sflag:s5], $0x2000  }
0x13a: {  	v55 =	vor.u32 s4, v0;
	[sflag:s5] =	ssyncset.done $0x0  }
0x13b: {  	v56 =	vor.u32 s3, v0;
	[sflag:s5] =	ssyncadd.s32 $0xFFFFE000  }
0x13c: {  	_ =	swait.ge [sflag:s6], $0x2000  }
0x13d: {  	[sflag:s6] =	ssyncset.done $0x0  }
0x13e: {  	[sflag:s6] =	ssyncadd.s32 $0xFFFFE000  }
0x13f: {  	v57 =	vld.idx.msk [tilespmem:v55+s14+$0x0], $0xffff  }
0x140: {  	v58 =	vld.idx.msk [tilespmem:v56+s18+$0x0], $0xffff  }
0x141: {  	v32 =	vld.idx.msk [tilespmem:v55+s15+$0x0], $0xffff  }
0x142: {  	v33 =	vld.idx.msk [tilespmem:v56+s19+$0x0], $0xffff;
	_ =	sdelay $0x1  }
0x143: {  	v59 =	vor.u32 s4, v1  }
0x144: {  	v60 =	vor.u32 s3, v1  }
0x145: {  	v34 =	vpsel p3, v57, v58  }
0x146: {  	v32 =	vpsel p3, v32, v33;
	[tilespmem:v20+s26+$0x0] =	vst.idx.msk $0xffff, v34  }
0x147: {  	[tilespmem:v20+s28+$0x0] =	vst.idx.msk $0xffff, v32  }
0x148: {  	v32 =	vld.idx.msk [tilespmem:v59+s14+$0x0], $0xffff  }
0x149: {  	v61 =	vld.idx.msk [tilespmem:v60+s18+$0x0], $0xffff  }
0x14a: {  	v34 =	vld.idx.msk [tilespmem:v59+s15+$0x0], $0xffff  }
0x14b: {  	v62 =	vld.idx.msk [tilespmem:v60+s19+$0x0], $0xffff;
	_ =	sdelay $0x1  }
0x14c: {  	v63 =	vor.u32 s4, v2  }
0x14d: {  	v40 =	vor.u32 s3, v2  }
0x14e: {  	v32 =	vpsel p3, v32, v61  }
0x14f: {  	v41 =	vpsel p3, v34, v62;
	[tilespmem:v21+s26+$0x0] =	vst.idx.msk $0xffff, v32  }
0x150: {  	[tilespmem:v21+s28+$0x0] =	vst.idx.msk $0xffff, v41  }
0x151: {  	v32 =	vld.idx.msk [tilespmem:v63+s14+$0x0], $0xffff  }
0x152: {  	v33 =	vld.idx.msk [tilespmem:v40+s18+$0x0], $0xffff  }
0x153: {  	v42 =	vld.idx.msk [tilespmem:v63+s15+$0x0], $0xffff  }
0x154: {  	v43 =	vld.idx.msk [tilespmem:v40+s19+$0x0], $0xffff;
	_ =	sdelay $0x1  }
0x155: {  	v44 =	vor.u32 s4, v3  }
0x156: {  	v45 =	vor.u32 s3, v3  }
0x157: {  	v32 =	vpsel p3, v32, v33  }
0x158: {  	v46 =	vpsel p3, v42, v43;
	[tilespmem:v22+s26+$0x0] =	vst.idx.msk $0xffff, v32  }
0x159: {  	[tilespmem:v22+s28+$0x0] =	vst.idx.msk $0xffff, v46  }
0x15a: {  	v32 =	vld.idx.msk [tilespmem:v44+s14+$0x0], $0xffff  }
0x15b: {  	v33 =	vld.idx.msk [tilespmem:v45+s18+$0x0], $0xffff  }
0x15c: {  	v47 =	vld.idx.msk [tilespmem:v44+s15+$0x0], $0xffff  }
0x15d: {  	v48 =	vld.idx.msk [tilespmem:v45+s19+$0x0], $0xffff;
	_ =	sdelay $0x3  }
0x15e: {  	v32 =	vpsel p3, v32, v33  }
0x15f: {  	s6 =	rddreg [dreg:$0xc];
	v49 =	vpsel p3, v47, v48;
	[tilespmem:v23+s26+$0x0] =	vst.idx.msk $0xffff, v32  }
0x160: {  	s0 =	sand.u32 $0x7F, s6;
	[tilespmem:v23+s28+$0x0] =	vst.idx.msk $0xffff, v49  }
0x161: {  	s7 =	smin.u32 s0, $0x1F;
	_ =	swait.ge [sflag:s29], $0x2000  }
0x162: {  	v50 =	vor.u32 s7, v0;
	[sflag:s29] =	ssyncset.done $0x0  }
0x163: {  	v51 =	vor.u32 s0, v0;
	[sflag:s29] =	ssyncadd.s32 $0xFFFFE000  }
0x164: {  	_ =	swait.ge [sflag:s30], $0x2000  }
0x165: {  	[sflag:s30] =	ssyncset.done $0x0  }
0x166: {  	[sflag:s30] =	ssyncadd.s32 $0xFFFFE000  }
0x167: {  	v52 =	vld.idx.msk [tilespmem:v50+s14+$0x0], $0xffff  }
0x168: {  	v53 =	vld.idx.msk [tilespmem:v51+s20+$0x0], $0xffff  }
0x169: {  	v32 =	vld.idx.msk [tilespmem:v50+s15+$0x0], $0xffff  }
0x16a: {  	v33 =	vld.idx.msk [tilespmem:v51+s21+$0x0], $0xffff;
	_ =	sdelay $0x1  }
0x16b: {  	v54 =	vor.u32 s7, v1  }
0x16c: {  	v55 =	vor.u32 s0, v1  }
0x16d: {  	v34 =	vpsel p4, v52, v53  }
0x16e: {  	v32 =	vpsel p4, v32, v33;
	[tilespmem:v24+s26+$0x0] =	vst.idx.msk $0xffff, v34  }
0x16f: {  	[tilespmem:v24+s28+$0x0] =	vst.idx.msk $0xffff, v32  }
0x170: {  	v32 =	vld.idx.msk [tilespmem:v54+s14+$0x0], $0xffff  }
0x171: {  	v56 =	vld.idx.msk [tilespmem:v55+s20+$0x0], $0xffff  }
0x172: {  	v34 =	vld.idx.msk [tilespmem:v54+s15+$0x0], $0xffff  }
0x173: {  	v57 =	vld.idx.msk [tilespmem:v55+s21+$0x0], $0xffff;
	_ =	sdelay $0x1  }
0x174: {  	v58 =	vor.u32 s7, v2  }
0x175: {  	v59 =	vor.u32 s0, v2  }
0x176: {  	v32 =	vpsel p4, v32, v56  }
0x177: {  	v60 =	vpsel p4, v34, v57;
	[tilespmem:v25+s26+$0x0] =	vst.idx.msk $0xffff, v32  }
0x178: {  	[tilespmem:v25+s28+$0x0] =	vst.idx.msk $0xffff, v60  }
0x179: {  	v32 =	vld.idx.msk [tilespmem:v58+s14+$0x0], $0xffff  }
0x17a: {  	v33 =	vld.idx.msk [tilespmem:v59+s20+$0x0], $0xffff  }
0x17b: {  	v61 =	vld.idx.msk [tilespmem:v58+s15+$0x0], $0xffff  }
0x17c: {  	v62 =	vld.idx.msk [tilespmem:v59+s21+$0x0], $0xffff;
	_ =	sdelay $0x1  }
0x17d: {  	v63 =	vor.u32 s7, v3  }
0x17e: {  	v40 =	vor.u32 s0, v3  }
0x17f: {  	v32 =	vpsel p4, v32, v33  }
0x180: {  	v41 =	vpsel p4, v61, v62;
	[tilespmem:v26+s26+$0x0] =	vst.idx.msk $0xffff, v32  }
0x181: {  	[tilespmem:v26+s28+$0x0] =	vst.idx.msk $0xffff, v41  }
0x182: {  	v32 =	vld.idx.msk [tilespmem:v63+s14+$0x0], $0xffff  }
0x183: {  	v33 =	vld.idx.msk [tilespmem:v40+s20+$0x0], $0xffff  }
0x184: {  	v42 =	vld.idx.msk [tilespmem:v63+s15+$0x0], $0xffff  }
0x185: {  	v43 =	vld.idx.msk [tilespmem:v40+s21+$0x0], $0xffff;
	_ =	sdelay $0x3  }
0x186: {  	v32 =	vpsel p4, v32, v33  }
0x187: {  	s8 =	rddreg [dreg:$0xb];
	v44 =	vpsel p4, v42, v43;
	[tilespmem:v27+s26+$0x0] =	vst.idx.msk $0xffff, v32  }
0x188: {  	s0 =	sand.u32 $0x7F, s8;
	[tilespmem:v27+s28+$0x0] =	vst.idx.msk $0xffff, v44  }
0x189: {  	s9 =	smin.u32 s0, $0x1F;
	_ =	swait.ge [sflag:s24], $0x2000  }
0x18a: {  	v45 =	vor.u32 s9, v0;
	[sflag:s24] =	ssyncset.done $0x0  }
0x18b: {  	v46 =	vor.u32 s0, v0;
	[sflag:s24] =	ssyncadd.s32 $0xFFFFE000  }
0x18c: {  	_ =	swait.ge [sflag:s25], $0x2000  }
0x18d: {  	[sflag:s25] =	ssyncset.done $0x0  }
0x18e: {  	[sflag:s25] =	ssyncadd.s32 $0xFFFFE000  }
0x18f: {  	v47 =	vld.idx.msk [tilespmem:v45+s14+$0x0], $0xffff  }
0x190: {  	v48 =	vld.idx.msk [tilespmem:v46+s22+$0x0], $0xffff  }
0x191: {  	v32 =	vld.idx.msk [tilespmem:v45+s15+$0x0], $0xffff  }
0x192: {  	v33 =	vld.idx.msk [tilespmem:v46+s23+$0x0], $0xffff;
	_ =	sdelay $0x1  }
0x193: {  	v49 =	vor.u32 s9, v1  }
0x194: {  	v50 =	vor.u32 s0, v1  }
0x195: {  	v34 =	vpsel p0, v47, v48  }
0x196: {  	v32 =	vpsel p0, v32, v33;
	[tilespmem:v28+s26+$0x0] =	vst.idx.msk $0xffff, v34  }
0x197: {  	[tilespmem:v28+s28+$0x0] =	vst.idx.msk $0xffff, v32  }
0x198: {  	v32 =	vld.idx.msk [tilespmem:v49+s14+$0x0], $0xffff  }
0x199: {  	v51 =	vld.idx.msk [tilespmem:v50+s22+$0x0], $0xffff  }
0x19a: {  	v34 =	vld.idx.msk [tilespmem:v49+s15+$0x0], $0xffff  }
0x19b: {  	v52 =	vld.idx.msk [tilespmem:v50+s23+$0x0], $0xffff;
	_ =	sdelay $0x1  }
0x19c: {  	v53 =	vor.u32 s9, v2  }
0x19d: {  	v54 =	vor.u32 s0, v2  }
0x19e: {  	v32 =	vpsel p0, v32, v51  }
0x19f: {  	v55 =	vpsel p0, v34, v52;
	[tilespmem:v29+s26+$0x0] =	vst.idx.msk $0xffff, v32  }
0x1a0: {  	[tilespmem:v29+s28+$0x0] =	vst.idx.msk $0xffff, v55  }
0x1a1: {  	v32 =	vld.idx.msk [tilespmem:v53+s14+$0x0], $0xffff  }
0x1a2: {  	v33 =	vld.idx.msk [tilespmem:v54+s22+$0x0], $0xffff  }
0x1a3: {  	v56 =	vld.idx.msk [tilespmem:v53+s15+$0x0], $0xffff  }
0x1a4: {  	v57 =	vld.idx.msk [tilespmem:v54+s23+$0x0], $0xffff;
	_ =	sdelay $0x1  }
0x1a5: {  	v58 =	vor.u32 s9, v3  }
0x1a6: {  	v59 =	vor.u32 s0, v3  }
0x1a7: {  	v32 =	vpsel p0, v32, v33  }
0x1a8: {  	v60 =	vpsel p0, v56, v57;
	[tilespmem:v30+s26+$0x0] =	vst.idx.msk $0xffff, v32  }
0x1a9: {  	[tilespmem:v30+s28+$0x0] =	vst.idx.msk $0xffff, v60  }
0x1aa: {  	v32 =	vld.idx.msk [tilespmem:v58+s14+$0x0], $0xffff  }
0x1ab: {  	v33 =	vld.idx.msk [tilespmem:v59+s22+$0x0], $0xffff  }
0x1ac: {  	v61 =	vld.idx.msk [tilespmem:v58+s15+$0x0], $0xffff  }
0x1ad: {  	v62 =	vld.idx.msk [tilespmem:v59+s23+$0x0], $0xffff;
	_ =	sdelay $0x3  }
0x1ae: {  	v32 =	vpsel p0, v32, v33  }
0x1af: {  	v63 =	vpsel p0, v61, v62;
	[tilespmem:v31+s26+$0x0] =	vst.idx.msk $0xffff, v32  }
0x1b0: {  	s11 =	simm.s32 $0x9;
	s30 =	simm.s32 $0x0;
	s29 =	rddreg [dreg:$0x8];
	[tilespmem:v31+s28+$0x0] =	vst.idx.msk $0xffff, v63  }
0x1b1: {  	[hbm4b:s29+s30] =	stream.linear.scatter [tilespmem:s26], [sflag:$0x9], $0x2000, $0x38;
	[tilespmem:$0x18080] =	vst v63  }
0x1b2: {  	s10 =	sadd.s32 $0xFFFFFFFF, s10;
	_ =	swait.ge [sflag:s11], $0x2000  }
0x1b3: {  	p0 =	sne.s32 s10, $0x0;
	[sflag:s11] =	ssyncset.done $0x0  }
.Ltmp1:
0x1b4: {  	s31 =	rddreg [dreg:$0x9];
	[sflag:s11] =	ssyncadd.s32 $0xFFFFE000;
	(pc) =	sbr.rel @p0 .LBB2_2-.Ltmp1, $4  }
0x1b5: {  	[hbm4b:s31+s30] =	stream.linear.scatter [tilespmem:s28], [sflag:$0x9], $0x2000, $0x38;
	[tilespmem:$0x18080] =	vst v63  }
0x1b6: {  	_ =	swait.ge [sflag:s11], $0x2000  }
0x1b7: {  	[sflag:s11] =	ssyncset.done $0x0  }
0x1b8: {  	s7 =	simm.s32 $0x0;
	[sflag:s11] =	ssyncadd.s32 $0xFFFFE000  }
.LBB2_3:
0x1b9: {  	_ =	sfence.sel $0x180000  }
0x1ba: {  	[bflag:$0x0] =	sbarrier.arrive $0xFFFF  }
0x1bb: {  	_ =	strace $0x90000047  }
0x1bc: {  	s0 =	stileid.u32;
	[bflag:$0x2] =	sbarrier.arrive $0xFFFF  }
0x1bd: {  	p0 =	sne.s32 s0, $0x0;
	s0 =	rddreg [dreg:$0x5]  }
0x1be: {  	s0 =	sadd.s32 @!p0 $0x100000, s0  }
0x1bf: {  	[sflag:s0] =	ssyncadd.tile.s32 @!p0 $0x1;
	_ =	shalt  }
.Lfunc_end2:
_tile_overlayer_lowered:
.L_overlay_start_2:
0x1c0: {  	(tag) =	ssettag $0x2  }
0x1c1: {  	s0 =	rddreg [dreg:$0x0];
	s2 =	stileid.u32  }
0x1c2: {  	s1 =	rddreg [dreg:$0x1];
	p0 =	sne.s32 s2, $0x0  }
0x1c3: {  	s3 =	rddreg [dreg:$0x2];
	[bflag:$0x3] =	sbarrier.arrive $0xFFFF;
	s2 =	simm.s32 @!p0 $0x1C09  }
0x1c4: {  	[timem:s3], [sflag:s2] =	dma.local @!p0 [hbm:s0], s1  }
0x1c5: {  	s0 =	simm.s32 @!p0 $0x9  }
0x1c6: {  	_ =	swait.ge @!p0 [sflag:s0], s1  }
0x1c7: {  	s1 =	ssub.s32 @!p0 $0x0, s1;
	[sflag:s0] =	ssyncset.done @!p0 $0x0  }
0x1c8: {  	[sflag:s0] =	ssyncadd.s32 @!p0 s1  }
0x1c9: {  	[bflag:$0x3] =	sbarrier.arrive $0xFFFF  }
0x1ca: {  	_ =	shalt  }

</sc_bundles>
